<compile_context>
chip_gen: v7x
topology: tpu7x:2x2x1
jax: 0.10.2.dev20260603
libtpu: 0.0.44.dev20260713+nightly
codegen_flags: <defaults>
</compile_context>

<pallas_src>
import functools

import jax
import jax.numpy as jnp
from jax import lax
from jax.experimental import pallas as pl
from jax.experimental.pallas import tpu as pltpu
from jax.experimental.pallas import tpu_sc as plsc

NC = 2
NS = 16
NW = NC * NS

LANES = 16
BB = 128
HB = 8
HC = 40
IDX_RING = 3 * HC // HB


def _build(n_b, n_h, d_w, d_f):
  assert n_b == NW * BB and n_h % HC == 0 and n_h >= 2 * HC and HC % HB == 0
  n_blk = n_h // HC
  tr_w = d_w // 8
  tr_o = (d_w + d_f) // 8
  n_bt = n_b // BB
  mesh = plsc.VectorSubcoreMesh(
      core_axis_name="c", subcore_axis_name="s",
      num_cores=NC, num_subcores=NS)

  @functools.partial(
      pl.kernel,
      out_type=jax.ShapeDtypeStruct((n_h, tr_o, n_bt, 8, BB), jnp.float32),
      mesh=mesh,
      scratch_types=[
          pltpu.VMEM((IDX_RING, HB, BB), jnp.int32),
          pltpu.VMEM((IDX_RING, HB, BB), jnp.int32),
          pltpu.VMEM((2 * BB, d_w), jnp.float32),
          pltpu.VMEM((2, tr_o, 8, BB + 1), jnp.float32),
          pltpu.VMEM((16, d_f + 1), jnp.float32),
          pltpu.SemaphoreType.DMA,
          pltpu.SemaphoreType.DMA,
          pltpu.SemaphoreType.DMA,
      ],
      compiler_params=pltpu.CompilerParams(
          use_tc_tiling_on_sc=False, needs_layout_passes=False),
  )
  def body(xt_hbm, yt_hbm, wv_hbm, ft_hbm, out_hbm,
           xi, yi, wbuf, cbuf, fvm, sem_idx, sem_g, sem_wr):
    wid = lax.axis_index("s") * NC + lax.axis_index("c")
    b0 = wid * BB
    iota = jnp.arange(LANES, dtype=jnp.int32)
    zeros = jnp.zeros((LANES,), dtype=jnp.int32)
    rep4 = 4 * (iota & 3)
    n_cg = d_w // LANES
    trv_cg = [(cg * LANES + iota) // 8 for cg in range(n_cg)]
    rv_cg = [(cg * LANES + iota) % 8 for cg in range(n_cg)]

    hbc = HC // HB

    def idx_copies(blk):
      r0 = blk * hbc
      s0 = (blk % 3) * hbc
      return (
          pltpu.make_async_copy(
              xt_hbm.at[pl.ds(r0, hbc), wid], xi.at[pl.ds(s0, hbc)], sem_idx),
          pltpu.make_async_copy(
              yt_hbm.at[pl.ds(r0, hbc), wid], yi.at[pl.ds(s0, hbc)], sem_idx),
      )

    def gather_copy(h):
      return pltpu.make_async_copy(
          wv_hbm.at[xi.at[(h // HB) % IDX_RING, h % HB]],
          wbuf.at[pl.ds((h % 2) * BB, BB)], sem_g)

    def write_copy(h):
      return pltpu.make_async_copy(
          cbuf.at[h % 2, :, :, pl.ds(0, BB)], out_hbm.at[h, :, wid], sem_wr)

    def start(cs):
      for c in cs:
        c.start()

    def wait(cs):
      for c in cs:
        c.wait()

    def transpose(h):
      slot = h % 2
      wb = slot * BB
      n_m = BB // LANES
      slotv = zeros + slot
      yrow_m = [yi[(h // HB) % IDX_RING, h % HB, pl.ds(m * LANES, LANES)] + rep4
                for m in range(n_m)]

      @plsc.parallel_loop(0, BB, unroll=4)
      def _(t):
        tv = zeros + t
        for cg in range(n_cg):
          v = wbuf[wb + t, pl.ds(cg * LANES, LANES)]
          plsc.store_scatter(cbuf, [slotv, trv_cg[cg], rv_cg[cg], tv], v)

      @plsc.parallel_loop(0, d_f, unroll=2)
      def _(c):
        tr = tr_w + c // 8
        r = lax.rem(c, 8)
        colv = zeros + c
        for m in range(n_m):
          vals = plsc.load_gather(fvm, [yrow_m[m], colv])
          cbuf[slot, tr, r, pl.ds(m * LANES, LANES)] = vals

    for rep in range(4):
      pltpu.sync_copy(ft_hbm, fvm.at[pl.ds(rep * 4, 4), pl.ds(0, d_f)])
    start(idx_copies(0))
    start(idx_copies(1))
    wait(idx_copies(0))
    gather_copy(0).start()
    for h in (0, 1):
      gather_copy(h).wait()
      gather_copy(h + 1).start()
      transpose(h)
      write_copy(h).start()

    def h_body(h, carry):
      nxt = h + 1

      @pl.when(lax.rem(nxt, HC) == 0)
      def _():
        blk = nxt // HC
        wait(idx_copies(blk))

        @pl.when(blk + 1 < n_blk)
        def _():
          start(idx_copies(blk + 1))

      write_copy(h - 2).wait()
      gather_copy(h).wait()
      gather_copy(nxt).start()
      transpose(h)
      write_copy(h).start()
      return carry

    lax.fori_loop(2, n_h - 1, h_body, 0)

    h = n_h - 1
    write_copy(h - 2).wait()
    gather_copy(h).wait()
    transpose(h)
    write_copy(h).start()
    write_copy(h - 1).wait()
    write_copy(h).wait()

  return body


def kernel(x, y, word_vectors, f_table):
  b, h = x.shape
  d_w = word_vectors.shape[1]
  d_f = f_table.shape[1]
  def tile_view(a):
    return (jnp.transpose(a).astype(jnp.int32)
            .reshape(h // HB, HB, b // BB, BB).transpose(0, 2, 1, 3))

  body = _build(b, h, d_w, d_f)
  out5 = body(tile_view(x), tile_view(y), word_vectors, f_table)
  return jnp.transpose(out5, (2, 4, 0, 1, 3)).reshape(b, h, d_w + d_f)

# --- scband reference (transcript-rebuilt; emitter-appended) ---
"""Pipeline reference for scband-embedding-45870250721395 (READ-ONLY COPY).

The authoritative reference and input builder live on the scoring server;
editing this copy changes nothing except your own understanding.
"""

import jax, jax.numpy as jnp
import numpy as np

VOCAB = 1000000
EMBED_DIM = 64
ANSWER_EMBED_DIM = 16  # stands in for config.answer_embedding_size
BATCH = 4096
HIST = 200
PADDING_IDX = 0
DROP_PROB = 0.0  # eval-mode / p=0 dropout -> identity


def setup_inputs(seed: int = 0) -> dict:
    key = jax.random.key(seed)
    k1, k2, k3, k4 = jax.random.split(key, 4)
    x = jax.random.randint(k1, (BATCH, HIST), 0, VOCAB)
    y = jax.random.randint(k2, (BATCH, HIST), 0, 4)
    word_vectors = jax.random.normal(k3, (VOCAB, EMBED_DIM), dtype=jnp.float32)
    f_table = jax.random.normal(k4, (4, ANSWER_EMBED_DIM), dtype=jnp.float32)
    return {"x": x, "y": y, "word_vectors": word_vectors, "f_table": f_table}


def reference(x, y, word_vectors, f_table):
    # emb = self.w_embed(x)
    emb = jnp.take(word_vectors, x, axis=0)
    # y is not None branch: f_emb = self.f_embed(y); concat on last dim
    f_emb = jnp.take(f_table, y, axis=0)
    emb = jnp.concatenate([emb, f_emb], axis=-1)
    # F.dropout with drop_prob=0.0 is the identity
    return emb

if __name__ == "__main__":
    import jax
    _d = setup_inputs()
    print(jax.jit(kernel)(*tuple(_d.values())))

</pallas_src>

<mosaic_0001>
#map = affine_map<(d0, d1) -> (0, 0, 0, 0)>
#map1 = affine_map<(d0, d1) -> (0, 0)>
#map2 = affine_map<(d0, d1) -> (0, 0, 0, 0, 0)>
module attributes {stable_mosaic.version = 14 : i64} {
  func.func @body(%arg0: i32, %arg1: i32, %arg2: memref<25x32x8x128xi32, #tpu.memory_space<hbm>>, %arg3: memref<25x32x8x128xi32, #tpu.memory_space<hbm>>, %arg4: memref<1000000x64xf32, #tpu.memory_space<hbm>>, %arg5: memref<4x16xf32, #tpu.memory_space<hbm>>, %arg6: memref<200x10x32x8x128xf32, #tpu.memory_space<hbm>>, %arg7: memref<15x8x128xi32, #tpu.memory_space<vmem>>, %arg8: memref<15x8x128xi32, #tpu.memory_space<vmem>>, %arg9: memref<256x64xf32, #tpu.memory_space<vmem>>, %arg10: memref<2x10x8x129xf32, #tpu.memory_space<vmem>>, %arg11: memref<16x17xf32, #tpu.memory_space<vmem>>, %arg12: memref<!tpu.dma_semaphore, #tpu.memory_space<semaphore_mem>>, %arg13: memref<!tpu.dma_semaphore, #tpu.memory_space<semaphore_mem>>, %arg14: memref<!tpu.dma_semaphore, #tpu.memory_space<semaphore_mem>>) attributes {dimension_semantics = [#tpu.dimension_semantics<core_parallel>, #tpu.dimension_semantics<subcore_parallel>], iteration_bounds = array<i64: 2, 16>, scalar_prefetch = 0 : i64, scratch_operands = 8 : i64, tpu.core_type = #tpu.core_type<sc_vector_subcore>, window_params = [{transform_indices = #map}, {transform_indices = #map}, {transform_indices = #map1}, {transform_indices = #map1}, {transform_indices = #map2}]} {
    %mul3A = arith.constant 2 : i32
    %mul3A_0 = arith.muli %arg1, %mul3A : i32
    %add3A = arith.addi %mul3A_0, %arg0 : i32
    %mul3A_1 = arith.constant 128 : i32
    %mul3A_2 = arith.muli %add3A, %mul3A_1 : i32
    %iota3A = tpu.iota {dimensions = array<i32: 0>} : vector<16xi32>
    %broadcast_in_dim3A = arith.constant 0 : i32
    %broadcast_in_dim3A_3 = vector.broadcast %broadcast_in_dim3A : i32 to vector<16xi32>
    %and3A = arith.constant 3 : i32
    %and3A_4 = vector.broadcast %and3A : i32 to vector<16xi32>
    %and3A_5 = arith.andi %iota3A, %and3A_4 : vector<16xi32>
    %mul3A_6 = arith.constant 4 : i32
    %mul3A_7 = vector.broadcast %mul3A_6 : i32 to vector<16xi32>
    %mul3A_8 = arith.muli %mul3A_7, %and3A_5 : vector<16xi32>
    %add3A_9 = arith.constant 0 : i32
    %add3A_10 = vector.broadcast %add3A_9 : i32 to vector<16xi32>
    %add3A_11 = arith.addi %add3A_10, %iota3A : vector<16xi32>
    %jit3A = arith.constant 8 : i32
    %div3A = vector.broadcast %jit3A : i32 to vector<16xi32>
    %div3A_12 = arith.divsi %add3A_11, %div3A : vector<16xi32>
    %sign3A = arith.constant 0 : i32
    %sign3A_13 = vector.broadcast %sign3A : i32 to vector<16xi32>
    %sign3A_14 = arith.cmpi sgt, %add3A_11, %sign3A_13 : vector<16xi32>
    %sign3A_15 = arith.extui %sign3A_14 : vector<16xi1> to vector<16xi32>
    %sign3A_16 = arith.constant 0 : i32
    %sign3A_17 = vector.broadcast %sign3A_16 : i32 to vector<16xi32>
    %sign3A_18 = arith.cmpi slt, %add3A_11, %sign3A_17 : vector<16xi32>
    %sign3A_19 = arith.extui %sign3A_18 : vector<16xi1> to vector<16xi32>
    %sign3A_20 = arith.subi %sign3A_15, %sign3A_19 : vector<16xi32>
    %sign3A_21 = arith.constant 0 : i32
    %sign3A_22 = arith.cmpi sgt, %jit3A, %sign3A_21 : i32
    %sign3A_23 = arith.extui %sign3A_22 : i1 to i32
    %sign3A_24 = arith.constant 0 : i32
    %sign3A_25 = arith.cmpi slt, %jit3A, %sign3A_24 : i32
    %sign3A_26 = arith.extui %sign3A_25 : i1 to i32
    %sign3A_27 = arith.subi %sign3A_23, %sign3A_26 : i32
    %ne3A = vector.broadcast %sign3A_27 : i32 to vector<16xi32>
    %ne3A_28 = arith.cmpi ne, %sign3A_20, %ne3A : vector<16xi32>
    %rem3A = vector.broadcast %jit3A : i32 to vector<16xi32>
    %rem3A_29 = arith.remsi %add3A_11, %rem3A : vector<16xi32>
    %ne3A_30 = arith.constant 0 : i32
    %ne3A_31 = vector.broadcast %ne3A_30 : i32 to vector<16xi32>
    %ne3A_32 = arith.cmpi ne, %rem3A_29, %ne3A_31 : vector<16xi32>
    %and3A_33 = arith.andi %ne3A_28, %ne3A_32 : vector<16xi1>
    %sub3A = arith.constant 1 : i32
    %sub3A_34 = vector.broadcast %sub3A : i32 to vector<16xi32>
    %sub3A_35 = arith.subi %div3A_12, %sub3A_34 : vector<16xi32>
    %select_n3A = arith.select %and3A_33, %sub3A_35, %div3A_12 : vector<16xi1>, vector<16xi32>
    %add3A_36 = arith.constant 16 : i32
    %add3A_37 = vector.broadcast %add3A_36 : i32 to vector<16xi32>
    %add3A_38 = arith.addi %add3A_37, %iota3A : vector<16xi32>
    %jit3A_39 = arith.constant 8 : i32
    %div3A_40 = vector.broadcast %jit3A_39 : i32 to vector<16xi32>
    %div3A_41 = arith.divsi %add3A_38, %div3A_40 : vector<16xi32>
    %sign3A_42 = arith.constant 0 : i32
    %sign3A_43 = vector.broadcast %sign3A_42 : i32 to vector<16xi32>
    %sign3A_44 = arith.cmpi sgt, %add3A_38, %sign3A_43 : vector<16xi32>
    %sign3A_45 = arith.extui %sign3A_44 : vector<16xi1> to vector<16xi32>
    %sign3A_46 = arith.constant 0 : i32
    %sign3A_47 = vector.broadcast %sign3A_46 : i32 to vector<16xi32>
    %sign3A_48 = arith.cmpi slt, %add3A_38, %sign3A_47 : vector<16xi32>
    %sign3A_49 = arith.extui %sign3A_48 : vector<16xi1> to vector<16xi32>
    %sign3A_50 = arith.subi %sign3A_45, %sign3A_49 : vector<16xi32>
    %sign3A_51 = arith.constant 0 : i32
    %sign3A_52 = arith.cmpi sgt, %jit3A_39, %sign3A_51 : i32
    %sign3A_53 = arith.extui %sign3A_52 : i1 to i32
    %sign3A_54 = arith.constant 0 : i32
    %sign3A_55 = arith.cmpi slt, %jit3A_39, %sign3A_54 : i32
    %sign3A_56 = arith.extui %sign3A_55 : i1 to i32
    %sign3A_57 = arith.subi %sign3A_53, %sign3A_56 : i32
    %ne3A_58 = vector.broadcast %sign3A_57 : i32 to vector<16xi32>
    %ne3A_59 = arith.cmpi ne, %sign3A_50, %ne3A_58 : vector<16xi32>
    %rem3A_60 = vector.broadcast %jit3A_39 : i32 to vector<16xi32>
    %rem3A_61 = arith.remsi %add3A_38, %rem3A_60 : vector<16xi32>
    %ne3A_62 = arith.constant 0 : i32
    %ne3A_63 = vector.broadcast %ne3A_62 : i32 to vector<16xi32>
    %ne3A_64 = arith.cmpi ne, %rem3A_61, %ne3A_63 : vector<16xi32>
    %and3A_65 = arith.andi %ne3A_59, %ne3A_64 : vector<16xi1>
    %sub3A_66 = arith.constant 1 : i32
    %sub3A_67 = vector.broadcast %sub3A_66 : i32 to vector<16xi32>
    %sub3A_68 = arith.subi %div3A_41, %sub3A_67 : vector<16xi32>
    %select_n3A_69 = arith.select %and3A_65, %sub3A_68, %div3A_41 : vector<16xi1>, vector<16xi32>
    %add3A_70 = arith.constant 32 : i32
    %add3A_71 = vector.broadcast %add3A_70 : i32 to vector<16xi32>
    %add3A_72 = arith.addi %add3A_71, %iota3A : vector<16xi32>
    %jit3A_73 = arith.constant 8 : i32
    %div3A_74 = vector.broadcast %jit3A_73 : i32 to vector<16xi32>
    %div3A_75 = arith.divsi %add3A_72, %div3A_74 : vector<16xi32>
    %sign3A_76 = arith.constant 0 : i32
    %sign3A_77 = vector.broadcast %sign3A_76 : i32 to vector<16xi32>
    %sign3A_78 = arith.cmpi sgt, %add3A_72, %sign3A_77 : vector<16xi32>
    %sign3A_79 = arith.extui %sign3A_78 : vector<16xi1> to vector<16xi32>
    %sign3A_80 = arith.constant 0 : i32
    %sign3A_81 = vector.broadcast %sign3A_80 : i32 to vector<16xi32>
    %sign3A_82 = arith.cmpi slt, %add3A_72, %sign3A_81 : vector<16xi32>
    %sign3A_83 = arith.extui %sign3A_82 : vector<16xi1> to vector<16xi32>
    %sign3A_84 = arith.subi %sign3A_79, %sign3A_83 : vector<16xi32>
    %sign3A_85 = arith.constant 0 : i32
    %sign3A_86 = arith.cmpi sgt, %jit3A_73, %sign3A_85 : i32
    %sign3A_87 = arith.extui %sign3A_86 : i1 to i32
    %sign3A_88 = arith.constant 0 : i32
    %sign3A_89 = arith.cmpi slt, %jit3A_73, %sign3A_88 : i32
    %sign3A_90 = arith.extui %sign3A_89 : i1 to i32
    %sign3A_91 = arith.subi %sign3A_87, %sign3A_90 : i32
    %ne3A_92 = vector.broadcast %sign3A_91 : i32 to vector<16xi32>
    %ne3A_93 = arith.cmpi ne, %sign3A_84, %ne3A_92 : vector<16xi32>
    %rem3A_94 = vector.broadcast %jit3A_73 : i32 to vector<16xi32>
    %rem3A_95 = arith.remsi %add3A_72, %rem3A_94 : vector<16xi32>
    %ne3A_96 = arith.constant 0 : i32
    %ne3A_97 = vector.broadcast %ne3A_96 : i32 to vector<16xi32>
    %ne3A_98 = arith.cmpi ne, %rem3A_95, %ne3A_97 : vector<16xi32>
    %and3A_99 = arith.andi %ne3A_93, %ne3A_98 : vector<16xi1>
    %sub3A_100 = arith.constant 1 : i32
    %sub3A_101 = vector.broadcast %sub3A_100 : i32 to vector<16xi32>
    %sub3A_102 = arith.subi %div3A_75, %sub3A_101 : vector<16xi32>
    %select_n3A_103 = arith.select %and3A_99, %sub3A_102, %div3A_75 : vector<16xi1>, vector<16xi32>
    %add3A_104 = arith.constant 48 : i32
    %add3A_105 = vector.broadcast %add3A_104 : i32 to vector<16xi32>
    %add3A_106 = arith.addi %add3A_105, %iota3A : vector<16xi32>
    %jit3A_107 = arith.constant 8 : i32
    %div3A_108 = vector.broadcast %jit3A_107 : i32 to vector<16xi32>
    %div3A_109 = arith.divsi %add3A_106, %div3A_108 : vector<16xi32>
    %sign3A_110 = arith.constant 0 : i32
    %sign3A_111 = vector.broadcast %sign3A_110 : i32 to vector<16xi32>
    %sign3A_112 = arith.cmpi sgt, %add3A_106, %sign3A_111 : vector<16xi32>
    %sign3A_113 = arith.extui %sign3A_112 : vector<16xi1> to vector<16xi32>
    %sign3A_114 = arith.constant 0 : i32
    %sign3A_115 = vector.broadcast %sign3A_114 : i32 to vector<16xi32>
    %sign3A_116 = arith.cmpi slt, %add3A_106, %sign3A_115 : vector<16xi32>
    %sign3A_117 = arith.extui %sign3A_116 : vector<16xi1> to vector<16xi32>
    %sign3A_118 = arith.subi %sign3A_113, %sign3A_117 : vector<16xi32>
    %sign3A_119 = arith.constant 0 : i32
    %sign3A_120 = arith.cmpi sgt, %jit3A_107, %sign3A_119 : i32
    %sign3A_121 = arith.extui %sign3A_120 : i1 to i32
    %sign3A_122 = arith.constant 0 : i32
    %sign3A_123 = arith.cmpi slt, %jit3A_107, %sign3A_122 : i32
    %sign3A_124 = arith.extui %sign3A_123 : i1 to i32
    %sign3A_125 = arith.subi %sign3A_121, %sign3A_124 : i32
    %ne3A_126 = vector.broadcast %sign3A_125 : i32 to vector<16xi32>
    %ne3A_127 = arith.cmpi ne, %sign3A_118, %ne3A_126 : vector<16xi32>
    %rem3A_128 = vector.broadcast %jit3A_107 : i32 to vector<16xi32>
    %rem3A_129 = arith.remsi %add3A_106, %rem3A_128 : vector<16xi32>
    %ne3A_130 = arith.constant 0 : i32
    %ne3A_131 = vector.broadcast %ne3A_130 : i32 to vector<16xi32>
    %ne3A_132 = arith.cmpi ne, %rem3A_129, %ne3A_131 : vector<16xi32>
    %and3A_133 = arith.andi %ne3A_127, %ne3A_132 : vector<16xi1>
    %sub3A_134 = arith.constant 1 : i32
    %sub3A_135 = vector.broadcast %sub3A_134 : i32 to vector<16xi32>
    %sub3A_136 = arith.subi %div3A_109, %sub3A_135 : vector<16xi32>
    %select_n3A_137 = arith.select %and3A_133, %sub3A_136, %div3A_109 : vector<16xi1>, vector<16xi32>
    %add3A_138 = arith.constant 0 : i32
    %add3A_139 = vector.broadcast %add3A_138 : i32 to vector<16xi32>
    %add3A_140 = arith.addi %add3A_139, %iota3A : vector<16xi32>
    %jit3A_141 = arith.constant 8 : i32
    %eq3A = arith.constant 0 : i32
    %eq3A_142 = arith.cmpi eq, %jit3A_141, %eq3A : i32
    %jit3A_143 = arith.constant 1 : i32
    %select_n3A_144 = arith.select %eq3A_142, %jit3A_143, %jit3A_141 : i32
    %rem3A_145 = vector.broadcast %select_n3A_144 : i32 to vector<16xi32>
    %rem3A_146 = arith.remsi %add3A_140, %rem3A_145 : vector<16xi32>
    %ne3A_147 = arith.constant 0 : i32
    %ne3A_148 = vector.broadcast %ne3A_147 : i32 to vector<16xi32>
    %ne3A_149 = arith.cmpi ne, %rem3A_146, %ne3A_148 : vector<16xi32>
    %lt3A = arith.constant 0 : i32
    %lt3A_150 = vector.broadcast %lt3A : i32 to vector<16xi32>
    %lt3A_151 = arith.cmpi slt, %rem3A_146, %lt3A_150 : vector<16xi32>
    %lt3A_152 = arith.constant 0 : i32
    %lt3A_153 = arith.cmpi slt, %select_n3A_144, %lt3A_152 : i32
    %ne3A_154 = vector.broadcast %lt3A_153 : i1 to vector<16xi1>
    %ne3A_155 = vector.broadcast %ne3A_154 : vector<16xi1> to vector<16xi1>
    %ne3A_156 = arith.xori %lt3A_151, %ne3A_155 : vector<16xi1>
    %and3A_157 = arith.andi %ne3A_156, %ne3A_149 : vector<16xi1>
    %add3A_158 = vector.broadcast %select_n3A_144 : i32 to vector<16xi32>
    %add3A_159 = arith.addi %rem3A_146, %add3A_158 : vector<16xi32>
    %select_n3A_160 = arith.select %and3A_157, %add3A_159, %rem3A_146 : vector<16xi1>, vector<16xi32>
    %add3A_161 = arith.constant 16 : i32
    %add3A_162 = vector.broadcast %add3A_161 : i32 to vector<16xi32>
    %add3A_163 = arith.addi %add3A_162, %iota3A : vector<16xi32>
    %jit3A_164 = arith.constant 8 : i32
    %eq3A_165 = arith.constant 0 : i32
    %eq3A_166 = arith.cmpi eq, %jit3A_164, %eq3A_165 : i32
    %jit3A_167 = arith.constant 1 : i32
    %select_n3A_168 = arith.select %eq3A_166, %jit3A_167, %jit3A_164 : i32
    %rem3A_169 = vector.broadcast %select_n3A_168 : i32 to vector<16xi32>
    %rem3A_170 = arith.remsi %add3A_163, %rem3A_169 : vector<16xi32>
    %ne3A_171 = arith.constant 0 : i32
    %ne3A_172 = vector.broadcast %ne3A_171 : i32 to vector<16xi32>
    %ne3A_173 = arith.cmpi ne, %rem3A_170, %ne3A_172 : vector<16xi32>
    %lt3A_174 = arith.constant 0 : i32
    %lt3A_175 = vector.broadcast %lt3A_174 : i32 to vector<16xi32>
    %lt3A_176 = arith.cmpi slt, %rem3A_170, %lt3A_175 : vector<16xi32>
    %lt3A_177 = arith.constant 0 : i32
    %lt3A_178 = arith.cmpi slt, %select_n3A_168, %lt3A_177 : i32
    %ne3A_179 = vector.broadcast %lt3A_178 : i1 to vector<16xi1>
    %ne3A_180 = vector.broadcast %ne3A_179 : vector<16xi1> to vector<16xi1>
    %ne3A_181 = arith.xori %lt3A_176, %ne3A_180 : vector<16xi1>
    %and3A_182 = arith.andi %ne3A_181, %ne3A_173 : vector<16xi1>
    %add3A_183 = vector.broadcast %select_n3A_168 : i32 to vector<16xi32>
    %add3A_184 = arith.addi %rem3A_170, %add3A_183 : vector<16xi32>
    %select_n3A_185 = arith.select %and3A_182, %add3A_184, %rem3A_170 : vector<16xi1>, vector<16xi32>
    %add3A_186 = arith.constant 32 : i32
    %add3A_187 = vector.broadcast %add3A_186 : i32 to vector<16xi32>
    %add3A_188 = arith.addi %add3A_187, %iota3A : vector<16xi32>
    %jit3A_189 = arith.constant 8 : i32
    %eq3A_190 = arith.constant 0 : i32
    %eq3A_191 = arith.cmpi eq, %jit3A_189, %eq3A_190 : i32
    %jit3A_192 = arith.constant 1 : i32
    %select_n3A_193 = arith.select %eq3A_191, %jit3A_192, %jit3A_189 : i32
    %rem3A_194 = vector.broadcast %select_n3A_193 : i32 to vector<16xi32>
    %rem3A_195 = arith.remsi %add3A_188, %rem3A_194 : vector<16xi32>
    %ne3A_196 = arith.constant 0 : i32
    %ne3A_197 = vector.broadcast %ne3A_196 : i32 to vector<16xi32>
    %ne3A_198 = arith.cmpi ne, %rem3A_195, %ne3A_197 : vector<16xi32>
    %lt3A_199 = arith.constant 0 : i32
    %lt3A_200 = vector.broadcast %lt3A_199 : i32 to vector<16xi32>
    %lt3A_201 = arith.cmpi slt, %rem3A_195, %lt3A_200 : vector<16xi32>
    %lt3A_202 = arith.constant 0 : i32
    %lt3A_203 = arith.cmpi slt, %select_n3A_193, %lt3A_202 : i32
    %ne3A_204 = vector.broadcast %lt3A_203 : i1 to vector<16xi1>
    %ne3A_205 = vector.broadcast %ne3A_204 : vector<16xi1> to vector<16xi1>
    %ne3A_206 = arith.xori %lt3A_201, %ne3A_205 : vector<16xi1>
    %and3A_207 = arith.andi %ne3A_206, %ne3A_198 : vector<16xi1>
    %add3A_208 = vector.broadcast %select_n3A_193 : i32 to vector<16xi32>
    %add3A_209 = arith.addi %rem3A_195, %add3A_208 : vector<16xi32>
    %select_n3A_210 = arith.select %and3A_207, %add3A_209, %rem3A_195 : vector<16xi1>, vector<16xi32>
    %add3A_211 = arith.constant 48 : i32
    %add3A_212 = vector.broadcast %add3A_211 : i32 to vector<16xi32>
    %add3A_213 = arith.addi %add3A_212, %iota3A : vector<16xi32>
    %jit3A_214 = arith.constant 8 : i32
    %eq3A_215 = arith.constant 0 : i32
    %eq3A_216 = arith.cmpi eq, %jit3A_214, %eq3A_215 : i32
    %jit3A_217 = arith.constant 1 : i32
    %select_n3A_218 = arith.select %eq3A_216, %jit3A_217, %jit3A_214 : i32
    %rem3A_219 = vector.broadcast %select_n3A_218 : i32 to vector<16xi32>
    %rem3A_220 = arith.remsi %add3A_213, %rem3A_219 : vector<16xi32>
    %ne3A_221 = arith.constant 0 : i32
    %ne3A_222 = vector.broadcast %ne3A_221 : i32 to vector<16xi32>
    %ne3A_223 = arith.cmpi ne, %rem3A_220, %ne3A_222 : vector<16xi32>
    %lt3A_224 = arith.constant 0 : i32
    %lt3A_225 = vector.broadcast %lt3A_224 : i32 to vector<16xi32>
    %lt3A_226 = arith.cmpi slt, %rem3A_220, %lt3A_225 : vector<16xi32>
    %lt3A_227 = arith.constant 0 : i32
    %lt3A_228 = arith.cmpi slt, %select_n3A_218, %lt3A_227 : i32
    %ne3A_229 = vector.broadcast %lt3A_228 : i1 to vector<16xi1>
    %ne3A_230 = vector.broadcast %ne3A_229 : vector<16xi1> to vector<16xi1>
    %ne3A_231 = arith.xori %lt3A_226, %ne3A_230 : vector<16xi1>
    %and3A_232 = arith.andi %ne3A_231, %ne3A_223 : vector<16xi1>
    %add3A_233 = vector.broadcast %select_n3A_218 : i32 to vector<16xi32>
    %add3A_234 = arith.addi %rem3A_220, %add3A_233 : vector<16xi32>
    %select_n3A_235 = arith.select %and3A_232, %add3A_234, %rem3A_220 : vector<16xi1>, vector<16xi32>
    "tpu.region"() ({
      %run_scoped3A = tpu.sem_alloc : memref<!tpu.dma_semaphore, #tpu.memory_space<semaphore_mem>>
      %dma_start3A_738 = arith.constant 0 : i32
      %dma_start3A_739 = arith.constant 0 : i32
      %dma_start3A_740 = tpu.memref_slice %arg11[%dma_start3A_738, %dma_start3A_739] : memref<16x17xf32, #tpu.memory_space<vmem>> -> memref<4x16xf32, #tpu.memory_space<vmem>>
      %dma_start3A_741 = arith.constant 0 : i32
      %dma_start3A_742 = arith.constant 0 : i32
      %dma_start3A_743 = tpu.memref_slice %arg11[%dma_start3A_741, %dma_start3A_742] : memref<16x17xf32, #tpu.memory_space<vmem>> -> memref<4x16xf32, #tpu.memory_space<vmem>>
      tpu.enqueue_dma source(%arg5 : memref<4x16xf32, #tpu.memory_space<hbm>>) target(%dma_start3A_743 : memref<4x16xf32, #tpu.memory_space<vmem>>) target_semaphore(%run_scoped3A : memref<!tpu.dma_semaphore, #tpu.memory_space<semaphore_mem>>)
      %dma_wait3A_744 = arith.constant 0 : i32
      %dma_wait3A_745 = arith.constant 0 : i32
      %dma_wait3A_746 = tpu.memref_slice %arg11[%dma_wait3A_744, %dma_wait3A_745] : memref<16x17xf32, #tpu.memory_space<vmem>> -> memref<4x16xf32, #tpu.memory_space<vmem>>
      %dma_wait3A_747 = arith.constant 0 : i32
      %dma_wait3A_748 = arith.constant 0 : i32
      %dma_wait3A_749 = tpu.memref_slice %arg11[%dma_wait3A_747, %dma_wait3A_748] : memref<16x17xf32, #tpu.memory_space<vmem>> -> memref<4x16xf32, #tpu.memory_space<vmem>>
      tpu.wait_dma2 semaphore(%run_scoped3A : memref<!tpu.dma_semaphore, #tpu.memory_space<semaphore_mem>>) src(%arg5 : memref<4x16xf32, #tpu.memory_space<hbm>>) dst(%dma_wait3A_749 : memref<4x16xf32, #tpu.memory_space<vmem>>)
      tpu.yield
    }) : () -> ()
    "tpu.region"() ({
      %run_scoped3A = tpu.sem_alloc : memref<!tpu.dma_semaphore, #tpu.memory_space<semaphore_mem>>
      %dma_start3A_738 = arith.constant 4 : i32
      %dma_start3A_739 = arith.constant 0 : i32
      %dma_start3A_740 = tpu.memref_slice %arg11[%dma_start3A_738, %dma_start3A_739] : memref<16x17xf32, #tpu.memory_space<vmem>> -> memref<4x16xf32, #tpu.memory_space<vmem>>
      %dma_start3A_741 = arith.constant 4 : i32
      %dma_start3A_742 = arith.constant 0 : i32
      %dma_start3A_743 = tpu.memref_slice %arg11[%dma_start3A_741, %dma_start3A_742] : memref<16x17xf32, #tpu.memory_space<vmem>> -> memref<4x16xf32, #tpu.memory_space<vmem>>
      tpu.enqueue_dma source(%arg5 : memref<4x16xf32, #tpu.memory_space<hbm>>) target(%dma_start3A_743 : memref<4x16xf32, #tpu.memory_space<vmem>>) target_semaphore(%run_scoped3A : memref<!tpu.dma_semaphore, #tpu.memory_space<semaphore_mem>>)
      %dma_wait3A_744 = arith.constant 4 : i32
      %dma_wait3A_745 = arith.constant 0 : i32
      %dma_wait3A_746 = tpu.memref_slice %arg11[%dma_wait3A_744, %dma_wait3A_745] : memref<16x17xf32, #tpu.memory_space<vmem>> -> memref<4x16xf32, #tpu.memory_space<vmem>>
      %dma_wait3A_747 = arith.constant 4 : i32
      %dma_wait3A_748 = arith.constant 0 : i32
      %dma_wait3A_749 = tpu.memref_slice %arg11[%dma_wait3A_747, %dma_wait3A_748] : memref<16x17xf32, #tpu.memory_space<vmem>> -> memref<4x16xf32, #tpu.memory_space<vmem>>
      tpu.wait_dma2 semaphore(%run_scoped3A : memref<!tpu.dma_semaphore, #tpu.memory_space<semaphore_mem>>) src(%arg5 : memref<4x16xf32, #tpu.memory_space<hbm>>) dst(%dma_wait3A_749 : memref<4x16xf32, #tpu.memory_space<vmem>>)
      tpu.yield
    }) : () -> ()
    "tpu.region"() ({
      %run_scoped3A = tpu.sem_alloc : memref<!tpu.dma_semaphore, #tpu.memory_space<semaphore_mem>>
      %dma_start3A_738 = arith.constant 8 : i32
      %dma_start3A_739 = arith.constant 0 : i32
      %dma_start3A_740 = tpu.memref_slice %arg11[%dma_start3A_738, %dma_start3A_739] : memref<16x17xf32, #tpu.memory_space<vmem>> -> memref<4x16xf32, #tpu.memory_space<vmem>>
      %dma_start3A_741 = arith.constant 8 : i32
      %dma_start3A_742 = arith.constant 0 : i32
      %dma_start3A_743 = tpu.memref_slice %arg11[%dma_start3A_741, %dma_start3A_742] : memref<16x17xf32, #tpu.memory_space<vmem>> -> memref<4x16xf32, #tpu.memory_space<vmem>>
      tpu.enqueue_dma source(%arg5 : memref<4x16xf32, #tpu.memory_space<hbm>>) target(%dma_start3A_743 : memref<4x16xf32, #tpu.memory_space<vmem>>) target_semaphore(%run_scoped3A : memref<!tpu.dma_semaphore, #tpu.memory_space<semaphore_mem>>)
      %dma_wait3A_744 = arith.constant 8 : i32
      %dma_wait3A_745 = arith.constant 0 : i32
      %dma_wait3A_746 = tpu.memref_slice %arg11[%dma_wait3A_744, %dma_wait3A_745] : memref<16x17xf32, #tpu.memory_space<vmem>> -> memref<4x16xf32, #tpu.memory_space<vmem>>
      %dma_wait3A_747 = arith.constant 8 : i32
      %dma_wait3A_748 = arith.constant 0 : i32
      %dma_wait3A_749 = tpu.memref_slice %arg11[%dma_wait3A_747, %dma_wait3A_748] : memref<16x17xf32, #tpu.memory_space<vmem>> -> memref<4x16xf32, #tpu.memory_space<vmem>>
      tpu.wait_dma2 semaphore(%run_scoped3A : memref<!tpu.dma_semaphore, #tpu.memory_space<semaphore_mem>>) src(%arg5 : memref<4x16xf32, #tpu.memory_space<hbm>>) dst(%dma_wait3A_749 : memref<4x16xf32, #tpu.memory_space<vmem>>)
      tpu.yield
    }) : () -> ()
    "tpu.region"() ({
      %run_scoped3A = tpu.sem_alloc : memref<!tpu.dma_semaphore, #tpu.memory_space<semaphore_mem>>
      %dma_start3A_738 = arith.constant 12 : i32
      %dma_start3A_739 = arith.constant 0 : i32
      %dma_start3A_740 = tpu.memref_slice %arg11[%dma_start3A_738, %dma_start3A_739] : memref<16x17xf32, #tpu.memory_space<vmem>> -> memref<4x16xf32, #tpu.memory_space<vmem>>
      %dma_start3A_741 = arith.constant 12 : i32
      %dma_start3A_742 = arith.constant 0 : i32
      %dma_start3A_743 = tpu.memref_slice %arg11[%dma_start3A_741, %dma_start3A_742] : memref<16x17xf32, #tpu.memory_space<vmem>> -> memref<4x16xf32, #tpu.memory_space<vmem>>
      tpu.enqueue_dma source(%arg5 : memref<4x16xf32, #tpu.memory_space<hbm>>) target(%dma_start3A_743 : memref<4x16xf32, #tpu.memory_space<vmem>>) target_semaphore(%run_scoped3A : memref<!tpu.dma_semaphore, #tpu.memory_space<semaphore_mem>>)
      %dma_wait3A_744 = arith.constant 12 : i32
      %dma_wait3A_745 = arith.constant 0 : i32
      %dma_wait3A_746 = tpu.memref_slice %arg11[%dma_wait3A_744, %dma_wait3A_745] : memref<16x17xf32, #tpu.memory_space<vmem>> -> memref<4x16xf32, #tpu.memory_space<vmem>>
      %dma_wait3A_747 = arith.constant 12 : i32
      %dma_wait3A_748 = arith.constant 0 : i32
      %dma_wait3A_749 = tpu.memref_slice %arg11[%dma_wait3A_747, %dma_wait3A_748] : memref<16x17xf32, #tpu.memory_space<vmem>> -> memref<4x16xf32, #tpu.memory_space<vmem>>
      tpu.wait_dma2 semaphore(%run_scoped3A : memref<!tpu.dma_semaphore, #tpu.memory_space<semaphore_mem>>) src(%arg5 : memref<4x16xf32, #tpu.memory_space<hbm>>) dst(%dma_wait3A_749 : memref<4x16xf32, #tpu.memory_space<vmem>>)
      tpu.yield
    }) : () -> ()
    %dma_start3A = arith.constant 0 : i32
    %dma_start3A_236 = arith.constant 0 : i32
    %dma_start3A_237 = arith.constant 0 : i32
    %dma_start3A_238 = tpu.memref_slice %arg7[%dma_start3A, %dma_start3A_236, %dma_start3A_237] : memref<15x8x128xi32, #tpu.memory_space<vmem>> -> memref<5x8x128xi32, #tpu.memory_space<vmem>>
    %dma_start3A_239 = arith.constant 0 : i32
    %dma_start3A_240 = arith.constant 0 : i32
    %dma_start3A_241 = arith.constant 0 : i32
    %dma_start3A_242 = tpu.memref_slice %arg2[%dma_start3A_239, %add3A, %dma_start3A_240, %dma_start3A_241] : memref<25x32x8x128xi32, #tpu.memory_space<hbm>> -> memref<5x1x8x128xi32, #tpu.memory_space<hbm>>
    %dma_start3A_243 = tpu.memref_squeeze %dma_start3A_242 : memref<5x1x8x128xi32, #tpu.memory_space<hbm>> -> memref<5x8x128xi32, #tpu.memory_space<hbm>>
    %dma_start3A_244 = arith.constant 0 : i32
    %dma_start3A_245 = arith.constant 0 : i32
    %dma_start3A_246 = arith.constant 0 : i32
    %dma_start3A_247 = tpu.memref_slice %arg7[%dma_start3A_244, %dma_start3A_245, %dma_start3A_246] : memref<15x8x128xi32, #tpu.memory_space<vmem>> -> memref<5x8x128xi32, #tpu.memory_space<vmem>>
    %dma_start3A_248 = arith.constant 0 : i32
    %dma_start3A_249 = arith.constant 0 : i32
    %dma_start3A_250 = arith.constant 0 : i32
    %dma_start3A_251 = tpu.memref_slice %arg2[%dma_start3A_248, %add3A, %dma_start3A_249, %dma_start3A_250] : memref<25x32x8x128xi32, #tpu.memory_space<hbm>> -> memref<5x1x8x128xi32, #tpu.memory_space<hbm>>
    %dma_start3A_252 = tpu.memref_squeeze %dma_start3A_251 : memref<5x1x8x128xi32, #tpu.memory_space<hbm>> -> memref<5x8x128xi32, #tpu.memory_space<hbm>>
    tpu.enqueue_dma source(%dma_start3A_252 : memref<5x8x128xi32, #tpu.memory_space<hbm>>) target(%dma_start3A_247 : memref<5x8x128xi32, #tpu.memory_space<vmem>>) target_semaphore(%arg12 : memref<!tpu.dma_semaphore, #tpu.memory_space<semaphore_mem>>)
    %dma_start3A_253 = arith.constant 0 : i32
    %dma_start3A_254 = arith.constant 0 : i32
    %dma_start3A_255 = arith.constant 0 : i32
    %dma_start3A_256 = tpu.memref_slice %arg8[%dma_start3A_253, %dma_start3A_254, %dma_start3A_255] : memref<15x8x128xi32, #tpu.memory_space<vmem>> -> memref<5x8x128xi32, #tpu.memory_space<vmem>>
    %dma_start3A_257 = arith.constant 0 : i32
    %dma_start3A_258 = arith.constant 0 : i32
    %dma_start3A_259 = arith.constant 0 : i32
    %dma_start3A_260 = tpu.memref_slice %arg3[%dma_start3A_257, %add3A, %dma_start3A_258, %dma_start3A_259] : memref<25x32x8x128xi32, #tpu.memory_space<hbm>> -> memref<5x1x8x128xi32, #tpu.memory_space<hbm>>
    %dma_start3A_261 = tpu.memref_squeeze %dma_start3A_260 : memref<5x1x8x128xi32, #tpu.memory_space<hbm>> -> memref<5x8x128xi32, #tpu.memory_space<hbm>>
    %dma_start3A_262 = arith.constant 0 : i32
    %dma_start3A_263 = arith.constant 0 : i32
    %dma_start3A_264 = arith.constant 0 : i32
    %dma_start3A_265 = tpu.memref_slice %arg8[%dma_start3A_262, %dma_start3A_263, %dma_start3A_264] : memref<15x8x128xi32, #tpu.memory_space<vmem>> -> memref<5x8x128xi32, #tpu.memory_space<vmem>>
    %dma_start3A_266 = arith.constant 0 : i32
    %dma_start3A_267 = arith.constant 0 : i32
    %dma_start3A_268 = arith.constant 0 : i32
    %dma_start3A_269 = tpu.memref_slice %arg3[%dma_start3A_266, %add3A, %dma_start3A_267, %dma_start3A_268] : memref<25x32x8x128xi32, #tpu.memory_space<hbm>> -> memref<5x1x8x128xi32, #tpu.memory_space<hbm>>
    %dma_start3A_270 = tpu.memref_squeeze %dma_start3A_269 : memref<5x1x8x128xi32, #tpu.memory_space<hbm>> -> memref<5x8x128xi32, #tpu.memory_space<hbm>>
    tpu.enqueue_dma source(%dma_start3A_270 : memref<5x8x128xi32, #tpu.memory_space<hbm>>) target(%dma_start3A_265 : memref<5x8x128xi32, #tpu.memory_space<vmem>>) target_semaphore(%arg12 : memref<!tpu.dma_semaphore, #tpu.memory_space<semaphore_mem>>)
    %dma_start3A_271 = arith.constant 5 : i32
    %dma_start3A_272 = arith.constant 0 : i32
    %dma_start3A_273 = arith.constant 0 : i32
    %dma_start3A_274 = tpu.memref_slice %arg7[%dma_start3A_271, %dma_start3A_272, %dma_start3A_273] : memref<15x8x128xi32, #tpu.memory_space<vmem>> -> memref<5x8x128xi32, #tpu.memory_space<vmem>>
    %dma_start3A_275 = arith.constant 5 : i32
    %dma_start3A_276 = arith.constant 0 : i32
    %dma_start3A_277 = arith.constant 0 : i32
    %dma_start3A_278 = tpu.memref_slice %arg2[%dma_start3A_275, %add3A, %dma_start3A_276, %dma_start3A_277] : memref<25x32x8x128xi32, #tpu.memory_space<hbm>> -> memref<5x1x8x128xi32, #tpu.memory_space<hbm>>
    %dma_start3A_279 = tpu.memref_squeeze %dma_start3A_278 : memref<5x1x8x128xi32, #tpu.memory_space<hbm>> -> memref<5x8x128xi32, #tpu.memory_space<hbm>>
    %dma_start3A_280 = arith.constant 5 : i32
    %dma_start3A_281 = arith.constant 0 : i32
    %dma_start3A_282 = arith.constant 0 : i32
    %dma_start3A_283 = tpu.memref_slice %arg7[%dma_start3A_280, %dma_start3A_281, %dma_start3A_282] : memref<15x8x128xi32, #tpu.memory_space<vmem>> -> memref<5x8x128xi32, #tpu.memory_space<vmem>>
    %dma_start3A_284 = arith.constant 5 : i32
    %dma_start3A_285 = arith.constant 0 : i32
    %dma_start3A_286 = arith.constant 0 : i32
    %dma_start3A_287 = tpu.memref_slice %arg2[%dma_start3A_284, %add3A, %dma_start3A_285, %dma_start3A_286] : memref<25x32x8x128xi32, #tpu.memory_space<hbm>> -> memref<5x1x8x128xi32, #tpu.memory_space<hbm>>
    %dma_start3A_288 = tpu.memref_squeeze %dma_start3A_287 : memref<5x1x8x128xi32, #tpu.memory_space<hbm>> -> memref<5x8x128xi32, #tpu.memory_space<hbm>>
    tpu.enqueue_dma source(%dma_start3A_288 : memref<5x8x128xi32, #tpu.memory_space<hbm>>) target(%dma_start3A_283 : memref<5x8x128xi32, #tpu.memory_space<vmem>>) target_semaphore(%arg12 : memref<!tpu.dma_semaphore, #tpu.memory_space<semaphore_mem>>)
    %dma_start3A_289 = arith.constant 5 : i32
    %dma_start3A_290 = arith.constant 0 : i32
    %dma_start3A_291 = arith.constant 0 : i32
    %dma_start3A_292 = tpu.memref_slice %arg8[%dma_start3A_289, %dma_start3A_290, %dma_start3A_291] : memref<15x8x128xi32, #tpu.memory_space<vmem>> -> memref<5x8x128xi32, #tpu.memory_space<vmem>>
    %dma_start3A_293 = arith.constant 5 : i32
    %dma_start3A_294 = arith.constant 0 : i32
    %dma_start3A_295 = arith.constant 0 : i32
    %dma_start3A_296 = tpu.memref_slice %arg3[%dma_start3A_293, %add3A, %dma_start3A_294, %dma_start3A_295] : memref<25x32x8x128xi32, #tpu.memory_space<hbm>> -> memref<5x1x8x128xi32, #tpu.memory_space<hbm>>
    %dma_start3A_297 = tpu.memref_squeeze %dma_start3A_296 : memref<5x1x8x128xi32, #tpu.memory_space<hbm>> -> memref<5x8x128xi32, #tpu.memory_space<hbm>>
    %dma_start3A_298 = arith.constant 5 : i32
    %dma_start3A_299 = arith.constant 0 : i32
    %dma_start3A_300 = arith.constant 0 : i32
    %dma_start3A_301 = tpu.memref_slice %arg8[%dma_start3A_298, %dma_start3A_299, %dma_start3A_300] : memref<15x8x128xi32, #tpu.memory_space<vmem>> -> memref<5x8x128xi32, #tpu.memory_space<vmem>>
    %dma_start3A_302 = arith.constant 5 : i32
    %dma_start3A_303 = arith.constant 0 : i32
    %dma_start3A_304 = arith.constant 0 : i32
    %dma_start3A_305 = tpu.memref_slice %arg3[%dma_start3A_302, %add3A, %dma_start3A_303, %dma_start3A_304] : memref<25x32x8x128xi32, #tpu.memory_space<hbm>> -> memref<5x1x8x128xi32, #tpu.memory_space<hbm>>
    %dma_start3A_306 = tpu.memref_squeeze %dma_start3A_305 : memref<5x1x8x128xi32, #tpu.memory_space<hbm>> -> memref<5x8x128xi32, #tpu.memory_space<hbm>>
    tpu.enqueue_dma source(%dma_start3A_306 : memref<5x8x128xi32, #tpu.memory_space<hbm>>) target(%dma_start3A_301 : memref<5x8x128xi32, #tpu.memory_space<vmem>>) target_semaphore(%arg12 : memref<!tpu.dma_semaphore, #tpu.memory_space<semaphore_mem>>)
    %dma_wait3A = arith.constant 0 : i32
    %dma_wait3A_307 = arith.constant 0 : i32
    %dma_wait3A_308 = arith.constant 0 : i32
    %dma_wait3A_309 = tpu.memref_slice %arg7[%dma_wait3A, %dma_wait3A_307, %dma_wait3A_308] : memref<15x8x128xi32, #tpu.memory_space<vmem>> -> memref<5x8x128xi32, #tpu.memory_space<vmem>>
    %dma_wait3A_310 = arith.constant 0 : i32
    %dma_wait3A_311 = arith.constant 0 : i32
    %dma_wait3A_312 = arith.constant 0 : i32
    %dma_wait3A_313 = tpu.memref_slice %arg2[%dma_wait3A_310, %add3A, %dma_wait3A_311, %dma_wait3A_312] : memref<25x32x8x128xi32, #tpu.memory_space<hbm>> -> memref<5x1x8x128xi32, #tpu.memory_space<hbm>>
    %dma_wait3A_314 = tpu.memref_squeeze %dma_wait3A_313 : memref<5x1x8x128xi32, #tpu.memory_space<hbm>> -> memref<5x8x128xi32, #tpu.memory_space<hbm>>
    %dma_wait3A_315 = arith.constant 0 : i32
    %dma_wait3A_316 = arith.constant 0 : i32
    %dma_wait3A_317 = arith.constant 0 : i32
    %dma_wait3A_318 = tpu.memref_slice %arg7[%dma_wait3A_315, %dma_wait3A_316, %dma_wait3A_317] : memref<15x8x128xi32, #tpu.memory_space<vmem>> -> memref<5x8x128xi32, #tpu.memory_space<vmem>>
    %dma_wait3A_319 = arith.constant 0 : i32
    %dma_wait3A_320 = arith.constant 0 : i32
    %dma_wait3A_321 = arith.constant 0 : i32
    %dma_wait3A_322 = tpu.memref_slice %arg2[%dma_wait3A_319, %add3A, %dma_wait3A_320, %dma_wait3A_321] : memref<25x32x8x128xi32, #tpu.memory_space<hbm>> -> memref<5x1x8x128xi32, #tpu.memory_space<hbm>>
    %dma_wait3A_323 = tpu.memref_squeeze %dma_wait3A_322 : memref<5x1x8x128xi32, #tpu.memory_space<hbm>> -> memref<5x8x128xi32, #tpu.memory_space<hbm>>
    tpu.wait_dma2 semaphore(%arg12 : memref<!tpu.dma_semaphore, #tpu.memory_space<semaphore_mem>>) src(%dma_wait3A_323 : memref<5x8x128xi32, #tpu.memory_space<hbm>>) dst(%dma_wait3A_318 : memref<5x8x128xi32, #tpu.memory_space<vmem>>)
    %dma_wait3A_324 = arith.constant 0 : i32
    %dma_wait3A_325 = arith.constant 0 : i32
    %dma_wait3A_326 = arith.constant 0 : i32
    %dma_wait3A_327 = tpu.memref_slice %arg8[%dma_wait3A_324, %dma_wait3A_325, %dma_wait3A_326] : memref<15x8x128xi32, #tpu.memory_space<vmem>> -> memref<5x8x128xi32, #tpu.memory_space<vmem>>
    %dma_wait3A_328 = arith.constant 0 : i32
    %dma_wait3A_329 = arith.constant 0 : i32
    %dma_wait3A_330 = arith.constant 0 : i32
    %dma_wait3A_331 = tpu.memref_slice %arg3[%dma_wait3A_328, %add3A, %dma_wait3A_329, %dma_wait3A_330] : memref<25x32x8x128xi32, #tpu.memory_space<hbm>> -> memref<5x1x8x128xi32, #tpu.memory_space<hbm>>
    %dma_wait3A_332 = tpu.memref_squeeze %dma_wait3A_331 : memref<5x1x8x128xi32, #tpu.memory_space<hbm>> -> memref<5x8x128xi32, #tpu.memory_space<hbm>>
    %dma_wait3A_333 = arith.constant 0 : i32
    %dma_wait3A_334 = arith.constant 0 : i32
    %dma_wait3A_335 = arith.constant 0 : i32
    %dma_wait3A_336 = tpu.memref_slice %arg8[%dma_wait3A_333, %dma_wait3A_334, %dma_wait3A_335] : memref<15x8x128xi32, #tpu.memory_space<vmem>> -> memref<5x8x128xi32, #tpu.memory_space<vmem>>
    %dma_wait3A_337 = arith.constant 0 : i32
    %dma_wait3A_338 = arith.constant 0 : i32
    %dma_wait3A_339 = arith.constant 0 : i32
    %dma_wait3A_340 = tpu.memref_slice %arg3[%dma_wait3A_337, %add3A, %dma_wait3A_338, %dma_wait3A_339] : memref<25x32x8x128xi32, #tpu.memory_space<hbm>> -> memref<5x1x8x128xi32, #tpu.memory_space<hbm>>
    %dma_wait3A_341 = tpu.memref_squeeze %dma_wait3A_340 : memref<5x1x8x128xi32, #tpu.memory_space<hbm>> -> memref<5x8x128xi32, #tpu.memory_space<hbm>>
    tpu.wait_dma2 semaphore(%arg12 : memref<!tpu.dma_semaphore, #tpu.memory_space<semaphore_mem>>) src(%dma_wait3A_341 : memref<5x8x128xi32, #tpu.memory_space<hbm>>) dst(%dma_wait3A_336 : memref<5x8x128xi32, #tpu.memory_space<vmem>>)
    %dma_start3A_342 = arith.constant 0 : i32
    %dma_start3A_343 = arith.constant 0 : i32
    %dma_start3A_344 = arith.constant 0 : i32
    %dma_start3A_345 = arith.constant 0 : i32
    %dma_start3A_346 = tpu.memref_slice %arg9[%dma_start3A_344, %dma_start3A_345] : memref<256x64xf32, #tpu.memory_space<vmem>> -> memref<128x64xf32, #tpu.memory_space<vmem>>
    %dma_start3A_347 = arith.constant 0 : i32
    %dma_start3A_348 = tpu.memref_slice %arg7[%dma_start3A_342, %dma_start3A_343, %dma_start3A_347] : memref<15x8x128xi32, #tpu.memory_space<vmem>> -> memref<1x1x128xi32, #tpu.memory_space<vmem>>
    %dma_start3A_349 = tpu.memref_squeeze %dma_start3A_348 : memref<1x1x128xi32, #tpu.memory_space<vmem>> -> memref<128xi32, #tpu.memory_space<vmem>>
    %dma_start3A_350 = arith.constant 0 : i32
    %dma_start3A_351 = arith.constant 0 : i32
    %dma_start3A_352 = tpu.memref_slice %arg4[%dma_start3A_350, %dma_start3A_351] : memref<1000000x64xf32, #tpu.memory_space<hbm>> -> memref<1000000x64xf32, #tpu.memory_space<hbm>>
    tpu.enqueue_indirect_dma source(%dma_start3A_352 : memref<1000000x64xf32, #tpu.memory_space<hbm>>) target(%dma_start3A_346 : memref<128x64xf32, #tpu.memory_space<vmem>>) offsets(%dma_start3A_349 : memref<128xi32, #tpu.memory_space<vmem>>) semaphore(%arg13 : memref<!tpu.dma_semaphore, #tpu.memory_space<semaphore_mem>>)
    %dma_wait3A_353 = arith.constant 0 : i32
    %dma_wait3A_354 = arith.constant 0 : i32
    %dma_wait3A_355 = arith.constant 0 : i32
    %dma_wait3A_356 = arith.constant 0 : i32
    %dma_wait3A_357 = tpu.memref_slice %arg9[%dma_wait3A_355, %dma_wait3A_356] : memref<256x64xf32, #tpu.memory_space<vmem>> -> memref<128x64xf32, #tpu.memory_space<vmem>>
    %dma_wait3A_358 = arith.constant 0 : i32
    %dma_wait3A_359 = tpu.memref_slice %arg7[%dma_wait3A_353, %dma_wait3A_354, %dma_wait3A_358] : memref<15x8x128xi32, #tpu.memory_space<vmem>> -> memref<1x1x128xi32, #tpu.memory_space<vmem>>
    %dma_wait3A_360 = tpu.memref_squeeze %dma_wait3A_359 : memref<1x1x128xi32, #tpu.memory_space<vmem>> -> memref<128xi32, #tpu.memory_space<vmem>>
    %dma_wait3A_361 = arith.constant 0 : i32
    %dma_wait3A_362 = arith.constant 0 : i32
    %dma_wait3A_363 = tpu.memref_slice %arg4[%dma_wait3A_361, %dma_wait3A_362] : memref<1000000x64xf32, #tpu.memory_space<hbm>> -> memref<1000000x64xf32, #tpu.memory_space<hbm>>
    tpu.wait_indirect_dma semaphore(%arg13 : memref<!tpu.dma_semaphore, #tpu.memory_space<semaphore_mem>>) src(%dma_wait3A_363 : memref<1000000x64xf32, #tpu.memory_space<hbm>>) dst(%dma_wait3A_357 : memref<128x64xf32, #tpu.memory_space<vmem>>)
    %dma_start3A_364 = arith.constant 0 : i32
    %dma_start3A_365 = arith.constant 1 : i32
    %dma_start3A_366 = arith.constant 128 : i32
    %dma_start3A_367 = arith.constant 0 : i32
    %dma_start3A_368 = tpu.memref_slice %arg9[%dma_start3A_366, %dma_start3A_367] : memref<256x64xf32, #tpu.memory_space<vmem>> -> memref<128x64xf32, #tpu.memory_space<vmem>>
    %dma_start3A_369 = arith.constant 0 : i32
    %dma_start3A_370 = tpu.memref_slice %arg7[%dma_start3A_364, %dma_start3A_365, %dma_start3A_369] : memref<15x8x128xi32, #tpu.memory_space<vmem>> -> memref<1x1x128xi32, #tpu.memory_space<vmem>>
    %dma_start3A_371 = tpu.memref_squeeze %dma_start3A_370 : memref<1x1x128xi32, #tpu.memory_space<vmem>> -> memref<128xi32, #tpu.memory_space<vmem>>
    %dma_start3A_372 = arith.constant 0 : i32
    %dma_start3A_373 = arith.constant 0 : i32
    %dma_start3A_374 = tpu.memref_slice %arg4[%dma_start3A_372, %dma_start3A_373] : memref<1000000x64xf32, #tpu.memory_space<hbm>> -> memref<1000000x64xf32, #tpu.memory_space<hbm>>
    tpu.enqueue_indirect_dma source(%dma_start3A_374 : memref<1000000x64xf32, #tpu.memory_space<hbm>>) target(%dma_start3A_368 : memref<128x64xf32, #tpu.memory_space<vmem>>) offsets(%dma_start3A_371 : memref<128xi32, #tpu.memory_space<vmem>>) semaphore(%arg13 : memref<!tpu.dma_semaphore, #tpu.memory_space<semaphore_mem>>)
    %add3A_375 = arith.constant 0 : i32
    %add3A_376 = vector.broadcast %add3A_375 : i32 to vector<16xi32>
    %add3A_377 = arith.addi %broadcast_in_dim3A_3, %add3A_376 : vector<16xi32>
    %get3A = arith.constant 0 : i32
    %get3A_378 = arith.constant 0 : i32
    %get3A_379 = arith.index_cast %get3A : i32 to index
    %get3A_380 = arith.index_cast %get3A_378 : i32 to index
    %get3A_381 = arith.constant 0 : index
    %get3A_382 = tpu.vector_load %arg8[%get3A_379, %get3A_380, %get3A_381] {strides = array<i32>} : memref<15x8x128xi32, #tpu.memory_space<vmem>>, vector<16xi32>,
    %add3A_383 = arith.addi %get3A_382, %mul3A_8 : vector<16xi32>
    %get3A_384 = arith.constant 0 : i32
    %get3A_385 = arith.constant 0 : i32
    %get3A_386 = arith.index_cast %get3A_384 : i32 to index
    %get3A_387 = arith.index_cast %get3A_385 : i32 to index
    %get3A_388 = arith.constant 16 : index
    %get3A_389 = tpu.vector_load %arg8[%get3A_386, %get3A_387, %get3A_388] {strides = array<i32>} : memref<15x8x128xi32, #tpu.memory_space<vmem>>, vector<16xi32>,
    %add3A_390 = arith.addi %get3A_389, %mul3A_8 : vector<16xi32>
    %get3A_391 = arith.constant 0 : i32
    %get3A_392 = arith.constant 0 : i32
    %get3A_393 = arith.index_cast %get3A_391 : i32 to index
    %get3A_394 = arith.index_cast %get3A_392 : i32 to index
    %get3A_395 = arith.constant 32 : index
    %get3A_396 = tpu.vector_load %arg8[%get3A_393, %get3A_394, %get3A_395] {strides = array<i32>} : memref<15x8x128xi32, #tpu.memory_space<vmem>>, vector<16xi32>,
    %add3A_397 = arith.addi %get3A_396, %mul3A_8 : vector<16xi32>
    %get3A_398 = arith.constant 0 : i32
    %get3A_399 = arith.constant 0 : i32
    %get3A_400 = arith.index_cast %get3A_398 : i32 to index
    %get3A_401 = arith.index_cast %get3A_399 : i32 to index
    %get3A_402 = arith.constant 48 : index
    %get3A_403 = tpu.vector_load %arg8[%get3A_400, %get3A_401, %get3A_402] {strides = array<i32>} : memref<15x8x128xi32, #tpu.memory_space<vmem>>, vector<16xi32>,
    %add3A_404 = arith.addi %get3A_403, %mul3A_8 : vector<16xi32>
    %get3A_405 = arith.constant 0 : i32
    %get3A_406 = arith.constant 0 : i32
    %get3A_407 = arith.index_cast %get3A_405 : i32 to index
    %get3A_408 = arith.index_cast %get3A_406 : i32 to index
    %get3A_409 = arith.constant 64 : index
    %get3A_410 = tpu.vector_load %arg8[%get3A_407, %get3A_408, %get3A_409] {strides = array<i32>} : memref<15x8x128xi32, #tpu.memory_space<vmem>>, vector<16xi32>,
    %add3A_411 = arith.addi %get3A_410, %mul3A_8 : vector<16xi32>
    %get3A_412 = arith.constant 0 : i32
    %get3A_413 = arith.constant 0 : i32
    %get3A_414 = arith.index_cast %get3A_412 : i32 to index
    %get3A_415 = arith.index_cast %get3A_413 : i32 to index
    %get3A_416 = arith.constant 80 : index
    %get3A_417 = tpu.vector_load %arg8[%get3A_414, %get3A_415, %get3A_416] {strides = array<i32>} : memref<15x8x128xi32, #tpu.memory_space<vmem>>, vector<16xi32>,
    %add3A_418 = arith.addi %get3A_417, %mul3A_8 : vector<16xi32>
    %get3A_419 = arith.constant 0 : i32
    %get3A_420 = arith.constant 0 : i32
    %get3A_421 = arith.index_cast %get3A_419 : i32 to index
    %get3A_422 = arith.index_cast %get3A_420 : i32 to index
    %get3A_423 = arith.constant 96 : index
    %get3A_424 = tpu.vector_load %arg8[%get3A_421, %get3A_422, %get3A_423] {strides = array<i32>} : memref<15x8x128xi32, #tpu.memory_space<vmem>>, vector<16xi32>,
    %add3A_425 = arith.addi %get3A_424, %mul3A_8 : vector<16xi32>
    %get3A_426 = arith.constant 0 : i32
    %get3A_427 = arith.constant 0 : i32
    %get3A_428 = arith.index_cast %get3A_426 : i32 to index
    %get3A_429 = arith.index_cast %get3A_427 : i32 to index
    %get3A_430 = arith.constant 112 : index
    %get3A_431 = tpu.vector_load %arg8[%get3A_428, %get3A_429, %get3A_430] {strides = array<i32>} : memref<15x8x128xi32, #tpu.memory_space<vmem>>, vector<16xi32>,
    %add3A_432 = arith.addi %get3A_431, %mul3A_8 : vector<16xi32>
    %parallel_loop3A = arith.constant 0 : i32
    %parallel_loop3A_433 = arith.constant 128 : i32
    %parallel_loop3A_434 = arith.constant 1 : i32
    scf.for %parallel_loop3A_738 = %parallel_loop3A to %parallel_loop3A_433 step %parallel_loop3A_434  : i32 {
      %parallel_loop3A_739 = vector.broadcast %parallel_loop3A_738 : i32 to vector<16xi32>
      %parallel_loop3A_740 = arith.addi %broadcast_in_dim3A_3, %parallel_loop3A_739 : vector<16xi32>
      %parallel_loop3A_741 = arith.constant 0 : i32
      %parallel_loop3A_742 = arith.addi %parallel_loop3A_741, %parallel_loop3A_738 : i32
      %parallel_loop3A_743 = arith.index_cast %parallel_loop3A_742 : i32 to index
      %parallel_loop3A_744 = arith.constant 0 : index
      %parallel_loop3A_745 = tpu.vector_load %arg9[%parallel_loop3A_743, %parallel_loop3A_744] {strides = array<i32>} : memref<256x64xf32, #tpu.memory_space<vmem>>, vector<16xf32>,
      tpu.vector_store_idx %arg10[%add3A_377, %select_n3A, %select_n3A_160, %parallel_loop3A_740], %parallel_loop3A_745 : memref<2x10x8x129xf32, #tpu.memory_space<vmem>>[vector<16xi32>, vector<16xi32>, vector<16xi32>, vector<16xi32>], vector<16xf32>,
      %parallel_loop3A_746 = arith.constant 0 : i32
      %parallel_loop3A_747 = arith.addi %parallel_loop3A_746, %parallel_loop3A_738 : i32
      %parallel_loop3A_748 = arith.index_cast %parallel_loop3A_747 : i32 to index
      %parallel_loop3A_749 = arith.constant 16 : index
      %parallel_loop3A_750 = tpu.vector_load %arg9[%parallel_loop3A_748, %parallel_loop3A_749] {strides = array<i32>} : memref<256x64xf32, #tpu.memory_space<vmem>>, vector<16xf32>,
      tpu.vector_store_idx %arg10[%add3A_377, %select_n3A_69, %select_n3A_185, %parallel_loop3A_740], %parallel_loop3A_750 : memref<2x10x8x129xf32, #tpu.memory_space<vmem>>[vector<16xi32>, vector<16xi32>, vector<16xi32>, vector<16xi32>], vector<16xf32>,
      %parallel_loop3A_751 = arith.constant 0 : i32
      %parallel_loop3A_752 = arith.addi %parallel_loop3A_751, %parallel_loop3A_738 : i32
      %parallel_loop3A_753 = arith.index_cast %parallel_loop3A_752 : i32 to index
      %parallel_loop3A_754 = arith.constant 32 : index
      %parallel_loop3A_755 = tpu.vector_load %arg9[%parallel_loop3A_753, %parallel_loop3A_754] {strides = array<i32>} : memref<256x64xf32, #tpu.memory_space<vmem>>, vector<16xf32>,
      tpu.vector_store_idx %arg10[%add3A_377, %select_n3A_103, %select_n3A_210, %parallel_loop3A_740], %parallel_loop3A_755 : memref<2x10x8x129xf32, #tpu.memory_space<vmem>>[vector<16xi32>, vector<16xi32>, vector<16xi32>, vector<16xi32>], vector<16xf32>,
      %parallel_loop3A_756 = arith.constant 0 : i32
      %parallel_loop3A_757 = arith.addi %parallel_loop3A_756, %parallel_loop3A_738 : i32
      %parallel_loop3A_758 = arith.index_cast %parallel_loop3A_757 : i32 to index
      %parallel_loop3A_759 = arith.constant 48 : index
      %parallel_loop3A_760 = tpu.vector_load %arg9[%parallel_loop3A_758, %parallel_loop3A_759] {strides = array<i32>} : memref<256x64xf32, #tpu.memory_space<vmem>>, vector<16xf32>,
      tpu.vector_store_idx %arg10[%add3A_377, %select_n3A_137, %select_n3A_235, %parallel_loop3A_740], %parallel_loop3A_760 : memref<2x10x8x129xf32, #tpu.memory_space<vmem>>[vector<16xi32>, vector<16xi32>, vector<16xi32>, vector<16xi32>], vector<16xf32>,
    } {sc.loop_unroll_factor = 4 : i64, sc.parallel_access}
    %parallel_loop3A_435 = arith.constant 0 : i32
    %parallel_loop3A_436 = arith.constant 16 : i32
    %parallel_loop3A_437 = arith.constant 1 : i32
    scf.for %parallel_loop3A_738 = %parallel_loop3A_435 to %parallel_loop3A_436 step %parallel_loop3A_437  : i32 {
      %parallel_loop3A_739 = arith.constant 8 : i32
      %parallel_loop3A_740 = arith.divsi %parallel_loop3A_738, %parallel_loop3A_739 : i32
      %parallel_loop3A_741 = arith.constant 0 : i32
      %parallel_loop3A_742 = arith.cmpi sgt, %parallel_loop3A_738, %parallel_loop3A_741 : i32
      %parallel_loop3A_743 = arith.extui %parallel_loop3A_742 : i1 to i32
      %parallel_loop3A_744 = arith.constant 0 : i32
      %parallel_loop3A_745 = arith.cmpi slt, %parallel_loop3A_738, %parallel_loop3A_744 : i32
      %parallel_loop3A_746 = arith.extui %parallel_loop3A_745 : i1 to i32
      %parallel_loop3A_747 = arith.subi %parallel_loop3A_743, %parallel_loop3A_746 : i32
      %parallel_loop3A_748 = arith.constant 0 : i32
      %parallel_loop3A_749 = arith.cmpi sgt, %parallel_loop3A_739, %parallel_loop3A_748 : i32
      %parallel_loop3A_750 = arith.extui %parallel_loop3A_749 : i1 to i32
      %parallel_loop3A_751 = arith.constant 0 : i32
      %parallel_loop3A_752 = arith.cmpi slt, %parallel_loop3A_739, %parallel_loop3A_751 : i32
      %parallel_loop3A_753 = arith.extui %parallel_loop3A_752 : i1 to i32
      %parallel_loop3A_754 = arith.subi %parallel_loop3A_750, %parallel_loop3A_753 : i32
      %parallel_loop3A_755 = arith.cmpi ne, %parallel_loop3A_747, %parallel_loop3A_754 : i32
      %parallel_loop3A_756 = arith.remsi %parallel_loop3A_738, %parallel_loop3A_739 : i32
      %parallel_loop3A_757 = arith.constant 0 : i32
      %parallel_loop3A_758 = arith.cmpi ne, %parallel_loop3A_756, %parallel_loop3A_757 : i32
      %parallel_loop3A_759 = arith.andi %parallel_loop3A_755, %parallel_loop3A_758 : i1
      %parallel_loop3A_760 = arith.constant 1 : i32
      %parallel_loop3A_761 = arith.subi %parallel_loop3A_740, %parallel_loop3A_760 : i32
      %parallel_loop3A_762 = arith.select %parallel_loop3A_759, %parallel_loop3A_761, %parallel_loop3A_740 : i32
      %parallel_loop3A_763 = arith.constant 8 : i32
      %parallel_loop3A_764 = arith.addi %parallel_loop3A_763, %parallel_loop3A_762 : i32
      %parallel_loop3A_765 = arith.constant 8 : i32
      %parallel_loop3A_766 = arith.remsi %parallel_loop3A_738, %parallel_loop3A_765 : i32
      %parallel_loop3A_767 = vector.broadcast %parallel_loop3A_738 : i32 to vector<16xi32>
      %parallel_loop3A_768 = arith.addi %broadcast_in_dim3A_3, %parallel_loop3A_767 : vector<16xi32>
      %parallel_loop3A_769 = tpu.vector_load_idx %arg11[%add3A_383, %parallel_loop3A_768] : memref<16x17xf32, #tpu.memory_space<vmem>>[vector<16xi32>, vector<16xi32>], vector<16xf32>,
      %parallel_loop3A_770 = arith.constant 0 : i32
      %parallel_loop3A_771 = arith.index_cast %parallel_loop3A_770 : i32 to index
      %parallel_loop3A_772 = arith.index_cast %parallel_loop3A_764 : i32 to index
      %parallel_loop3A_773 = arith.index_cast %parallel_loop3A_766 : i32 to index
      %parallel_loop3A_774 = arith.constant 0 : index
      %parallel_loop3A_775 = tpu.vector_load %arg10[%parallel_loop3A_771, %parallel_loop3A_772, %parallel_loop3A_773, %parallel_loop3A_774] {strides = array<i32>} : memref<2x10x8x129xf32, #tpu.memory_space<vmem>>, vector<16xf32>,
      tpu.vector_store %arg10[%parallel_loop3A_771, %parallel_loop3A_772, %parallel_loop3A_773, %parallel_loop3A_774], %parallel_loop3A_769 {strides = array<i32>} : memref<2x10x8x129xf32, #tpu.memory_space<vmem>>, vector<16xf32>,
      %parallel_loop3A_776 = tpu.vector_load_idx %arg11[%add3A_390, %parallel_loop3A_768] : memref<16x17xf32, #tpu.memory_space<vmem>>[vector<16xi32>, vector<16xi32>], vector<16xf32>,
      %parallel_loop3A_777 = arith.constant 0 : i32
      %parallel_loop3A_778 = arith.index_cast %parallel_loop3A_777 : i32 to index
      %parallel_loop3A_779 = arith.index_cast %parallel_loop3A_764 : i32 to index
      %parallel_loop3A_780 = arith.index_cast %parallel_loop3A_766 : i32 to index
      %parallel_loop3A_781 = arith.constant 16 : index
      %parallel_loop3A_782 = tpu.vector_load %arg10[%parallel_loop3A_778, %parallel_loop3A_779, %parallel_loop3A_780, %parallel_loop3A_781] {strides = array<i32>} : memref<2x10x8x129xf32, #tpu.memory_space<vmem>>, vector<16xf32>,
      tpu.vector_store %arg10[%parallel_loop3A_778, %parallel_loop3A_779, %parallel_loop3A_780, %parallel_loop3A_781], %parallel_loop3A_776 {strides = array<i32>} : memref<2x10x8x129xf32, #tpu.memory_space<vmem>>, vector<16xf32>,
      %parallel_loop3A_783 = tpu.vector_load_idx %arg11[%add3A_397, %parallel_loop3A_768] : memref<16x17xf32, #tpu.memory_space<vmem>>[vector<16xi32>, vector<16xi32>], vector<16xf32>,
      %parallel_loop3A_784 = arith.constant 0 : i32
      %parallel_loop3A_785 = arith.index_cast %parallel_loop3A_784 : i32 to index
      %parallel_loop3A_786 = arith.index_cast %parallel_loop3A_764 : i32 to index
      %parallel_loop3A_787 = arith.index_cast %parallel_loop3A_766 : i32 to index
      %parallel_loop3A_788 = arith.constant 32 : index
      %parallel_loop3A_789 = tpu.vector_load %arg10[%parallel_loop3A_785, %parallel_loop3A_786, %parallel_loop3A_787, %parallel_loop3A_788] {strides = array<i32>} : memref<2x10x8x129xf32, #tpu.memory_space<vmem>>, vector<16xf32>,
      tpu.vector_store %arg10[%parallel_loop3A_785, %parallel_loop3A_786, %parallel_loop3A_787, %parallel_loop3A_788], %parallel_loop3A_783 {strides = array<i32>} : memref<2x10x8x129xf32, #tpu.memory_space<vmem>>, vector<16xf32>,
      %parallel_loop3A_790 = tpu.vector_load_idx %arg11[%add3A_404, %parallel_loop3A_768] : memref<16x17xf32, #tpu.memory_space<vmem>>[vector<16xi32>, vector<16xi32>], vector<16xf32>,
      %parallel_loop3A_791 = arith.constant 0 : i32
      %parallel_loop3A_792 = arith.index_cast %parallel_loop3A_791 : i32 to index
      %parallel_loop3A_793 = arith.index_cast %parallel_loop3A_764 : i32 to index
      %parallel_loop3A_794 = arith.index_cast %parallel_loop3A_766 : i32 to index
      %parallel_loop3A_795 = arith.constant 48 : index
      %parallel_loop3A_796 = tpu.vector_load %arg10[%parallel_loop3A_792, %parallel_loop3A_793, %parallel_loop3A_794, %parallel_loop3A_795] {strides = array<i32>} : memref<2x10x8x129xf32, #tpu.memory_space<vmem>>, vector<16xf32>,
      tpu.vector_store %arg10[%parallel_loop3A_792, %parallel_loop3A_793, %parallel_loop3A_794, %parallel_loop3A_795], %parallel_loop3A_790 {strides = array<i32>} : memref<2x10x8x129xf32, #tpu.memory_space<vmem>>, vector<16xf32>,
      %parallel_loop3A_797 = tpu.vector_load_idx %arg11[%add3A_411, %parallel_loop3A_768] : memref<16x17xf32, #tpu.memory_space<vmem>>[vector<16xi32>, vector<16xi32>], vector<16xf32>,
      %parallel_loop3A_798 = arith.constant 0 : i32
      %parallel_loop3A_799 = arith.index_cast %parallel_loop3A_798 : i32 to index
      %parallel_loop3A_800 = arith.index_cast %parallel_loop3A_764 : i32 to index
      %parallel_loop3A_801 = arith.index_cast %parallel_loop3A_766 : i32 to index
      %parallel_loop3A_802 = arith.constant 64 : index
      %parallel_loop3A_803 = tpu.vector_load %arg10[%parallel_loop3A_799, %parallel_loop3A_800, %parallel_loop3A_801, %parallel_loop3A_802] {strides = array<i32>} : memref<2x10x8x129xf32, #tpu.memory_space<vmem>>, vector<16xf32>,
      tpu.vector_store %arg10[%parallel_loop3A_799, %parallel_loop3A_800, %parallel_loop3A_801, %parallel_loop3A_802], %parallel_loop3A_797 {strides = array<i32>} : memref<2x10x8x129xf32, #tpu.memory_space<vmem>>, vector<16xf32>,
      %parallel_loop3A_804 = tpu.vector_load_idx %arg11[%add3A_418, %parallel_loop3A_768] : memref<16x17xf32, #tpu.memory_space<vmem>>[vector<16xi32>, vector<16xi32>], vector<16xf32>,
      %parallel_loop3A_805 = arith.constant 0 : i32
      %parallel_loop3A_806 = arith.index_cast %parallel_loop3A_805 : i32 to index
      %parallel_loop3A_807 = arith.index_cast %parallel_loop3A_764 : i32 to index
      %parallel_loop3A_808 = arith.index_cast %parallel_loop3A_766 : i32 to index
      %parallel_loop3A_809 = arith.constant 80 : index
      %parallel_loop3A_810 = tpu.vector_load %arg10[%parallel_loop3A_806, %parallel_loop3A_807, %parallel_loop3A_808, %parallel_loop3A_809] {strides = array<i32>} : memref<2x10x8x129xf32, #tpu.memory_space<vmem>>, vector<16xf32>,
      tpu.vector_store %arg10[%parallel_loop3A_806, %parallel_loop3A_807, %parallel_loop3A_808, %parallel_loop3A_809], %parallel_loop3A_804 {strides = array<i32>} : memref<2x10x8x129xf32, #tpu.memory_space<vmem>>, vector<16xf32>,
      %parallel_loop3A_811 = tpu.vector_load_idx %arg11[%add3A_425, %parallel_loop3A_768] : memref<16x17xf32, #tpu.memory_space<vmem>>[vector<16xi32>, vector<16xi32>], vector<16xf32>,
      %parallel_loop3A_812 = arith.constant 0 : i32
      %parallel_loop3A_813 = arith.index_cast %parallel_loop3A_812 : i32 to index
      %parallel_loop3A_814 = arith.index_cast %parallel_loop3A_764 : i32 to index
      %parallel_loop3A_815 = arith.index_cast %parallel_loop3A_766 : i32 to index
      %parallel_loop3A_816 = arith.constant 96 : index
      %parallel_loop3A_817 = tpu.vector_load %arg10[%parallel_loop3A_813, %parallel_loop3A_814, %parallel_loop3A_815, %parallel_loop3A_816] {strides = array<i32>} : memref<2x10x8x129xf32, #tpu.memory_space<vmem>>, vector<16xf32>,
      tpu.vector_store %arg10[%parallel_loop3A_813, %parallel_loop3A_814, %parallel_loop3A_815, %parallel_loop3A_816], %parallel_loop3A_811 {strides = array<i32>} : memref<2x10x8x129xf32, #tpu.memory_space<vmem>>, vector<16xf32>,
      %parallel_loop3A_818 = tpu.vector_load_idx %arg11[%add3A_432, %parallel_loop3A_768] : memref<16x17xf32, #tpu.memory_space<vmem>>[vector<16xi32>, vector<16xi32>], vector<16xf32>,
      %parallel_loop3A_819 = arith.constant 0 : i32
      %parallel_loop3A_820 = arith.index_cast %parallel_loop3A_819 : i32 to index
      %parallel_loop3A_821 = arith.index_cast %parallel_loop3A_764 : i32 to index
      %parallel_loop3A_822 = arith.index_cast %parallel_loop3A_766 : i32 to index
      %parallel_loop3A_823 = arith.constant 112 : index
      %parallel_loop3A_824 = tpu.vector_load %arg10[%parallel_loop3A_820, %parallel_loop3A_821, %parallel_loop3A_822, %parallel_loop3A_823] {strides = array<i32>} : memref<2x10x8x129xf32, #tpu.memory_space<vmem>>, vector<16xf32>,
      tpu.vector_store %arg10[%parallel_loop3A_820, %parallel_loop3A_821, %parallel_loop3A_822, %parallel_loop3A_823], %parallel_loop3A_818 {strides = array<i32>} : memref<2x10x8x129xf32, #tpu.memory_space<vmem>>, vector<16xf32>,
    } {sc.loop_unroll_factor = 2 : i64, sc.parallel_access}
    %dma_start3A_438 = arith.constant 0 : i32
    %dma_start3A_439 = arith.constant 0 : i32
    %dma_start3A_440 = arith.constant 0 : i32
    %dma_start3A_441 = arith.constant 0 : i32
    %dma_start3A_442 = arith.constant 0 : i32
    %dma_start3A_443 = tpu.memref_slice %arg10[%dma_start3A_438, %dma_start3A_440, %dma_start3A_441, %dma_start3A_442] : memref<2x10x8x129xf32, #tpu.memory_space<vmem>> -> memref<1x10x8x128xf32, #tpu.memory_space<vmem>>
    %dma_start3A_444 = tpu.memref_squeeze %dma_start3A_443 : memref<1x10x8x128xf32, #tpu.memory_space<vmem>> -> memref<10x8x128xf32, #tpu.memory_space<vmem>>
    %dma_start3A_445 = arith.constant 0 : i32
    %dma_start3A_446 = arith.constant 0 : i32
    %dma_start3A_447 = arith.constant 0 : i32
    %dma_start3A_448 = tpu.memref_slice %arg6[%dma_start3A_439, %dma_start3A_445, %add3A, %dma_start3A_446, %dma_start3A_447] : memref<200x10x32x8x128xf32, #tpu.memory_space<hbm>> -> memref<1x10x1x8x128xf32, #tpu.memory_space<hbm>>
    %dma_start3A_449 = tpu.memref_squeeze %dma_start3A_448 : memref<1x10x1x8x128xf32, #tpu.memory_space<hbm>> -> memref<10x8x128xf32, #tpu.memory_space<hbm>>
    %dma_start3A_450 = arith.constant 0 : i32
    %dma_start3A_451 = arith.constant 0 : i32
    %dma_start3A_452 = arith.constant 0 : i32
    %dma_start3A_453 = tpu.memref_slice %arg6[%dma_start3A_439, %dma_start3A_450, %add3A, %dma_start3A_451, %dma_start3A_452] : memref<200x10x32x8x128xf32, #tpu.memory_space<hbm>> -> memref<1x10x1x8x128xf32, #tpu.memory_space<hbm>>
    %dma_start3A_454 = tpu.memref_squeeze %dma_start3A_453 : memref<1x10x1x8x128xf32, #tpu.memory_space<hbm>> -> memref<10x8x128xf32, #tpu.memory_space<hbm>>
    %dma_start3A_455 = arith.constant 0 : i32
    %dma_start3A_456 = arith.constant 0 : i32
    %dma_start3A_457 = arith.constant 0 : i32
    %dma_start3A_458 = tpu.memref_slice %arg10[%dma_start3A_438, %dma_start3A_455, %dma_start3A_456, %dma_start3A_457] : memref<2x10x8x129xf32, #tpu.memory_space<vmem>> -> memref<1x10x8x128xf32, #tpu.memory_space<vmem>>
    %dma_start3A_459 = tpu.memref_squeeze %dma_start3A_458 : memref<1x10x8x128xf32, #tpu.memory_space<vmem>> -> memref<10x8x128xf32, #tpu.memory_space<vmem>>
    tpu.enqueue_dma source(%dma_start3A_459 : memref<10x8x128xf32, #tpu.memory_space<vmem>>) target(%dma_start3A_454 : memref<10x8x128xf32, #tpu.memory_space<hbm>>) target_semaphore(%arg14 : memref<!tpu.dma_semaphore, #tpu.memory_space<semaphore_mem>>)
    %dma_wait3A_460 = arith.constant 0 : i32
    %dma_wait3A_461 = arith.constant 1 : i32
    %dma_wait3A_462 = arith.constant 128 : i32
    %dma_wait3A_463 = arith.constant 0 : i32
    %dma_wait3A_464 = tpu.memref_slice %arg9[%dma_wait3A_462, %dma_wait3A_463] : memref<256x64xf32, #tpu.memory_space<vmem>> -> memref<128x64xf32, #tpu.memory_space<vmem>>
    %dma_wait3A_465 = arith.constant 0 : i32
    %dma_wait3A_466 = tpu.memref_slice %arg7[%dma_wait3A_460, %dma_wait3A_461, %dma_wait3A_465] : memref<15x8x128xi32, #tpu.memory_space<vmem>> -> memref<1x1x128xi32, #tpu.memory_space<vmem>>
    %dma_wait3A_467 = tpu.memref_squeeze %dma_wait3A_466 : memref<1x1x128xi32, #tpu.memory_space<vmem>> -> memref<128xi32, #tpu.memory_space<vmem>>
    %dma_wait3A_468 = arith.constant 0 : i32
    %dma_wait3A_469 = arith.constant 0 : i32
    %dma_wait3A_470 = tpu.memref_slice %arg4[%dma_wait3A_468, %dma_wait3A_469] : memref<1000000x64xf32, #tpu.memory_space<hbm>> -> memref<1000000x64xf32, #tpu.memory_space<hbm>>
    tpu.wait_indirect_dma semaphore(%arg13 : memref<!tpu.dma_semaphore, #tpu.memory_space<semaphore_mem>>) src(%dma_wait3A_470 : memref<1000000x64xf32, #tpu.memory_space<hbm>>) dst(%dma_wait3A_464 : memref<128x64xf32, #tpu.memory_space<vmem>>)
    %dma_start3A_471 = arith.constant 0 : i32
    %dma_start3A_472 = arith.constant 2 : i32
    %dma_start3A_473 = arith.constant 0 : i32
    %dma_start3A_474 = arith.constant 0 : i32
    %dma_start3A_475 = tpu.memref_slice %arg9[%dma_start3A_473, %dma_start3A_474] : memref<256x64xf32, #tpu.memory_space<vmem>> -> memref<128x64xf32, #tpu.memory_space<vmem>>
    %dma_start3A_476 = arith.constant 0 : i32
    %dma_start3A_477 = tpu.memref_slice %arg7[%dma_start3A_471, %dma_start3A_472, %dma_start3A_476] : memref<15x8x128xi32, #tpu.memory_space<vmem>> -> memref<1x1x128xi32, #tpu.memory_space<vmem>>
    %dma_start3A_478 = tpu.memref_squeeze %dma_start3A_477 : memref<1x1x128xi32, #tpu.memory_space<vmem>> -> memref<128xi32, #tpu.memory_space<vmem>>
    %dma_start3A_479 = arith.constant 0 : i32
    %dma_start3A_480 = arith.constant 0 : i32
    %dma_start3A_481 = tpu.memref_slice %arg4[%dma_start3A_479, %dma_start3A_480] : memref<1000000x64xf32, #tpu.memory_space<hbm>> -> memref<1000000x64xf32, #tpu.memory_space<hbm>>
    tpu.enqueue_indirect_dma source(%dma_start3A_481 : memref<1000000x64xf32, #tpu.memory_space<hbm>>) target(%dma_start3A_475 : memref<128x64xf32, #tpu.memory_space<vmem>>) offsets(%dma_start3A_478 : memref<128xi32, #tpu.memory_space<vmem>>) semaphore(%arg13 : memref<!tpu.dma_semaphore, #tpu.memory_space<semaphore_mem>>)
    %add3A_482 = arith.constant 1 : i32
    %add3A_483 = vector.broadcast %add3A_482 : i32 to vector<16xi32>
    %add3A_484 = arith.addi %broadcast_in_dim3A_3, %add3A_483 : vector<16xi32>
    %get3A_485 = arith.constant 0 : i32
    %get3A_486 = arith.constant 1 : i32
    %get3A_487 = arith.index_cast %get3A_485 : i32 to index
    %get3A_488 = arith.index_cast %get3A_486 : i32 to index
    %get3A_489 = arith.constant 0 : index
    %get3A_490 = tpu.vector_load %arg8[%get3A_487, %get3A_488, %get3A_489] {strides = array<i32>} : memref<15x8x128xi32, #tpu.memory_space<vmem>>, vector<16xi32>,
    %add3A_491 = arith.addi %get3A_490, %mul3A_8 : vector<16xi32>
    %get3A_492 = arith.constant 0 : i32
    %get3A_493 = arith.constant 1 : i32
    %get3A_494 = arith.index_cast %get3A_492 : i32 to index
    %get3A_495 = arith.index_cast %get3A_493 : i32 to index
    %get3A_496 = arith.constant 16 : index
    %get3A_497 = tpu.vector_load %arg8[%get3A_494, %get3A_495, %get3A_496] {strides = array<i32>} : memref<15x8x128xi32, #tpu.memory_space<vmem>>, vector<16xi32>,
    %add3A_498 = arith.addi %get3A_497, %mul3A_8 : vector<16xi32>
    %get3A_499 = arith.constant 0 : i32
    %get3A_500 = arith.constant 1 : i32
    %get3A_501 = arith.index_cast %get3A_499 : i32 to index
    %get3A_502 = arith.index_cast %get3A_500 : i32 to index
    %get3A_503 = arith.constant 32 : index
    %get3A_504 = tpu.vector_load %arg8[%get3A_501, %get3A_502, %get3A_503] {strides = array<i32>} : memref<15x8x128xi32, #tpu.memory_space<vmem>>, vector<16xi32>,
    %add3A_505 = arith.addi %get3A_504, %mul3A_8 : vector<16xi32>
    %get3A_506 = arith.constant 0 : i32
    %get3A_507 = arith.constant 1 : i32
    %get3A_508 = arith.index_cast %get3A_506 : i32 to index
    %get3A_509 = arith.index_cast %get3A_507 : i32 to index
    %get3A_510 = arith.constant 48 : index
    %get3A_511 = tpu.vector_load %arg8[%get3A_508, %get3A_509, %get3A_510] {strides = array<i32>} : memref<15x8x128xi32, #tpu.memory_space<vmem>>, vector<16xi32>,
    %add3A_512 = arith.addi %get3A_511, %mul3A_8 : vector<16xi32>
    %get3A_513 = arith.constant 0 : i32
    %get3A_514 = arith.constant 1 : i32
    %get3A_515 = arith.index_cast %get3A_513 : i32 to index
    %get3A_516 = arith.index_cast %get3A_514 : i32 to index
    %get3A_517 = arith.constant 64 : index
    %get3A_518 = tpu.vector_load %arg8[%get3A_515, %get3A_516, %get3A_517] {strides = array<i32>} : memref<15x8x128xi32, #tpu.memory_space<vmem>>, vector<16xi32>,
    %add3A_519 = arith.addi %get3A_518, %mul3A_8 : vector<16xi32>
    %get3A_520 = arith.constant 0 : i32
    %get3A_521 = arith.constant 1 : i32
    %get3A_522 = arith.index_cast %get3A_520 : i32 to index
    %get3A_523 = arith.index_cast %get3A_521 : i32 to index
    %get3A_524 = arith.constant 80 : index
    %get3A_525 = tpu.vector_load %arg8[%get3A_522, %get3A_523, %get3A_524] {strides = array<i32>} : memref<15x8x128xi32, #tpu.memory_space<vmem>>, vector<16xi32>,
    %add3A_526 = arith.addi %get3A_525, %mul3A_8 : vector<16xi32>
    %get3A_527 = arith.constant 0 : i32
    %get3A_528 = arith.constant 1 : i32
    %get3A_529 = arith.index_cast %get3A_527 : i32 to index
    %get3A_530 = arith.index_cast %get3A_528 : i32 to index
    %get3A_531 = arith.constant 96 : index
    %get3A_532 = tpu.vector_load %arg8[%get3A_529, %get3A_530, %get3A_531] {strides = array<i32>} : memref<15x8x128xi32, #tpu.memory_space<vmem>>, vector<16xi32>,
    %add3A_533 = arith.addi %get3A_532, %mul3A_8 : vector<16xi32>
    %get3A_534 = arith.constant 0 : i32
    %get3A_535 = arith.constant 1 : i32
    %get3A_536 = arith.index_cast %get3A_534 : i32 to index
    %get3A_537 = arith.index_cast %get3A_535 : i32 to index
    %get3A_538 = arith.constant 112 : index
    %get3A_539 = tpu.vector_load %arg8[%get3A_536, %get3A_537, %get3A_538] {strides = array<i32>} : memref<15x8x128xi32, #tpu.memory_space<vmem>>, vector<16xi32>,
    %add3A_540 = arith.addi %get3A_539, %mul3A_8 : vector<16xi32>
    %parallel_loop3A_541 = arith.constant 0 : i32
    %parallel_loop3A_542 = arith.constant 128 : i32
    %parallel_loop3A_543 = arith.constant 1 : i32
    scf.for %parallel_loop3A_738 = %parallel_loop3A_541 to %parallel_loop3A_542 step %parallel_loop3A_543  : i32 {
      %parallel_loop3A_739 = vector.broadcast %parallel_loop3A_738 : i32 to vector<16xi32>
      %parallel_loop3A_740 = arith.addi %broadcast_in_dim3A_3, %parallel_loop3A_739 : vector<16xi32>
      %parallel_loop3A_741 = arith.constant 128 : i32
      %parallel_loop3A_742 = arith.addi %parallel_loop3A_741, %parallel_loop3A_738 : i32
      %parallel_loop3A_743 = arith.index_cast %parallel_loop3A_742 : i32 to index
      %parallel_loop3A_744 = arith.constant 0 : index
      %parallel_loop3A_745 = tpu.vector_load %arg9[%parallel_loop3A_743, %parallel_loop3A_744] {strides = array<i32>} : memref<256x64xf32, #tpu.memory_space<vmem>>, vector<16xf32>,
      tpu.vector_store_idx %arg10[%add3A_484, %select_n3A, %select_n3A_160, %parallel_loop3A_740], %parallel_loop3A_745 : memref<2x10x8x129xf32, #tpu.memory_space<vmem>>[vector<16xi32>, vector<16xi32>, vector<16xi32>, vector<16xi32>], vector<16xf32>,
      %parallel_loop3A_746 = arith.constant 128 : i32
      %parallel_loop3A_747 = arith.addi %parallel_loop3A_746, %parallel_loop3A_738 : i32
      %parallel_loop3A_748 = arith.index_cast %parallel_loop3A_747 : i32 to index
      %parallel_loop3A_749 = arith.constant 16 : index
      %parallel_loop3A_750 = tpu.vector_load %arg9[%parallel_loop3A_748, %parallel_loop3A_749] {strides = array<i32>} : memref<256x64xf32, #tpu.memory_space<vmem>>, vector<16xf32>,
      tpu.vector_store_idx %arg10[%add3A_484, %select_n3A_69, %select_n3A_185, %parallel_loop3A_740], %parallel_loop3A_750 : memref<2x10x8x129xf32, #tpu.memory_space<vmem>>[vector<16xi32>, vector<16xi32>, vector<16xi32>, vector<16xi32>], vector<16xf32>,
      %parallel_loop3A_751 = arith.constant 128 : i32
      %parallel_loop3A_752 = arith.addi %parallel_loop3A_751, %parallel_loop3A_738 : i32
      %parallel_loop3A_753 = arith.index_cast %parallel_loop3A_752 : i32 to index
      %parallel_loop3A_754 = arith.constant 32 : index
      %parallel_loop3A_755 = tpu.vector_load %arg9[%parallel_loop3A_753, %parallel_loop3A_754] {strides = array<i32>} : memref<256x64xf32, #tpu.memory_space<vmem>>, vector<16xf32>,
      tpu.vector_store_idx %arg10[%add3A_484, %select_n3A_103, %select_n3A_210, %parallel_loop3A_740], %parallel_loop3A_755 : memref<2x10x8x129xf32, #tpu.memory_space<vmem>>[vector<16xi32>, vector<16xi32>, vector<16xi32>, vector<16xi32>], vector<16xf32>,
      %parallel_loop3A_756 = arith.constant 128 : i32
      %parallel_loop3A_757 = arith.addi %parallel_loop3A_756, %parallel_loop3A_738 : i32
      %parallel_loop3A_758 = arith.index_cast %parallel_loop3A_757 : i32 to index
      %parallel_loop3A_759 = arith.constant 48 : index
      %parallel_loop3A_760 = tpu.vector_load %arg9[%parallel_loop3A_758, %parallel_loop3A_759] {strides = array<i32>} : memref<256x64xf32, #tpu.memory_space<vmem>>, vector<16xf32>,
      tpu.vector_store_idx %arg10[%add3A_484, %select_n3A_137, %select_n3A_235, %parallel_loop3A_740], %parallel_loop3A_760 : memref<2x10x8x129xf32, #tpu.memory_space<vmem>>[vector<16xi32>, vector<16xi32>, vector<16xi32>, vector<16xi32>], vector<16xf32>,
    } {sc.loop_unroll_factor = 4 : i64, sc.parallel_access}
    %parallel_loop3A_544 = arith.constant 0 : i32
    %parallel_loop3A_545 = arith.constant 16 : i32
    %parallel_loop3A_546 = arith.constant 1 : i32
    scf.for %parallel_loop3A_738 = %parallel_loop3A_544 to %parallel_loop3A_545 step %parallel_loop3A_546  : i32 {
      %parallel_loop3A_739 = arith.constant 8 : i32
      %parallel_loop3A_740 = arith.divsi %parallel_loop3A_738, %parallel_loop3A_739 : i32
      %parallel_loop3A_741 = arith.constant 0 : i32
      %parallel_loop3A_742 = arith.cmpi sgt, %parallel_loop3A_738, %parallel_loop3A_741 : i32
      %parallel_loop3A_743 = arith.extui %parallel_loop3A_742 : i1 to i32
      %parallel_loop3A_744 = arith.constant 0 : i32
      %parallel_loop3A_745 = arith.cmpi slt, %parallel_loop3A_738, %parallel_loop3A_744 : i32
      %parallel_loop3A_746 = arith.extui %parallel_loop3A_745 : i1 to i32
      %parallel_loop3A_747 = arith.subi %parallel_loop3A_743, %parallel_loop3A_746 : i32
      %parallel_loop3A_748 = arith.constant 0 : i32
      %parallel_loop3A_749 = arith.cmpi sgt, %parallel_loop3A_739, %parallel_loop3A_748 : i32
      %parallel_loop3A_750 = arith.extui %parallel_loop3A_749 : i1 to i32
      %parallel_loop3A_751 = arith.constant 0 : i32
      %parallel_loop3A_752 = arith.cmpi slt, %parallel_loop3A_739, %parallel_loop3A_751 : i32
      %parallel_loop3A_753 = arith.extui %parallel_loop3A_752 : i1 to i32
      %parallel_loop3A_754 = arith.subi %parallel_loop3A_750, %parallel_loop3A_753 : i32
      %parallel_loop3A_755 = arith.cmpi ne, %parallel_loop3A_747, %parallel_loop3A_754 : i32
      %parallel_loop3A_756 = arith.remsi %parallel_loop3A_738, %parallel_loop3A_739 : i32
      %parallel_loop3A_757 = arith.constant 0 : i32
      %parallel_loop3A_758 = arith.cmpi ne, %parallel_loop3A_756, %parallel_loop3A_757 : i32
      %parallel_loop3A_759 = arith.andi %parallel_loop3A_755, %parallel_loop3A_758 : i1
      %parallel_loop3A_760 = arith.constant 1 : i32
      %parallel_loop3A_761 = arith.subi %parallel_loop3A_740, %parallel_loop3A_760 : i32
      %parallel_loop3A_762 = arith.select %parallel_loop3A_759, %parallel_loop3A_761, %parallel_loop3A_740 : i32
      %parallel_loop3A_763 = arith.constant 8 : i32
      %parallel_loop3A_764 = arith.addi %parallel_loop3A_763, %parallel_loop3A_762 : i32
      %parallel_loop3A_765 = arith.constant 8 : i32
      %parallel_loop3A_766 = arith.remsi %parallel_loop3A_738, %parallel_loop3A_765 : i32
      %parallel_loop3A_767 = vector.broadcast %parallel_loop3A_738 : i32 to vector<16xi32>
      %parallel_loop3A_768 = arith.addi %broadcast_in_dim3A_3, %parallel_loop3A_767 : vector<16xi32>
      %parallel_loop3A_769 = tpu.vector_load_idx %arg11[%add3A_491, %parallel_loop3A_768] : memref<16x17xf32, #tpu.memory_space<vmem>>[vector<16xi32>, vector<16xi32>], vector<16xf32>,
      %parallel_loop3A_770 = arith.constant 1 : i32
      %parallel_loop3A_771 = arith.index_cast %parallel_loop3A_770 : i32 to index
      %parallel_loop3A_772 = arith.index_cast %parallel_loop3A_764 : i32 to index
      %parallel_loop3A_773 = arith.index_cast %parallel_loop3A_766 : i32 to index
      %parallel_loop3A_774 = arith.constant 0 : index
      %parallel_loop3A_775 = tpu.vector_load %arg10[%parallel_loop3A_771, %parallel_loop3A_772, %parallel_loop3A_773, %parallel_loop3A_774] {strides = array<i32>} : memref<2x10x8x129xf32, #tpu.memory_space<vmem>>, vector<16xf32>,
      tpu.vector_store %arg10[%parallel_loop3A_771, %parallel_loop3A_772, %parallel_loop3A_773, %parallel_loop3A_774], %parallel_loop3A_769 {strides = array<i32>} : memref<2x10x8x129xf32, #tpu.memory_space<vmem>>, vector<16xf32>,
      %parallel_loop3A_776 = tpu.vector_load_idx %arg11[%add3A_498, %parallel_loop3A_768] : memref<16x17xf32, #tpu.memory_space<vmem>>[vector<16xi32>, vector<16xi32>], vector<16xf32>,
      %parallel_loop3A_777 = arith.constant 1 : i32
      %parallel_loop3A_778 = arith.index_cast %parallel_loop3A_777 : i32 to index
      %parallel_loop3A_779 = arith.index_cast %parallel_loop3A_764 : i32 to index
      %parallel_loop3A_780 = arith.index_cast %parallel_loop3A_766 : i32 to index
      %parallel_loop3A_781 = arith.constant 16 : index
      %parallel_loop3A_782 = tpu.vector_load %arg10[%parallel_loop3A_778, %parallel_loop3A_779, %parallel_loop3A_780, %parallel_loop3A_781] {strides = array<i32>} : memref<2x10x8x129xf32, #tpu.memory_space<vmem>>, vector<16xf32>,
      tpu.vector_store %arg10[%parallel_loop3A_778, %parallel_loop3A_779, %parallel_loop3A_780, %parallel_loop3A_781], %parallel_loop3A_776 {strides = array<i32>} : memref<2x10x8x129xf32, #tpu.memory_space<vmem>>, vector<16xf32>,
      %parallel_loop3A_783 = tpu.vector_load_idx %arg11[%add3A_505, %parallel_loop3A_768] : memref<16x17xf32, #tpu.memory_space<vmem>>[vector<16xi32>, vector<16xi32>], vector<16xf32>,
      %parallel_loop3A_784 = arith.constant 1 : i32
      %parallel_loop3A_785 = arith.index_cast %parallel_loop3A_784 : i32 to index
      %parallel_loop3A_786 = arith.index_cast %parallel_loop3A_764 : i32 to index
      %parallel_loop3A_787 = arith.index_cast %parallel_loop3A_766 : i32 to index
      %parallel_loop3A_788 = arith.constant 32 : index
      %parallel_loop3A_789 = tpu.vector_load %arg10[%parallel_loop3A_785, %parallel_loop3A_786, %parallel_loop3A_787, %parallel_loop3A_788] {strides = array<i32>} : memref<2x10x8x129xf32, #tpu.memory_space<vmem>>, vector<16xf32>,
      tpu.vector_store %arg10[%parallel_loop3A_785, %parallel_loop3A_786, %parallel_loop3A_787, %parallel_loop3A_788], %parallel_loop3A_783 {strides = array<i32>} : memref<2x10x8x129xf32, #tpu.memory_space<vmem>>, vector<16xf32>,
      %parallel_loop3A_790 = tpu.vector_load_idx %arg11[%add3A_512, %parallel_loop3A_768] : memref<16x17xf32, #tpu.memory_space<vmem>>[vector<16xi32>, vector<16xi32>], vector<16xf32>,
      %parallel_loop3A_791 = arith.constant 1 : i32
      %parallel_loop3A_792 = arith.index_cast %parallel_loop3A_791 : i32 to index
      %parallel_loop3A_793 = arith.index_cast %parallel_loop3A_764 : i32 to index
      %parallel_loop3A_794 = arith.index_cast %parallel_loop3A_766 : i32 to index
      %parallel_loop3A_795 = arith.constant 48 : index
      %parallel_loop3A_796 = tpu.vector_load %arg10[%parallel_loop3A_792, %parallel_loop3A_793, %parallel_loop3A_794, %parallel_loop3A_795] {strides = array<i32>} : memref<2x10x8x129xf32, #tpu.memory_space<vmem>>, vector<16xf32>,
      tpu.vector_store %arg10[%parallel_loop3A_792, %parallel_loop3A_793, %parallel_loop3A_794, %parallel_loop3A_795], %parallel_loop3A_790 {strides = array<i32>} : memref<2x10x8x129xf32, #tpu.memory_space<vmem>>, vector<16xf32>,
      %parallel_loop3A_797 = tpu.vector_load_idx %arg11[%add3A_519, %parallel_loop3A_768] : memref<16x17xf32, #tpu.memory_space<vmem>>[vector<16xi32>, vector<16xi32>], vector<16xf32>,
      %parallel_loop3A_798 = arith.constant 1 : i32
      %parallel_loop3A_799 = arith.index_cast %parallel_loop3A_798 : i32 to index
      %parallel_loop3A_800 = arith.index_cast %parallel_loop3A_764 : i32 to index
      %parallel_loop3A_801 = arith.index_cast %parallel_loop3A_766 : i32 to index
      %parallel_loop3A_802 = arith.constant 64 : index
      %parallel_loop3A_803 = tpu.vector_load %arg10[%parallel_loop3A_799, %parallel_loop3A_800, %parallel_loop3A_801, %parallel_loop3A_802] {strides = array<i32>} : memref<2x10x8x129xf32, #tpu.memory_space<vmem>>, vector<16xf32>,
      tpu.vector_store %arg10[%parallel_loop3A_799, %parallel_loop3A_800, %parallel_loop3A_801, %parallel_loop3A_802], %parallel_loop3A_797 {strides = array<i32>} : memref<2x10x8x129xf32, #tpu.memory_space<vmem>>, vector<16xf32>,
      %parallel_loop3A_804 = tpu.vector_load_idx %arg11[%add3A_526, %parallel_loop3A_768] : memref<16x17xf32, #tpu.memory_space<vmem>>[vector<16xi32>, vector<16xi32>], vector<16xf32>,
      %parallel_loop3A_805 = arith.constant 1 : i32
      %parallel_loop3A_806 = arith.index_cast %parallel_loop3A_805 : i32 to index
      %parallel_loop3A_807 = arith.index_cast %parallel_loop3A_764 : i32 to index
      %parallel_loop3A_808 = arith.index_cast %parallel_loop3A_766 : i32 to index
      %parallel_loop3A_809 = arith.constant 80 : index
      %parallel_loop3A_810 = tpu.vector_load %arg10[%parallel_loop3A_806, %parallel_loop3A_807, %parallel_loop3A_808, %parallel_loop3A_809] {strides = array<i32>} : memref<2x10x8x129xf32, #tpu.memory_space<vmem>>, vector<16xf32>,
      tpu.vector_store %arg10[%parallel_loop3A_806, %parallel_loop3A_807, %parallel_loop3A_808, %parallel_loop3A_809], %parallel_loop3A_804 {strides = array<i32>} : memref<2x10x8x129xf32, #tpu.memory_space<vmem>>, vector<16xf32>,
      %parallel_loop3A_811 = tpu.vector_load_idx %arg11[%add3A_533, %parallel_loop3A_768] : memref<16x17xf32, #tpu.memory_space<vmem>>[vector<16xi32>, vector<16xi32>], vector<16xf32>,
      %parallel_loop3A_812 = arith.constant 1 : i32
      %parallel_loop3A_813 = arith.index_cast %parallel_loop3A_812 : i32 to index
      %parallel_loop3A_814 = arith.index_cast %parallel_loop3A_764 : i32 to index
      %parallel_loop3A_815 = arith.index_cast %parallel_loop3A_766 : i32 to index
      %parallel_loop3A_816 = arith.constant 96 : index
      %parallel_loop3A_817 = tpu.vector_load %arg10[%parallel_loop3A_813, %parallel_loop3A_814, %parallel_loop3A_815, %parallel_loop3A_816] {strides = array<i32>} : memref<2x10x8x129xf32, #tpu.memory_space<vmem>>, vector<16xf32>,
      tpu.vector_store %arg10[%parallel_loop3A_813, %parallel_loop3A_814, %parallel_loop3A_815, %parallel_loop3A_816], %parallel_loop3A_811 {strides = array<i32>} : memref<2x10x8x129xf32, #tpu.memory_space<vmem>>, vector<16xf32>,
      %parallel_loop3A_818 = tpu.vector_load_idx %arg11[%add3A_540, %parallel_loop3A_768] : memref<16x17xf32, #tpu.memory_space<vmem>>[vector<16xi32>, vector<16xi32>], vector<16xf32>,
      %parallel_loop3A_819 = arith.constant 1 : i32
      %parallel_loop3A_820 = arith.index_cast %parallel_loop3A_819 : i32 to index
      %parallel_loop3A_821 = arith.index_cast %parallel_loop3A_764 : i32 to index
      %parallel_loop3A_822 = arith.index_cast %parallel_loop3A_766 : i32 to index
      %parallel_loop3A_823 = arith.constant 112 : index
      %parallel_loop3A_824 = tpu.vector_load %arg10[%parallel_loop3A_820, %parallel_loop3A_821, %parallel_loop3A_822, %parallel_loop3A_823] {strides = array<i32>} : memref<2x10x8x129xf32, #tpu.memory_space<vmem>>, vector<16xf32>,
      tpu.vector_store %arg10[%parallel_loop3A_820, %parallel_loop3A_821, %parallel_loop3A_822, %parallel_loop3A_823], %parallel_loop3A_818 {strides = array<i32>} : memref<2x10x8x129xf32, #tpu.memory_space<vmem>>, vector<16xf32>,
    } {sc.loop_unroll_factor = 2 : i64, sc.parallel_access}
    %dma_start3A_547 = arith.constant 1 : i32
    %dma_start3A_548 = arith.constant 1 : i32
    %dma_start3A_549 = arith.constant 0 : i32
    %dma_start3A_550 = arith.constant 0 : i32
    %dma_start3A_551 = arith.constant 0 : i32
    %dma_start3A_552 = tpu.memref_slice %arg10[%dma_start3A_547, %dma_start3A_549, %dma_start3A_550, %dma_start3A_551] : memref<2x10x8x129xf32, #tpu.memory_space<vmem>> -> memref<1x10x8x128xf32, #tpu.memory_space<vmem>>
    %dma_start3A_553 = tpu.memref_squeeze %dma_start3A_552 : memref<1x10x8x128xf32, #tpu.memory_space<vmem>> -> memref<10x8x128xf32, #tpu.memory_space<vmem>>
    %dma_start3A_554 = arith.constant 0 : i32
    %dma_start3A_555 = arith.constant 0 : i32
    %dma_start3A_556 = arith.constant 0 : i32
    %dma_start3A_557 = tpu.memref_slice %arg6[%dma_start3A_548, %dma_start3A_554, %add3A, %dma_start3A_555, %dma_start3A_556] : memref<200x10x32x8x128xf32, #tpu.memory_space<hbm>> -> memref<1x10x1x8x128xf32, #tpu.memory_space<hbm>>
    %dma_start3A_558 = tpu.memref_squeeze %dma_start3A_557 : memref<1x10x1x8x128xf32, #tpu.memory_space<hbm>> -> memref<10x8x128xf32, #tpu.memory_space<hbm>>
    %dma_start3A_559 = arith.constant 0 : i32
    %dma_start3A_560 = arith.constant 0 : i32
    %dma_start3A_561 = arith.constant 0 : i32
    %dma_start3A_562 = tpu.memref_slice %arg6[%dma_start3A_548, %dma_start3A_559, %add3A, %dma_start3A_560, %dma_start3A_561] : memref<200x10x32x8x128xf32, #tpu.memory_space<hbm>> -> memref<1x10x1x8x128xf32, #tpu.memory_space<hbm>>
    %dma_start3A_563 = tpu.memref_squeeze %dma_start3A_562 : memref<1x10x1x8x128xf32, #tpu.memory_space<hbm>> -> memref<10x8x128xf32, #tpu.memory_space<hbm>>
    %dma_start3A_564 = arith.constant 0 : i32
    %dma_start3A_565 = arith.constant 0 : i32
    %dma_start3A_566 = arith.constant 0 : i32
    %dma_start3A_567 = tpu.memref_slice %arg10[%dma_start3A_547, %dma_start3A_564, %dma_start3A_565, %dma_start3A_566] : memref<2x10x8x129xf32, #tpu.memory_space<vmem>> -> memref<1x10x8x128xf32, #tpu.memory_space<vmem>>
    %dma_start3A_568 = tpu.memref_squeeze %dma_start3A_567 : memref<1x10x8x128xf32, #tpu.memory_space<vmem>> -> memref<10x8x128xf32, #tpu.memory_space<vmem>>
    tpu.enqueue_dma source(%dma_start3A_568 : memref<10x8x128xf32, #tpu.memory_space<vmem>>) target(%dma_start3A_563 : memref<10x8x128xf32, #tpu.memory_space<hbm>>) target_semaphore(%arg14 : memref<!tpu.dma_semaphore, #tpu.memory_space<semaphore_mem>>)
    %scan3A = arith.constant 0 : i32
    %scan3A_569 = arith.constant 2 : i32
    %scan3A_570 = arith.constant 197 : i32
    %scan3A_571 = arith.addi %scan3A_569, %scan3A_570 : i32
    %scan3A_572 = arith.constant 1 : i32
    scf.for %scan3A_738 = %scan3A_569 to %scan3A_571 step %scan3A_572  : i32 {
      %add3A_739 = arith.constant 1 : i32
      %add3A_740 = arith.addi %scan3A_738, %add3A_739 : i32
      %rem3A_741 = arith.constant 40 : i32
      %rem3A_742 = arith.remsi %add3A_740, %rem3A_741 : i32
      %eq3A_743 = arith.constant 0 : i32
      %eq3A_744 = arith.cmpi eq, %rem3A_742, %eq3A_743 : i32
      %convert_element_type3A = arith.extui %eq3A_744 : i1 to i32
      %cond3A = arith.constant 0 : i32
      %cond3A_745 = arith.cmpi ne, %convert_element_type3A, %cond3A : i32
      scf.if %cond3A_745 {
        %jit3A_1498 = arith.constant 40 : i32
        %div3A_1499 = arith.divsi %add3A_740, %jit3A_1498 : i32
        %sign3A_1500 = arith.constant 0 : i32
        %sign3A_1501 = arith.cmpi sgt, %add3A_740, %sign3A_1500 : i32
        %sign3A_1502 = arith.extui %sign3A_1501 : i1 to i32
        %sign3A_1503 = arith.constant 0 : i32
        %sign3A_1504 = arith.cmpi slt, %add3A_740, %sign3A_1503 : i32
        %sign3A_1505 = arith.extui %sign3A_1504 : i1 to i32
        %sign3A_1506 = arith.subi %sign3A_1502, %sign3A_1505 : i32
        %sign3A_1507 = arith.constant 0 : i32
        %sign3A_1508 = arith.cmpi sgt, %jit3A_1498, %sign3A_1507 : i32
        %sign3A_1509 = arith.extui %sign3A_1508 : i1 to i32
        %sign3A_1510 = arith.constant 0 : i32
        %sign3A_1511 = arith.cmpi slt, %jit3A_1498, %sign3A_1510 : i32
        %sign3A_1512 = arith.extui %sign3A_1511 : i1 to i32
        %sign3A_1513 = arith.subi %sign3A_1509, %sign3A_1512 : i32
        %ne3A_1514 = arith.cmpi ne, %sign3A_1506, %sign3A_1513 : i32
        %rem3A_1515 = arith.remsi %add3A_740, %jit3A_1498 : i32
        %ne3A_1516 = arith.constant 0 : i32
        %ne3A_1517 = arith.cmpi ne, %rem3A_1515, %ne3A_1516 : i32
        %and3A_1518 = arith.andi %ne3A_1514, %ne3A_1517 : i1
        %sub3A_1519 = arith.constant 1 : i32
        %sub3A_1520 = arith.subi %div3A_1499, %sub3A_1519 : i32
        %select_n3A_1521 = arith.select %and3A_1518, %sub3A_1520, %div3A_1499 : i32
        %mul3A_1522 = arith.constant 5 : i32
        %mul3A_1523 = arith.muli %select_n3A_1521, %mul3A_1522 : i32
        %jit3A_1524 = arith.constant 3 : i32
        %eq3A_1525 = arith.constant 0 : i32
        %eq3A_1526 = arith.cmpi eq, %jit3A_1524, %eq3A_1525 : i32
        %jit3A_1527 = arith.constant 1 : i32
        %select_n3A_1528 = arith.select %eq3A_1526, %jit3A_1527, %jit3A_1524 : i32
        %rem3A_1529 = arith.remsi %select_n3A_1521, %select_n3A_1528 : i32
        %ne3A_1530 = arith.constant 0 : i32
        %ne3A_1531 = arith.cmpi ne, %rem3A_1529, %ne3A_1530 : i32
        %lt3A_1532 = arith.constant 0 : i32
        %lt3A_1533 = arith.cmpi slt, %rem3A_1529, %lt3A_1532 : i32
        %lt3A_1534 = arith.constant 0 : i32
        %lt3A_1535 = arith.cmpi slt, %select_n3A_1528, %lt3A_1534 : i32
        %ne3A_1536 = arith.xori %lt3A_1533, %lt3A_1535 : i1
        %and3A_1537 = arith.andi %ne3A_1536, %ne3A_1531 : i1
        %add3A_1538 = arith.addi %rem3A_1529, %select_n3A_1528 : i32
        %select_n3A_1539 = arith.select %and3A_1537, %add3A_1538, %rem3A_1529 : i32
        %mul3A_1540 = arith.constant 5 : i32
        %mul3A_1541 = arith.muli %select_n3A_1539, %mul3A_1540 : i32
        %dma_wait3A_1542 = arith.constant 0 : i32
        %dma_wait3A_1543 = arith.constant 0 : i32
        %dma_wait3A_1544 = tpu.memref_slice %arg7[%mul3A_1541, %dma_wait3A_1542, %dma_wait3A_1543] : memref<15x8x128xi32, #tpu.memory_space<vmem>> -> memref<5x8x128xi32, #tpu.memory_space<vmem>>
        %dma_wait3A_1545 = arith.constant 0 : i32
        %dma_wait3A_1546 = arith.constant 0 : i32
        %dma_wait3A_1547 = tpu.memref_slice %arg2[%mul3A_1523, %add3A, %dma_wait3A_1545, %dma_wait3A_1546] : memref<25x32x8x128xi32, #tpu.memory_space<hbm>> -> memref<5x1x8x128xi32, #tpu.memory_space<hbm>>
        %dma_wait3A_1548 = tpu.memref_squeeze %dma_wait3A_1547 : memref<5x1x8x128xi32, #tpu.memory_space<hbm>> -> memref<5x8x128xi32, #tpu.memory_space<hbm>>
        %dma_wait3A_1549 = arith.constant 0 : i32
        %dma_wait3A_1550 = arith.constant 0 : i32
        %dma_wait3A_1551 = tpu.memref_slice %arg7[%mul3A_1541, %dma_wait3A_1549, %dma_wait3A_1550] : memref<15x8x128xi32, #tpu.memory_space<vmem>> -> memref<5x8x128xi32, #tpu.memory_space<vmem>>
        %dma_wait3A_1552 = arith.constant 0 : i32
        %dma_wait3A_1553 = arith.constant 0 : i32
        %dma_wait3A_1554 = tpu.memref_slice %arg2[%mul3A_1523, %add3A, %dma_wait3A_1552, %dma_wait3A_1553] : memref<25x32x8x128xi32, #tpu.memory_space<hbm>> -> memref<5x1x8x128xi32, #tpu.memory_space<hbm>>
        %dma_wait3A_1555 = tpu.memref_squeeze %dma_wait3A_1554 : memref<5x1x8x128xi32, #tpu.memory_space<hbm>> -> memref<5x8x128xi32, #tpu.memory_space<hbm>>
        tpu.wait_dma2 semaphore(%arg12 : memref<!tpu.dma_semaphore, #tpu.memory_space<semaphore_mem>>) src(%dma_wait3A_1555 : memref<5x8x128xi32, #tpu.memory_space<hbm>>) dst(%dma_wait3A_1551 : memref<5x8x128xi32, #tpu.memory_space<vmem>>)
        %dma_wait3A_1556 = arith.constant 0 : i32
        %dma_wait3A_1557 = arith.constant 0 : i32
        %dma_wait3A_1558 = tpu.memref_slice %arg8[%mul3A_1541, %dma_wait3A_1556, %dma_wait3A_1557] : memref<15x8x128xi32, #tpu.memory_space<vmem>> -> memref<5x8x128xi32, #tpu.memory_space<vmem>>
        %dma_wait3A_1559 = arith.constant 0 : i32
        %dma_wait3A_1560 = arith.constant 0 : i32
        %dma_wait3A_1561 = tpu.memref_slice %arg3[%mul3A_1523, %add3A, %dma_wait3A_1559, %dma_wait3A_1560] : memref<25x32x8x128xi32, #tpu.memory_space<hbm>> -> memref<5x1x8x128xi32, #tpu.memory_space<hbm>>
        %dma_wait3A_1562 = tpu.memref_squeeze %dma_wait3A_1561 : memref<5x1x8x128xi32, #tpu.memory_space<hbm>> -> memref<5x8x128xi32, #tpu.memory_space<hbm>>
        %dma_wait3A_1563 = arith.constant 0 : i32
        %dma_wait3A_1564 = arith.constant 0 : i32
        %dma_wait3A_1565 = tpu.memref_slice %arg8[%mul3A_1541, %dma_wait3A_1563, %dma_wait3A_1564] : memref<15x8x128xi32, #tpu.memory_space<vmem>> -> memref<5x8x128xi32, #tpu.memory_space<vmem>>
        %dma_wait3A_1566 = arith.constant 0 : i32
        %dma_wait3A_1567 = arith.constant 0 : i32
        %dma_wait3A_1568 = tpu.memref_slice %arg3[%mul3A_1523, %add3A, %dma_wait3A_1566, %dma_wait3A_1567] : memref<25x32x8x128xi32, #tpu.memory_space<hbm>> -> memref<5x1x8x128xi32, #tpu.memory_space<hbm>>
        %dma_wait3A_1569 = tpu.memref_squeeze %dma_wait3A_1568 : memref<5x1x8x128xi32, #tpu.memory_space<hbm>> -> memref<5x8x128xi32, #tpu.memory_space<hbm>>
        tpu.wait_dma2 semaphore(%arg12 : memref<!tpu.dma_semaphore, #tpu.memory_space<semaphore_mem>>) src(%dma_wait3A_1569 : memref<5x8x128xi32, #tpu.memory_space<hbm>>) dst(%dma_wait3A_1565 : memref<5x8x128xi32, #tpu.memory_space<vmem>>)
        %add3A_1570 = arith.constant 1 : i32
        %add3A_1571 = arith.addi %select_n3A_1521, %add3A_1570 : i32
        %lt3A_1572 = arith.constant 5 : i32
        %lt3A_1573 = arith.cmpi slt, %add3A_1571, %lt3A_1572 : i32
        %convert_element_type3A_1574 = arith.extui %lt3A_1573 : i1 to i32
        %cond3A_1575 = arith.constant 0 : i32
        %cond3A_1576 = arith.cmpi ne, %convert_element_type3A_1574, %cond3A_1575 : i32
        scf.if %cond3A_1576 {
          %add3A_1577 = arith.constant 1 : i32
          %add3A_1578 = arith.addi %select_n3A_1521, %add3A_1577 : i32
          %mul3A_1579 = arith.constant 5 : i32
          %mul3A_1580 = arith.muli %add3A_1578, %mul3A_1579 : i32
          %jit3A_1581 = arith.constant 3 : i32
          %eq3A_1582 = arith.constant 0 : i32
          %eq3A_1583 = arith.cmpi eq, %jit3A_1581, %eq3A_1582 : i32
          %jit3A_1584 = arith.constant 1 : i32
          %select_n3A_1585 = arith.select %eq3A_1583, %jit3A_1584, %jit3A_1581 : i32
          %rem3A_1586 = arith.remsi %add3A_1578, %select_n3A_1585 : i32
          %ne3A_1587 = arith.constant 0 : i32
          %ne3A_1588 = arith.cmpi ne, %rem3A_1586, %ne3A_1587 : i32
          %lt3A_1589 = arith.constant 0 : i32
          %lt3A_1590 = arith.cmpi slt, %rem3A_1586, %lt3A_1589 : i32
          %lt3A_1591 = arith.constant 0 : i32
          %lt3A_1592 = arith.cmpi slt, %select_n3A_1585, %lt3A_1591 : i32
          %ne3A_1593 = arith.xori %lt3A_1590, %lt3A_1592 : i1
          %and3A_1594 = arith.andi %ne3A_1593, %ne3A_1588 : i1
          %add3A_1595 = arith.addi %rem3A_1586, %select_n3A_1585 : i32
          %select_n3A_1596 = arith.select %and3A_1594, %add3A_1595, %rem3A_1586 : i32
          %mul3A_1597 = arith.constant 5 : i32
          %mul3A_1598 = arith.muli %select_n3A_1596, %mul3A_1597 : i32
          %dma_start3A_1599 = arith.constant 0 : i32
          %dma_start3A_1600 = arith.constant 0 : i32
          %dma_start3A_1601 = tpu.memref_slice %arg7[%mul3A_1598, %dma_start3A_1599, %dma_start3A_1600] : memref<15x8x128xi32, #tpu.memory_space<vmem>> -> memref<5x8x128xi32, #tpu.memory_space<vmem>>
          %dma_start3A_1602 = arith.constant 0 : i32
          %dma_start3A_1603 = arith.constant 0 : i32
          %dma_start3A_1604 = tpu.memref_slice %arg2[%mul3A_1580, %add3A, %dma_start3A_1602, %dma_start3A_1603] : memref<25x32x8x128xi32, #tpu.memory_space<hbm>> -> memref<5x1x8x128xi32, #tpu.memory_space<hbm>>
          %dma_start3A_1605 = tpu.memref_squeeze %dma_start3A_1604 : memref<5x1x8x128xi32, #tpu.memory_space<hbm>> -> memref<5x8x128xi32, #tpu.memory_space<hbm>>
          %dma_start3A_1606 = arith.constant 0 : i32
          %dma_start3A_1607 = arith.constant 0 : i32
          %dma_start3A_1608 = tpu.memref_slice %arg7[%mul3A_1598, %dma_start3A_1606, %dma_start3A_1607] : memref<15x8x128xi32, #tpu.memory_space<vmem>> -> memref<5x8x128xi32, #tpu.memory_space<vmem>>
          %dma_start3A_1609 = arith.constant 0 : i32
          %dma_start3A_1610 = arith.constant 0 : i32
          %dma_start3A_1611 = tpu.memref_slice %arg2[%mul3A_1580, %add3A, %dma_start3A_1609, %dma_start3A_1610] : memref<25x32x8x128xi32, #tpu.memory_space<hbm>> -> memref<5x1x8x128xi32, #tpu.memory_space<hbm>>
          %dma_start3A_1612 = tpu.memref_squeeze %dma_start3A_1611 : memref<5x1x8x128xi32, #tpu.memory_space<hbm>> -> memref<5x8x128xi32, #tpu.memory_space<hbm>>
          tpu.enqueue_dma source(%dma_start3A_1612 : memref<5x8x128xi32, #tpu.memory_space<hbm>>) target(%dma_start3A_1608 : memref<5x8x128xi32, #tpu.memory_space<vmem>>) target_semaphore(%arg12 : memref<!tpu.dma_semaphore, #tpu.memory_space<semaphore_mem>>)
          %dma_start3A_1613 = arith.constant 0 : i32
          %dma_start3A_1614 = arith.constant 0 : i32
          %dma_start3A_1615 = tpu.memref_slice %arg8[%mul3A_1598, %dma_start3A_1613, %dma_start3A_1614] : memref<15x8x128xi32, #tpu.memory_space<vmem>> -> memref<5x8x128xi32, #tpu.memory_space<vmem>>
          %dma_start3A_1616 = arith.constant 0 : i32
          %dma_start3A_1617 = arith.constant 0 : i32
          %dma_start3A_1618 = tpu.memref_slice %arg3[%mul3A_1580, %add3A, %dma_start3A_1616, %dma_start3A_1617] : memref<25x32x8x128xi32, #tpu.memory_space<hbm>> -> memref<5x1x8x128xi32, #tpu.memory_space<hbm>>
          %dma_start3A_1619 = tpu.memref_squeeze %dma_start3A_1618 : memref<5x1x8x128xi32, #tpu.memory_space<hbm>> -> memref<5x8x128xi32, #tpu.memory_space<hbm>>
          %dma_start3A_1620 = arith.constant 0 : i32
          %dma_start3A_1621 = arith.constant 0 : i32
          %dma_start3A_1622 = tpu.memref_slice %arg8[%mul3A_1598, %dma_start3A_1620, %dma_start3A_1621] : memref<15x8x128xi32, #tpu.memory_space<vmem>> -> memref<5x8x128xi32, #tpu.memory_space<vmem>>
          %dma_start3A_1623 = arith.constant 0 : i32
          %dma_start3A_1624 = arith.constant 0 : i32
          %dma_start3A_1625 = tpu.memref_slice %arg3[%mul3A_1580, %add3A, %dma_start3A_1623, %dma_start3A_1624] : memref<25x32x8x128xi32, #tpu.memory_space<hbm>> -> memref<5x1x8x128xi32, #tpu.memory_space<hbm>>
          %dma_start3A_1626 = tpu.memref_squeeze %dma_start3A_1625 : memref<5x1x8x128xi32, #tpu.memory_space<hbm>> -> memref<5x8x128xi32, #tpu.memory_space<hbm>>
          tpu.enqueue_dma source(%dma_start3A_1626 : memref<5x8x128xi32, #tpu.memory_space<hbm>>) target(%dma_start3A_1622 : memref<5x8x128xi32, #tpu.memory_space<vmem>>) target_semaphore(%arg12 : memref<!tpu.dma_semaphore, #tpu.memory_space<semaphore_mem>>)
        } else {
        }
      } else {
      }
      %sub3A_746 = arith.constant 2 : i32
      %sub3A_747 = arith.subi %scan3A_738, %sub3A_746 : i32
      %jit3A_748 = arith.constant 2 : i32
      %eq3A_749 = arith.constant 0 : i32
      %eq3A_750 = arith.cmpi eq, %jit3A_748, %eq3A_749 : i32
      %jit3A_751 = arith.constant 1 : i32
      %select_n3A_752 = arith.select %eq3A_750, %jit3A_751, %jit3A_748 : i32
      %rem3A_753 = arith.remsi %sub3A_747, %select_n3A_752 : i32
      %ne3A_754 = arith.constant 0 : i32
      %ne3A_755 = arith.cmpi ne, %rem3A_753, %ne3A_754 : i32
      %lt3A_756 = arith.constant 0 : i32
      %lt3A_757 = arith.cmpi slt, %rem3A_753, %lt3A_756 : i32
      %lt3A_758 = arith.constant 0 : i32
      %lt3A_759 = arith.cmpi slt, %select_n3A_752, %lt3A_758 : i32
      %ne3A_760 = arith.xori %lt3A_757, %lt3A_759 : i1
      %and3A_761 = arith.andi %ne3A_760, %ne3A_755 : i1
      %add3A_762 = arith.addi %rem3A_753, %select_n3A_752 : i32
      %select_n3A_763 = arith.select %and3A_761, %add3A_762, %rem3A_753 : i32
      %dma_wait3A_764 = arith.constant 0 : i32
      %dma_wait3A_765 = arith.constant 0 : i32
      %dma_wait3A_766 = arith.constant 0 : i32
      %dma_wait3A_767 = tpu.memref_slice %arg10[%select_n3A_763, %dma_wait3A_764, %dma_wait3A_765, %dma_wait3A_766] : memref<2x10x8x129xf32, #tpu.memory_space<vmem>> -> memref<1x10x8x128xf32, #tpu.memory_space<vmem>>
      %dma_wait3A_768 = tpu.memref_squeeze %dma_wait3A_767 : memref<1x10x8x128xf32, #tpu.memory_space<vmem>> -> memref<10x8x128xf32, #tpu.memory_space<vmem>>
      %dma_wait3A_769 = arith.constant 0 : i32
      %dma_wait3A_770 = arith.constant 0 : i32
      %dma_wait3A_771 = arith.constant 0 : i32
      %dma_wait3A_772 = tpu.memref_slice %arg6[%sub3A_747, %dma_wait3A_769, %add3A, %dma_wait3A_770, %dma_wait3A_771] : memref<200x10x32x8x128xf32, #tpu.memory_space<hbm>> -> memref<1x10x1x8x128xf32, #tpu.memory_space<hbm>>
      %dma_wait3A_773 = tpu.memref_squeeze %dma_wait3A_772 : memref<1x10x1x8x128xf32, #tpu.memory_space<hbm>> -> memref<10x8x128xf32, #tpu.memory_space<hbm>>
      %dma_wait3A_774 = arith.constant 0 : i32
      %dma_wait3A_775 = arith.constant 0 : i32
      %dma_wait3A_776 = arith.constant 0 : i32
      %dma_wait3A_777 = tpu.memref_slice %arg6[%sub3A_747, %dma_wait3A_774, %add3A, %dma_wait3A_775, %dma_wait3A_776] : memref<200x10x32x8x128xf32, #tpu.memory_space<hbm>> -> memref<1x10x1x8x128xf32, #tpu.memory_space<hbm>>
      %dma_wait3A_778 = tpu.memref_squeeze %dma_wait3A_777 : memref<1x10x1x8x128xf32, #tpu.memory_space<hbm>> -> memref<10x8x128xf32, #tpu.memory_space<hbm>>
      %dma_wait3A_779 = arith.constant 0 : i32
      %dma_wait3A_780 = arith.constant 0 : i32
      %dma_wait3A_781 = arith.constant 0 : i32
      %dma_wait3A_782 = tpu.memref_slice %arg10[%select_n3A_763, %dma_wait3A_779, %dma_wait3A_780, %dma_wait3A_781] : memref<2x10x8x129xf32, #tpu.memory_space<vmem>> -> memref<1x10x8x128xf32, #tpu.memory_space<vmem>>
      %dma_wait3A_783 = tpu.memref_squeeze %dma_wait3A_782 : memref<1x10x8x128xf32, #tpu.memory_space<vmem>> -> memref<10x8x128xf32, #tpu.memory_space<vmem>>
      tpu.wait_dma2 semaphore(%arg14 : memref<!tpu.dma_semaphore, #tpu.memory_space<semaphore_mem>>) src(%dma_wait3A_783 : memref<10x8x128xf32, #tpu.memory_space<vmem>>) dst(%dma_wait3A_778 : memref<10x8x128xf32, #tpu.memory_space<hbm>>)
      %jit3A_784 = arith.constant 8 : i32
      %div3A_785 = arith.divsi %scan3A_738, %jit3A_784 : i32
      %sign3A_786 = arith.constant 0 : i32
      %sign3A_787 = arith.cmpi sgt, %scan3A_738, %sign3A_786 : i32
      %sign3A_788 = arith.extui %sign3A_787 : i1 to i32
      %sign3A_789 = arith.constant 0 : i32
      %sign3A_790 = arith.cmpi slt, %scan3A_738, %sign3A_789 : i32
      %sign3A_791 = arith.extui %sign3A_790 : i1 to i32
      %sign3A_792 = arith.subi %sign3A_788, %sign3A_791 : i32
      %sign3A_793 = arith.constant 0 : i32
      %sign3A_794 = arith.cmpi sgt, %jit3A_784, %sign3A_793 : i32
      %sign3A_795 = arith.extui %sign3A_794 : i1 to i32
      %sign3A_796 = arith.constant 0 : i32
      %sign3A_797 = arith.cmpi slt, %jit3A_784, %sign3A_796 : i32
      %sign3A_798 = arith.extui %sign3A_797 : i1 to i32
      %sign3A_799 = arith.subi %sign3A_795, %sign3A_798 : i32
      %ne3A_800 = arith.cmpi ne, %sign3A_792, %sign3A_799 : i32
      %rem3A_801 = arith.remsi %scan3A_738, %jit3A_784 : i32
      %ne3A_802 = arith.constant 0 : i32
      %ne3A_803 = arith.cmpi ne, %rem3A_801, %ne3A_802 : i32
      %and3A_804 = arith.andi %ne3A_800, %ne3A_803 : i1
      %sub3A_805 = arith.constant 1 : i32
      %sub3A_806 = arith.subi %div3A_785, %sub3A_805 : i32
      %select_n3A_807 = arith.select %and3A_804, %sub3A_806, %div3A_785 : i32
      %jit3A_808 = arith.constant 15 : i32
      %eq3A_809 = arith.constant 0 : i32
      %eq3A_810 = arith.cmpi eq, %jit3A_808, %eq3A_809 : i32
      %jit3A_811 = arith.constant 1 : i32
      %select_n3A_812 = arith.select %eq3A_810, %jit3A_811, %jit3A_808 : i32
      %rem3A_813 = arith.remsi %select_n3A_807, %select_n3A_812 : i32
      %ne3A_814 = arith.constant 0 : i32
      %ne3A_815 = arith.cmpi ne, %rem3A_813, %ne3A_814 : i32
      %lt3A_816 = arith.constant 0 : i32
      %lt3A_817 = arith.cmpi slt, %rem3A_813, %lt3A_816 : i32
      %lt3A_818 = arith.constant 0 : i32
      %lt3A_819 = arith.cmpi slt, %select_n3A_812, %lt3A_818 : i32
      %ne3A_820 = arith.xori %lt3A_817, %lt3A_819 : i1
      %and3A_821 = arith.andi %ne3A_820, %ne3A_815 : i1
      %add3A_822 = arith.addi %rem3A_813, %select_n3A_812 : i32
      %select_n3A_823 = arith.select %and3A_821, %add3A_822, %rem3A_813 : i32
      %jit3A_824 = arith.constant 8 : i32
      %eq3A_825 = arith.constant 0 : i32
      %eq3A_826 = arith.cmpi eq, %jit3A_824, %eq3A_825 : i32
      %jit3A_827 = arith.constant 1 : i32
      %select_n3A_828 = arith.select %eq3A_826, %jit3A_827, %jit3A_824 : i32
      %rem3A_829 = arith.remsi %scan3A_738, %select_n3A_828 : i32
      %ne3A_830 = arith.constant 0 : i32
      %ne3A_831 = arith.cmpi ne, %rem3A_829, %ne3A_830 : i32
      %lt3A_832 = arith.constant 0 : i32
      %lt3A_833 = arith.cmpi slt, %rem3A_829, %lt3A_832 : i32
      %lt3A_834 = arith.constant 0 : i32
      %lt3A_835 = arith.cmpi slt, %select_n3A_828, %lt3A_834 : i32
      %ne3A_836 = arith.xori %lt3A_833, %lt3A_835 : i1
      %and3A_837 = arith.andi %ne3A_836, %ne3A_831 : i1
      %add3A_838 = arith.addi %rem3A_829, %select_n3A_828 : i32
      %select_n3A_839 = arith.select %and3A_837, %add3A_838, %rem3A_829 : i32
      %jit3A_840 = arith.constant 2 : i32
      %eq3A_841 = arith.constant 0 : i32
      %eq3A_842 = arith.cmpi eq, %jit3A_840, %eq3A_841 : i32
      %jit3A_843 = arith.constant 1 : i32
      %select_n3A_844 = arith.select %eq3A_842, %jit3A_843, %jit3A_840 : i32
      %rem3A_845 = arith.remsi %scan3A_738, %select_n3A_844 : i32
      %ne3A_846 = arith.constant 0 : i32
      %ne3A_847 = arith.cmpi ne, %rem3A_845, %ne3A_846 : i32
      %lt3A_848 = arith.constant 0 : i32
      %lt3A_849 = arith.cmpi slt, %rem3A_845, %lt3A_848 : i32
      %lt3A_850 = arith.constant 0 : i32
      %lt3A_851 = arith.cmpi slt, %select_n3A_844, %lt3A_850 : i32
      %ne3A_852 = arith.xori %lt3A_849, %lt3A_851 : i1
      %and3A_853 = arith.andi %ne3A_852, %ne3A_847 : i1
      %add3A_854 = arith.addi %rem3A_845, %select_n3A_844 : i32
      %select_n3A_855 = arith.select %and3A_853, %add3A_854, %rem3A_845 : i32
      %mul3A_856 = arith.constant 128 : i32
      %mul3A_857 = arith.muli %select_n3A_855, %mul3A_856 : i32
      %dma_wait3A_858 = arith.constant 0 : i32
      %dma_wait3A_859 = tpu.memref_slice %arg9[%mul3A_857, %dma_wait3A_858] : memref<256x64xf32, #tpu.memory_space<vmem>> -> memref<128x64xf32, #tpu.memory_space<vmem>>
      %dma_wait3A_860 = arith.constant 0 : i32
      %dma_wait3A_861 = tpu.memref_slice %arg7[%select_n3A_823, %select_n3A_839, %dma_wait3A_860] : memref<15x8x128xi32, #tpu.memory_space<vmem>> -> memref<1x1x128xi32, #tpu.memory_space<vmem>>
      %dma_wait3A_862 = tpu.memref_squeeze %dma_wait3A_861 : memref<1x1x128xi32, #tpu.memory_space<vmem>> -> memref<128xi32, #tpu.memory_space<vmem>>
      %dma_wait3A_863 = arith.constant 0 : i32
      %dma_wait3A_864 = arith.constant 0 : i32
      %dma_wait3A_865 = tpu.memref_slice %arg4[%dma_wait3A_863, %dma_wait3A_864] : memref<1000000x64xf32, #tpu.memory_space<hbm>> -> memref<1000000x64xf32, #tpu.memory_space<hbm>>
      tpu.wait_indirect_dma semaphore(%arg13 : memref<!tpu.dma_semaphore, #tpu.memory_space<semaphore_mem>>) src(%dma_wait3A_865 : memref<1000000x64xf32, #tpu.memory_space<hbm>>) dst(%dma_wait3A_859 : memref<128x64xf32, #tpu.memory_space<vmem>>)
      %jit3A_866 = arith.constant 8 : i32
      %div3A_867 = arith.divsi %add3A_740, %jit3A_866 : i32
      %sign3A_868 = arith.constant 0 : i32
      %sign3A_869 = arith.cmpi sgt, %add3A_740, %sign3A_868 : i32
      %sign3A_870 = arith.extui %sign3A_869 : i1 to i32
      %sign3A_871 = arith.constant 0 : i32
      %sign3A_872 = arith.cmpi slt, %add3A_740, %sign3A_871 : i32
      %sign3A_873 = arith.extui %sign3A_872 : i1 to i32
      %sign3A_874 = arith.subi %sign3A_870, %sign3A_873 : i32
      %sign3A_875 = arith.constant 0 : i32
      %sign3A_876 = arith.cmpi sgt, %jit3A_866, %sign3A_875 : i32
      %sign3A_877 = arith.extui %sign3A_876 : i1 to i32
      %sign3A_878 = arith.constant 0 : i32
      %sign3A_879 = arith.cmpi slt, %jit3A_866, %sign3A_878 : i32
      %sign3A_880 = arith.extui %sign3A_879 : i1 to i32
      %sign3A_881 = arith.subi %sign3A_877, %sign3A_880 : i32
      %ne3A_882 = arith.cmpi ne, %sign3A_874, %sign3A_881 : i32
      %rem3A_883 = arith.remsi %add3A_740, %jit3A_866 : i32
      %ne3A_884 = arith.constant 0 : i32
      %ne3A_885 = arith.cmpi ne, %rem3A_883, %ne3A_884 : i32
      %and3A_886 = arith.andi %ne3A_882, %ne3A_885 : i1
      %sub3A_887 = arith.constant 1 : i32
      %sub3A_888 = arith.subi %div3A_867, %sub3A_887 : i32
      %select_n3A_889 = arith.select %and3A_886, %sub3A_888, %div3A_867 : i32
      %jit3A_890 = arith.constant 15 : i32
      %eq3A_891 = arith.constant 0 : i32
      %eq3A_892 = arith.cmpi eq, %jit3A_890, %eq3A_891 : i32
      %jit3A_893 = arith.constant 1 : i32
      %select_n3A_894 = arith.select %eq3A_892, %jit3A_893, %jit3A_890 : i32
      %rem3A_895 = arith.remsi %select_n3A_889, %select_n3A_894 : i32
      %ne3A_896 = arith.constant 0 : i32
      %ne3A_897 = arith.cmpi ne, %rem3A_895, %ne3A_896 : i32
      %lt3A_898 = arith.constant 0 : i32
      %lt3A_899 = arith.cmpi slt, %rem3A_895, %lt3A_898 : i32
      %lt3A_900 = arith.constant 0 : i32
      %lt3A_901 = arith.cmpi slt, %select_n3A_894, %lt3A_900 : i32
      %ne3A_902 = arith.xori %lt3A_899, %lt3A_901 : i1
      %and3A_903 = arith.andi %ne3A_902, %ne3A_897 : i1
      %add3A_904 = arith.addi %rem3A_895, %select_n3A_894 : i32
      %select_n3A_905 = arith.select %and3A_903, %add3A_904, %rem3A_895 : i32
      %jit3A_906 = arith.constant 8 : i32
      %eq3A_907 = arith.constant 0 : i32
      %eq3A_908 = arith.cmpi eq, %jit3A_906, %eq3A_907 : i32
      %jit3A_909 = arith.constant 1 : i32
      %select_n3A_910 = arith.select %eq3A_908, %jit3A_909, %jit3A_906 : i32
      %rem3A_911 = arith.remsi %add3A_740, %select_n3A_910 : i32
      %ne3A_912 = arith.constant 0 : i32
      %ne3A_913 = arith.cmpi ne, %rem3A_911, %ne3A_912 : i32
      %lt3A_914 = arith.constant 0 : i32
      %lt3A_915 = arith.cmpi slt, %rem3A_911, %lt3A_914 : i32
      %lt3A_916 = arith.constant 0 : i32
      %lt3A_917 = arith.cmpi slt, %select_n3A_910, %lt3A_916 : i32
      %ne3A_918 = arith.xori %lt3A_915, %lt3A_917 : i1
      %and3A_919 = arith.andi %ne3A_918, %ne3A_913 : i1
      %add3A_920 = arith.addi %rem3A_911, %select_n3A_910 : i32
      %select_n3A_921 = arith.select %and3A_919, %add3A_920, %rem3A_911 : i32
      %jit3A_922 = arith.constant 2 : i32
      %eq3A_923 = arith.constant 0 : i32
      %eq3A_924 = arith.cmpi eq, %jit3A_922, %eq3A_923 : i32
      %jit3A_925 = arith.constant 1 : i32
      %select_n3A_926 = arith.select %eq3A_924, %jit3A_925, %jit3A_922 : i32
      %rem3A_927 = arith.remsi %add3A_740, %select_n3A_926 : i32
      %ne3A_928 = arith.constant 0 : i32
      %ne3A_929 = arith.cmpi ne, %rem3A_927, %ne3A_928 : i32
      %lt3A_930 = arith.constant 0 : i32
      %lt3A_931 = arith.cmpi slt, %rem3A_927, %lt3A_930 : i32
      %lt3A_932 = arith.constant 0 : i32
      %lt3A_933 = arith.cmpi slt, %select_n3A_926, %lt3A_932 : i32
      %ne3A_934 = arith.xori %lt3A_931, %lt3A_933 : i1
      %and3A_935 = arith.andi %ne3A_934, %ne3A_929 : i1
      %add3A_936 = arith.addi %rem3A_927, %select_n3A_926 : i32
      %select_n3A_937 = arith.select %and3A_935, %add3A_936, %rem3A_927 : i32
      %mul3A_938 = arith.constant 128 : i32
      %mul3A_939 = arith.muli %select_n3A_937, %mul3A_938 : i32
      %dma_start3A_940 = arith.constant 0 : i32
      %dma_start3A_941 = tpu.memref_slice %arg9[%mul3A_939, %dma_start3A_940] : memref<256x64xf32, #tpu.memory_space<vmem>> -> memref<128x64xf32, #tpu.memory_space<vmem>>
      %dma_start3A_942 = arith.constant 0 : i32
      %dma_start3A_943 = tpu.memref_slice %arg7[%select_n3A_905, %select_n3A_921, %dma_start3A_942] : memref<15x8x128xi32, #tpu.memory_space<vmem>> -> memref<1x1x128xi32, #tpu.memory_space<vmem>>
      %dma_start3A_944 = tpu.memref_squeeze %dma_start3A_943 : memref<1x1x128xi32, #tpu.memory_space<vmem>> -> memref<128xi32, #tpu.memory_space<vmem>>
      %dma_start3A_945 = arith.constant 0 : i32
      %dma_start3A_946 = arith.constant 0 : i32
      %dma_start3A_947 = tpu.memref_slice %arg4[%dma_start3A_945, %dma_start3A_946] : memref<1000000x64xf32, #tpu.memory_space<hbm>> -> memref<1000000x64xf32, #tpu.memory_space<hbm>>
      tpu.enqueue_indirect_dma source(%dma_start3A_947 : memref<1000000x64xf32, #tpu.memory_space<hbm>>) target(%dma_start3A_941 : memref<128x64xf32, #tpu.memory_space<vmem>>) offsets(%dma_start3A_944 : memref<128xi32, #tpu.memory_space<vmem>>) semaphore(%arg13 : memref<!tpu.dma_semaphore, #tpu.memory_space<semaphore_mem>>)
      %jit3A_948 = arith.constant 2 : i32
      %eq3A_949 = arith.constant 0 : i32
      %eq3A_950 = arith.cmpi eq, %jit3A_948, %eq3A_949 : i32
      %jit3A_951 = arith.constant 1 : i32
      %select_n3A_952 = arith.select %eq3A_950, %jit3A_951, %jit3A_948 : i32
      %rem3A_953 = arith.remsi %scan3A_738, %select_n3A_952 : i32
      %ne3A_954 = arith.constant 0 : i32
      %ne3A_955 = arith.cmpi ne, %rem3A_953, %ne3A_954 : i32
      %lt3A_956 = arith.constant 0 : i32
      %lt3A_957 = arith.cmpi slt, %rem3A_953, %lt3A_956 : i32
      %lt3A_958 = arith.constant 0 : i32
      %lt3A_959 = arith.cmpi slt, %select_n3A_952, %lt3A_958 : i32
      %ne3A_960 = arith.xori %lt3A_957, %lt3A_959 : i1
      %and3A_961 = arith.andi %ne3A_960, %ne3A_955 : i1
      %add3A_962 = arith.addi %rem3A_953, %select_n3A_952 : i32
      %select_n3A_963 = arith.select %and3A_961, %add3A_962, %rem3A_953 : i32
      %mul3A_964 = arith.constant 128 : i32
      %mul3A_965 = arith.muli %select_n3A_963, %mul3A_964 : i32
      %add3A_966 = vector.broadcast %select_n3A_963 : i32 to vector<16xi32>
      %add3A_967 = arith.addi %broadcast_in_dim3A_3, %add3A_966 : vector<16xi32>
      %jit3A_968 = arith.constant 8 : i32
      %div3A_969 = arith.divsi %scan3A_738, %jit3A_968 : i32
      %sign3A_970 = arith.constant 0 : i32
      %sign3A_971 = arith.cmpi sgt, %scan3A_738, %sign3A_970 : i32
      %sign3A_972 = arith.extui %sign3A_971 : i1 to i32
      %sign3A_973 = arith.constant 0 : i32
      %sign3A_974 = arith.cmpi slt, %scan3A_738, %sign3A_973 : i32
      %sign3A_975 = arith.extui %sign3A_974 : i1 to i32
      %sign3A_976 = arith.subi %sign3A_972, %sign3A_975 : i32
      %sign3A_977 = arith.constant 0 : i32
      %sign3A_978 = arith.cmpi sgt, %jit3A_968, %sign3A_977 : i32
      %sign3A_979 = arith.extui %sign3A_978 : i1 to i32
      %sign3A_980 = arith.constant 0 : i32
      %sign3A_981 = arith.cmpi slt, %jit3A_968, %sign3A_980 : i32
      %sign3A_982 = arith.extui %sign3A_981 : i1 to i32
      %sign3A_983 = arith.subi %sign3A_979, %sign3A_982 : i32
      %ne3A_984 = arith.cmpi ne, %sign3A_976, %sign3A_983 : i32
      %rem3A_985 = arith.remsi %scan3A_738, %jit3A_968 : i32
      %ne3A_986 = arith.constant 0 : i32
      %ne3A_987 = arith.cmpi ne, %rem3A_985, %ne3A_986 : i32
      %and3A_988 = arith.andi %ne3A_984, %ne3A_987 : i1
      %sub3A_989 = arith.constant 1 : i32
      %sub3A_990 = arith.subi %div3A_969, %sub3A_989 : i32
      %select_n3A_991 = arith.select %and3A_988, %sub3A_990, %div3A_969 : i32
      %jit3A_992 = arith.constant 15 : i32
      %eq3A_993 = arith.constant 0 : i32
      %eq3A_994 = arith.cmpi eq, %jit3A_992, %eq3A_993 : i32
      %jit3A_995 = arith.constant 1 : i32
      %select_n3A_996 = arith.select %eq3A_994, %jit3A_995, %jit3A_992 : i32
      %rem3A_997 = arith.remsi %select_n3A_991, %select_n3A_996 : i32
      %ne3A_998 = arith.constant 0 : i32
      %ne3A_999 = arith.cmpi ne, %rem3A_997, %ne3A_998 : i32
      %lt3A_1000 = arith.constant 0 : i32
      %lt3A_1001 = arith.cmpi slt, %rem3A_997, %lt3A_1000 : i32
      %lt3A_1002 = arith.constant 0 : i32
      %lt3A_1003 = arith.cmpi slt, %select_n3A_996, %lt3A_1002 : i32
      %ne3A_1004 = arith.xori %lt3A_1001, %lt3A_1003 : i1
      %and3A_1005 = arith.andi %ne3A_1004, %ne3A_999 : i1
      %add3A_1006 = arith.addi %rem3A_997, %select_n3A_996 : i32
      %select_n3A_1007 = arith.select %and3A_1005, %add3A_1006, %rem3A_997 : i32
      %jit3A_1008 = arith.constant 8 : i32
      %eq3A_1009 = arith.constant 0 : i32
      %eq3A_1010 = arith.cmpi eq, %jit3A_1008, %eq3A_1009 : i32
      %jit3A_1011 = arith.constant 1 : i32
      %select_n3A_1012 = arith.select %eq3A_1010, %jit3A_1011, %jit3A_1008 : i32
      %rem3A_1013 = arith.remsi %scan3A_738, %select_n3A_1012 : i32
      %ne3A_1014 = arith.constant 0 : i32
      %ne3A_1015 = arith.cmpi ne, %rem3A_1013, %ne3A_1014 : i32
      %lt3A_1016 = arith.constant 0 : i32
      %lt3A_1017 = arith.cmpi slt, %rem3A_1013, %lt3A_1016 : i32
      %lt3A_1018 = arith.constant 0 : i32
      %lt3A_1019 = arith.cmpi slt, %select_n3A_1012, %lt3A_1018 : i32
      %ne3A_1020 = arith.xori %lt3A_1017, %lt3A_1019 : i1
      %and3A_1021 = arith.andi %ne3A_1020, %ne3A_1015 : i1
      %add3A_1022 = arith.addi %rem3A_1013, %select_n3A_1012 : i32
      %select_n3A_1023 = arith.select %and3A_1021, %add3A_1022, %rem3A_1013 : i32
      %get3A_1024 = arith.index_cast %select_n3A_1007 : i32 to index
      %get3A_1025 = arith.index_cast %select_n3A_1023 : i32 to index
      %get3A_1026 = arith.constant 0 : index
      %get3A_1027 = tpu.vector_load %arg8[%get3A_1024, %get3A_1025, %get3A_1026] {strides = array<i32>} : memref<15x8x128xi32, #tpu.memory_space<vmem>>, vector<16xi32>,
      %add3A_1028 = arith.addi %get3A_1027, %mul3A_8 : vector<16xi32>
      %jit3A_1029 = arith.constant 8 : i32
      %div3A_1030 = arith.divsi %scan3A_738, %jit3A_1029 : i32
      %sign3A_1031 = arith.constant 0 : i32
      %sign3A_1032 = arith.cmpi sgt, %scan3A_738, %sign3A_1031 : i32
      %sign3A_1033 = arith.extui %sign3A_1032 : i1 to i32
      %sign3A_1034 = arith.constant 0 : i32
      %sign3A_1035 = arith.cmpi slt, %scan3A_738, %sign3A_1034 : i32
      %sign3A_1036 = arith.extui %sign3A_1035 : i1 to i32
      %sign3A_1037 = arith.subi %sign3A_1033, %sign3A_1036 : i32
      %sign3A_1038 = arith.constant 0 : i32
      %sign3A_1039 = arith.cmpi sgt, %jit3A_1029, %sign3A_1038 : i32
      %sign3A_1040 = arith.extui %sign3A_1039 : i1 to i32
      %sign3A_1041 = arith.constant 0 : i32
      %sign3A_1042 = arith.cmpi slt, %jit3A_1029, %sign3A_1041 : i32
      %sign3A_1043 = arith.extui %sign3A_1042 : i1 to i32
      %sign3A_1044 = arith.subi %sign3A_1040, %sign3A_1043 : i32
      %ne3A_1045 = arith.cmpi ne, %sign3A_1037, %sign3A_1044 : i32
      %rem3A_1046 = arith.remsi %scan3A_738, %jit3A_1029 : i32
      %ne3A_1047 = arith.constant 0 : i32
      %ne3A_1048 = arith.cmpi ne, %rem3A_1046, %ne3A_1047 : i32
      %and3A_1049 = arith.andi %ne3A_1045, %ne3A_1048 : i1
      %sub3A_1050 = arith.constant 1 : i32
      %sub3A_1051 = arith.subi %div3A_1030, %sub3A_1050 : i32
      %select_n3A_1052 = arith.select %and3A_1049, %sub3A_1051, %div3A_1030 : i32
      %jit3A_1053 = arith.constant 15 : i32
      %eq3A_1054 = arith.constant 0 : i32
      %eq3A_1055 = arith.cmpi eq, %jit3A_1053, %eq3A_1054 : i32
      %jit3A_1056 = arith.constant 1 : i32
      %select_n3A_1057 = arith.select %eq3A_1055, %jit3A_1056, %jit3A_1053 : i32
      %rem3A_1058 = arith.remsi %select_n3A_1052, %select_n3A_1057 : i32
      %ne3A_1059 = arith.constant 0 : i32
      %ne3A_1060 = arith.cmpi ne, %rem3A_1058, %ne3A_1059 : i32
      %lt3A_1061 = arith.constant 0 : i32
      %lt3A_1062 = arith.cmpi slt, %rem3A_1058, %lt3A_1061 : i32
      %lt3A_1063 = arith.constant 0 : i32
      %lt3A_1064 = arith.cmpi slt, %select_n3A_1057, %lt3A_1063 : i32
      %ne3A_1065 = arith.xori %lt3A_1062, %lt3A_1064 : i1
      %and3A_1066 = arith.andi %ne3A_1065, %ne3A_1060 : i1
      %add3A_1067 = arith.addi %rem3A_1058, %select_n3A_1057 : i32
      %select_n3A_1068 = arith.select %and3A_1066, %add3A_1067, %rem3A_1058 : i32
      %jit3A_1069 = arith.constant 8 : i32
      %eq3A_1070 = arith.constant 0 : i32
      %eq3A_1071 = arith.cmpi eq, %jit3A_1069, %eq3A_1070 : i32
      %jit3A_1072 = arith.constant 1 : i32
      %select_n3A_1073 = arith.select %eq3A_1071, %jit3A_1072, %jit3A_1069 : i32
      %rem3A_1074 = arith.remsi %scan3A_738, %select_n3A_1073 : i32
      %ne3A_1075 = arith.constant 0 : i32
      %ne3A_1076 = arith.cmpi ne, %rem3A_1074, %ne3A_1075 : i32
      %lt3A_1077 = arith.constant 0 : i32
      %lt3A_1078 = arith.cmpi slt, %rem3A_1074, %lt3A_1077 : i32
      %lt3A_1079 = arith.constant 0 : i32
      %lt3A_1080 = arith.cmpi slt, %select_n3A_1073, %lt3A_1079 : i32
      %ne3A_1081 = arith.xori %lt3A_1078, %lt3A_1080 : i1
      %and3A_1082 = arith.andi %ne3A_1081, %ne3A_1076 : i1
      %add3A_1083 = arith.addi %rem3A_1074, %select_n3A_1073 : i32
      %select_n3A_1084 = arith.select %and3A_1082, %add3A_1083, %rem3A_1074 : i32
      %get3A_1085 = arith.index_cast %select_n3A_1068 : i32 to index
      %get3A_1086 = arith.index_cast %select_n3A_1084 : i32 to index
      %get3A_1087 = arith.constant 16 : index
      %get3A_1088 = tpu.vector_load %arg8[%get3A_1085, %get3A_1086, %get3A_1087] {strides = array<i32>} : memref<15x8x128xi32, #tpu.memory_space<vmem>>, vector<16xi32>,
      %add3A_1089 = arith.addi %get3A_1088, %mul3A_8 : vector<16xi32>
      %jit3A_1090 = arith.constant 8 : i32
      %div3A_1091 = arith.divsi %scan3A_738, %jit3A_1090 : i32
      %sign3A_1092 = arith.constant 0 : i32
      %sign3A_1093 = arith.cmpi sgt, %scan3A_738, %sign3A_1092 : i32
      %sign3A_1094 = arith.extui %sign3A_1093 : i1 to i32
      %sign3A_1095 = arith.constant 0 : i32
      %sign3A_1096 = arith.cmpi slt, %scan3A_738, %sign3A_1095 : i32
      %sign3A_1097 = arith.extui %sign3A_1096 : i1 to i32
      %sign3A_1098 = arith.subi %sign3A_1094, %sign3A_1097 : i32
      %sign3A_1099 = arith.constant 0 : i32
      %sign3A_1100 = arith.cmpi sgt, %jit3A_1090, %sign3A_1099 : i32
      %sign3A_1101 = arith.extui %sign3A_1100 : i1 to i32
      %sign3A_1102 = arith.constant 0 : i32
      %sign3A_1103 = arith.cmpi slt, %jit3A_1090, %sign3A_1102 : i32
      %sign3A_1104 = arith.extui %sign3A_1103 : i1 to i32
      %sign3A_1105 = arith.subi %sign3A_1101, %sign3A_1104 : i32
      %ne3A_1106 = arith.cmpi ne, %sign3A_1098, %sign3A_1105 : i32
      %rem3A_1107 = arith.remsi %scan3A_738, %jit3A_1090 : i32
      %ne3A_1108 = arith.constant 0 : i32
      %ne3A_1109 = arith.cmpi ne, %rem3A_1107, %ne3A_1108 : i32
      %and3A_1110 = arith.andi %ne3A_1106, %ne3A_1109 : i1
      %sub3A_1111 = arith.constant 1 : i32
      %sub3A_1112 = arith.subi %div3A_1091, %sub3A_1111 : i32
      %select_n3A_1113 = arith.select %and3A_1110, %sub3A_1112, %div3A_1091 : i32
      %jit3A_1114 = arith.constant 15 : i32
      %eq3A_1115 = arith.constant 0 : i32
      %eq3A_1116 = arith.cmpi eq, %jit3A_1114, %eq3A_1115 : i32
      %jit3A_1117 = arith.constant 1 : i32
      %select_n3A_1118 = arith.select %eq3A_1116, %jit3A_1117, %jit3A_1114 : i32
      %rem3A_1119 = arith.remsi %select_n3A_1113, %select_n3A_1118 : i32
      %ne3A_1120 = arith.constant 0 : i32
      %ne3A_1121 = arith.cmpi ne, %rem3A_1119, %ne3A_1120 : i32
      %lt3A_1122 = arith.constant 0 : i32
      %lt3A_1123 = arith.cmpi slt, %rem3A_1119, %lt3A_1122 : i32
      %lt3A_1124 = arith.constant 0 : i32
      %lt3A_1125 = arith.cmpi slt, %select_n3A_1118, %lt3A_1124 : i32
      %ne3A_1126 = arith.xori %lt3A_1123, %lt3A_1125 : i1
      %and3A_1127 = arith.andi %ne3A_1126, %ne3A_1121 : i1
      %add3A_1128 = arith.addi %rem3A_1119, %select_n3A_1118 : i32
      %select_n3A_1129 = arith.select %and3A_1127, %add3A_1128, %rem3A_1119 : i32
      %jit3A_1130 = arith.constant 8 : i32
      %eq3A_1131 = arith.constant 0 : i32
      %eq3A_1132 = arith.cmpi eq, %jit3A_1130, %eq3A_1131 : i32
      %jit3A_1133 = arith.constant 1 : i32
      %select_n3A_1134 = arith.select %eq3A_1132, %jit3A_1133, %jit3A_1130 : i32
      %rem3A_1135 = arith.remsi %scan3A_738, %select_n3A_1134 : i32
      %ne3A_1136 = arith.constant 0 : i32
      %ne3A_1137 = arith.cmpi ne, %rem3A_1135, %ne3A_1136 : i32
      %lt3A_1138 = arith.constant 0 : i32
      %lt3A_1139 = arith.cmpi slt, %rem3A_1135, %lt3A_1138 : i32
      %lt3A_1140 = arith.constant 0 : i32
      %lt3A_1141 = arith.cmpi slt, %select_n3A_1134, %lt3A_1140 : i32
      %ne3A_1142 = arith.xori %lt3A_1139, %lt3A_1141 : i1
      %and3A_1143 = arith.andi %ne3A_1142, %ne3A_1137 : i1
      %add3A_1144 = arith.addi %rem3A_1135, %select_n3A_1134 : i32
      %select_n3A_1145 = arith.select %and3A_1143, %add3A_1144, %rem3A_1135 : i32
      %get3A_1146 = arith.index_cast %select_n3A_1129 : i32 to index
      %get3A_1147 = arith.index_cast %select_n3A_1145 : i32 to index
      %get3A_1148 = arith.constant 32 : index
      %get3A_1149 = tpu.vector_load %arg8[%get3A_1146, %get3A_1147, %get3A_1148] {strides = array<i32>} : memref<15x8x128xi32, #tpu.memory_space<vmem>>, vector<16xi32>,
      %add3A_1150 = arith.addi %get3A_1149, %mul3A_8 : vector<16xi32>
      %jit3A_1151 = arith.constant 8 : i32
      %div3A_1152 = arith.divsi %scan3A_738, %jit3A_1151 : i32
      %sign3A_1153 = arith.constant 0 : i32
      %sign3A_1154 = arith.cmpi sgt, %scan3A_738, %sign3A_1153 : i32
      %sign3A_1155 = arith.extui %sign3A_1154 : i1 to i32
      %sign3A_1156 = arith.constant 0 : i32
      %sign3A_1157 = arith.cmpi slt, %scan3A_738, %sign3A_1156 : i32
      %sign3A_1158 = arith.extui %sign3A_1157 : i1 to i32
      %sign3A_1159 = arith.subi %sign3A_1155, %sign3A_1158 : i32
      %sign3A_1160 = arith.constant 0 : i32
      %sign3A_1161 = arith.cmpi sgt, %jit3A_1151, %sign3A_1160 : i32
      %sign3A_1162 = arith.extui %sign3A_1161 : i1 to i32
      %sign3A_1163 = arith.constant 0 : i32
      %sign3A_1164 = arith.cmpi slt, %jit3A_1151, %sign3A_1163 : i32
      %sign3A_1165 = arith.extui %sign3A_1164 : i1 to i32
      %sign3A_1166 = arith.subi %sign3A_1162, %sign3A_1165 : i32
      %ne3A_1167 = arith.cmpi ne, %sign3A_1159, %sign3A_1166 : i32
      %rem3A_1168 = arith.remsi %scan3A_738, %jit3A_1151 : i32
      %ne3A_1169 = arith.constant 0 : i32
      %ne3A_1170 = arith.cmpi ne, %rem3A_1168, %ne3A_1169 : i32
      %and3A_1171 = arith.andi %ne3A_1167, %ne3A_1170 : i1
      %sub3A_1172 = arith.constant 1 : i32
      %sub3A_1173 = arith.subi %div3A_1152, %sub3A_1172 : i32
      %select_n3A_1174 = arith.select %and3A_1171, %sub3A_1173, %div3A_1152 : i32
      %jit3A_1175 = arith.constant 15 : i32
      %eq3A_1176 = arith.constant 0 : i32
      %eq3A_1177 = arith.cmpi eq, %jit3A_1175, %eq3A_1176 : i32
      %jit3A_1178 = arith.constant 1 : i32
      %select_n3A_1179 = arith.select %eq3A_1177, %jit3A_1178, %jit3A_1175 : i32
      %rem3A_1180 = arith.remsi %select_n3A_1174, %select_n3A_1179 : i32
      %ne3A_1181 = arith.constant 0 : i32
      %ne3A_1182 = arith.cmpi ne, %rem3A_1180, %ne3A_1181 : i32
      %lt3A_1183 = arith.constant 0 : i32
      %lt3A_1184 = arith.cmpi slt, %rem3A_1180, %lt3A_1183 : i32
      %lt3A_1185 = arith.constant 0 : i32
      %lt3A_1186 = arith.cmpi slt, %select_n3A_1179, %lt3A_1185 : i32
      %ne3A_1187 = arith.xori %lt3A_1184, %lt3A_1186 : i1
      %and3A_1188 = arith.andi %ne3A_1187, %ne3A_1182 : i1
      %add3A_1189 = arith.addi %rem3A_1180, %select_n3A_1179 : i32
      %select_n3A_1190 = arith.select %and3A_1188, %add3A_1189, %rem3A_1180 : i32
      %jit3A_1191 = arith.constant 8 : i32
      %eq3A_1192 = arith.constant 0 : i32
      %eq3A_1193 = arith.cmpi eq, %jit3A_1191, %eq3A_1192 : i32
      %jit3A_1194 = arith.constant 1 : i32
      %select_n3A_1195 = arith.select %eq3A_1193, %jit3A_1194, %jit3A_1191 : i32
      %rem3A_1196 = arith.remsi %scan3A_738, %select_n3A_1195 : i32
      %ne3A_1197 = arith.constant 0 : i32
      %ne3A_1198 = arith.cmpi ne, %rem3A_1196, %ne3A_1197 : i32
      %lt3A_1199 = arith.constant 0 : i32
      %lt3A_1200 = arith.cmpi slt, %rem3A_1196, %lt3A_1199 : i32
      %lt3A_1201 = arith.constant 0 : i32
      %lt3A_1202 = arith.cmpi slt, %select_n3A_1195, %lt3A_1201 : i32
      %ne3A_1203 = arith.xori %lt3A_1200, %lt3A_1202 : i1
      %and3A_1204 = arith.andi %ne3A_1203, %ne3A_1198 : i1
      %add3A_1205 = arith.addi %rem3A_1196, %select_n3A_1195 : i32
      %select_n3A_1206 = arith.select %and3A_1204, %add3A_1205, %rem3A_1196 : i32
      %get3A_1207 = arith.index_cast %select_n3A_1190 : i32 to index
      %get3A_1208 = arith.index_cast %select_n3A_1206 : i32 to index
      %get3A_1209 = arith.constant 48 : index
      %get3A_1210 = tpu.vector_load %arg8[%get3A_1207, %get3A_1208, %get3A_1209] {strides = array<i32>} : memref<15x8x128xi32, #tpu.memory_space<vmem>>, vector<16xi32>,
      %add3A_1211 = arith.addi %get3A_1210, %mul3A_8 : vector<16xi32>
      %jit3A_1212 = arith.constant 8 : i32
      %div3A_1213 = arith.divsi %scan3A_738, %jit3A_1212 : i32
      %sign3A_1214 = arith.constant 0 : i32
      %sign3A_1215 = arith.cmpi sgt, %scan3A_738, %sign3A_1214 : i32
      %sign3A_1216 = arith.extui %sign3A_1215 : i1 to i32
      %sign3A_1217 = arith.constant 0 : i32
      %sign3A_1218 = arith.cmpi slt, %scan3A_738, %sign3A_1217 : i32
      %sign3A_1219 = arith.extui %sign3A_1218 : i1 to i32
      %sign3A_1220 = arith.subi %sign3A_1216, %sign3A_1219 : i32
      %sign3A_1221 = arith.constant 0 : i32
      %sign3A_1222 = arith.cmpi sgt, %jit3A_1212, %sign3A_1221 : i32
      %sign3A_1223 = arith.extui %sign3A_1222 : i1 to i32
      %sign3A_1224 = arith.constant 0 : i32
      %sign3A_1225 = arith.cmpi slt, %jit3A_1212, %sign3A_1224 : i32
      %sign3A_1226 = arith.extui %sign3A_1225 : i1 to i32
      %sign3A_1227 = arith.subi %sign3A_1223, %sign3A_1226 : i32
      %ne3A_1228 = arith.cmpi ne, %sign3A_1220, %sign3A_1227 : i32
      %rem3A_1229 = arith.remsi %scan3A_738, %jit3A_1212 : i32
      %ne3A_1230 = arith.constant 0 : i32
      %ne3A_1231 = arith.cmpi ne, %rem3A_1229, %ne3A_1230 : i32
      %and3A_1232 = arith.andi %ne3A_1228, %ne3A_1231 : i1
      %sub3A_1233 = arith.constant 1 : i32
      %sub3A_1234 = arith.subi %div3A_1213, %sub3A_1233 : i32
      %select_n3A_1235 = arith.select %and3A_1232, %sub3A_1234, %div3A_1213 : i32
      %jit3A_1236 = arith.constant 15 : i32
      %eq3A_1237 = arith.constant 0 : i32
      %eq3A_1238 = arith.cmpi eq, %jit3A_1236, %eq3A_1237 : i32
      %jit3A_1239 = arith.constant 1 : i32
      %select_n3A_1240 = arith.select %eq3A_1238, %jit3A_1239, %jit3A_1236 : i32
      %rem3A_1241 = arith.remsi %select_n3A_1235, %select_n3A_1240 : i32
      %ne3A_1242 = arith.constant 0 : i32
      %ne3A_1243 = arith.cmpi ne, %rem3A_1241, %ne3A_1242 : i32
      %lt3A_1244 = arith.constant 0 : i32
      %lt3A_1245 = arith.cmpi slt, %rem3A_1241, %lt3A_1244 : i32
      %lt3A_1246 = arith.constant 0 : i32
      %lt3A_1247 = arith.cmpi slt, %select_n3A_1240, %lt3A_1246 : i32
      %ne3A_1248 = arith.xori %lt3A_1245, %lt3A_1247 : i1
      %and3A_1249 = arith.andi %ne3A_1248, %ne3A_1243 : i1
      %add3A_1250 = arith.addi %rem3A_1241, %select_n3A_1240 : i32
      %select_n3A_1251 = arith.select %and3A_1249, %add3A_1250, %rem3A_1241 : i32
      %jit3A_1252 = arith.constant 8 : i32
      %eq3A_1253 = arith.constant 0 : i32
      %eq3A_1254 = arith.cmpi eq, %jit3A_1252, %eq3A_1253 : i32
      %jit3A_1255 = arith.constant 1 : i32
      %select_n3A_1256 = arith.select %eq3A_1254, %jit3A_1255, %jit3A_1252 : i32
      %rem3A_1257 = arith.remsi %scan3A_738, %select_n3A_1256 : i32
      %ne3A_1258 = arith.constant 0 : i32
      %ne3A_1259 = arith.cmpi ne, %rem3A_1257, %ne3A_1258 : i32
      %lt3A_1260 = arith.constant 0 : i32
      %lt3A_1261 = arith.cmpi slt, %rem3A_1257, %lt3A_1260 : i32
      %lt3A_1262 = arith.constant 0 : i32
      %lt3A_1263 = arith.cmpi slt, %select_n3A_1256, %lt3A_1262 : i32
      %ne3A_1264 = arith.xori %lt3A_1261, %lt3A_1263 : i1
      %and3A_1265 = arith.andi %ne3A_1264, %ne3A_1259 : i1
      %add3A_1266 = arith.addi %rem3A_1257, %select_n3A_1256 : i32
      %select_n3A_1267 = arith.select %and3A_1265, %add3A_1266, %rem3A_1257 : i32
      %get3A_1268 = arith.index_cast %select_n3A_1251 : i32 to index
      %get3A_1269 = arith.index_cast %select_n3A_1267 : i32 to index
      %get3A_1270 = arith.constant 64 : index
      %get3A_1271 = tpu.vector_load %arg8[%get3A_1268, %get3A_1269, %get3A_1270] {strides = array<i32>} : memref<15x8x128xi32, #tpu.memory_space<vmem>>, vector<16xi32>,
      %add3A_1272 = arith.addi %get3A_1271, %mul3A_8 : vector<16xi32>
      %jit3A_1273 = arith.constant 8 : i32
      %div3A_1274 = arith.divsi %scan3A_738, %jit3A_1273 : i32
      %sign3A_1275 = arith.constant 0 : i32
      %sign3A_1276 = arith.cmpi sgt, %scan3A_738, %sign3A_1275 : i32
      %sign3A_1277 = arith.extui %sign3A_1276 : i1 to i32
      %sign3A_1278 = arith.constant 0 : i32
      %sign3A_1279 = arith.cmpi slt, %scan3A_738, %sign3A_1278 : i32
      %sign3A_1280 = arith.extui %sign3A_1279 : i1 to i32
      %sign3A_1281 = arith.subi %sign3A_1277, %sign3A_1280 : i32
      %sign3A_1282 = arith.constant 0 : i32
      %sign3A_1283 = arith.cmpi sgt, %jit3A_1273, %sign3A_1282 : i32
      %sign3A_1284 = arith.extui %sign3A_1283 : i1 to i32
      %sign3A_1285 = arith.constant 0 : i32
      %sign3A_1286 = arith.cmpi slt, %jit3A_1273, %sign3A_1285 : i32
      %sign3A_1287 = arith.extui %sign3A_1286 : i1 to i32
      %sign3A_1288 = arith.subi %sign3A_1284, %sign3A_1287 : i32
      %ne3A_1289 = arith.cmpi ne, %sign3A_1281, %sign3A_1288 : i32
      %rem3A_1290 = arith.remsi %scan3A_738, %jit3A_1273 : i32
      %ne3A_1291 = arith.constant 0 : i32
      %ne3A_1292 = arith.cmpi ne, %rem3A_1290, %ne3A_1291 : i32
      %and3A_1293 = arith.andi %ne3A_1289, %ne3A_1292 : i1
      %sub3A_1294 = arith.constant 1 : i32
      %sub3A_1295 = arith.subi %div3A_1274, %sub3A_1294 : i32
      %select_n3A_1296 = arith.select %and3A_1293, %sub3A_1295, %div3A_1274 : i32
      %jit3A_1297 = arith.constant 15 : i32
      %eq3A_1298 = arith.constant 0 : i32
      %eq3A_1299 = arith.cmpi eq, %jit3A_1297, %eq3A_1298 : i32
      %jit3A_1300 = arith.constant 1 : i32
      %select_n3A_1301 = arith.select %eq3A_1299, %jit3A_1300, %jit3A_1297 : i32
      %rem3A_1302 = arith.remsi %select_n3A_1296, %select_n3A_1301 : i32
      %ne3A_1303 = arith.constant 0 : i32
      %ne3A_1304 = arith.cmpi ne, %rem3A_1302, %ne3A_1303 : i32
      %lt3A_1305 = arith.constant 0 : i32
      %lt3A_1306 = arith.cmpi slt, %rem3A_1302, %lt3A_1305 : i32
      %lt3A_1307 = arith.constant 0 : i32
      %lt3A_1308 = arith.cmpi slt, %select_n3A_1301, %lt3A_1307 : i32
      %ne3A_1309 = arith.xori %lt3A_1306, %lt3A_1308 : i1
      %and3A_1310 = arith.andi %ne3A_1309, %ne3A_1304 : i1
      %add3A_1311 = arith.addi %rem3A_1302, %select_n3A_1301 : i32
      %select_n3A_1312 = arith.select %and3A_1310, %add3A_1311, %rem3A_1302 : i32
      %jit3A_1313 = arith.constant 8 : i32
      %eq3A_1314 = arith.constant 0 : i32
      %eq3A_1315 = arith.cmpi eq, %jit3A_1313, %eq3A_1314 : i32
      %jit3A_1316 = arith.constant 1 : i32
      %select_n3A_1317 = arith.select %eq3A_1315, %jit3A_1316, %jit3A_1313 : i32
      %rem3A_1318 = arith.remsi %scan3A_738, %select_n3A_1317 : i32
      %ne3A_1319 = arith.constant 0 : i32
      %ne3A_1320 = arith.cmpi ne, %rem3A_1318, %ne3A_1319 : i32
      %lt3A_1321 = arith.constant 0 : i32
      %lt3A_1322 = arith.cmpi slt, %rem3A_1318, %lt3A_1321 : i32
      %lt3A_1323 = arith.constant 0 : i32
      %lt3A_1324 = arith.cmpi slt, %select_n3A_1317, %lt3A_1323 : i32
      %ne3A_1325 = arith.xori %lt3A_1322, %lt3A_1324 : i1
      %and3A_1326 = arith.andi %ne3A_1325, %ne3A_1320 : i1
      %add3A_1327 = arith.addi %rem3A_1318, %select_n3A_1317 : i32
      %select_n3A_1328 = arith.select %and3A_1326, %add3A_1327, %rem3A_1318 : i32
      %get3A_1329 = arith.index_cast %select_n3A_1312 : i32 to index
      %get3A_1330 = arith.index_cast %select_n3A_1328 : i32 to index
      %get3A_1331 = arith.constant 80 : index
      %get3A_1332 = tpu.vector_load %arg8[%get3A_1329, %get3A_1330, %get3A_1331] {strides = array<i32>} : memref<15x8x128xi32, #tpu.memory_space<vmem>>, vector<16xi32>,
      %add3A_1333 = arith.addi %get3A_1332, %mul3A_8 : vector<16xi32>
      %jit3A_1334 = arith.constant 8 : i32
      %div3A_1335 = arith.divsi %scan3A_738, %jit3A_1334 : i32
      %sign3A_1336 = arith.constant 0 : i32
      %sign3A_1337 = arith.cmpi sgt, %scan3A_738, %sign3A_1336 : i32
      %sign3A_1338 = arith.extui %sign3A_1337 : i1 to i32
      %sign3A_1339 = arith.constant 0 : i32
      %sign3A_1340 = arith.cmpi slt, %scan3A_738, %sign3A_1339 : i32
      %sign3A_1341 = arith.extui %sign3A_1340 : i1 to i32
      %sign3A_1342 = arith.subi %sign3A_1338, %sign3A_1341 : i32
      %sign3A_1343 = arith.constant 0 : i32
      %sign3A_1344 = arith.cmpi sgt, %jit3A_1334, %sign3A_1343 : i32
      %sign3A_1345 = arith.extui %sign3A_1344 : i1 to i32
      %sign3A_1346 = arith.constant 0 : i32
      %sign3A_1347 = arith.cmpi slt, %jit3A_1334, %sign3A_1346 : i32
      %sign3A_1348 = arith.extui %sign3A_1347 : i1 to i32
      %sign3A_1349 = arith.subi %sign3A_1345, %sign3A_1348 : i32
      %ne3A_1350 = arith.cmpi ne, %sign3A_1342, %sign3A_1349 : i32
      %rem3A_1351 = arith.remsi %scan3A_738, %jit3A_1334 : i32
      %ne3A_1352 = arith.constant 0 : i32
      %ne3A_1353 = arith.cmpi ne, %rem3A_1351, %ne3A_1352 : i32
      %and3A_1354 = arith.andi %ne3A_1350, %ne3A_1353 : i1
      %sub3A_1355 = arith.constant 1 : i32
      %sub3A_1356 = arith.subi %div3A_1335, %sub3A_1355 : i32
      %select_n3A_1357 = arith.select %and3A_1354, %sub3A_1356, %div3A_1335 : i32
      %jit3A_1358 = arith.constant 15 : i32
      %eq3A_1359 = arith.constant 0 : i32
      %eq3A_1360 = arith.cmpi eq, %jit3A_1358, %eq3A_1359 : i32
      %jit3A_1361 = arith.constant 1 : i32
      %select_n3A_1362 = arith.select %eq3A_1360, %jit3A_1361, %jit3A_1358 : i32
      %rem3A_1363 = arith.remsi %select_n3A_1357, %select_n3A_1362 : i32
      %ne3A_1364 = arith.constant 0 : i32
      %ne3A_1365 = arith.cmpi ne, %rem3A_1363, %ne3A_1364 : i32
      %lt3A_1366 = arith.constant 0 : i32
      %lt3A_1367 = arith.cmpi slt, %rem3A_1363, %lt3A_1366 : i32
      %lt3A_1368 = arith.constant 0 : i32
      %lt3A_1369 = arith.cmpi slt, %select_n3A_1362, %lt3A_1368 : i32
      %ne3A_1370 = arith.xori %lt3A_1367, %lt3A_1369 : i1
      %and3A_1371 = arith.andi %ne3A_1370, %ne3A_1365 : i1
      %add3A_1372 = arith.addi %rem3A_1363, %select_n3A_1362 : i32
      %select_n3A_1373 = arith.select %and3A_1371, %add3A_1372, %rem3A_1363 : i32
      %jit3A_1374 = arith.constant 8 : i32
      %eq3A_1375 = arith.constant 0 : i32
      %eq3A_1376 = arith.cmpi eq, %jit3A_1374, %eq3A_1375 : i32
      %jit3A_1377 = arith.constant 1 : i32
      %select_n3A_1378 = arith.select %eq3A_1376, %jit3A_1377, %jit3A_1374 : i32
      %rem3A_1379 = arith.remsi %scan3A_738, %select_n3A_1378 : i32
      %ne3A_1380 = arith.constant 0 : i32
      %ne3A_1381 = arith.cmpi ne, %rem3A_1379, %ne3A_1380 : i32
      %lt3A_1382 = arith.constant 0 : i32
      %lt3A_1383 = arith.cmpi slt, %rem3A_1379, %lt3A_1382 : i32
      %lt3A_1384 = arith.constant 0 : i32
      %lt3A_1385 = arith.cmpi slt, %select_n3A_1378, %lt3A_1384 : i32
      %ne3A_1386 = arith.xori %lt3A_1383, %lt3A_1385 : i1
      %and3A_1387 = arith.andi %ne3A_1386, %ne3A_1381 : i1
      %add3A_1388 = arith.addi %rem3A_1379, %select_n3A_1378 : i32
      %select_n3A_1389 = arith.select %and3A_1387, %add3A_1388, %rem3A_1379 : i32
      %get3A_1390 = arith.index_cast %select_n3A_1373 : i32 to index
      %get3A_1391 = arith.index_cast %select_n3A_1389 : i32 to index
      %get3A_1392 = arith.constant 96 : index
      %get3A_1393 = tpu.vector_load %arg8[%get3A_1390, %get3A_1391, %get3A_1392] {strides = array<i32>} : memref<15x8x128xi32, #tpu.memory_space<vmem>>, vector<16xi32>,
      %add3A_1394 = arith.addi %get3A_1393, %mul3A_8 : vector<16xi32>
      %jit3A_1395 = arith.constant 8 : i32
      %div3A_1396 = arith.divsi %scan3A_738, %jit3A_1395 : i32
      %sign3A_1397 = arith.constant 0 : i32
      %sign3A_1398 = arith.cmpi sgt, %scan3A_738, %sign3A_1397 : i32
      %sign3A_1399 = arith.extui %sign3A_1398 : i1 to i32
      %sign3A_1400 = arith.constant 0 : i32
      %sign3A_1401 = arith.cmpi slt, %scan3A_738, %sign3A_1400 : i32
      %sign3A_1402 = arith.extui %sign3A_1401 : i1 to i32
      %sign3A_1403 = arith.subi %sign3A_1399, %sign3A_1402 : i32
      %sign3A_1404 = arith.constant 0 : i32
      %sign3A_1405 = arith.cmpi sgt, %jit3A_1395, %sign3A_1404 : i32
      %sign3A_1406 = arith.extui %sign3A_1405 : i1 to i32
      %sign3A_1407 = arith.constant 0 : i32
      %sign3A_1408 = arith.cmpi slt, %jit3A_1395, %sign3A_1407 : i32
      %sign3A_1409 = arith.extui %sign3A_1408 : i1 to i32
      %sign3A_1410 = arith.subi %sign3A_1406, %sign3A_1409 : i32
      %ne3A_1411 = arith.cmpi ne, %sign3A_1403, %sign3A_1410 : i32
      %rem3A_1412 = arith.remsi %scan3A_738, %jit3A_1395 : i32
      %ne3A_1413 = arith.constant 0 : i32
      %ne3A_1414 = arith.cmpi ne, %rem3A_1412, %ne3A_1413 : i32
      %and3A_1415 = arith.andi %ne3A_1411, %ne3A_1414 : i1
      %sub3A_1416 = arith.constant 1 : i32
      %sub3A_1417 = arith.subi %div3A_1396, %sub3A_1416 : i32
      %select_n3A_1418 = arith.select %and3A_1415, %sub3A_1417, %div3A_1396 : i32
      %jit3A_1419 = arith.constant 15 : i32
      %eq3A_1420 = arith.constant 0 : i32
      %eq3A_1421 = arith.cmpi eq, %jit3A_1419, %eq3A_1420 : i32
      %jit3A_1422 = arith.constant 1 : i32
      %select_n3A_1423 = arith.select %eq3A_1421, %jit3A_1422, %jit3A_1419 : i32
      %rem3A_1424 = arith.remsi %select_n3A_1418, %select_n3A_1423 : i32
      %ne3A_1425 = arith.constant 0 : i32
      %ne3A_1426 = arith.cmpi ne, %rem3A_1424, %ne3A_1425 : i32
      %lt3A_1427 = arith.constant 0 : i32
      %lt3A_1428 = arith.cmpi slt, %rem3A_1424, %lt3A_1427 : i32
      %lt3A_1429 = arith.constant 0 : i32
      %lt3A_1430 = arith.cmpi slt, %select_n3A_1423, %lt3A_1429 : i32
      %ne3A_1431 = arith.xori %lt3A_1428, %lt3A_1430 : i1
      %and3A_1432 = arith.andi %ne3A_1431, %ne3A_1426 : i1
      %add3A_1433 = arith.addi %rem3A_1424, %select_n3A_1423 : i32
      %select_n3A_1434 = arith.select %and3A_1432, %add3A_1433, %rem3A_1424 : i32
      %jit3A_1435 = arith.constant 8 : i32
      %eq3A_1436 = arith.constant 0 : i32
      %eq3A_1437 = arith.cmpi eq, %jit3A_1435, %eq3A_1436 : i32
      %jit3A_1438 = arith.constant 1 : i32
      %select_n3A_1439 = arith.select %eq3A_1437, %jit3A_1438, %jit3A_1435 : i32
      %rem3A_1440 = arith.remsi %scan3A_738, %select_n3A_1439 : i32
      %ne3A_1441 = arith.constant 0 : i32
      %ne3A_1442 = arith.cmpi ne, %rem3A_1440, %ne3A_1441 : i32
      %lt3A_1443 = arith.constant 0 : i32
      %lt3A_1444 = arith.cmpi slt, %rem3A_1440, %lt3A_1443 : i32
      %lt3A_1445 = arith.constant 0 : i32
      %lt3A_1446 = arith.cmpi slt, %select_n3A_1439, %lt3A_1445 : i32
      %ne3A_1447 = arith.xori %lt3A_1444, %lt3A_1446 : i1
      %and3A_1448 = arith.andi %ne3A_1447, %ne3A_1442 : i1
      %add3A_1449 = arith.addi %rem3A_1440, %select_n3A_1439 : i32
      %select_n3A_1450 = arith.select %and3A_1448, %add3A_1449, %rem3A_1440 : i32
      %get3A_1451 = arith.index_cast %select_n3A_1434 : i32 to index
      %get3A_1452 = arith.index_cast %select_n3A_1450 : i32 to index
      %get3A_1453 = arith.constant 112 : index
      %get3A_1454 = tpu.vector_load %arg8[%get3A_1451, %get3A_1452, %get3A_1453] {strides = array<i32>} : memref<15x8x128xi32, #tpu.memory_space<vmem>>, vector<16xi32>,
      %add3A_1455 = arith.addi %get3A_1454, %mul3A_8 : vector<16xi32>
      %parallel_loop3A_1456 = arith.constant 0 : i32
      %parallel_loop3A_1457 = arith.constant 128 : i32
      %parallel_loop3A_1458 = arith.constant 1 : i32
      scf.for %parallel_loop3A_1498 = %parallel_loop3A_1456 to %parallel_loop3A_1457 step %parallel_loop3A_1458  : i32 {
        %parallel_loop3A_1499 = vector.broadcast %parallel_loop3A_1498 : i32 to vector<16xi32>
        %parallel_loop3A_1500 = arith.addi %broadcast_in_dim3A_3, %parallel_loop3A_1499 : vector<16xi32>
        %parallel_loop3A_1501 = arith.addi %mul3A_965, %parallel_loop3A_1498 : i32
        %parallel_loop3A_1502 = arith.index_cast %parallel_loop3A_1501 : i32 to index
        %parallel_loop3A_1503 = arith.constant 0 : index
        %parallel_loop3A_1504 = tpu.vector_load %arg9[%parallel_loop3A_1502, %parallel_loop3A_1503] {strides = array<i32>} : memref<256x64xf32, #tpu.memory_space<vmem>>, vector<16xf32>,
        tpu.vector_store_idx %arg10[%add3A_967, %select_n3A, %select_n3A_160, %parallel_loop3A_1500], %parallel_loop3A_1504 : memref<2x10x8x129xf32, #tpu.memory_space<vmem>>[vector<16xi32>, vector<16xi32>, vector<16xi32>, vector<16xi32>], vector<16xf32>,
        %parallel_loop3A_1505 = arith.addi %mul3A_965, %parallel_loop3A_1498 : i32
        %parallel_loop3A_1506 = arith.index_cast %parallel_loop3A_1505 : i32 to index
        %parallel_loop3A_1507 = arith.constant 16 : index
        %parallel_loop3A_1508 = tpu.vector_load %arg9[%parallel_loop3A_1506, %parallel_loop3A_1507] {strides = array<i32>} : memref<256x64xf32, #tpu.memory_space<vmem>>, vector<16xf32>,
        tpu.vector_store_idx %arg10[%add3A_967, %select_n3A_69, %select_n3A_185, %parallel_loop3A_1500], %parallel_loop3A_1508 : memref<2x10x8x129xf32, #tpu.memory_space<vmem>>[vector<16xi32>, vector<16xi32>, vector<16xi32>, vector<16xi32>], vector<16xf32>,
        %parallel_loop3A_1509 = arith.addi %mul3A_965, %parallel_loop3A_1498 : i32
        %parallel_loop3A_1510 = arith.index_cast %parallel_loop3A_1509 : i32 to index
        %parallel_loop3A_1511 = arith.constant 32 : index
        %parallel_loop3A_1512 = tpu.vector_load %arg9[%parallel_loop3A_1510, %parallel_loop3A_1511] {strides = array<i32>} : memref<256x64xf32, #tpu.memory_space<vmem>>, vector<16xf32>,
        tpu.vector_store_idx %arg10[%add3A_967, %select_n3A_103, %select_n3A_210, %parallel_loop3A_1500], %parallel_loop3A_1512 : memref<2x10x8x129xf32, #tpu.memory_space<vmem>>[vector<16xi32>, vector<16xi32>, vector<16xi32>, vector<16xi32>], vector<16xf32>,
        %parallel_loop3A_1513 = arith.addi %mul3A_965, %parallel_loop3A_1498 : i32
        %parallel_loop3A_1514 = arith.index_cast %parallel_loop3A_1513 : i32 to index
        %parallel_loop3A_1515 = arith.constant 48 : index
        %parallel_loop3A_1516 = tpu.vector_load %arg9[%parallel_loop3A_1514, %parallel_loop3A_1515] {strides = array<i32>} : memref<256x64xf32, #tpu.memory_space<vmem>>, vector<16xf32>,
        tpu.vector_store_idx %arg10[%add3A_967, %select_n3A_137, %select_n3A_235, %parallel_loop3A_1500], %parallel_loop3A_1516 : memref<2x10x8x129xf32, #tpu.memory_space<vmem>>[vector<16xi32>, vector<16xi32>, vector<16xi32>, vector<16xi32>], vector<16xf32>,
      } {sc.loop_unroll_factor = 4 : i64, sc.parallel_access}
      %parallel_loop3A_1459 = arith.constant 0 : i32
      %parallel_loop3A_1460 = arith.constant 16 : i32
      %parallel_loop3A_1461 = arith.constant 1 : i32
      scf.for %parallel_loop3A_1498 = %parallel_loop3A_1459 to %parallel_loop3A_1460 step %parallel_loop3A_1461  : i32 {
        %parallel_loop3A_1499 = arith.constant 8 : i32
        %parallel_loop3A_1500 = arith.divsi %parallel_loop3A_1498, %parallel_loop3A_1499 : i32
        %parallel_loop3A_1501 = arith.constant 0 : i32
        %parallel_loop3A_1502 = arith.cmpi sgt, %parallel_loop3A_1498, %parallel_loop3A_1501 : i32
        %parallel_loop3A_1503 = arith.extui %parallel_loop3A_1502 : i1 to i32
        %parallel_loop3A_1504 = arith.constant 0 : i32
        %parallel_loop3A_1505 = arith.cmpi slt, %parallel_loop3A_1498, %parallel_loop3A_1504 : i32
        %parallel_loop3A_1506 = arith.extui %parallel_loop3A_1505 : i1 to i32
        %parallel_loop3A_1507 = arith.subi %parallel_loop3A_1503, %parallel_loop3A_1506 : i32
        %parallel_loop3A_1508 = arith.constant 0 : i32
        %parallel_loop3A_1509 = arith.cmpi sgt, %parallel_loop3A_1499, %parallel_loop3A_1508 : i32
        %parallel_loop3A_1510 = arith.extui %parallel_loop3A_1509 : i1 to i32
        %parallel_loop3A_1511 = arith.constant 0 : i32
        %parallel_loop3A_1512 = arith.cmpi slt, %parallel_loop3A_1499, %parallel_loop3A_1511 : i32
        %parallel_loop3A_1513 = arith.extui %parallel_loop3A_1512 : i1 to i32
        %parallel_loop3A_1514 = arith.subi %parallel_loop3A_1510, %parallel_loop3A_1513 : i32
        %parallel_loop3A_1515 = arith.cmpi ne, %parallel_loop3A_1507, %parallel_loop3A_1514 : i32
        %parallel_loop3A_1516 = arith.remsi %parallel_loop3A_1498, %parallel_loop3A_1499 : i32
        %parallel_loop3A_1517 = arith.constant 0 : i32
        %parallel_loop3A_1518 = arith.cmpi ne, %parallel_loop3A_1516, %parallel_loop3A_1517 : i32
        %parallel_loop3A_1519 = arith.andi %parallel_loop3A_1515, %parallel_loop3A_1518 : i1
        %parallel_loop3A_1520 = arith.constant 1 : i32
        %parallel_loop3A_1521 = arith.subi %parallel_loop3A_1500, %parallel_loop3A_1520 : i32
        %parallel_loop3A_1522 = arith.select %parallel_loop3A_1519, %parallel_loop3A_1521, %parallel_loop3A_1500 : i32
        %parallel_loop3A_1523 = arith.constant 8 : i32
        %parallel_loop3A_1524 = arith.addi %parallel_loop3A_1523, %parallel_loop3A_1522 : i32
        %parallel_loop3A_1525 = arith.constant 8 : i32
        %parallel_loop3A_1526 = arith.remsi %parallel_loop3A_1498, %parallel_loop3A_1525 : i32
        %parallel_loop3A_1527 = vector.broadcast %parallel_loop3A_1498 : i32 to vector<16xi32>
        %parallel_loop3A_1528 = arith.addi %broadcast_in_dim3A_3, %parallel_loop3A_1527 : vector<16xi32>
        %parallel_loop3A_1529 = tpu.vector_load_idx %arg11[%add3A_1028, %parallel_loop3A_1528] : memref<16x17xf32, #tpu.memory_space<vmem>>[vector<16xi32>, vector<16xi32>], vector<16xf32>,
        %parallel_loop3A_1530 = arith.index_cast %select_n3A_963 : i32 to index
        %parallel_loop3A_1531 = arith.index_cast %parallel_loop3A_1524 : i32 to index
        %parallel_loop3A_1532 = arith.index_cast %parallel_loop3A_1526 : i32 to index
        %parallel_loop3A_1533 = arith.constant 0 : index
        %parallel_loop3A_1534 = tpu.vector_load %arg10[%parallel_loop3A_1530, %parallel_loop3A_1531, %parallel_loop3A_1532, %parallel_loop3A_1533] {strides = array<i32>} : memref<2x10x8x129xf32, #tpu.memory_space<vmem>>, vector<16xf32>,
        tpu.vector_store %arg10[%parallel_loop3A_1530, %parallel_loop3A_1531, %parallel_loop3A_1532, %parallel_loop3A_1533], %parallel_loop3A_1529 {strides = array<i32>} : memref<2x10x8x129xf32, #tpu.memory_space<vmem>>, vector<16xf32>,
        %parallel_loop3A_1535 = tpu.vector_load_idx %arg11[%add3A_1089, %parallel_loop3A_1528] : memref<16x17xf32, #tpu.memory_space<vmem>>[vector<16xi32>, vector<16xi32>], vector<16xf32>,
        %parallel_loop3A_1536 = arith.index_cast %select_n3A_963 : i32 to index
        %parallel_loop3A_1537 = arith.index_cast %parallel_loop3A_1524 : i32 to index
        %parallel_loop3A_1538 = arith.index_cast %parallel_loop3A_1526 : i32 to index
        %parallel_loop3A_1539 = arith.constant 16 : index
        %parallel_loop3A_1540 = tpu.vector_load %arg10[%parallel_loop3A_1536, %parallel_loop3A_1537, %parallel_loop3A_1538, %parallel_loop3A_1539] {strides = array<i32>} : memref<2x10x8x129xf32, #tpu.memory_space<vmem>>, vector<16xf32>,
        tpu.vector_store %arg10[%parallel_loop3A_1536, %parallel_loop3A_1537, %parallel_loop3A_1538, %parallel_loop3A_1539], %parallel_loop3A_1535 {strides = array<i32>} : memref<2x10x8x129xf32, #tpu.memory_space<vmem>>, vector<16xf32>,
        %parallel_loop3A_1541 = tpu.vector_load_idx %arg11[%add3A_1150, %parallel_loop3A_1528] : memref<16x17xf32, #tpu.memory_space<vmem>>[vector<16xi32>, vector<16xi32>], vector<16xf32>,
        %parallel_loop3A_1542 = arith.index_cast %select_n3A_963 : i32 to index
        %parallel_loop3A_1543 = arith.index_cast %parallel_loop3A_1524 : i32 to index
        %parallel_loop3A_1544 = arith.index_cast %parallel_loop3A_1526 : i32 to index
        %parallel_loop3A_1545 = arith.constant 32 : index
        %parallel_loop3A_1546 = tpu.vector_load %arg10[%parallel_loop3A_1542, %parallel_loop3A_1543, %parallel_loop3A_1544, %parallel_loop3A_1545] {strides = array<i32>} : memref<2x10x8x129xf32, #tpu.memory_space<vmem>>, vector<16xf32>,
        tpu.vector_store %arg10[%parallel_loop3A_1542, %parallel_loop3A_1543, %parallel_loop3A_1544, %parallel_loop3A_1545], %parallel_loop3A_1541 {strides = array<i32>} : memref<2x10x8x129xf32, #tpu.memory_space<vmem>>, vector<16xf32>,
        %parallel_loop3A_1547 = tpu.vector_load_idx %arg11[%add3A_1211, %parallel_loop3A_1528] : memref<16x17xf32, #tpu.memory_space<vmem>>[vector<16xi32>, vector<16xi32>], vector<16xf32>,
        %parallel_loop3A_1548 = arith.index_cast %select_n3A_963 : i32 to index
        %parallel_loop3A_1549 = arith.index_cast %parallel_loop3A_1524 : i32 to index
        %parallel_loop3A_1550 = arith.index_cast %parallel_loop3A_1526 : i32 to index
        %parallel_loop3A_1551 = arith.constant 48 : index
        %parallel_loop3A_1552 = tpu.vector_load %arg10[%parallel_loop3A_1548, %parallel_loop3A_1549, %parallel_loop3A_1550, %parallel_loop3A_1551] {strides = array<i32>} : memref<2x10x8x129xf32, #tpu.memory_space<vmem>>, vector<16xf32>,
        tpu.vector_store %arg10[%parallel_loop3A_1548, %parallel_loop3A_1549, %parallel_loop3A_1550, %parallel_loop3A_1551], %parallel_loop3A_1547 {strides = array<i32>} : memref<2x10x8x129xf32, #tpu.memory_space<vmem>>, vector<16xf32>,
        %parallel_loop3A_1553 = tpu.vector_load_idx %arg11[%add3A_1272, %parallel_loop3A_1528] : memref<16x17xf32, #tpu.memory_space<vmem>>[vector<16xi32>, vector<16xi32>], vector<16xf32>,
        %parallel_loop3A_1554 = arith.index_cast %select_n3A_963 : i32 to index
        %parallel_loop3A_1555 = arith.index_cast %parallel_loop3A_1524 : i32 to index
        %parallel_loop3A_1556 = arith.index_cast %parallel_loop3A_1526 : i32 to index
        %parallel_loop3A_1557 = arith.constant 64 : index
        %parallel_loop3A_1558 = tpu.vector_load %arg10[%parallel_loop3A_1554, %parallel_loop3A_1555, %parallel_loop3A_1556, %parallel_loop3A_1557] {strides = array<i32>} : memref<2x10x8x129xf32, #tpu.memory_space<vmem>>, vector<16xf32>,
        tpu.vector_store %arg10[%parallel_loop3A_1554, %parallel_loop3A_1555, %parallel_loop3A_1556, %parallel_loop3A_1557], %parallel_loop3A_1553 {strides = array<i32>} : memref<2x10x8x129xf32, #tpu.memory_space<vmem>>, vector<16xf32>,
        %parallel_loop3A_1559 = tpu.vector_load_idx %arg11[%add3A_1333, %parallel_loop3A_1528] : memref<16x17xf32, #tpu.memory_space<vmem>>[vector<16xi32>, vector<16xi32>], vector<16xf32>,
        %parallel_loop3A_1560 = arith.index_cast %select_n3A_963 : i32 to index
        %parallel_loop3A_1561 = arith.index_cast %parallel_loop3A_1524 : i32 to index
        %parallel_loop3A_1562 = arith.index_cast %parallel_loop3A_1526 : i32 to index
        %parallel_loop3A_1563 = arith.constant 80 : index
        %parallel_loop3A_1564 = tpu.vector_load %arg10[%parallel_loop3A_1560, %parallel_loop3A_1561, %parallel_loop3A_1562, %parallel_loop3A_1563] {strides = array<i32>} : memref<2x10x8x129xf32, #tpu.memory_space<vmem>>, vector<16xf32>,
        tpu.vector_store %arg10[%parallel_loop3A_1560, %parallel_loop3A_1561, %parallel_loop3A_1562, %parallel_loop3A_1563], %parallel_loop3A_1559 {strides = array<i32>} : memref<2x10x8x129xf32, #tpu.memory_space<vmem>>, vector<16xf32>,
        %parallel_loop3A_1565 = tpu.vector_load_idx %arg11[%add3A_1394, %parallel_loop3A_1528] : memref<16x17xf32, #tpu.memory_space<vmem>>[vector<16xi32>, vector<16xi32>], vector<16xf32>,
        %parallel_loop3A_1566 = arith.index_cast %select_n3A_963 : i32 to index
        %parallel_loop3A_1567 = arith.index_cast %parallel_loop3A_1524 : i32 to index
        %parallel_loop3A_1568 = arith.index_cast %parallel_loop3A_1526 : i32 to index
        %parallel_loop3A_1569 = arith.constant 96 : index
        %parallel_loop3A_1570 = tpu.vector_load %arg10[%parallel_loop3A_1566, %parallel_loop3A_1567, %parallel_loop3A_1568, %parallel_loop3A_1569] {strides = array<i32>} : memref<2x10x8x129xf32, #tpu.memory_space<vmem>>, vector<16xf32>,
        tpu.vector_store %arg10[%parallel_loop3A_1566, %parallel_loop3A_1567, %parallel_loop3A_1568, %parallel_loop3A_1569], %parallel_loop3A_1565 {strides = array<i32>} : memref<2x10x8x129xf32, #tpu.memory_space<vmem>>, vector<16xf32>,
        %parallel_loop3A_1571 = tpu.vector_load_idx %arg11[%add3A_1455, %parallel_loop3A_1528] : memref<16x17xf32, #tpu.memory_space<vmem>>[vector<16xi32>, vector<16xi32>], vector<16xf32>,
        %parallel_loop3A_1572 = arith.index_cast %select_n3A_963 : i32 to index
        %parallel_loop3A_1573 = arith.index_cast %parallel_loop3A_1524 : i32 to index
        %parallel_loop3A_1574 = arith.index_cast %parallel_loop3A_1526 : i32 to index
        %parallel_loop3A_1575 = arith.constant 112 : index
        %parallel_loop3A_1576 = tpu.vector_load %arg10[%parallel_loop3A_1572, %parallel_loop3A_1573, %parallel_loop3A_1574, %parallel_loop3A_1575] {strides = array<i32>} : memref<2x10x8x129xf32, #tpu.memory_space<vmem>>, vector<16xf32>,
        tpu.vector_store %arg10[%parallel_loop3A_1572, %parallel_loop3A_1573, %parallel_loop3A_1574, %parallel_loop3A_1575], %parallel_loop3A_1571 {strides = array<i32>} : memref<2x10x8x129xf32, #tpu.memory_space<vmem>>, vector<16xf32>,
      } {sc.loop_unroll_factor = 2 : i64, sc.parallel_access}
      %jit3A_1462 = arith.constant 2 : i32
      %eq3A_1463 = arith.constant 0 : i32
      %eq3A_1464 = arith.cmpi eq, %jit3A_1462, %eq3A_1463 : i32
      %jit3A_1465 = arith.constant 1 : i32
      %select_n3A_1466 = arith.select %eq3A_1464, %jit3A_1465, %jit3A_1462 : i32
      %rem3A_1467 = arith.remsi %scan3A_738, %select_n3A_1466 : i32
      %ne3A_1468 = arith.constant 0 : i32
      %ne3A_1469 = arith.cmpi ne, %rem3A_1467, %ne3A_1468 : i32
      %lt3A_1470 = arith.constant 0 : i32
      %lt3A_1471 = arith.cmpi slt, %rem3A_1467, %lt3A_1470 : i32
      %lt3A_1472 = arith.constant 0 : i32
      %lt3A_1473 = arith.cmpi slt, %select_n3A_1466, %lt3A_1472 : i32
      %ne3A_1474 = arith.xori %lt3A_1471, %lt3A_1473 : i1
      %and3A_1475 = arith.andi %ne3A_1474, %ne3A_1469 : i1
      %add3A_1476 = arith.addi %rem3A_1467, %select_n3A_1466 : i32
      %select_n3A_1477 = arith.select %and3A_1475, %add3A_1476, %rem3A_1467 : i32
      %dma_start3A_1478 = arith.constant 0 : i32
      %dma_start3A_1479 = arith.constant 0 : i32
      %dma_start3A_1480 = arith.constant 0 : i32
      %dma_start3A_1481 = tpu.memref_slice %arg10[%select_n3A_1477, %dma_start3A_1478, %dma_start3A_1479, %dma_start3A_1480] : memref<2x10x8x129xf32, #tpu.memory_space<vmem>> -> memref<1x10x8x128xf32, #tpu.memory_space<vmem>>
      %dma_start3A_1482 = tpu.memref_squeeze %dma_start3A_1481 : memref<1x10x8x128xf32, #tpu.memory_space<vmem>> -> memref<10x8x128xf32, #tpu.memory_space<vmem>>
      %dma_start3A_1483 = arith.constant 0 : i32
      %dma_start3A_1484 = arith.constant 0 : i32
      %dma_start3A_1485 = arith.constant 0 : i32
      %dma_start3A_1486 = tpu.memref_slice %arg6[%scan3A_738, %dma_start3A_1483, %add3A, %dma_start3A_1484, %dma_start3A_1485] : memref<200x10x32x8x128xf32, #tpu.memory_space<hbm>> -> memref<1x10x1x8x128xf32, #tpu.memory_space<hbm>>
      %dma_start3A_1487 = tpu.memref_squeeze %dma_start3A_1486 : memref<1x10x1x8x128xf32, #tpu.memory_space<hbm>> -> memref<10x8x128xf32, #tpu.memory_space<hbm>>
      %dma_start3A_1488 = arith.constant 0 : i32
      %dma_start3A_1489 = arith.constant 0 : i32
      %dma_start3A_1490 = arith.constant 0 : i32
      %dma_start3A_1491 = tpu.memref_slice %arg6[%scan3A_738, %dma_start3A_1488, %add3A, %dma_start3A_1489, %dma_start3A_1490] : memref<200x10x32x8x128xf32, #tpu.memory_space<hbm>> -> memref<1x10x1x8x128xf32, #tpu.memory_space<hbm>>
      %dma_start3A_1492 = tpu.memref_squeeze %dma_start3A_1491 : memref<1x10x1x8x128xf32, #tpu.memory_space<hbm>> -> memref<10x8x128xf32, #tpu.memory_space<hbm>>
      %dma_start3A_1493 = arith.constant 0 : i32
      %dma_start3A_1494 = arith.constant 0 : i32
      %dma_start3A_1495 = arith.constant 0 : i32
      %dma_start3A_1496 = tpu.memref_slice %arg10[%select_n3A_1477, %dma_start3A_1493, %dma_start3A_1494, %dma_start3A_1495] : memref<2x10x8x129xf32, #tpu.memory_space<vmem>> -> memref<1x10x8x128xf32, #tpu.memory_space<vmem>>
      %dma_start3A_1497 = tpu.memref_squeeze %dma_start3A_1496 : memref<1x10x8x128xf32, #tpu.memory_space<vmem>> -> memref<10x8x128xf32, #tpu.memory_space<vmem>>
      tpu.enqueue_dma source(%dma_start3A_1497 : memref<10x8x128xf32, #tpu.memory_space<vmem>>) target(%dma_start3A_1492 : memref<10x8x128xf32, #tpu.memory_space<hbm>>) target_semaphore(%arg14 : memref<!tpu.dma_semaphore, #tpu.memory_space<semaphore_mem>>)
    }
    %scan3A_573 = arith.constant 197 : i32
    %dma_wait3A_574 = arith.constant 1 : i32
    %dma_wait3A_575 = arith.constant 197 : i32
    %dma_wait3A_576 = arith.constant 0 : i32
    %dma_wait3A_577 = arith.constant 0 : i32
    %dma_wait3A_578 = arith.constant 0 : i32
    %dma_wait3A_579 = tpu.memref_slice %arg10[%dma_wait3A_574, %dma_wait3A_576, %dma_wait3A_577, %dma_wait3A_578] : memref<2x10x8x129xf32, #tpu.memory_space<vmem>> -> memref<1x10x8x128xf32, #tpu.memory_space<vmem>>
    %dma_wait3A_580 = tpu.memref_squeeze %dma_wait3A_579 : memref<1x10x8x128xf32, #tpu.memory_space<vmem>> -> memref<10x8x128xf32, #tpu.memory_space<vmem>>
    %dma_wait3A_581 = arith.constant 0 : i32
    %dma_wait3A_582 = arith.constant 0 : i32
    %dma_wait3A_583 = arith.constant 0 : i32
    %dma_wait3A_584 = tpu.memref_slice %arg6[%dma_wait3A_575, %dma_wait3A_581, %add3A, %dma_wait3A_582, %dma_wait3A_583] : memref<200x10x32x8x128xf32, #tpu.memory_space<hbm>> -> memref<1x10x1x8x128xf32, #tpu.memory_space<hbm>>
    %dma_wait3A_585 = tpu.memref_squeeze %dma_wait3A_584 : memref<1x10x1x8x128xf32, #tpu.memory_space<hbm>> -> memref<10x8x128xf32, #tpu.memory_space<hbm>>
    %dma_wait3A_586 = arith.constant 0 : i32
    %dma_wait3A_587 = arith.constant 0 : i32
    %dma_wait3A_588 = arith.constant 0 : i32
    %dma_wait3A_589 = tpu.memref_slice %arg6[%dma_wait3A_575, %dma_wait3A_586, %add3A, %dma_wait3A_587, %dma_wait3A_588] : memref<200x10x32x8x128xf32, #tpu.memory_space<hbm>> -> memref<1x10x1x8x128xf32, #tpu.memory_space<hbm>>
    %dma_wait3A_590 = tpu.memref_squeeze %dma_wait3A_589 : memref<1x10x1x8x128xf32, #tpu.memory_space<hbm>> -> memref<10x8x128xf32, #tpu.memory_space<hbm>>
    %dma_wait3A_591 = arith.constant 0 : i32
    %dma_wait3A_592 = arith.constant 0 : i32
    %dma_wait3A_593 = arith.constant 0 : i32
    %dma_wait3A_594 = tpu.memref_slice %arg10[%dma_wait3A_574, %dma_wait3A_591, %dma_wait3A_592, %dma_wait3A_593] : memref<2x10x8x129xf32, #tpu.memory_space<vmem>> -> memref<1x10x8x128xf32, #tpu.memory_space<vmem>>
    %dma_wait3A_595 = tpu.memref_squeeze %dma_wait3A_594 : memref<1x10x8x128xf32, #tpu.memory_space<vmem>> -> memref<10x8x128xf32, #tpu.memory_space<vmem>>
    tpu.wait_dma2 semaphore(%arg14 : memref<!tpu.dma_semaphore, #tpu.memory_space<semaphore_mem>>) src(%dma_wait3A_595 : memref<10x8x128xf32, #tpu.memory_space<vmem>>) dst(%dma_wait3A_590 : memref<10x8x128xf32, #tpu.memory_space<hbm>>)
    %dma_wait3A_596 = arith.constant 9 : i32
    %dma_wait3A_597 = arith.constant 7 : i32
    %dma_wait3A_598 = arith.constant 128 : i32
    %dma_wait3A_599 = arith.constant 0 : i32
    %dma_wait3A_600 = tpu.memref_slice %arg9[%dma_wait3A_598, %dma_wait3A_599] : memref<256x64xf32, #tpu.memory_space<vmem>> -> memref<128x64xf32, #tpu.memory_space<vmem>>
    %dma_wait3A_601 = arith.constant 0 : i32
    %dma_wait3A_602 = tpu.memref_slice %arg7[%dma_wait3A_596, %dma_wait3A_597, %dma_wait3A_601] : memref<15x8x128xi32, #tpu.memory_space<vmem>> -> memref<1x1x128xi32, #tpu.memory_space<vmem>>
    %dma_wait3A_603 = tpu.memref_squeeze %dma_wait3A_602 : memref<1x1x128xi32, #tpu.memory_space<vmem>> -> memref<128xi32, #tpu.memory_space<vmem>>
    %dma_wait3A_604 = arith.constant 0 : i32
    %dma_wait3A_605 = arith.constant 0 : i32
    %dma_wait3A_606 = tpu.memref_slice %arg4[%dma_wait3A_604, %dma_wait3A_605] : memref<1000000x64xf32, #tpu.memory_space<hbm>> -> memref<1000000x64xf32, #tpu.memory_space<hbm>>
    tpu.wait_indirect_dma semaphore(%arg13 : memref<!tpu.dma_semaphore, #tpu.memory_space<semaphore_mem>>) src(%dma_wait3A_606 : memref<1000000x64xf32, #tpu.memory_space<hbm>>) dst(%dma_wait3A_600 : memref<128x64xf32, #tpu.memory_space<vmem>>)
    %add3A_607 = arith.constant 1 : i32
    %add3A_608 = vector.broadcast %add3A_607 : i32 to vector<16xi32>
    %add3A_609 = arith.addi %broadcast_in_dim3A_3, %add3A_608 : vector<16xi32>
    %get3A_610 = arith.constant 9 : i32
    %get3A_611 = arith.constant 7 : i32
    %get3A_612 = arith.index_cast %get3A_610 : i32 to index
    %get3A_613 = arith.index_cast %get3A_611 : i32 to index
    %get3A_614 = arith.constant 0 : index
    %get3A_615 = tpu.vector_load %arg8[%get3A_612, %get3A_613, %get3A_614] {strides = array<i32>} : memref<15x8x128xi32, #tpu.memory_space<vmem>>, vector<16xi32>,
    %add3A_616 = arith.addi %get3A_615, %mul3A_8 : vector<16xi32>
    %get3A_617 = arith.constant 9 : i32
    %get3A_618 = arith.constant 7 : i32
    %get3A_619 = arith.index_cast %get3A_617 : i32 to index
    %get3A_620 = arith.index_cast %get3A_618 : i32 to index
    %get3A_621 = arith.constant 16 : index
    %get3A_622 = tpu.vector_load %arg8[%get3A_619, %get3A_620, %get3A_621] {strides = array<i32>} : memref<15x8x128xi32, #tpu.memory_space<vmem>>, vector<16xi32>,
    %add3A_623 = arith.addi %get3A_622, %mul3A_8 : vector<16xi32>
    %get3A_624 = arith.constant 9 : i32
    %get3A_625 = arith.constant 7 : i32
    %get3A_626 = arith.index_cast %get3A_624 : i32 to index
    %get3A_627 = arith.index_cast %get3A_625 : i32 to index
    %get3A_628 = arith.constant 32 : index
    %get3A_629 = tpu.vector_load %arg8[%get3A_626, %get3A_627, %get3A_628] {strides = array<i32>} : memref<15x8x128xi32, #tpu.memory_space<vmem>>, vector<16xi32>,
    %add3A_630 = arith.addi %get3A_629, %mul3A_8 : vector<16xi32>
    %get3A_631 = arith.constant 9 : i32
    %get3A_632 = arith.constant 7 : i32
    %get3A_633 = arith.index_cast %get3A_631 : i32 to index
    %get3A_634 = arith.index_cast %get3A_632 : i32 to index
    %get3A_635 = arith.constant 48 : index
    %get3A_636 = tpu.vector_load %arg8[%get3A_633, %get3A_634, %get3A_635] {strides = array<i32>} : memref<15x8x128xi32, #tpu.memory_space<vmem>>, vector<16xi32>,
    %add3A_637 = arith.addi %get3A_636, %mul3A_8 : vector<16xi32>
    %get3A_638 = arith.constant 9 : i32
    %get3A_639 = arith.constant 7 : i32
    %get3A_640 = arith.index_cast %get3A_638 : i32 to index
    %get3A_641 = arith.index_cast %get3A_639 : i32 to index
    %get3A_642 = arith.constant 64 : index
    %get3A_643 = tpu.vector_load %arg8[%get3A_640, %get3A_641, %get3A_642] {strides = array<i32>} : memref<15x8x128xi32, #tpu.memory_space<vmem>>, vector<16xi32>,
    %add3A_644 = arith.addi %get3A_643, %mul3A_8 : vector<16xi32>
    %get3A_645 = arith.constant 9 : i32
    %get3A_646 = arith.constant 7 : i32
    %get3A_647 = arith.index_cast %get3A_645 : i32 to index
    %get3A_648 = arith.index_cast %get3A_646 : i32 to index
    %get3A_649 = arith.constant 80 : index
    %get3A_650 = tpu.vector_load %arg8[%get3A_647, %get3A_648, %get3A_649] {strides = array<i32>} : memref<15x8x128xi32, #tpu.memory_space<vmem>>, vector<16xi32>,
    %add3A_651 = arith.addi %get3A_650, %mul3A_8 : vector<16xi32>
    %get3A_652 = arith.constant 9 : i32
    %get3A_653 = arith.constant 7 : i32
    %get3A_654 = arith.index_cast %get3A_652 : i32 to index
    %get3A_655 = arith.index_cast %get3A_653 : i32 to index
    %get3A_656 = arith.constant 96 : index
    %get3A_657 = tpu.vector_load %arg8[%get3A_654, %get3A_655, %get3A_656] {strides = array<i32>} : memref<15x8x128xi32, #tpu.memory_space<vmem>>, vector<16xi32>,
    %add3A_658 = arith.addi %get3A_657, %mul3A_8 : vector<16xi32>
    %get3A_659 = arith.constant 9 : i32
    %get3A_660 = arith.constant 7 : i32
    %get3A_661 = arith.index_cast %get3A_659 : i32 to index
    %get3A_662 = arith.index_cast %get3A_660 : i32 to index
    %get3A_663 = arith.constant 112 : index
    %get3A_664 = tpu.vector_load %arg8[%get3A_661, %get3A_662, %get3A_663] {strides = array<i32>} : memref<15x8x128xi32, #tpu.memory_space<vmem>>, vector<16xi32>,
    %add3A_665 = arith.addi %get3A_664, %mul3A_8 : vector<16xi32>
    %parallel_loop3A_666 = arith.constant 0 : i32
    %parallel_loop3A_667 = arith.constant 128 : i32
    %parallel_loop3A_668 = arith.constant 1 : i32
    scf.for %parallel_loop3A_738 = %parallel_loop3A_666 to %parallel_loop3A_667 step %parallel_loop3A_668  : i32 {
      %parallel_loop3A_739 = vector.broadcast %parallel_loop3A_738 : i32 to vector<16xi32>
      %parallel_loop3A_740 = arith.addi %broadcast_in_dim3A_3, %parallel_loop3A_739 : vector<16xi32>
      %parallel_loop3A_741 = arith.constant 128 : i32
      %parallel_loop3A_742 = arith.addi %parallel_loop3A_741, %parallel_loop3A_738 : i32
      %parallel_loop3A_743 = arith.index_cast %parallel_loop3A_742 : i32 to index
      %parallel_loop3A_744 = arith.constant 0 : index
      %parallel_loop3A_745 = tpu.vector_load %arg9[%parallel_loop3A_743, %parallel_loop3A_744] {strides = array<i32>} : memref<256x64xf32, #tpu.memory_space<vmem>>, vector<16xf32>,
      tpu.vector_store_idx %arg10[%add3A_609, %select_n3A, %select_n3A_160, %parallel_loop3A_740], %parallel_loop3A_745 : memref<2x10x8x129xf32, #tpu.memory_space<vmem>>[vector<16xi32>, vector<16xi32>, vector<16xi32>, vector<16xi32>], vector<16xf32>,
      %parallel_loop3A_746 = arith.constant 128 : i32
      %parallel_loop3A_747 = arith.addi %parallel_loop3A_746, %parallel_loop3A_738 : i32
      %parallel_loop3A_748 = arith.index_cast %parallel_loop3A_747 : i32 to index
      %parallel_loop3A_749 = arith.constant 16 : index
      %parallel_loop3A_750 = tpu.vector_load %arg9[%parallel_loop3A_748, %parallel_loop3A_749] {strides = array<i32>} : memref<256x64xf32, #tpu.memory_space<vmem>>, vector<16xf32>,
      tpu.vector_store_idx %arg10[%add3A_609, %select_n3A_69, %select_n3A_185, %parallel_loop3A_740], %parallel_loop3A_750 : memref<2x10x8x129xf32, #tpu.memory_space<vmem>>[vector<16xi32>, vector<16xi32>, vector<16xi32>, vector<16xi32>], vector<16xf32>,
      %parallel_loop3A_751 = arith.constant 128 : i32
      %parallel_loop3A_752 = arith.addi %parallel_loop3A_751, %parallel_loop3A_738 : i32
      %parallel_loop3A_753 = arith.index_cast %parallel_loop3A_752 : i32 to index
      %parallel_loop3A_754 = arith.constant 32 : index
      %parallel_loop3A_755 = tpu.vector_load %arg9[%parallel_loop3A_753, %parallel_loop3A_754] {strides = array<i32>} : memref<256x64xf32, #tpu.memory_space<vmem>>, vector<16xf32>,
      tpu.vector_store_idx %arg10[%add3A_609, %select_n3A_103, %select_n3A_210, %parallel_loop3A_740], %parallel_loop3A_755 : memref<2x10x8x129xf32, #tpu.memory_space<vmem>>[vector<16xi32>, vector<16xi32>, vector<16xi32>, vector<16xi32>], vector<16xf32>,
      %parallel_loop3A_756 = arith.constant 128 : i32
      %parallel_loop3A_757 = arith.addi %parallel_loop3A_756, %parallel_loop3A_738 : i32
      %parallel_loop3A_758 = arith.index_cast %parallel_loop3A_757 : i32 to index
      %parallel_loop3A_759 = arith.constant 48 : index
      %parallel_loop3A_760 = tpu.vector_load %arg9[%parallel_loop3A_758, %parallel_loop3A_759] {strides = array<i32>} : memref<256x64xf32, #tpu.memory_space<vmem>>, vector<16xf32>,
      tpu.vector_store_idx %arg10[%add3A_609, %select_n3A_137, %select_n3A_235, %parallel_loop3A_740], %parallel_loop3A_760 : memref<2x10x8x129xf32, #tpu.memory_space<vmem>>[vector<16xi32>, vector<16xi32>, vector<16xi32>, vector<16xi32>], vector<16xf32>,
    } {sc.loop_unroll_factor = 4 : i64, sc.parallel_access}
    %parallel_loop3A_669 = arith.constant 0 : i32
    %parallel_loop3A_670 = arith.constant 16 : i32
    %parallel_loop3A_671 = arith.constant 1 : i32
    scf.for %parallel_loop3A_738 = %parallel_loop3A_669 to %parallel_loop3A_670 step %parallel_loop3A_671  : i32 {
      %parallel_loop3A_739 = arith.constant 8 : i32
      %parallel_loop3A_740 = arith.divsi %parallel_loop3A_738, %parallel_loop3A_739 : i32
      %parallel_loop3A_741 = arith.constant 0 : i32
      %parallel_loop3A_742 = arith.cmpi sgt, %parallel_loop3A_738, %parallel_loop3A_741 : i32
      %parallel_loop3A_743 = arith.extui %parallel_loop3A_742 : i1 to i32
      %parallel_loop3A_744 = arith.constant 0 : i32
      %parallel_loop3A_745 = arith.cmpi slt, %parallel_loop3A_738, %parallel_loop3A_744 : i32
      %parallel_loop3A_746 = arith.extui %parallel_loop3A_745 : i1 to i32
      %parallel_loop3A_747 = arith.subi %parallel_loop3A_743, %parallel_loop3A_746 : i32
      %parallel_loop3A_748 = arith.constant 0 : i32
      %parallel_loop3A_749 = arith.cmpi sgt, %parallel_loop3A_739, %parallel_loop3A_748 : i32
      %parallel_loop3A_750 = arith.extui %parallel_loop3A_749 : i1 to i32
      %parallel_loop3A_751 = arith.constant 0 : i32
      %parallel_loop3A_752 = arith.cmpi slt, %parallel_loop3A_739, %parallel_loop3A_751 : i32
      %parallel_loop3A_753 = arith.extui %parallel_loop3A_752 : i1 to i32
      %parallel_loop3A_754 = arith.subi %parallel_loop3A_750, %parallel_loop3A_753 : i32
      %parallel_loop3A_755 = arith.cmpi ne, %parallel_loop3A_747, %parallel_loop3A_754 : i32
      %parallel_loop3A_756 = arith.remsi %parallel_loop3A_738, %parallel_loop3A_739 : i32
      %parallel_loop3A_757 = arith.constant 0 : i32
      %parallel_loop3A_758 = arith.cmpi ne, %parallel_loop3A_756, %parallel_loop3A_757 : i32
      %parallel_loop3A_759 = arith.andi %parallel_loop3A_755, %parallel_loop3A_758 : i1
      %parallel_loop3A_760 = arith.constant 1 : i32
      %parallel_loop3A_761 = arith.subi %parallel_loop3A_740, %parallel_loop3A_760 : i32
      %parallel_loop3A_762 = arith.select %parallel_loop3A_759, %parallel_loop3A_761, %parallel_loop3A_740 : i32
      %parallel_loop3A_763 = arith.constant 8 : i32
      %parallel_loop3A_764 = arith.addi %parallel_loop3A_763, %parallel_loop3A_762 : i32
      %parallel_loop3A_765 = arith.constant 8 : i32
      %parallel_loop3A_766 = arith.remsi %parallel_loop3A_738, %parallel_loop3A_765 : i32
      %parallel_loop3A_767 = vector.broadcast %parallel_loop3A_738 : i32 to vector<16xi32>
      %parallel_loop3A_768 = arith.addi %broadcast_in_dim3A_3, %parallel_loop3A_767 : vector<16xi32>
      %parallel_loop3A_769 = tpu.vector_load_idx %arg11[%add3A_616, %parallel_loop3A_768] : memref<16x17xf32, #tpu.memory_space<vmem>>[vector<16xi32>, vector<16xi32>], vector<16xf32>,
      %parallel_loop3A_770 = arith.constant 1 : i32
      %parallel_loop3A_771 = arith.index_cast %parallel_loop3A_770 : i32 to index
      %parallel_loop3A_772 = arith.index_cast %parallel_loop3A_764 : i32 to index
      %parallel_loop3A_773 = arith.index_cast %parallel_loop3A_766 : i32 to index
      %parallel_loop3A_774 = arith.constant 0 : index
      %parallel_loop3A_775 = tpu.vector_load %arg10[%parallel_loop3A_771, %parallel_loop3A_772, %parallel_loop3A_773, %parallel_loop3A_774] {strides = array<i32>} : memref<2x10x8x129xf32, #tpu.memory_space<vmem>>, vector<16xf32>,
      tpu.vector_store %arg10[%parallel_loop3A_771, %parallel_loop3A_772, %parallel_loop3A_773, %parallel_loop3A_774], %parallel_loop3A_769 {strides = array<i32>} : memref<2x10x8x129xf32, #tpu.memory_space<vmem>>, vector<16xf32>,
      %parallel_loop3A_776 = tpu.vector_load_idx %arg11[%add3A_623, %parallel_loop3A_768] : memref<16x17xf32, #tpu.memory_space<vmem>>[vector<16xi32>, vector<16xi32>], vector<16xf32>,
      %parallel_loop3A_777 = arith.constant 1 : i32
      %parallel_loop3A_778 = arith.index_cast %parallel_loop3A_777 : i32 to index
      %parallel_loop3A_779 = arith.index_cast %parallel_loop3A_764 : i32 to index
      %parallel_loop3A_780 = arith.index_cast %parallel_loop3A_766 : i32 to index
      %parallel_loop3A_781 = arith.constant 16 : index
      %parallel_loop3A_782 = tpu.vector_load %arg10[%parallel_loop3A_778, %parallel_loop3A_779, %parallel_loop3A_780, %parallel_loop3A_781] {strides = array<i32>} : memref<2x10x8x129xf32, #tpu.memory_space<vmem>>, vector<16xf32>,
      tpu.vector_store %arg10[%parallel_loop3A_778, %parallel_loop3A_779, %parallel_loop3A_780, %parallel_loop3A_781], %parallel_loop3A_776 {strides = array<i32>} : memref<2x10x8x129xf32, #tpu.memory_space<vmem>>, vector<16xf32>,
      %parallel_loop3A_783 = tpu.vector_load_idx %arg11[%add3A_630, %parallel_loop3A_768] : memref<16x17xf32, #tpu.memory_space<vmem>>[vector<16xi32>, vector<16xi32>], vector<16xf32>,
      %parallel_loop3A_784 = arith.constant 1 : i32
      %parallel_loop3A_785 = arith.index_cast %parallel_loop3A_784 : i32 to index
      %parallel_loop3A_786 = arith.index_cast %parallel_loop3A_764 : i32 to index
      %parallel_loop3A_787 = arith.index_cast %parallel_loop3A_766 : i32 to index
      %parallel_loop3A_788 = arith.constant 32 : index
      %parallel_loop3A_789 = tpu.vector_load %arg10[%parallel_loop3A_785, %parallel_loop3A_786, %parallel_loop3A_787, %parallel_loop3A_788] {strides = array<i32>} : memref<2x10x8x129xf32, #tpu.memory_space<vmem>>, vector<16xf32>,
      tpu.vector_store %arg10[%parallel_loop3A_785, %parallel_loop3A_786, %parallel_loop3A_787, %parallel_loop3A_788], %parallel_loop3A_783 {strides = array<i32>} : memref<2x10x8x129xf32, #tpu.memory_space<vmem>>, vector<16xf32>,
      %parallel_loop3A_790 = tpu.vector_load_idx %arg11[%add3A_637, %parallel_loop3A_768] : memref<16x17xf32, #tpu.memory_space<vmem>>[vector<16xi32>, vector<16xi32>], vector<16xf32>,
      %parallel_loop3A_791 = arith.constant 1 : i32
      %parallel_loop3A_792 = arith.index_cast %parallel_loop3A_791 : i32 to index
      %parallel_loop3A_793 = arith.index_cast %parallel_loop3A_764 : i32 to index
      %parallel_loop3A_794 = arith.index_cast %parallel_loop3A_766 : i32 to index
      %parallel_loop3A_795 = arith.constant 48 : index
      %parallel_loop3A_796 = tpu.vector_load %arg10[%parallel_loop3A_792, %parallel_loop3A_793, %parallel_loop3A_794, %parallel_loop3A_795] {strides = array<i32>} : memref<2x10x8x129xf32, #tpu.memory_space<vmem>>, vector<16xf32>,
      tpu.vector_store %arg10[%parallel_loop3A_792, %parallel_loop3A_793, %parallel_loop3A_794, %parallel_loop3A_795], %parallel_loop3A_790 {strides = array<i32>} : memref<2x10x8x129xf32, #tpu.memory_space<vmem>>, vector<16xf32>,
      %parallel_loop3A_797 = tpu.vector_load_idx %arg11[%add3A_644, %parallel_loop3A_768] : memref<16x17xf32, #tpu.memory_space<vmem>>[vector<16xi32>, vector<16xi32>], vector<16xf32>,
      %parallel_loop3A_798 = arith.constant 1 : i32
      %parallel_loop3A_799 = arith.index_cast %parallel_loop3A_798 : i32 to index
      %parallel_loop3A_800 = arith.index_cast %parallel_loop3A_764 : i32 to index
      %parallel_loop3A_801 = arith.index_cast %parallel_loop3A_766 : i32 to index
      %parallel_loop3A_802 = arith.constant 64 : index
      %parallel_loop3A_803 = tpu.vector_load %arg10[%parallel_loop3A_799, %parallel_loop3A_800, %parallel_loop3A_801, %parallel_loop3A_802] {strides = array<i32>} : memref<2x10x8x129xf32, #tpu.memory_space<vmem>>, vector<16xf32>,
      tpu.vector_store %arg10[%parallel_loop3A_799, %parallel_loop3A_800, %parallel_loop3A_801, %parallel_loop3A_802], %parallel_loop3A_797 {strides = array<i32>} : memref<2x10x8x129xf32, #tpu.memory_space<vmem>>, vector<16xf32>,
      %parallel_loop3A_804 = tpu.vector_load_idx %arg11[%add3A_651, %parallel_loop3A_768] : memref<16x17xf32, #tpu.memory_space<vmem>>[vector<16xi32>, vector<16xi32>], vector<16xf32>,
      %parallel_loop3A_805 = arith.constant 1 : i32
      %parallel_loop3A_806 = arith.index_cast %parallel_loop3A_805 : i32 to index
      %parallel_loop3A_807 = arith.index_cast %parallel_loop3A_764 : i32 to index
      %parallel_loop3A_808 = arith.index_cast %parallel_loop3A_766 : i32 to index
      %parallel_loop3A_809 = arith.constant 80 : index
      %parallel_loop3A_810 = tpu.vector_load %arg10[%parallel_loop3A_806, %parallel_loop3A_807, %parallel_loop3A_808, %parallel_loop3A_809] {strides = array<i32>} : memref<2x10x8x129xf32, #tpu.memory_space<vmem>>, vector<16xf32>,
      tpu.vector_store %arg10[%parallel_loop3A_806, %parallel_loop3A_807, %parallel_loop3A_808, %parallel_loop3A_809], %parallel_loop3A_804 {strides = array<i32>} : memref<2x10x8x129xf32, #tpu.memory_space<vmem>>, vector<16xf32>,
      %parallel_loop3A_811 = tpu.vector_load_idx %arg11[%add3A_658, %parallel_loop3A_768] : memref<16x17xf32, #tpu.memory_space<vmem>>[vector<16xi32>, vector<16xi32>], vector<16xf32>,
      %parallel_loop3A_812 = arith.constant 1 : i32
      %parallel_loop3A_813 = arith.index_cast %parallel_loop3A_812 : i32 to index
      %parallel_loop3A_814 = arith.index_cast %parallel_loop3A_764 : i32 to index
      %parallel_loop3A_815 = arith.index_cast %parallel_loop3A_766 : i32 to index
      %parallel_loop3A_816 = arith.constant 96 : index
      %parallel_loop3A_817 = tpu.vector_load %arg10[%parallel_loop3A_813, %parallel_loop3A_814, %parallel_loop3A_815, %parallel_loop3A_816] {strides = array<i32>} : memref<2x10x8x129xf32, #tpu.memory_space<vmem>>, vector<16xf32>,
      tpu.vector_store %arg10[%parallel_loop3A_813, %parallel_loop3A_814, %parallel_loop3A_815, %parallel_loop3A_816], %parallel_loop3A_811 {strides = array<i32>} : memref<2x10x8x129xf32, #tpu.memory_space<vmem>>, vector<16xf32>,
      %parallel_loop3A_818 = tpu.vector_load_idx %arg11[%add3A_665, %parallel_loop3A_768] : memref<16x17xf32, #tpu.memory_space<vmem>>[vector<16xi32>, vector<16xi32>], vector<16xf32>,
      %parallel_loop3A_819 = arith.constant 1 : i32
      %parallel_loop3A_820 = arith.index_cast %parallel_loop3A_819 : i32 to index
      %parallel_loop3A_821 = arith.index_cast %parallel_loop3A_764 : i32 to index
      %parallel_loop3A_822 = arith.index_cast %parallel_loop3A_766 : i32 to index
      %parallel_loop3A_823 = arith.constant 112 : index
      %parallel_loop3A_824 = tpu.vector_load %arg10[%parallel_loop3A_820, %parallel_loop3A_821, %parallel_loop3A_822, %parallel_loop3A_823] {strides = array<i32>} : memref<2x10x8x129xf32, #tpu.memory_space<vmem>>, vector<16xf32>,
      tpu.vector_store %arg10[%parallel_loop3A_820, %parallel_loop3A_821, %parallel_loop3A_822, %parallel_loop3A_823], %parallel_loop3A_818 {strides = array<i32>} : memref<2x10x8x129xf32, #tpu.memory_space<vmem>>, vector<16xf32>,
    } {sc.loop_unroll_factor = 2 : i64, sc.parallel_access}
    %dma_start3A_672 = arith.constant 1 : i32
    %dma_start3A_673 = arith.constant 199 : i32
    %dma_start3A_674 = arith.constant 0 : i32
    %dma_start3A_675 = arith.constant 0 : i32
    %dma_start3A_676 = arith.constant 0 : i32
    %dma_start3A_677 = tpu.memref_slice %arg10[%dma_start3A_672, %dma_start3A_674, %dma_start3A_675, %dma_start3A_676] : memref<2x10x8x129xf32, #tpu.memory_space<vmem>> -> memref<1x10x8x128xf32, #tpu.memory_space<vmem>>
    %dma_start3A_678 = tpu.memref_squeeze %dma_start3A_677 : memref<1x10x8x128xf32, #tpu.memory_space<vmem>> -> memref<10x8x128xf32, #tpu.memory_space<vmem>>
    %dma_start3A_679 = arith.constant 0 : i32
    %dma_start3A_680 = arith.constant 0 : i32
    %dma_start3A_681 = arith.constant 0 : i32
    %dma_start3A_682 = tpu.memref_slice %arg6[%dma_start3A_673, %dma_start3A_679, %add3A, %dma_start3A_680, %dma_start3A_681] : memref<200x10x32x8x128xf32, #tpu.memory_space<hbm>> -> memref<1x10x1x8x128xf32, #tpu.memory_space<hbm>>
    %dma_start3A_683 = tpu.memref_squeeze %dma_start3A_682 : memref<1x10x1x8x128xf32, #tpu.memory_space<hbm>> -> memref<10x8x128xf32, #tpu.memory_space<hbm>>
    %dma_start3A_684 = arith.constant 0 : i32
    %dma_start3A_685 = arith.constant 0 : i32
    %dma_start3A_686 = arith.constant 0 : i32
    %dma_start3A_687 = tpu.memref_slice %arg6[%dma_start3A_673, %dma_start3A_684, %add3A, %dma_start3A_685, %dma_start3A_686] : memref<200x10x32x8x128xf32, #tpu.memory_space<hbm>> -> memref<1x10x1x8x128xf32, #tpu.memory_space<hbm>>
    %dma_start3A_688 = tpu.memref_squeeze %dma_start3A_687 : memref<1x10x1x8x128xf32, #tpu.memory_space<hbm>> -> memref<10x8x128xf32, #tpu.memory_space<hbm>>
    %dma_start3A_689 = arith.constant 0 : i32
    %dma_start3A_690 = arith.constant 0 : i32
    %dma_start3A_691 = arith.constant 0 : i32
    %dma_start3A_692 = tpu.memref_slice %arg10[%dma_start3A_672, %dma_start3A_689, %dma_start3A_690, %dma_start3A_691] : memref<2x10x8x129xf32, #tpu.memory_space<vmem>> -> memref<1x10x8x128xf32, #tpu.memory_space<vmem>>
    %dma_start3A_693 = tpu.memref_squeeze %dma_start3A_692 : memref<1x10x8x128xf32, #tpu.memory_space<vmem>> -> memref<10x8x128xf32, #tpu.memory_space<vmem>>
    tpu.enqueue_dma source(%dma_start3A_693 : memref<10x8x128xf32, #tpu.memory_space<vmem>>) target(%dma_start3A_688 : memref<10x8x128xf32, #tpu.memory_space<hbm>>) target_semaphore(%arg14 : memref<!tpu.dma_semaphore, #tpu.memory_space<semaphore_mem>>)
    %dma_wait3A_694 = arith.constant 0 : i32
    %dma_wait3A_695 = arith.constant 198 : i32
    %dma_wait3A_696 = arith.constant 0 : i32
    %dma_wait3A_697 = arith.constant 0 : i32
    %dma_wait3A_698 = arith.constant 0 : i32
    %dma_wait3A_699 = tpu.memref_slice %arg10[%dma_wait3A_694, %dma_wait3A_696, %dma_wait3A_697, %dma_wait3A_698] : memref<2x10x8x129xf32, #tpu.memory_space<vmem>> -> memref<1x10x8x128xf32, #tpu.memory_space<vmem>>
    %dma_wait3A_700 = tpu.memref_squeeze %dma_wait3A_699 : memref<1x10x8x128xf32, #tpu.memory_space<vmem>> -> memref<10x8x128xf32, #tpu.memory_space<vmem>>
    %dma_wait3A_701 = arith.constant 0 : i32
    %dma_wait3A_702 = arith.constant 0 : i32
    %dma_wait3A_703 = arith.constant 0 : i32
    %dma_wait3A_704 = tpu.memref_slice %arg6[%dma_wait3A_695, %dma_wait3A_701, %add3A, %dma_wait3A_702, %dma_wait3A_703] : memref<200x10x32x8x128xf32, #tpu.memory_space<hbm>> -> memref<1x10x1x8x128xf32, #tpu.memory_space<hbm>>
    %dma_wait3A_705 = tpu.memref_squeeze %dma_wait3A_704 : memref<1x10x1x8x128xf32, #tpu.memory_space<hbm>> -> memref<10x8x128xf32, #tpu.memory_space<hbm>>
    %dma_wait3A_706 = arith.constant 0 : i32
    %dma_wait3A_707 = arith.constant 0 : i32
    %dma_wait3A_708 = arith.constant 0 : i32
    %dma_wait3A_709 = tpu.memref_slice %arg6[%dma_wait3A_695, %dma_wait3A_706, %add3A, %dma_wait3A_707, %dma_wait3A_708] : memref<200x10x32x8x128xf32, #tpu.memory_space<hbm>> -> memref<1x10x1x8x128xf32, #tpu.memory_space<hbm>>
    %dma_wait3A_710 = tpu.memref_squeeze %dma_wait3A_709 : memref<1x10x1x8x128xf32, #tpu.memory_space<hbm>> -> memref<10x8x128xf32, #tpu.memory_space<hbm>>
    %dma_wait3A_711 = arith.constant 0 : i32
    %dma_wait3A_712 = arith.constant 0 : i32
    %dma_wait3A_713 = arith.constant 0 : i32
    %dma_wait3A_714 = tpu.memref_slice %arg10[%dma_wait3A_694, %dma_wait3A_711, %dma_wait3A_712, %dma_wait3A_713] : memref<2x10x8x129xf32, #tpu.memory_space<vmem>> -> memref<1x10x8x128xf32, #tpu.memory_space<vmem>>
    %dma_wait3A_715 = tpu.memref_squeeze %dma_wait3A_714 : memref<1x10x8x128xf32, #tpu.memory_space<vmem>> -> memref<10x8x128xf32, #tpu.memory_space<vmem>>
    tpu.wait_dma2 semaphore(%arg14 : memref<!tpu.dma_semaphore, #tpu.memory_space<semaphore_mem>>) src(%dma_wait3A_715 : memref<10x8x128xf32, #tpu.memory_space<vmem>>) dst(%dma_wait3A_710 : memref<10x8x128xf32, #tpu.memory_space<hbm>>)
    %dma_wait3A_716 = arith.constant 1 : i32
    %dma_wait3A_717 = arith.constant 199 : i32
    %dma_wait3A_718 = arith.constant 0 : i32
    %dma_wait3A_719 = arith.constant 0 : i32
    %dma_wait3A_720 = arith.constant 0 : i32
    %dma_wait3A_721 = tpu.memref_slice %arg10[%dma_wait3A_716, %dma_wait3A_718, %dma_wait3A_719, %dma_wait3A_720] : memref<2x10x8x129xf32, #tpu.memory_space<vmem>> -> memref<1x10x8x128xf32, #tpu.memory_space<vmem>>
    %dma_wait3A_722 = tpu.memref_squeeze %dma_wait3A_721 : memref<1x10x8x128xf32, #tpu.memory_space<vmem>> -> memref<10x8x128xf32, #tpu.memory_space<vmem>>
    %dma_wait3A_723 = arith.constant 0 : i32
    %dma_wait3A_724 = arith.constant 0 : i32
    %dma_wait3A_725 = arith.constant 0 : i32
    %dma_wait3A_726 = tpu.memref_slice %arg6[%dma_wait3A_717, %dma_wait3A_723, %add3A, %dma_wait3A_724, %dma_wait3A_725] : memref<200x10x32x8x128xf32, #tpu.memory_space<hbm>> -> memref<1x10x1x8x128xf32, #tpu.memory_space<hbm>>
    %dma_wait3A_727 = tpu.memref_squeeze %dma_wait3A_726 : memref<1x10x1x8x128xf32, #tpu.memory_space<hbm>> -> memref<10x8x128xf32, #tpu.memory_space<hbm>>
    %dma_wait3A_728 = arith.constant 0 : i32
    %dma_wait3A_729 = arith.constant 0 : i32
    %dma_wait3A_730 = arith.constant 0 : i32
    %dma_wait3A_731 = tpu.memref_slice %arg6[%dma_wait3A_717, %dma_wait3A_728, %add3A, %dma_wait3A_729, %dma_wait3A_730] : memref<200x10x32x8x128xf32, #tpu.memory_space<hbm>> -> memref<1x10x1x8x128xf32, #tpu.memory_space<hbm>>
    %dma_wait3A_732 = tpu.memref_squeeze %dma_wait3A_731 : memref<1x10x1x8x128xf32, #tpu.memory_space<hbm>> -> memref<10x8x128xf32, #tpu.memory_space<hbm>>
    %dma_wait3A_733 = arith.constant 0 : i32
    %dma_wait3A_734 = arith.constant 0 : i32
    %dma_wait3A_735 = arith.constant 0 : i32
    %dma_wait3A_736 = tpu.memref_slice %arg10[%dma_wait3A_716, %dma_wait3A_733, %dma_wait3A_734, %dma_wait3A_735] : memref<2x10x8x129xf32, #tpu.memory_space<vmem>> -> memref<1x10x8x128xf32, #tpu.memory_space<vmem>>
    %dma_wait3A_737 = tpu.memref_squeeze %dma_wait3A_736 : memref<1x10x8x128xf32, #tpu.memory_space<vmem>> -> memref<10x8x128xf32, #tpu.memory_space<vmem>>
    tpu.wait_dma2 semaphore(%arg14 : memref<!tpu.dma_semaphore, #tpu.memory_space<semaphore_mem>>) src(%dma_wait3A_737 : memref<10x8x128xf32, #tpu.memory_space<vmem>>) dst(%dma_wait3A_732 : memref<10x8x128xf32, #tpu.memory_space<hbm>>)
    return
  }
}

</mosaic_0001>

<sc_bundles>
// kernel: kernel.3.cloned.1.call-start
scs
__scs_entry_jumppad:
0x0: {  	(pc) =	sbr.rel $0x88, $3  }
0x1: {  	(tag) =	ssettag $0x0;
	lr =	simm.s32 $0x1  }
0x2: {  	[smem:$0x3F9D] =	sst lr;
	_ =	strace $0xD0000000  }
0x3: {  	_ = 	snop  }
0x4: {  	_ = 	snop  }
0x5: {  	_ = 	snop  }
0x6: {  	_ = 	snop  }
0x7: {  	_ = 	snop  }
__scs_overlays_trampoline_lowered:
0x8: {  	[smem:$0x3FAC] =	sst s0  }
0x9: {  	[smem:$0x3FAD] =	sst s1  }
0xa: {  	[smem:$0x3FAE] =	sst s2  }
0xb: {  	[smem:$0x3FAF] =	sst s3  }
0xc: {  	[smem:$0x3FB0] =	sst s4  }
0xd: {  	[smem:$0x3FB1] =	sst s5  }
0xe: {  	[smem:$0x3FB2] =	sst s6  }
0xf: {  	[smem:$0x3FB3] =	sst s7  }
0x10: {  	[smem:$0x3FB4] =	sst s8  }
0x11: {  	[smem:$0x3FB5] =	sst s9;
	s0 =	simm.s32 @!p0 $0x0  }
0x12: {  	s1 =	sld [smem:$0x3F9B];
	s0 =	simm.s32 @p0 $0x1  }
0x13: {  	[smem:$0x3FB6] =	sst s0;
	s0 =	simm.s32 @!p1 $0x0  }
0x14: {  	s2 =	sld [smem:$0x3F9A];
	s0 =	simm.s32 @p1 $0x1  }
0x15: {  	[smem:$0x3FB7] =	sst s0;
	s0 =	simm.s32 @!p2 $0x0  }
0x16: {  	s3 =	sld [smem:$0x3FDB];
	s0 =	simm.s32 @p2 $0x1  }
0x17: {  	s4 =	simm.s32 $0x1BF5;
	[smem:$0x3FB9] =	sst s0  }
0x18: {  	s0 =	sld [smem:$0x3F9C];
	_ =	swait.ge [sflag:s4], $0x0  }
0x19: {  	s7 =	sld [smem:$0x3F9D]  }
0x1a: {  	s8 =	sadd.s32 $0xFFFFE003, lr  }
0x1b: {  	s9 =	sadd.s32 $0xFFFFFEF7, lr;
	s5 =	simm.s32 $0xFFFFFFFF;
	p2 =	slt.u32 s8, $0xFFFFF086  }
0x1c: {  	p1 =	slt.u32 s9, $0xF7A;
	s5 =	simm.s32 @!p2 $0x0  }
0x1d: {  	s5 =	simm.s32 @p1 $0x1;
	p0 =	seq.s32 s7, s2  }
0x1e: {  	s7 =	smul.u32 @!p0 $0xF7A, s2;
	p2 =	seq.s32 @!p0 s5, $0x0  }
0x1f: {  	s9 =	smul.u32 $0xF7A, s1;
	s8 =	simm.s32 @!p0 $0x1BF5;
	p2 =	por !p2, p0  }
0x20: {  	[sflag:s8] =	ssyncset.s32 @!p0 $0xFFFFF086;
	s6 =	sadd.s32 @!p0 s3, s7;
	s7 =	simm.s32 @!p0 $0x108  }
0x21: {  	s3 =	sadd.s32 s3, s9;
	s6 =	sadd.s32 @!p0 $0x88, s6;
	s7 =	simm.s32 @p2 $0x1082  }
0x22: {  	[simem:s7], [sflag:s8] =	dma.local @!p0 [hbm:s6], $0xF7A  }
0x23: {  	s9 =	sor.u32 $0xD0000000, s2;
	s6 =	simm.s32 $0x108;
	_ =	swait.ge @!p0 [sflag:s8], $0x0  }
0x24: {  	s3 =	sadd.s32 $0x88, s3;
	s6 =	simm.s32 @!p1 $0x1082;
	[sflag:s4] =	ssyncset.s32 $0xFFFFF086  }
0x25: {  	[simem:s6], [sflag:s4] =	dma.local [hbm:s3], $0xF7A  }
0x26: {  	[smem:$0x3F9D] =	sst s1;
	(tag) =	ssettag s2;
	_ =	strace s9  }
0x27: {  	s1 =	sld [smem:$0x3FAD]  }
0x28: {  	s2 =	sld [smem:$0x3FAE]  }
0x29: {  	s4 =	sld [smem:$0x3FB0]  }
0x2a: {  	p0 =	seq.s32 s5, $0x0;
	s5 =	sld [smem:$0x3FB1]  }
0x2b: {  	s6 =	sld [smem:$0x3FB2]  }
0x2c: {  	s7 =	sld [smem:$0x3FB3]  }
0x2d: {  	s3 =	simm.s32 $0x108;
	s8 =	sld [smem:$0x3FB4]  }
0x2e: {  	s3 =	simm.s32 @!p0 $0x1082;
	s9 =	sld [smem:$0x3FB5]  }
0x2f: {  	lr =	sadd.s32 s0, s3;
	s0 =	sld [smem:$0x3FAC]  }
0x30: {  	s3 =	sld [smem:$0x3FAF]  }
0x31: {  	[smem:$0x3FB8] =	sst s10  }
0x32: {  	s10 =	sld [smem:$0x3FB6];
	_ =	sdelay $0x3  }
0x33: {  	p0 =	seq.s32 s10, $0x1;
	s10 =	sld [smem:$0x3FB8];
	_ =	sdelay $0x3  }
0x34: {  	[smem:$0x3FB8] =	sst s10  }
0x35: {  	s10 =	sld [smem:$0x3FB7];
	_ =	sdelay $0x3  }
0x36: {  	p1 =	seq.s32 s10, $0x1;
	s10 =	sld [smem:$0x3FB8];
	_ =	sdelay $0x3  }
0x37: {  	[smem:$0x3FB8] =	sst s10  }
0x38: {  	s10 =	sld [smem:$0x3FB9]  }
0x39: {  	_ = 	snop;
	(pc) =	sbr.ind lr, $3  }
0x3a: {  	_ = 	snop  }
0x3b: {  	_ = 	snop  }
0x3c: {  	p2 =	seq.s32 s10, $0x1;
	s10 =	sld [smem:$0x3FB8]  }
0x3d: {  	_ =	shalt  }
0x3e: {  	_ =	shalt  }
0x3f: {  	_ =	shalt  }
0x40: {  	_ =	shalt  }
0x41: {  	_ =	shalt  }
0x42: {  	_ =	shalt  }
0x43: {  	_ =	shalt  }
0x44: {  	_ =	shalt  }
0x45: {  	_ =	shalt  }
0x46: {  	_ =	shalt  }
0x47: {  	_ =	shalt  }
0x48: {  	_ =	shalt  }
0x49: {  	_ =	shalt  }
0x4a: {  	_ =	shalt  }
0x4b: {  	_ =	shalt  }
0x4c: {  	_ =	shalt  }
0x4d: {  	_ =	shalt  }
0x4e: {  	_ =	shalt  }
0x4f: {  	_ =	shalt  }
0x50: {  	_ =	shalt  }
0x51: {  	_ =	shalt  }
0x52: {  	_ =	shalt  }
0x53: {  	_ =	shalt  }
0x54: {  	_ =	shalt  }
0x55: {  	_ =	shalt  }
0x56: {  	_ =	shalt  }
0x57: {  	_ =	shalt  }
0x58: {  	_ =	shalt  }
0x59: {  	_ =	shalt  }
0x5a: {  	_ =	shalt  }
0x5b: {  	_ =	shalt  }
0x5c: {  	_ =	shalt  }
0x5d: {  	_ =	shalt  }
0x5e: {  	_ =	shalt  }
0x5f: {  	_ =	shalt  }
0x60: {  	_ =	shalt  }
0x61: {  	_ =	shalt  }
0x62: {  	_ =	shalt  }
0x63: {  	_ =	shalt  }
0x64: {  	_ =	shalt  }
0x65: {  	_ =	shalt  }
0x66: {  	_ =	shalt  }
0x67: {  	_ =	shalt  }
0x68: {  	_ =	shalt  }
0x69: {  	_ =	shalt  }
0x6a: {  	_ =	shalt  }
0x6b: {  	_ =	shalt  }
0x6c: {  	_ =	shalt  }
0x6d: {  	_ =	shalt  }
0x6e: {  	_ =	shalt  }
0x6f: {  	_ =	shalt  }
0x70: {  	_ =	shalt  }
0x71: {  	_ =	shalt  }
0x72: {  	_ =	shalt  }
0x73: {  	_ =	shalt  }
0x74: {  	_ =	shalt  }
0x75: {  	_ =	shalt  }
0x76: {  	_ =	shalt  }
0x77: {  	_ =	shalt  }
0x78: {  	_ =	shalt  }
0x79: {  	_ =	shalt  }
0x7a: {  	_ =	shalt  }
0x7b: {  	_ =	shalt  }
0x7c: {  	_ =	shalt  }
0x7d: {  	_ =	shalt  }
0x7e: {  	_ =	shalt  }
0x7f: {  	_ =	shalt  }
0x80: {  	_ =	shalt  }
0x81: {  	_ =	shalt  }
0x82: {  	_ =	shalt  }
0x83: {  	_ =	shalt  }
0x84: {  	_ =	shalt  }
0x85: {  	_ =	shalt  }
0x86: {  	_ =	shalt  }
0x87: {  	_ =	shalt  }
.Lfunc_end0:
.L_simem_size_0:
called_computation_lowered:
.L_overlay_start_0:
0x88: {  	s2 =	sld [smem:$0x3FD9]  }
0x89: {  	s3 =	sld [smem:$0x3FFE];
	_ =	sdelay $0x1  }
0x8a: {  	s1 =	srdreg.scid  }
0x8b: {  	s0 =	sand.u32 $0x1, s1  }
0x8c: {  	s17 =	sshll.u32 s0, $0xA;
	s2 =	sadd.s32 s3, s2  }
0x8d: {  	s2 =	sadd.s32 s2, s17  }
0x8e: {  	[smem:$0x3FC4] =	sst s2  }
0x8f: {  	_ = 	snop  }
0x90: {  	s2 =	sld [smem:$0x3FC9]  }
0x91: {  	s18 =	sld [smem:$0x3FC8]  }
0x92: {  	s4 =	sld [smem:$0x3FD0];
	(tm) =	ssettm $0x1  }
0x93: {  	s5 =	sld [smem:$0x3FFB];
	_ =	sdelay $0x3  }
0x94: {  	_ =	strace s5  }
0x95: {  	s5 =	sld [smem:$0x3FFC];
	_ =	sdelay $0x3  }
0x96: {  	_ =	strace s5  }
0x97: {  	s5 =	sld [smem:$0x3FFD];
	_ =	sdelay $0x3  }
0x98: {  	_ =	strace s5  }
0x99: {  	_ =	strace $0x8FFFFFFF  }
0x9a: {  	s19 =	sld [smem:$0x3FDB];
	_ =	sdelay $0x1  }
0x9b: {  	s6 =	simm.s32 $_scs_section_size  }
0x9c: {  	s7 =	simm.s32 $_size__tile_overlayer_lowered;
	s8 =	simm.s32 $_tile_overlayer_lowered  }
0x9d: {  	s22 =	simm.s32 $0x1BFF;
	s21 =	sshll.u32 s8, $0x1;
	s5 =	sadd.s32 s6, s19  }
0x9e: {  	s9 =	simm.s32 $0x0;
	s20 =	sshll.u32 s7, $0x1;
	s7 =	sadd.s32 s21, s5  }
0x9f: {  	[timem:s9], [sflag:s22] =	dma.local [hbm:s7], s20  }
0xa0: {  	_ =	swait.ge [sflag:s22], s20  }
0xa1: {  	s6 =	ssub.s32 $0x0, s20;
	[sflag:s22] =	ssyncset.done $0x0  }
0xa2: {  	[sflag:s22] =	ssyncadd.s32 s6;
	_ =	sdelay $0x1  }
0xa3: {  	s23 =	simm.s32 $0x1B8B  }
0xa4: {  	_ =	swait.ge [sflag:s23], $0x1  }
0xa5: {  	[sflag:s23] =	ssyncset.done $0x0  }
0xa6: {  	s25 =	simm.s32 $0x1B8E;
	s24 =	sld [smem:$0x3FFE];
	[sflag:s23] =	ssyncadd.s32 $0xFFFFFFFF  }
0xa7: {  	s26 =	simm.s32 $execute0_lowered;
	[smem:$0x3FD2] =	sst s25  }
0xa8: {  	s7 =	sshll.u32 s26, $0x1;
	_ =	strace $0x80000046;
	[dreg:$0x1] =	wrdreg $0xFFFFFFFF  }
0xa9: {  	s28 =	simm.s32 $_size_execute0_lowered;
	s5 =	sadd.s32 s5, s7;
	[dreg:$0x0] =	wrdreg $0x0  }
0xaa: {  	s7 =	sshll.u32 s28, $0x1;
	[dreg:$0x2] =	wrdreg s5  }
0xab: {  	[dreg:$0x3] =	wrdreg s7  }
0xac: {  	[dreg:$0x4] =	wrdreg $0xC0  }
0xad: {  	_ =	task [dreg:s9], $0x5FFFF  }
0xae: {  	[dreg:$0x1] =	wrdreg $0xFFFFFFFF  }
0xaf: {  	[dreg:$0x0] =	wrdreg $0x60  }
0xb0: {  	[dreg:$0x2] =	wrdreg s2  }
0xb1: {  	[dreg:$0x3] =	wrdreg s18  }
0xb2: {  	[dreg:$0x4] =	wrdreg s24  }
0xb3: {  	[dreg:$0x5] =	wrdreg s4  }
0xb4: {  	[dreg:$0x6] =	wrdreg $0x9  }
0xb5: {  	_ =	task.clear_ibuf [dreg:s9], $0x7FFFF;
	_ =	strace $0x90000046  }
0xb6: {  	s29 =	simm.s32 $0x9;
	_ =	strace $0x80000048  }
0xb7: {  	_ =	swait.ge [sflag:s29], $0x1  }
0xb8: {  	[sflag:s29] =	ssyncadd.s32 $0xFFFFFFFF  }
0xb9: {  	_ =	strace $0x90000048  }
0xba: {  	_ =	sfence  }
0xbb: {  	s30 =	sld [smem:$0x0];
	_ =	sdelay $0x2  }
0xbc: {  	s31 =	sshll.u32 s1, $0xD;
	s1 =	sshrl.u32 s1, $0x2  }
0xbd: {  	s3 =	sand.u32 $0x4000, s31;
	s1 =	sadd.s32 s1, s30  }
0xbe: {  	s0 =	sor.u32 s3, s0;
	s1 =	sshll.u32 s1, $0x11  }
0xbf: {  	s0 =	sor.u32 s1, s0  }
0xc0: {  	s0 =	sadd.s32 $0x8F2B, s0  }
0xc1: {  	[sflag:s0] =	ssyncadd.remote.s32 $0x1  }
0xc2: {  	_ =	sfence.sel $0xFFFF  }
0xc3: {  	[dreg:$0x0] =	wrdreg $0xFFFFFFFF;
	(pc) =	sbr.abs _section_cstart, $3  }
0xc4: {  	[dreg:$0x1] =	wrdreg $0xFFFFFFFF  }
0xc5: {  	_ =	task.clear_ibuf [dreg:s9], $0x2FFFF;
	_ =	strace $0x9FFFFFFF  }
0xc6: {  	(tm) =	ssettm $0x7FFFFFFF  }
0xc7: {  	_ =	shalt  }
tec
execute0_lowered:
.L_overlay_start_1:
0x0: {  	(tag) =	ssettag $0x1  }
0x1: {  	s1 =	rddreg [dreg:$0x0]  }
0x2: {  	s2 =	rddreg [dreg:$0x1]  }
0x3: {  	s0 =	rddreg [dreg:$0x2]  }
0x4: {  	s4 =	rddreg [dreg:$0x3];
	s3 =	srdreg.scid  }
0x5: {  	s5 =	simm.s32 $0x0;
	s6 =	stileid.u32;
	s3 =	sand.u32 $0x1, s3  }
0x6: {  	[smem:$0x7FF] =	sst s5;
	s6 =	sshll.u32 s6, $0xB;
	s10 =	sadd.s32 $0x600, s0  }
0x7: {  	s26 =	sadd.s32 $0x602, s0;
	_ =	strace $0x80000047;
	[dreg:$0x5] =	wrdreg s10  }
0x8: {  	s31 =	sadd.s32 $0x604, s0;
	s7 =	sshll.u32 s3, $0xA;
	[dreg:$0xe] =	wrdreg s26  }
0x9: {  	s3 =	ssub.s32 $0x2, s3;
	[dreg:$0xf] =	wrdreg s31;
	s6 =	sor.u32 s7, s6  }
0xa: {  	s7 =	sadd.s32 $0xF42A00, s0;
	s0 =	sadd.s32 $0x606, s0;
	s9 =	sshrl.u32 s6, $0x3  }
0xb: {  	s8 =	sshrl.u32 s3, $0x1;
	[dreg:$0x10] =	wrdreg s0;
	s21 =	sadd.s32 s1, s9  }
0xc: {  	s3 =	ssub.s32 s3, s8;
	s22 =	sadd.s32 s2, s9;
	[dreg:$0x6] =	wrdreg s21  }
0xd: {  	s23 =	sor.u32 $0x5000, s9;
	s9 =	sadd.s32 s4, s9;
	[dreg:$0x7] =	wrdreg s22  }
0xe: {  	s20 =	simm.s32 $0x10D00;
	v3 =	vlaneseq.u32;
	s3 =	smax.u32 s3, $0x1;
	[dreg:$0x8] =	wrdreg s9  }
0xf: {  	s29 =	simm.s32 $0x7800;
	v0 =	vmul.u32 $0x88, v3;
	s24 =	sadd.s32 s1, s23;
	[dreg:$0xd] =	wrdreg s3  }
0x10: {  	s30 =	simm.s32 $0x3;
	v4 =	vand.u32 $0x3, v3;
	s8 =	sadd.s32 s2, s23;
	[dreg:$0x9] =	wrdreg s24  }
0x11: {  	s13 =	simm.s32 $0x0;
	v4 =	vmul.u32 $0x60, v4;
	v1 =	vadd.s32 $0x880, v0;
	s25 =	sadd.s32 $0x7C6000, s9;
	[dreg:$0xa] =	wrdreg s8  }
0x12: {  	v2 =	vadd.s32 $0x1100, v0;
	v3 =	vadd.s32 $0x1980, v0;
	v5 =	vadd.s32 $0x2A80, v0;
	s28 =	sadd.s32 $0xA000, s9;
	s3 =	simm.s32 $0x80;
	[dreg:$0xc] =	wrdreg s25  }
0x13: {  	v6 =	vadd.s32 $0x3300, v0;
	v7 =	vadd.s32 $0x3B80, v0;
	v8 =	vadd.s32 $0x4400, v0;
	[tilespmem:$0x1FFF0] =	vst v4;
	s22 =	simm.s32 $0x2;
	s25 =	simm.s32 $0xB800;
	[dreg:$0xb] =	wrdreg s28  }
.LBB2_1:
0x14: {  	s0 =	rddreg [dreg:$0x5]  }
0x15: {  	[tilespmem:s20], [sflag:$0x4] =	stream.linear.gather [hbm4b:s0+s5], $0x10, $0x38;
	[tilespmem:$0x10E80] =	vst v63  }
0x16: {  	s8 =	rddreg [dreg:$0xe];
	s9 =	simm.s32 $0x10D18  }
0x17: {  	[tilespmem:s9], [sflag:$0x4] =	stream.linear.gather [hbm4b:s8+s5], $0x10, $0x38;
	[tilespmem:$0x10E80] =	vst v63  }
0x18: {  	s19 =	rddreg [dreg:$0xf];
	s10 =	simm.s32 $0x10D30  }
0x19: {  	[tilespmem:s10], [sflag:$0x4] =	stream.linear.gather [hbm4b:s19+s5], $0x10, $0x38;
	[tilespmem:$0x10E80] =	vst v63  }
0x1a: {  	s11 =	simm.s32 $0x10D48;
	s10 =	rddreg [dreg:$0x10]  }
0x1b: {  	[tilespmem:s11], [sflag:$0x4] =	stream.linear.gather [hbm4b:s10+s5], $0x10, $0x38;
	[tilespmem:$0x10E80] =	vst v63  }
0x1c: {  	s11 =	simm.s32 $0x4  }
0x1d: {  	_ =	swait.ge [sflag:s11], $0x40  }
0x1e: {  	[sflag:s11] =	ssyncset.done $0x0  }
0x1f: {  	s12 =	simm.s32 $0x10D60;
	[sflag:s11] =	ssyncadd.s32 $0xFFFFFFC0  }
0x20: {  	[tilespmem:s12], [sflag:$0x4] =	stream.linear.gather [hbm4b:s0+s5], $0x10, $0x38;
	[tilespmem:$0x10E80] =	vst v63  }
0x21: {  	s21 =	simm.s32 $0x10D78  }
0x22: {  	[tilespmem:s21], [sflag:$0x4] =	stream.linear.gather [hbm4b:s8+s5], $0x10, $0x38;
	[tilespmem:$0x10E80] =	vst v63  }
0x23: {  	s23 =	simm.s32 $0x10D90  }
0x24: {  	[tilespmem:s23], [sflag:$0x4] =	stream.linear.gather [hbm4b:s19+s5], $0x10, $0x38;
	[tilespmem:$0x10E80] =	vst v63  }
0x25: {  	s24 =	simm.s32 $0x10DA8  }
0x26: {  	[tilespmem:s24], [sflag:$0x4] =	stream.linear.gather [hbm4b:s10+s5], $0x10, $0x38;
	[tilespmem:$0x10E80] =	vst v63  }
0x27: {  	_ =	swait.ge [sflag:s11], $0x40  }
0x28: {  	[sflag:s11] =	ssyncset.done $0x0  }
0x29: {  	s26 =	simm.s32 $0x10DC0;
	[sflag:s11] =	ssyncadd.s32 $0xFFFFFFC0  }
0x2a: {  	[tilespmem:s26], [sflag:$0x4] =	stream.linear.gather [hbm4b:s0+s5], $0x10, $0x38;
	[tilespmem:$0x10E80] =	vst v63  }
0x2b: {  	s31 =	simm.s32 $0x10DD8  }
0x2c: {  	[tilespmem:s31], [sflag:$0x4] =	stream.linear.gather [hbm4b:s8+s5], $0x10, $0x38;
	[tilespmem:$0x10E80] =	vst v63  }
0x2d: {  	s14 =	simm.s32 $0x10DF0  }
0x2e: {  	[tilespmem:s14], [sflag:$0x4] =	stream.linear.gather [hbm4b:s19+s5], $0x10, $0x38;
	[tilespmem:$0x10E80] =	vst v63  }
0x2f: {  	s15 =	simm.s32 $0x10E08  }
0x30: {  	[tilespmem:s15], [sflag:$0x4] =	stream.linear.gather [hbm4b:s10+s5], $0x10, $0x38;
	[tilespmem:$0x10E80] =	vst v63  }
0x31: {  	_ =	swait.ge [sflag:s11], $0x40  }
0x32: {  	[sflag:s11] =	ssyncset.done $0x0  }
0x33: {  	s16 =	simm.s32 $0x10E20;
	[sflag:s11] =	ssyncadd.s32 $0xFFFFFFC0  }
0x34: {  	[tilespmem:s16], [sflag:$0x4] =	stream.linear.gather [hbm4b:s0+s5], $0x10, $0x38;
	[tilespmem:$0x10E80] =	vst v63  }
0x35: {  	s17 =	simm.s32 $0x10E38  }
0x36: {  	[tilespmem:s17], [sflag:$0x4] =	stream.linear.gather [hbm4b:s8+s5], $0x10, $0x38;
	[tilespmem:$0x10E80] =	vst v63  }
0x37: {  	s18 =	simm.s32 $0x10E50  }
0x38: {  	[tilespmem:s18], [sflag:$0x4] =	stream.linear.gather [hbm4b:s19+s5], $0x10, $0x38;
	[tilespmem:$0x10E80] =	vst v63  }
0x39: {  	s19 =	simm.s32 $0x10E68  }
0x3a: {  	[tilespmem:s19], [sflag:$0x4] =	stream.linear.gather [hbm4b:s10+s5], $0x10, $0x38;
	[tilespmem:$0x10E80] =	vst v63  }
0x3b: {  	_ =	swait.ge [sflag:s11], $0x40  }
0x3c: {  	s23 =	simm.s32 $0x400;
	[sflag:s11] =	ssyncset.done $0x0  }
0x3d: {  	s24 =	simm.s32 $0x8000;
	s21 =	rddreg [dreg:$0x6];
	[sflag:s11] =	ssyncadd.s32 $0xFFFFFFC0  }
0x3e: {  	[tilespmem:s5], [sflag:$0x1] =	stream.strided.gather [hbm4b:s21+s23], $0x1400, s24, s23, $0x38;
	[tilespmem:$0x10E80] =	vst v63  }
0x3f: {  	s31 =	simm.s32 $0x3C00;
	s26 =	rddreg [dreg:$0x7]  }
0x40: {  	[tilespmem:s31], [sflag:$0x1] =	stream.strided.gather [hbm4b:s26+s23], $0x1400, s24, s23, $0x38;
	[tilespmem:$0x10E80] =	vst v63  }
0x41: {  	s12 =	simm.s32 $0x1400;
	s11 =	rddreg [dreg:$0x9]  }
0x42: {  	[tilespmem:s12], [sflag:$0x1] =	stream.strided.gather [hbm4b:s11+s23], $0x1400, s24, s23, $0x38;
	[tilespmem:$0x10E80] =	vst v63  }
0x43: {  	s15 =	simm.s32 $0x5000;
	s16 =	simm.s32 $0x1;
	s14 =	rddreg [dreg:$0xa]  }
0x44: {  	[tilespmem:s15], [sflag:$0x1] =	stream.strided.gather [hbm4b:s14+s23], $0x1400, s24, s23, $0x38;
	[tilespmem:$0x10E80] =	vst v63  }
0x45: {  	_ =	swait.ge [sflag:s16], $0x1400  }
0x46: {  	[sflag:s16] =	ssyncset.done $0x0  }
0x47: {  	[sflag:s16] =	ssyncadd.s32 $0xFFFFEC00  }
0x48: {  	_ =	swait.ge [sflag:s16], $0x1400  }
0x49: {  	[sflag:s16] =	ssyncset.done $0x0  }
0x4a: {  	[sflag:s16] =	ssyncadd.s32 $0xFFFFEC00  }
0x4b: {  	[tilespmem:s29], [sflag:$0x2] =	stream.indirect.gather [hbm4b:s7+s3], $0x40, s5, s3, $0xb8;
	[tilespmem:$0x10E80] =	vst v63  }
0x4c: {  	_ =	swait.ge [sflag:s22], $0x2000  }
0x4d: {  	[sflag:s22] =	ssyncset.done $0x0  }
0x4e: {  	s17 =	simm.s32 $0x9800;
	[sflag:s22] =	ssyncadd.s32 $0xFFFFE000  }
0x4f: {  	[tilespmem:s17], [sflag:$0x2] =	stream.indirect.gather [hbm4b:s7+s3], $0x40, s3, s3, $0xb8;
	[tilespmem:$0x10E80] =	vst v63  }
0x50: {  	v15 =	vld [tilespmem:$0x3C00]  }
0x51: {  	v16 =	vld [tilespmem:$0x3C10]  }
0x52: {  	v9 =	vld [tilespmem:$0x3C20]  }
0x53: {  	s18 =	simm.s32 $0x3;
	v10 =	vld [tilespmem:$0x3C30]  }
0x54: {  	v17 =	vmov s18;
	v11 =	vld [tilespmem:$0x3C40]  }
0x55: {  	s8 =	simm.s32 $0x7880;
	v18 =	vand.u32 $0x7F, v17;
	v17 =	vmov s5;
	s19 =	simm.s32 $0x1;
	v12 =	vld [tilespmem:$0x3C50]  }
0x56: {  	v21 =	vadd.s32 v0, v18;
	v19 =	vand.u32 $0x7C, v17;
	v17 =	vmov s19;
	v20 =	vld [tilespmem:s8+$0x40]  }
0x57: {  	v23 =	vadd.s32 v0, v19;
	v24 =	vand.u32 $0x7D, v17;
	v22 =	vld [tilespmem:s8+$0xFFFFFF80]  }
0x58: {  	v25 =	vadd.s32 v0, v24;
	s21 =	simm.s32 $0x2;
	v17 =	vld [tilespmem:s8+$0xFFFFFFC0]  }
0x59: {  	v26 =	vmov s21;
	v13 =	vld [tilespmem:$0x3C60]  }
0x5a: {  	v26 =	vand.u32 $0x7E, v26;
	v14 =	vld [tilespmem:$0x3C70]  }
0x5b: {  	v28 =	vadd.s32 v0, v26;
	v27 =	vld [tilespmem:s8+$0x0];
	[tilespmem:v21+s25+$0x0] =	vst.idx.msk $0xffff, v20  }
0x5c: {  	v21 =	vadd.s32 v1, v18;
	[tilespmem:v23+s25+$0x0] =	vst.idx.msk $0xffff, v22;
	v20 =	vld [tilespmem:s8+$0x50]  }
0x5d: {  	v23 =	vadd.s32 v1, v19;
	[tilespmem:v25+s25+$0x0] =	vst.idx.msk $0xffff, v17;
	v22 =	vld [tilespmem:s8+$0xFFFFFF90]  }
0x5e: {  	v25 =	vadd.s32 v1, v24;
	v17 =	vld [tilespmem:s8+$0xFFFFFFD0];
	_ =	sdelay $0x1  }
0x5f: {  	[tilespmem:v28+s25+$0x0] =	vst.idx.msk $0xffff, v27  }
0x60: {  	v29 =	vadd.s32 v1, v26;
	v28 =	vld [tilespmem:s8+$0x10];
	[tilespmem:v21+s25+$0x0] =	vst.idx.msk $0xffff, v20  }
0x61: {  	s23 =	simm.s32 $0x7;
	v27 =	vadd.s32 v2, v18;
	[tilespmem:v23+s25+$0x0] =	vst.idx.msk $0xffff, v22;
	v20 =	vld [tilespmem:s8+$0x60]  }
0x62: {  	v23 =	vadd.s32 v2, v19;
	v21 =	vmov s23;
	[tilespmem:v25+s25+$0x0] =	vst.idx.msk $0xffff, v17;
	v22 =	vld [tilespmem:s8+$0xFFFFFFA0]  }
0x63: {  	s0 =	simm.s32 $0x7980;
	v30 =	vadd.s32 v2, v24;
	v21 =	vand.u32 $0x7F, v21;
	v25 =	vld [tilespmem:s8+$0xFFFFFFE0]  }
0x64: {  	s24 =	simm.s32 $0x4;
	v31 =	vld [tilespmem:s0+$0x40];
	v32 =	vadd.s32 v0, v21  }
0x65: {  	s26 =	simm.s32 $0x5;
	v17 =	vmov s24;
	[tilespmem:v29+s25+$0x0] =	vst.idx.msk $0xffff, v28  }
0x66: {  	v35 =	vmov s26;
	v17 =	vand.u32 $0x7C, v17;
	[tilespmem:v27+s25+$0x0] =	vst.idx.msk $0xffff, v20  }
0x67: {  	s31 =	simm.s32 $0x6;
	v33 =	vld [tilespmem:s0+$0xFFFFFF80];
	v34 =	vadd.s32 v0, v17;
	v20 =	vand.u32 $0x7D, v35;
	[tilespmem:v23+s25+$0x0] =	vst.idx.msk $0xffff, v22  }
0x68: {  	v27 =	vmov s31;
	v22 =	vld [tilespmem:s0+$0xFFFFFFC0];
	[tilespmem:v30+s25+$0x0] =	vst.idx.msk $0xffff, v25;
	v23 =	vadd.s32 v0, v20  }
0x69: {  	v29 =	vadd.s32 v3, v18;
	v25 =	vld [tilespmem:s8+$0x20];
	v18 =	vand.u32 $0x7E, v27;
	[tilespmem:v32+s25+$0x0] =	vst.idx.msk $0xffff, v31;
	v31 =	vadd.s32 v2, v26  }
0x6a: {  	v27 =	vld [tilespmem:s0+$0x0];
	v62 =	vadd.s32 v0, v18  }
0x6b: {  	v28 =	vld [tilespmem:s8+$0x70]  }
0x6c: {  	v63 =	vadd.s32 v1, v21;
	[tilespmem:v34+s25+$0x0] =	vst.idx.msk $0xffff, v33;
	v32 =	vld [tilespmem:s0+$0x50]  }
0x6d: {  	v36 =	vadd.s32 v1, v17;
	v34 =	vld [tilespmem:s0+$0xFFFFFF90];
	[tilespmem:v23+s25+$0x0] =	vst.idx.msk $0xffff, v22  }
0x6e: {  	v38 =	vadd.s32 v3, v24;
	v37 =	vld [tilespmem:s8+$0xFFFFFFF0];
	[tilespmem:v31+s25+$0x0] =	vst.idx.msk $0xffff, v25  }
0x6f: {  	v31 =	vadd.s32 v1, v20;
	v30 =	vld [tilespmem:s0+$0xFFFFFFD0];
	[tilespmem:v62+s25+$0x0] =	vst.idx.msk $0xffff, v27  }
0x70: {  	[tilespmem:v29+s25+$0x0] =	vst.idx.msk $0xffff, v28;
	v29 =	vadd.s32 v1, v18;
	v28 =	vld [tilespmem:s0+$0x10]  }
0x71: {  	[tilespmem:v63+s25+$0x0] =	vst.idx.msk $0xffff, v32;
	v24 =	vld [tilespmem:s8+$0x30];
	v27 =	vadd.s32 v3, v26  }
0x72: {  	v25 =	vadd.s32 v2, v21;
	[tilespmem:v36+s25+$0x0] =	vst.idx.msk $0xffff, v34;
	v22 =	vld [tilespmem:s0+$0x60]  }
0x73: {  	s9 =	simm.s32 $0x8;
	s10 =	simm.s32 $0xC;
	s11 =	simm.s32 $0xB;
	[tilespmem:v38+s25+$0x0] =	vst.idx.msk $0xffff, v37;
	v26 =	vadd.s32 v2, v17;
	v23 =	vld [tilespmem:s0+$0xFFFFFFA0]  }
.LBB2_2:
0x74: {  	p0 =	slt.u32 s10, $0x7C;
	v32 =	vmov s11;
	[tilespmem:v31+s25+$0x0] =	vst.idx.msk $0xffff, v30;
	v30 =	vld [tilespmem:s8+$0xFFFFFFB0];
	v31 =	vadd.s32 v3, v19;
	v19 =	vmov v17;
	s8 =	smov.u32 s0  }
0x75: {  	v17 =	vmov s9;
	v34 =	vadd.s32 v2, v20;
	s0 =	sadd.s32 $0x100, s0;
	v32 =	vand.u32 $0x7F, v32;
	v33 =	vld [tilespmem:s8+$0xFFFFFFE0];
	[tilespmem:v29+s25+$0x0] =	vst.idx.msk $0xffff, v28  }
0x76: {  	s11 =	sadd.s32 $0x1, s9;
	v17 =	vand.u32 $0x7C, v17;
	v28 =	vld [tilespmem:s0+$0x40];
	v29 =	vadd.s32 v0, v32;
	[tilespmem:v27+s25+$0x0] =	vst.idx.msk $0xffff, v24  }
0x77: {  	v35 =	vmov s11;
	s11 =	sadd.s32 $0x2, s9;
	s9 =	smov.u32 s10;
	v27 =	vadd.s32 v0, v17;
	v24 =	vld [tilespmem:s0+$0xFFFFFF80];
	[tilespmem:v25+s25+$0x0] =	vst.idx.msk $0xffff, v22  }
0x78: {  	v22 =	vand.u32 $0x7D, v35;
	v25 =	vmov s11;
	[tilespmem:v26+s25+$0x0] =	vst.idx.msk $0xffff, v23;
	v23 =	vld [tilespmem:s8+$0x70];
	v26 =	vadd.s32 v3, v21;
	v21 =	vmovc v32  }
0x79: {  	v35 =	vadd.s32 v0, v22;
	v25 =	vand.u32 $0x7E, v25;
	v32 =	vld [tilespmem:s0+$0xFFFFFFC0];
	[tilespmem:v31+s25+$0x0] =	vst.idx.msk $0xffff, v30  }
0x7a: {  	v37 =	vadd.s32 v0, v25;
	v36 =	vld [tilespmem:s0+$0x0];
	[tilespmem:v34+s25+$0x0] =	vst.idx.msk $0xffff, v33  }
0x7b: {  	v34 =	vadd.s32 v2, v18;
	[tilespmem:v29+s25+$0x0] =	vst.idx.msk $0xffff, v28;
	v33 =	vld [tilespmem:s8+$0x20]  }
0x7c: {  	[tilespmem:v27+s25+$0x0] =	vst.idx.msk $0xffff, v24;
	v24 =	vld [tilespmem:s0+$0x50];
	v27 =	vadd.s32 v1, v21  }
0x7d: {  	v39 =	vadd.s32 v1, v17;
	v38 =	vld [tilespmem:s0+$0xFFFFFF90];
	[tilespmem:v26+s25+$0x0] =	vst.idx.msk $0xffff, v23  }
0x7e: {  	[tilespmem:v35+s25+$0x0] =	vst.idx.msk $0xffff, v32;
	v32 =	vld [tilespmem:s8+$0xFFFFFFF0];
	v35 =	vadd.s32 v3, v20;
	v20 =	vmov v22  }
.Ltmp0:
0x7f: {  	v30 =	vld [tilespmem:s0+$0xFFFFFFD0];
	v31 =	vadd.s32 v1, v20;
	[tilespmem:v37+s25+$0x0] =	vst.idx.msk $0xffff, v36;
	(pc) =	sbr.rel @p0 .LBB2_2-.Ltmp0, $4  }
0x80: {  	v29 =	vadd.s32 v1, v25;
	v28 =	vld [tilespmem:s0+$0x10];
	[tilespmem:v34+s25+$0x0] =	vst.idx.msk $0xffff, v33  }
0x81: {  	[tilespmem:v27+s25+$0x0] =	vst.idx.msk $0xffff, v24;
	v24 =	vld [tilespmem:s8+$0x30];
	v27 =	vadd.s32 v3, v18;
	v18 =	vmov v25  }
0x82: {  	v25 =	vadd.s32 v2, v21;
	[tilespmem:v39+s25+$0x0] =	vst.idx.msk $0xffff, v38;
	v22 =	vld [tilespmem:s0+$0x60]  }
0x83: {  	s10 =	sadd.s32 $0x4, s10;
	s11 =	sadd.s32 $0x3, s9;
	v26 =	vadd.s32 v2, v17;
	v23 =	vld [tilespmem:s0+$0xFFFFFFA0];
	[tilespmem:v35+s25+$0x0] =	vst.idx.msk $0xffff, v32  }
0x84: {  	_ =	sdelay $0x2  }
0x85: {  	v32 =	vmov s11;
	s10 =	sadd.s32 $0x1, s9  }
0x86: {  	[tilespmem:v31+s25+$0x0] =	vst.idx.msk $0xffff, v30;
	v30 =	vld [tilespmem:s8+$0xFFFFFFB0];
	v19 =	vadd.s32 v3, v19;
	s24 =	sadd.s32 $0x100, s0;
	s26 =	sadd.s32 $0x2, s9;
	v31 =	vand.u32 $0x7F, v32;
	v47 =	vmov s10  }
0x87: {  	[tilespmem:v29+s25+$0x0] =	vst.idx.msk $0xffff, v28;
	v28 =	vld [tilespmem:s24+$0x40];
	v33 =	vmov s26;
	v29 =	vadd.s32 v0, v31;
	v32 =	vand.u32 $0x7D, v47  }
0x88: {  	v34 =	vmov s9;
	v48 =	vld [tilespmem:s24+$0xFFFFFFC0];
	[tilespmem:v27+s25+$0x0] =	vst.idx.msk $0xffff, v24;
	v33 =	vand.u32 $0x7E, v33;
	v27 =	vadd.s32 v0, v32  }
0x89: {  	v34 =	vand.u32 $0x7C, v34;
	v49 =	vld [tilespmem:s24+$0x0];
	[tilespmem:v25+s25+$0x0] =	vst.idx.msk $0xffff, v22;
	v50 =	vadd.s32 v0, v33  }
0x8a: {  	v35 =	vld [tilespmem:s24+$0xFFFFFF80];
	v51 =	vadd.s32 v0, v34;
	[tilespmem:v26+s25+$0x0] =	vst.idx.msk $0xffff, v23  }
0x8b: {  	v52 =	vld [tilespmem:s0+$0xFFFFFFE0];
	[tilespmem:v19+s25+$0x0] =	vst.idx.msk $0xffff, v30;
	v19 =	vadd.s32 v2, v20  }
0x8c: {  	v56 =	vadd.s32 v2, v18;
	v55 =	vld [tilespmem:s0+$0x20];
	[tilespmem:v29+s25+$0x0] =	vst.idx.msk $0xffff, v28  }
0x8d: {  	v29 =	vadd.s32 v1, v31;
	v28 =	vld [tilespmem:s24+$0x50];
	[tilespmem:v27+s25+$0x0] =	vst.idx.msk $0xffff, v48  }
0x8e: {  	v27 =	vadd.s32 v1, v32;
	[tilespmem:v50+s25+$0x0] =	vst.idx.msk $0xffff, v49;
	v24 =	vld [tilespmem:s24+$0xFFFFFFD0]  }
0x8f: {  	v53 =	vadd.s32 v1, v33;
	[tilespmem:v51+s25+$0x0] =	vst.idx.msk $0xffff, v35;
	v22 =	vld [tilespmem:s24+$0x10]  }
0x90: {  	v54 =	vadd.s32 v1, v34;
	[tilespmem:v19+s25+$0x0] =	vst.idx.msk $0xffff, v52;
	v19 =	vld [tilespmem:s24+$0xFFFFFF90]  }
0x91: {  	v21 =	vadd.s32 v3, v21;
	v30 =	vld [tilespmem:s0+$0x70];
	[tilespmem:v56+s25+$0x0] =	vst.idx.msk $0xffff, v55  }
0x92: {  	v20 =	vadd.s32 v3, v20;
	v57 =	vld [tilespmem:s0+$0xFFFFFFF0];
	[tilespmem:v29+s25+$0x0] =	vst.idx.msk $0xffff, v28  }
0x93: {  	v29 =	vadd.s32 v2, v31;
	v28 =	vld [tilespmem:s24+$0x60];
	[tilespmem:v27+s25+$0x0] =	vst.idx.msk $0xffff, v24  }
0x94: {  	v27 =	vadd.s32 v2, v32;
	[tilespmem:v53+s25+$0x0] =	vst.idx.msk $0xffff, v22;
	v24 =	vld [tilespmem:s24+$0xFFFFFFE0]  }
0x95: {  	v58 =	vadd.s32 v2, v33;
	[tilespmem:v54+s25+$0x0] =	vst.idx.msk $0xffff, v19;
	v19 =	vld [tilespmem:s24+$0x20]  }
0x96: {  	v60 =	vadd.s32 v2, v34;
	[tilespmem:v21+s25+$0x0] =	vst.idx.msk $0xffff, v30;
	v59 =	vld [tilespmem:s24+$0xFFFFFFA0]  }
0x97: {  	v18 =	vadd.s32 v3, v18;
	v26 =	vld [tilespmem:s0+$0x30];
	[tilespmem:v20+s25+$0x0] =	vst.idx.msk $0xffff, v57  }
0x98: {  	v17 =	vadd.s32 v3, v17;
	v20 =	vld [tilespmem:s0+$0xFFFFFFB0];
	[tilespmem:v29+s25+$0x0] =	vst.idx.msk $0xffff, v28  }
0x99: {  	v28 =	vadd.s32 v3, v31;
	v61 =	vld [tilespmem:s24+$0x70];
	[tilespmem:v27+s25+$0x0] =	vst.idx.msk $0xffff, v24  }
0x9a: {  	v27 =	vadd.s32 v3, v32;
	[tilespmem:v58+s25+$0x0] =	vst.idx.msk $0xffff, v19;
	v24 =	vld [tilespmem:s24+$0xFFFFFFF0]  }
0x9b: {  	v62 =	vadd.s32 v3, v33;
	[tilespmem:v60+s25+$0x0] =	vst.idx.msk $0xffff, v59;
	v19 =	vld [tilespmem:s24+$0x30]  }
0x9c: {  	v63 =	vadd.s32 v3, v34;
	[tilespmem:v18+s25+$0x0] =	vst.idx.msk $0xffff, v26;
	v18 =	vld [tilespmem:s24+$0xFFFFFFB0]  }
0x9d: {  	[tilespmem:v17+s25+$0x0] =	vst.idx.msk $0xffff, v20  }
0x9e: {  	[tilespmem:v28+s25+$0x0] =	vst.idx.msk $0xffff, v61  }
0x9f: {  	[tilespmem:v27+s25+$0x0] =	vst.idx.msk $0xffff, v24  }
0xa0: {  	[tilespmem:v62+s25+$0x0] =	vst.idx.msk $0xffff, v19  }
0xa1: {  	[tilespmem:v63+s25+$0x0] =	vst.idx.msk $0xffff, v18  }
0xa2: {  	v4 =	vld [tilespmem:$0x1FFF0];
	_ =	sdelay $0x2  }
0xa3: {  	v15 =	vmul.u32 $0x18, v15;
	v9 =	vmul.u32 $0x18, v9;
	v10 =	vmul.u32 $0x18, v10  }
0xa4: {  	v11 =	vmul.u32 $0x18, v11;
	v13 =	vmul.u32 $0x18, v13;
	v17 =	vmul.u32 $0x18, v12  }
0xa5: {  	s31 =	simm.s32 $0x1;
	v18 =	vmul.u32 $0x18, v14;
	v31 =	vadd.s32 v4, v15;
	v15 =	vadd.s32 v4, v9  }
0xa6: {  	v14 =	vadd.s32 v4, v10;
	v10 =	vadd.s32 v4, v13;
	v13 =	vmov s31  }
0xa7: {  	v12 =	vadd.s32 v4, v11;
	v11 =	vadd.s32 v4, v17;
	v17 =	vand.u32 $0x8, v13  }
0xa8: {  	v9 =	vadd.s32 v4, v18;
	v18 =	vand.u32 $0x7, v13;
	v13 =	vadd.s32 v31, v17  }
0xa9: {  	p4 =	por $0x1, $0x1;
	v13 =	vor.u32 v18, v13  }
.Ltmp1:
0xaa: {  	s16 =	simm.s32 $0x0;
	(pc) =	sbr.rel @!p4 .LBB2_4-.Ltmp1, $4  }
0xab: {  	v20 =	vmov s16  }
0xac: {  	v16 =	vmul.u32 $0x18, v16;
	p0 =	por $0x0, $0x0;
	v19 =	vand.u32 $0x8, v20  }
0xad: {  	p1 =	por $0x0, $0x0;
	p2 =	por $0x0, $0x0;
	p3 =	por $0x0, $0x0;
	v43 =	vand.u32 $0x6, v20;
	v20 =	vadd.s32 v31, v19  }
0xae: {  	s8 =	sand.u32 $0x7, s31;
	s0 =	simm.s32 $0x3;
	v16 =	vadd.s32 v4, v16;
	v41 =	vor.u32 v43, v20;
	v29 =	vld.idx.msk [tilespmem:v13+s20+$0x0], $0xffff;
	[dreg:$0x11] =	wrdreg s13  }
0xaf: {  	_ =	sdelay $0x2  }
0xb0: {  	s9 =	simm.s32 $0x0  }
0xb1: {  	v13 =	vld.idx.msk [tilespmem:v41+s20+$0x0], $0xffff;
	s10 =	sand.u32 $0x6, s16;
	v20 =	vadd.s32 v16, v19;
	s9 =	smul.u32 $0x1100, s9  }
0xb2: {  	s10 =	smul.u32 $0x220, s10;
	v21 =	vor.u32 v43, v20;
	v20 =	vadd.s32 v16, v17  }
0xb3: {  	s8 =	smul.u32 $0x220, s8;
	v22 =	vor.u32 v18, v20;
	s9 =	sshra.s32 s9, $0x2  }
0xb4: {  	v20 =	vmov s0;
	s10 =	sshrl.u32 s10, $0x2;
	s9 =	sadd.s32 $0xDA00, s9  }
0xb5: {  	s8 =	sshrl.u32 s8, $0x2;
	v23 =	vand.u32 $0x8, v20;
	s21 =	sadd.s32 s10, s9  }
0xb6: {  	v20 =	vand.u32 $0x7, v20;
	v24 =	vadd.s32 v31, v23;
	s9 =	sadd.s32 s8, s9;
	[tilespmem:s21+$0x0] =	vst v13  }
0xb7: {  	v13 =	vor.u32 v20, v24;
	[tilespmem:s9+$0x0] =	vst v29;
	v24 =	vld.idx.msk [tilespmem:v21+s20+$0x0], $0xffff;
	v21 =	vadd.s32 v15, v19  }
0xb8: {  	p4 =	por $0x1, $0x1;
	v22 =	vld.idx.msk [tilespmem:v22+s20+$0x0], $0xffff;
	v26 =	vor.u32 v43, v21  }
.Ltmp2:
0xb9: {  	s16 =	simm.s32 $0x2;
	(pc) =	sbr.rel @!p4 .LBB2_6-.Ltmp2, $4  }
0xba: {  	v25 =	vmov s16  }
0xbb: {  	v49 =	vadd.s32 v14, v19;
	v21 =	vand.u32 $0x8, v25  }
0xbc: {  	v25 =	vand.u32 $0x6, v25;
	v27 =	vadd.s32 v31, v21;
	v29 =	vld.idx.msk [tilespmem:v13+s20+$0x0], $0xffff;
	v13 =	vadd.s32 v15, v17;
	[tilespmem:s21+$0x10] =	vst v24  }
0xbd: {  	p0 =	por $0x1, $0x1;
	s8 =	sand.u32 $0x7, s0;
	s0 =	simm.s32 $0x5;
	v41 =	vor.u32 v25, v27;
	v39 =	vor.u32 v18, v13;
	[tilespmem:s9+$0x10] =	vst v22;
	v36 =	vld.idx.msk [tilespmem:v26+s20+$0x0], $0xffff  }
0xbe: {  	_ =	sdelay $0x2  }
0xbf: {  	s10 =	simm.s32 $0x0;
	v24 =	vor.u32 v43, v49  }
0xc0: {  	v22 =	vld.idx.msk [tilespmem:v41+s20+$0x0], $0xffff;
	s11 =	sand.u32 $0x6, s16;
	v13 =	vadd.s32 v16, v21;
	s10 =	smul.u32 $0x1100, s10  }
0xc1: {  	v27 =	vmov s0;
	v30 =	vadd.s32 v16, v23;
	s11 =	smul.u32 $0x220, s11;
	v28 =	vor.u32 v25, v13  }
0xc2: {  	s8 =	smul.u32 $0x220, s8;
	v26 =	vand.u32 $0x8, v27;
	v30 =	vor.u32 v20, v30;
	s10 =	sshra.s32 s10, $0x2  }
0xc3: {  	v32 =	vld.idx.msk [tilespmem:v39+s20+$0x0], $0xffff;
	v13 =	vand.u32 $0x7, v27;
	v27 =	vadd.s32 v31, v26;
	s31 =	sshrl.u32 s11, $0x2;
	s12 =	sadd.s32 $0xDA00, s10;
	[tilespmem:s21+$0x20] =	vst v36  }
0xc4: {  	v33 =	vadd.s32 v14, v17;
	s8 =	sshrl.u32 s8, $0x2;
	v27 =	vor.u32 v13, v27;
	s10 =	sadd.s32 s31, s12;
	v24 =	vld.idx.msk [tilespmem:v24+s20+$0x0], $0xffff  }
0xc5: {  	v33 =	vor.u32 v18, v33;
	s12 =	sadd.s32 s8, s12;
	[tilespmem:s10+$0x0] =	vst v22;
	v22 =	vadd.s32 v12, v19  }
0xc6: {  	v34 =	vadd.s32 v15, v21;
	s16 =	simm.s32 $0x4;
	[tilespmem:s12+$0x0] =	vst v29;
	v28 =	vld.idx.msk [tilespmem:v28+s20+$0x0], $0xffff;
	v22 =	vor.u32 v43, v22  }
0xc7: {  	p4 =	por $0x1, $0x1;
	v34 =	vor.u32 v25, v34;
	v35 =	vmov s16;
	v30 =	vld.idx.msk [tilespmem:v30+s20+$0x0], $0xffff  }
.Ltmp3:
0xc8: {  	v38 =	vand.u32 $0x8, v35;
	[tilespmem:s9+$0x20] =	vst v32;
	(pc) =	sbr.rel @!p4 .LBB2_8-.Ltmp3, $4  }
0xc9: {  	v40 =	vand.u32 $0x6, v35;
	v29 =	vld.idx.msk [tilespmem:v27+s20+$0x0], $0xffff;
	v27 =	vadd.s32 v31, v38;
	[tilespmem:s21+$0x30] =	vst v24;
	v24 =	vadd.s32 v15, v23  }
0xca: {  	v49 =	vadd.s32 v14, v21;
	v45 =	vld.idx.msk [tilespmem:v33+s20+$0x0], $0xffff;
	v41 =	vor.u32 v40, v27;
	v39 =	vor.u32 v20, v24  }
0xcb: {  	v24 =	vadd.s32 v12, v17;
	v48 =	vld.idx.msk [tilespmem:v22+s20+$0x0], $0xffff;
	[tilespmem:s10+$0x10] =	vst v28;
	v22 =	vadd.s32 v11, v19  }
0xcc: {  	p1 =	por $0x1, $0x1;
	s8 =	sand.u32 $0x7, s0;
	s0 =	simm.s32 $0x7;
	[tilespmem:s12+$0x10] =	vst v30;
	v51 =	vor.u32 v18, v24;
	v36 =	vld.idx.msk [tilespmem:v34+s20+$0x0], $0xffff;
	v50 =	vor.u32 v43, v22  }
0xcd: {  	_ =	sdelay $0x2  }
0xce: {  	v22 =	vmov s0;
	s11 =	simm.s32 $0x0  }
0xcf: {  	v24 =	vld.idx.msk [tilespmem:v41+s20+$0x0], $0xffff;
	v28 =	vor.u32 v25, v49;
	s13 =	sand.u32 $0x6, s16;
	v30 =	vadd.s32 v16, v38;
	v27 =	vand.u32 $0x8, v22;
	s11 =	smul.u32 $0x1100, s11  }
0xd0: {  	v44 =	vand.u32 $0x7, v22;
	s13 =	smul.u32 $0x220, s13;
	v30 =	vor.u32 v40, v30;
	v22 =	vadd.s32 v31, v27  }
0xd1: {  	v32 =	vld.idx.msk [tilespmem:v39+s20+$0x0], $0xffff;
	[tilespmem:s9+$0x30] =	vst v45;
	v22 =	vor.u32 v44, v22;
	s11 =	sshra.s32 s11, $0x2  }
0xd2: {  	v33 =	vadd.s32 v16, v26;
	[tilespmem:s21+$0x40] =	vst v48;
	s13 =	sshrl.u32 s13, $0x2;
	v54 =	vld.idx.msk [tilespmem:v51+s20+$0x0], $0xffff;
	s11 =	sadd.s32 $0xDA00, s11  }
0xd3: {  	s8 =	smul.u32 $0x220, s8;
	v37 =	vadd.s32 v14, v23;
	v33 =	vor.u32 v13, v33;
	v34 =	vld.idx.msk [tilespmem:v50+s20+$0x0], $0xffff;
	[tilespmem:s10+$0x20] =	vst v36;
	s13 =	sadd.s32 s13, s11  }
0xd4: {  	v35 =	vadd.s32 v10, v19;
	v37 =	vor.u32 v20, v37;
	v28 =	vld.idx.msk [tilespmem:v28+s20+$0x0], $0xffff;
	[tilespmem:s13+$0x0] =	vst v24  }
0xd5: {  	v35 =	vor.u32 v43, v35;
	s8 =	sshrl.u32 s8, $0x2;
	v24 =	vadd.s32 v12, v21;
	v55 =	vld.idx.msk [tilespmem:v30+s20+$0x0], $0xffff  }
0xd6: {  	s23 =	sadd.s32 s8, s11;
	[tilespmem:s12+$0x20] =	vst v32;
	v42 =	vor.u32 v25, v24;
	v59 =	vld.idx.msk [tilespmem:v22+s20+$0x0], $0xffff;
	v22 =	vadd.s32 v15, v38  }
0xd7: {  	[tilespmem:s23+$0x0] =	vst v29;
	v24 =	vadd.s32 v11, v17;
	v22 =	vor.u32 v40, v22  }
0xd8: {  	v19 =	vadd.s32 v9, v19;
	p4 =	por $0x1, $0x1;
	v56 =	vld.idx.msk [tilespmem:v33+s20+$0x0], $0xffff;
	v29 =	vor.u32 v18, v24;
	[tilespmem:s9+$0x40] =	vst v54  }
.Ltmp4:
0xd9: {  	s16 =	simm.s32 $0x6;
	v58 =	vadd.s32 v15, v26;
	v49 =	vadd.s32 v14, v38;
	v62 =	vld.idx.msk [tilespmem:v37+s20+$0x0], $0xffff;
	[tilespmem:s21+$0x50] =	vst v34;
	(pc) =	sbr.rel @!p4 .LBB2_10-.Ltmp4, $4  }
0xda: {  	v61 =	vor.u32 v43, v19;
	v39 =	vor.u32 v13, v58;
	v24 =	vmov s16;
	v60 =	vld.idx.msk [tilespmem:v35+s20+$0x0], $0xffff;
	[tilespmem:s10+$0x30] =	vst v28  }
0xdb: {  	v19 =	vadd.s32 v11, v21;
	v47 =	vand.u32 $0x8, v24;
	v24 =	vand.u32 $0x6, v24;
	v33 =	vld.idx.msk [tilespmem:v42+s20+$0x0], $0xffff;
	[tilespmem:s13+$0x10] =	vst v55  }
0xdc: {  	v57 =	vadd.s32 v31, v47;
	v35 =	vor.u32 v25, v19;
	v36 =	vld.idx.msk [tilespmem:v22+s20+$0x0], $0xffff;
	v22 =	vadd.s32 v12, v23  }
0xdd: {  	p2 =	por $0x1, $0x1;
	s8 =	sand.u32 $0x7, s0;
	s0 =	simm.s32 $0x9;
	v41 =	vor.u32 v24, v57;
	[tilespmem:s23+$0x10] =	vst v56;
	v63 =	vld.idx.msk [tilespmem:v29+s20+$0x0], $0xffff;
	v37 =	vor.u32 v20, v22  }
0xde: {  	_ =	sdelay $0x3  }
0xdf: {  	v29 =	vld.idx.msk [tilespmem:v41+s20+$0x0], $0xffff  }
0xe0: {  	s11 =	simm.s32 $0x0;
	v57 =	vor.u32 v40, v49;
	v42 =	vadd.s32 v10, v17;
	v45 =	vadd.s32 v16, v47;
	[tilespmem:$0x1FFE0] =	vst v60  }
0xe1: {  	v19 =	vmov s0;
	s15 =	sand.u32 $0x6, s16;
	v48 =	vadd.s32 v16, v27;
	s11 =	smul.u32 $0x1100, s11;
	v42 =	vor.u32 v18, v42;
	[tilespmem:s21+$0x60] =	vst v60;
	v39 =	vld.idx.msk [tilespmem:v39+s20+$0x0], $0xffff  }
0xe2: {  	v58 =	vadd.s32 v10, v21;
	v22 =	vand.u32 $0x8, v19;
	s15 =	smul.u32 $0x220, s15;
	v45 =	vor.u32 v24, v45;
	[tilespmem:s10+$0x40] =	vst v33;
	v46 =	vld.idx.msk [tilespmem:v61+s20+$0x0], $0xffff  }
0xe3: {  	s8 =	smul.u32 $0x220, s8;
	v43 =	vand.u32 $0x7, v19;
	v48 =	vor.u32 v44, v48;
	v19 =	vadd.s32 v31, v22;
	[tilespmem:s12+$0x30] =	vst v62;
	s11 =	sshra.s32 s11, $0x2;
	v49 =	vld.idx.msk [tilespmem:v35+s20+$0x0], $0xffff  }
0xe4: {  	v32 =	vmov v61;
	v60 =	vadd.s32 v14, v26;
	v19 =	vor.u32 v43, v19;
	s15 =	sshrl.u32 s15, $0x2;
	[tilespmem:s13+$0x20] =	vst v36;
	v50 =	vld.idx.msk [tilespmem:v37+s20+$0x0], $0xffff;
	s11 =	sadd.s32 $0xDA00, s11  }
0xe5: {  	v4 =	vmov v35;
	s8 =	sshrl.u32 s8, $0x2;
	v36 =	vor.u32 v25, v58;
	v53 =	vor.u32 v13, v60;
	[tilespmem:s9+$0x50] =	vst v63;
	s26 =	sadd.s32 s15, s11;
	v51 =	vld.idx.msk [tilespmem:v57+s20+$0x0], $0xffff  }
0xe6: {  	v34 =	vmov v33;
	v61 =	vadd.s32 v11, v23;
	s24 =	sadd.s32 s8, s11;
	[tilespmem:s26+$0x0] =	vst v29;
	v29 =	vadd.s32 v12, v38;
	v42 =	vld.idx.msk [tilespmem:v42+s20+$0x0], $0xffff  }
0xe7: {  	s16 =	simm.s32 $0x8;
	v33 =	vmov v62;
	v60 =	vadd.s32 v9, v21;
	[tilespmem:s24+$0x0] =	vst v59;
	v54 =	vld.idx.msk [tilespmem:v45+s20+$0x0], $0xffff;
	v55 =	vor.u32 v40, v29  }
0xe8: {  	v62 =	vmov s16;
	v35 =	vmovc v63;
	v63 =	vadd.s32 v15, v47;
	v56 =	vor.u32 v20, v61;
	v57 =	vld.idx.msk [tilespmem:v48+s20+$0x0], $0xffff;
	[tilespmem:s23+$0x20] =	vst v39  }
0xe9: {  	v48 =	vadd.s32 v9, v17;
	[tilespmem:s21+$0x70] =	vst v46;
	v29 =	vld.idx.msk [tilespmem:v19+s20+$0x0], $0xffff;
	v19 =	vand.u32 $0x8, v62;
	v46 =	vor.u32 v24, v63  }
0xea: {  	p4 =	por $0x1, $0x1;
	v59 =	vand.u32 $0x6, v62;
	[tilespmem:s10+$0x50] =	vst v49;
	v58 =	vor.u32 v18, v48;
	v45 =	vld.idx.msk [tilespmem:v53+s20+$0x0], $0xffff;
	v49 =	vadd.s32 v31, v19  }
.Ltmp5:
0xeb: {  	v61 =	vadd.s32 v15, v27;
	v52 =	vld.idx.msk [tilespmem:v36+s20+$0x0], $0xffff;
	v41 =	vor.u32 v59, v49;
	[tilespmem:s13+$0x30] =	vst v51;
	(pc) =	sbr.rel @!p4 .LBB2_12-.Ltmp5, $4  }
0xec: {  	v39 =	vor.u32 v44, v61;
	v53 =	vor.u32 v25, v60;
	[tilespmem:s12+$0x40] =	vst v50;
	v48 =	vld.idx.msk [tilespmem:v55+s20+$0x0], $0xffff  }
0xed: {  	v62 =	vadd.s32 v11, v38;
	v63 =	vadd.s32 v12, v26;
	[tilespmem:s26+$0x10] =	vst v54;
	v55 =	vld.idx.msk [tilespmem:v56+s20+$0x0], $0xffff  }
0xee: {  	p3 =	por $0x1, $0x1;
	s17 =	smov.u32 s12;
	s18 =	smov.u32 s9;
	v50 =	vor.u32 v40, v62;
	v49 =	vadd.s32 v14, v47;
	[tilespmem:s9+$0x60] =	vst v42;
	v36 =	vld.idx.msk [tilespmem:v46+s20+$0x0], $0xffff  }
0xef: {  	s8 =	sand.u32 $0x7, s0;
	s11 =	simm.s32 $0xB;
	s0 =	smov.u32 s10;
	v51 =	vor.u32 v13, v63;
	v42 =	vmov v23;
	[tilespmem:s24+$0x10] =	vst v57;
	v56 =	vld.idx.msk [tilespmem:v58+s20+$0x0], $0xffff;
	v46 =	vmov v20  }
.LBB2_13:
0xf0: {  	v54 =	vmov s11;
	v41 =	vld.idx.msk [tilespmem:v41+s20+$0x0], $0xffff;
	v49 =	vor.u32 v24, v49;
	[tilespmem:s0+$0x60] =	vst v52;
	v52 =	vadd.s32 v10, v42;
	v57 =	vmovc v13  }
0xf1: {  	s15 =	sshrl.u32 s16, $0x3;
	s8 =	smul.u32 $0x220, s8;
	v13 =	vmovc v44;
	v44 =	vmovc v43;
	v58 =	vmov v38;
	v38 =	vmov v47;
	v47 =	vmov v19  }
0xf2: {  	s16 =	sand.u32 $0x6, s16;
	v60 =	vand.u32 $0x8, v54;
	s15 =	smul.u32 $0x1100, s15;
	v19 =	vadd.s32 v16, v47;
	[tilespmem:s23+$0x30] =	vst v45;
	v45 =	vld.idx.msk [tilespmem:v53+s20+$0x0], $0xffff;
	v52 =	vor.u32 v46, v52  }
0xf3: {  	v43 =	vand.u32 $0x7, v54;
	s16 =	smul.u32 $0x220, s16;
	v53 =	vadd.s32 v31, v60;
	v19 =	vor.u32 v59, v19;
	v39 =	vld.idx.msk [tilespmem:v39+s20+$0x0], $0xffff;
	[tilespmem:s13+$0x40] =	vst v48  }
0xf4: {  	v48 =	vor.u32 v43, v53;
	s15 =	sshra.s32 s15, $0x2;
	v53 =	vadd.s32 v16, v22;
	v50 =	vld.idx.msk [tilespmem:v50+s20+$0x0], $0xffff;
	[tilespmem:s17+$0x50] =	vst v55;
	v54 =	vmov v40  }
0xf5: {  	s8 =	sshrl.u32 s8, $0x2;
	s16 =	sshrl.u32 s16, $0x2;
	v40 =	vmov v24;
	s15 =	sadd.s32 $0xDA00, s15;
	v53 =	vor.u32 v44, v53;
	[tilespmem:s26+$0x20] =	vst v36;
	v36 =	vadd.s32 v10, v58;
	v51 =	vld.idx.msk [tilespmem:v51+s20+$0x0], $0xffff  }
0xf6: {  	v55 =	vadd.s32 v14, v27;
	v24 =	vmov v59;
	s19 =	sadd.s32 s16, s15;
	s8 =	sadd.s32 s8, s15;
	v49 =	vld.idx.msk [tilespmem:v49+s20+$0x0], $0xffff;
	v36 =	vor.u32 v54, v36;
	[tilespmem:s18+$0x70] =	vst v56;
	s18 =	smov.u32 s17  }
0xf7: {  	v55 =	vor.u32 v13, v55;
	s17 =	smov.u32 s23;
	s23 =	smov.u32 s24;
	[tilespmem:s19+$0x0] =	vst v41;
	v41 =	vadd.s32 v12, v38;
	v56 =	vld.idx.msk [tilespmem:v52+s20+$0x0], $0xffff;
	s24 =	smov.u32 s8  }
0xf8: {  	s16 =	sadd.s32 $0xFFFFFFFF, s11;
	v61 =	vld.idx.msk [tilespmem:v19+s20+$0x0], $0xffff;
	v62 =	vor.u32 v40, v41;
	v19 =	vadd.s32 v11, v26;
	[tilespmem:s0+$0x70] =	vst v45;
	s0 =	smov.u32 s13;
	s13 =	smov.u32 s26  }
0xf9: {  	p4 =	slt.u32 s16, $0xE;
	v41 =	vmov s16;
	v45 =	vadd.s32 v15, v47;
	s26 =	smov.u32 s19;
	[tilespmem:s24+$0x0] =	vst v29;
	v29 =	vld.idx.msk [tilespmem:v48+s20+$0x0], $0xffff;
	v63 =	vor.u32 v57, v19  }
0xfa: {  	v19 =	vand.u32 $0x8, v41;
	v28 =	vor.u32 v24, v45;
	v48 =	vadd.s32 v9, v42;
	v30 =	vld.idx.msk [tilespmem:v53+s20+$0x0], $0xffff;
	[tilespmem:s0+$0x50] =	vst v50  }
0xfb: {  	v59 =	vand.u32 $0x6, v41;
	v41 =	vadd.s32 v31, v19;
	v46 =	vor.u32 v46, v48;
	[tilespmem:s23+$0x20] =	vst v39;
	v52 =	vld.idx.msk [tilespmem:v36+s20+$0x0], $0xffff  }
.Ltmp6:
0xfc: {  	v42 =	vmov v26;
	v41 =	vor.u32 v59, v41;
	v36 =	vadd.s32 v9, v58;
	[tilespmem:s13+$0x30] =	vst v49;
	v45 =	vld.idx.msk [tilespmem:v55+s20+$0x0], $0xffff;
	(pc) =	sbr.rel @p4 .LBB2_13-.Ltmp6, $4  }
0xfd: {  	v26 =	vmov v27;
	v39 =	vadd.s32 v15, v22;
	v53 =	vor.u32 v54, v36;
	v48 =	vld.idx.msk [tilespmem:v62+s20+$0x0], $0xffff;
	[tilespmem:s17+$0x40] =	vst v51  }
0xfe: {  	v27 =	vmov v22;
	v39 =	vor.u32 v44, v39;
	v49 =	vadd.s32 v11, v38;
	[tilespmem:s26+$0x10] =	vst v61;
	v55 =	vld.idx.msk [tilespmem:v63+s20+$0x0], $0xffff  }
0xff: {  	v22 =	vmov v60;
	v50 =	vor.u32 v40, v49;
	v36 =	vld.idx.msk [tilespmem:v28+s20+$0x0], $0xffff;
	v28 =	vadd.s32 v12, v26;
	[tilespmem:s18+$0x60] =	vst v56  }
0x100: {  	s8 =	sand.u32 $0x7, s11;
	s11 =	sadd.s32 $0x2, s11;
	v49 =	vadd.s32 v14, v47;
	[tilespmem:s24+$0x10] =	vst v30;
	v51 =	vor.u32 v13, v28;
	v56 =	vld.idx.msk [tilespmem:v46+s20+$0x0], $0xffff;
	v46 =	vmov v57  }
0x101: {  	v31 =	vmov v24;
	v54 =	vmov v13;
	v57 =	vmov v44  }
0x102: {  	s19 =	smov.u32 s23;
	v13 =	vmovc v43;
	v58 =	vmovc v38;
	v44 =	vmov v47;
	v24 =	vmov v59;
	v43 =	vmov v40  }
0x103: {  	s15 =	smov.u32 s13;
	s13 =	smov.u32 s26;
	s23 =	smov.u32 s24;
	v60 =	vld [tilespmem:$0x1FFE0];
	v61 =	vmovc v32;
	v62 =	vmovc v33;
	v33 =	vmov v34;
	v63 =	vmov v35;
	v35 =	vmov v4  }
.LBB2_15:
0x104: {  	_ =	sdelay $0x2  }
0x105: {  	s11 =	sshrl.u32 s16, $0x3  }
0x106: {  	v28 =	vld.idx.msk [tilespmem:v41+s20+$0x0], $0xffff;
	s26 =	sand.u32 $0x6, s16;
	v30 =	vadd.s32 v16, v19;
	s11 =	smul.u32 $0x1100, s11  }
0x107: {  	[tilespmem:s0+$0x60] =	vst @p2 v52;
	v52 =	vadd.s32 v16, v22;
	s16 =	smul.u32 $0x220, s26;
	v30 =	vor.u32 v24, v30  }
0x108: {  	s8 =	smul.u32 $0x220, s8;
	[tilespmem:s19+$0x30] =	vst @p1 v45;
	v16 =	vor.u32 v13, v52;
	s11 =	sshra.s32 s11, $0x2  }
0x109: {  	[tilespmem:s15+$0x40] =	vst @p1 v48;
	s16 =	sshrl.u32 s16, $0x2;
	s11 =	sadd.s32 $0xDA00, s11  }
0x10a: {  	v40 =	vor.u32 @p0 v31, v49;
	v41 =	vadd.s32 @p2 v10, v42;
	v39 =	vld.idx.msk @p0 [tilespmem:v39+s20+$0x0], $0xffff;
	[tilespmem:s17+$0x50] =	vst @p2 v55;
	s24 =	sshrl.u32 s8, $0x2;
	s31 =	sadd.s32 s16, s11  }
0x10b: {  	v45 =	vmov @p1 v58;
	v58 =	vadd.s32 v15, v19;
	v34 =	vadd.s32 v15, v22;
	v38 =	vld.idx.msk @p2 [tilespmem:v53+s20+$0x0], $0xffff;
	s11 =	sadd.s32 s24, s11;
	[tilespmem:s31+$0x0] =	vst v28  }
0x10c: {  	v49 =	vadd.s32 @p0 v14, v27;
	v42 =	vadd.s32 @p2 v9, v42;
	[tilespmem:s11+$0x0] =	vst v29;
	v30 =	vld.idx.msk [tilespmem:v30+s20+$0x0], $0xffff  }
0x10d: {  	v17 =	vpsel p1, v26, v17;
	v55 =	vadd.s32 v12, v19;
	v59 =	vor.u32 v24, v58;
	v16 =	vld.idx.msk [tilespmem:v16+s20+$0x0], $0xffff  }
0x10e: {  	[tilespmem:s13+$0x20] =	vst @p0 v36;
	v21 =	vpsel p0, v44, v21;
	v47 =	vld.idx.msk @p1 [tilespmem:v50+s20+$0x0], $0xffff;
	v15 =	vor.u32 v13, v34;
	v29 =	vmov @p0 v57  }
0x10f: {  	v41 =	vor.u32 @p2 v46, v41;
	[tilespmem:s18+$0x70] =	vst @p3 v56;
	v40 =	vld.idx.msk @p0 [tilespmem:v40+s20+$0x0], $0xffff;
	v49 =	vor.u32 @p0 v29, v49  }
0x110: {  	v48 =	vadd.s32 @p1 v10, v45;
	v50 =	vadd.s32 @p0 v12, v44;
	v52 =	vadd.s32 v14, v19;
	[tilespmem:s0+$0x70] =	vst @p2 v38  }
0x111: {  	v50 =	vor.u32 @p0 v31, v50;
	v28 =	vor.u32 @p1 v43, v48;
	v48 =	vld.idx.msk @p1 [tilespmem:v51+s20+$0x0], $0xffff;
	[tilespmem:s31+$0x10] =	vst v30  }
0x112: {  	v25 =	vpsel p0, v31, v25;
	v53 =	vor.u32 v24, v52;
	s16 =	smov.u32 @p0 s23;
	v38 =	vmov @p1 v54;
	[tilespmem:s11+$0x10] =	vst v16;
	v36 =	vld.idx.msk [tilespmem:v59+s20+$0x0], $0xffff  }
0x113: {  	v51 =	vadd.s32 @p1 v11, v26;
	[tilespmem:s16+$0x20] =	vst @p0 v39;
	v54 =	vadd.s32 v14, v22;
	v16 =	vmov @p0 v27;
	v15 =	vld.idx.msk [tilespmem:v15+s20+$0x0], $0xffff  }
0x114: {  	v14 =	vor.u32 v13, v54;
	[tilespmem:s13+$0x30] =	vst @p0 v40;
	v39 =	vld.idx.msk @p0 [tilespmem:v49+s20+$0x0], $0xffff;
	v40 =	vadd.s32 @p0 v12, v16  }
0x115: {  	v41 =	vld.idx.msk @p2 [tilespmem:v41+s20+$0x0], $0xffff;
	[tilespmem:s15+$0x50] =	vst @p1 v47;
	v47 =	vor.u32 @p1 v38, v51;
	v40 =	vor.u32 @p0 v29, v40  }
0x116: {  	v30 =	vor.u32 @p2 v46, v42;
	v42 =	vld.idx.msk @p0 [tilespmem:v50+s20+$0x0], $0xffff;
	v46 =	vadd.s32 @p0 v11, v44;
	v37 =	vpsel p0, v40, v37  }
0x117: {  	v56 =	vadd.s32 v12, v22;
	v28 =	vld.idx.msk @p1 [tilespmem:v28+s20+$0x0], $0xffff;
	v46 =	vor.u32 @p0 v31, v46;
	[tilespmem:s31+$0x20] =	vst v36  }
0x118: {  	s18 =	smov.u32 @p1 s19;
	v20 =	vpsel p0, v29, v20;
	v26 =	vpsel p0, v46, v35;
	[tilespmem:s11+$0x20] =	vst v15;
	v27 =	vld.idx.msk [tilespmem:v53+s20+$0x0], $0xffff  }
0x119: {  	s12 =	smov.u32 @p0 s16;
	[tilespmem:s18+$0x40] =	vst @p1 v48;
	v29 =	vor.u32 v24, v55;
	v15 =	vpsel p0, v39, v62;
	v14 =	vld.idx.msk [tilespmem:v14+s20+$0x0], $0xffff  }
0x11a: {  	s0 =	smov.u32 @p2 s17;
	v47 =	vld.idx.msk @p1 [tilespmem:v47+s20+$0x0], $0xffff;
	v16 =	vpsel p0, v16, v23;
	v12 =	vor.u32 v13, v56;
	[tilespmem:s12+$0x30] =	vst @p0 v15  }
0x11b: {  	s10 =	smov.u32 @p0 s13;
	[tilespmem:s0+$0x60] =	vst @p2 v41;
	v23 =	vpsel p0, v42, v33;
	v33 =	vadd.s32 @p0 v11, v16;
	v32 =	vld.idx.msk @p0 [tilespmem:v37+s20+$0x0], $0xffff  }
0x11c: {  	v57 =	vadd.s32 v11, v19;
	[tilespmem:s10+$0x40] =	vst @p0 v23;
	v23 =	vor.u32 @p0 v20, v33;
	v15 =	vmov @p1 v38  }
0x11d: {  	v31 =	vadd.s32 @p1 v10, v17;
	v26 =	vld.idx.msk @p0 [tilespmem:v26+s20+$0x0], $0xffff;
	v15 =	vpsel p1, v15, v18;
	[tilespmem:s31+$0x30] =	vst v27  }
0x11e: {  	s21 =	smov.u32 @p1 s15;
	v28 =	vpsel p1, v28, v60;
	v27 =	vor.u32 @p1 v15, v31;
	[tilespmem:s11+$0x30] =	vst v14;
	v29 =	vld.idx.msk [tilespmem:v29+s20+$0x0], $0xffff  }
0x11f: {  	v58 =	vor.u32 v24, v57;
	[tilespmem:s21+$0x60] =	vst @p1 v28;
	v11 =	vadd.s32 v11, v22;
	v14 =	vmov @p0 v21;
	v12 =	vld.idx.msk [tilespmem:v12+s20+$0x0], $0xffff  }
0x120: {  	s9 =	smov.u32 @p1 s18;
	v11 =	vor.u32 v13, v11;
	v18 =	vpsel p1, v47, v63;
	v28 =	vadd.s32 @p0 v10, v14;
	[tilespmem:s12+$0x40] =	vst @p0 v32  }
0x121: {  	v16 =	vpsel p0, v16, v0;
	[tilespmem:s9+$0x50] =	vst @p1 v18;
	v18 =	vor.u32 @p0 v25, v28;
	v23 =	vld.idx.msk @p0 [tilespmem:v23+s20+$0x0], $0xffff  }
0x122: {  	v20 =	vpsel p0, v20, v0;
	[tilespmem:s10+$0x50] =	vst @p0 v26;
	v26 =	vadd.s32 @p0 v10, v16;
	v28 =	vadd.s32 @p1 v9, v45  }
0x123: {  	v26 =	vor.u32 @p0 v20, v26;
	v28 =	vor.u32 @p1 v43, v28;
	v27 =	vld.idx.msk @p1 [tilespmem:v27+s20+$0x0], $0xffff;
	[tilespmem:s31+$0x40] =	vst v29  }
0x124: {  	v59 =	vadd.s32 v10, v19;
	v28 =	vpsel p1, v28, v61;
	[tilespmem:s11+$0x40] =	vst v12;
	v21 =	vld.idx.msk [tilespmem:v58+s20+$0x0], $0xffff  }
0x125: {  	v60 =	vor.u32 v24, v59;
	v10 =	vadd.s32 v10, v22;
	v14 =	vadd.s32 @p0 v9, v14;
	v11 =	vld.idx.msk [tilespmem:v11+s20+$0x0], $0xffff  }
0x126: {  	s12 =	smov.u32 @p0 s12;
	v10 =	vor.u32 v13, v10;
	v12 =	vadd.s32 @p1 v9, v17;
	v18 =	vld.idx.msk @p0 [tilespmem:v18+s20+$0x0], $0xffff;
	v23 =	vpsel p0, v23, v0  }
0x127: {  	v14 =	vor.u32 @p0 v25, v14;
	v29 =	vld.idx.msk @p2 [tilespmem:v30+s20+$0x0], $0xffff;
	v12 =	vor.u32 @p1 v15, v12;
	[tilespmem:s12+$0x50] =	vst @p0 v23  }
0x128: {  	v16 =	vadd.s32 @p0 v9, v16;
	v14 =	vpsel p0, v14, v0;
	v15 =	vld.idx.msk @p0 [tilespmem:v26+s20+$0x0], $0xffff  }
0x129: {  	v16 =	vor.u32 @p0 v20, v16;
	v61 =	vadd.s32 v9, v19;
	v23 =	vld.idx.msk @p1 [tilespmem:v28+s20+$0x0], $0xffff;
	[tilespmem:s31+$0x50] =	vst v21  }
0x12a: {  	v62 =	vor.u32 v24, v61;
	[tilespmem:s11+$0x50] =	vst v11;
	v17 =	vld.idx.msk [tilespmem:v60+s20+$0x0], $0xffff  }
0x12b: {  	s10 =	smov.u32 @p0 s10;
	v9 =	vadd.s32 v9, v22;
	[tilespmem:s9+$0x60] =	vst @p1 v27;
	v11 =	vpsel p0, v18, v0;
	v10 =	vld.idx.msk [tilespmem:v10+s20+$0x0], $0xffff  }
0x12c: {  	v9 =	vor.u32 v13, v9;
	v12 =	vld.idx.msk @p1 [tilespmem:v12+s20+$0x0], $0xffff;
	[tilespmem:s10+$0x60] =	vst @p0 v11  }
0x12d: {  	s0 =	smov.u32 @p2 s0;
	v11 =	vpsel p2, v29, v0;
	v13 =	vld.idx.msk @p0 [tilespmem:v14+s20+$0x0], $0xffff;
	[tilespmem:s12+$0x60] =	vst @p0 v15  }
0x12e: {  	[tilespmem:s0+$0x70] =	vst @p2 v11;
	v11 =	vld.idx.msk @p0 [tilespmem:v16+s20+$0x0], $0xffff  }
0x12f: {  	[tilespmem:s31+$0x60] =	vst v17  }
0x130: {  	[tilespmem:s11+$0x60] =	vst v10;
	v63 =	vld.idx.msk [tilespmem:v62+s20+$0x0], $0xffff  }
0x131: {  	[tilespmem:s21+$0x70] =	vst @p1 v23;
	s0 =	smov.u32 @p1 s9;
	v10 =	vpsel p1, v12, v0;
	v9 =	vld.idx.msk [tilespmem:v9+s20+$0x0], $0xffff  }
0x132: {  	[tilespmem:s0+$0x70] =	vst @p1 v10  }
0x133: {  	[tilespmem:s10+$0x70] =	vst @p0 v13;
	s0 =	smov.u32 @p0 s12;
	v10 =	vpsel p0, v11, v0  }
0x134: {  	[tilespmem:s0+$0x70] =	vst @p0 v10  }
0x135: {  	[tilespmem:s31+$0x70] =	vst v63  }
0x136: {  	[tilespmem:s11+$0x70] =	vst v9  }
0x137: {  	s11 =	simm.s32 $0xB800;
	s12 =	rddreg [dreg:$0x8]  }
0x138: {  	[hbm4b:s12+s5] =	stream.linear.scatter [tilespmem:s11], [sflag:$0x3], $0x80, $0x38;
	[tilespmem:$0x10E80] =	vst v63  }
0x139: {  	s13 =	simm.s32 $0xB888;
	s14 =	sadd.s32 $0x10, s12  }
0x13a: {  	[hbm4b:s14+s5] =	stream.linear.scatter [tilespmem:s13], [sflag:$0x3], $0x80, $0x38;
	[tilespmem:$0x10E80] =	vst v63  }
0x13b: {  	s19 =	simm.s32 $0xBA20;
	s15 =	simm.s32 $0xB910;
	s16 =	sadd.s32 $0x20, s12  }
0x13c: {  	[hbm4b:s16+s5] =	stream.linear.scatter [tilespmem:s15], [sflag:$0x3], $0x80, $0x38;
	[tilespmem:$0x10E80] =	vst v63  }
0x13d: {  	s26 =	simm.s32 $0xBB30;
	s17 =	simm.s32 $0xB998;
	s18 =	sadd.s32 $0x30, s12  }
0x13e: {  	[hbm4b:s18+s5] =	stream.linear.scatter [tilespmem:s17], [sflag:$0x3], $0x80, $0x38;
	[tilespmem:$0x10E80] =	vst v63  }
0x13f: {  	s23 =	simm.s32 $0xBAA8;
	s9 =	simm.s32 $0x2200;
	s21 =	sadd.s32 $0x40, s12  }
0x140: {  	[hbm4b:s21+s5] =	stream.linear.scatter [tilespmem:s19], [sflag:$0x3], $0x80, $0x38;
	[tilespmem:$0x10E80] =	vst v63  }
0x141: {  	s10 =	simm.s32 $0xBBB8;
	s0 =	simm.s32 $0x440;
	s24 =	sadd.s32 $0x50, s12  }
0x142: {  	[hbm4b:s24+s5] =	stream.linear.scatter [tilespmem:s23], [sflag:$0x3], $0x80, $0x38;
	[tilespmem:$0x10E80] =	vst v63  }
0x143: {  	s31 =	sadd.s32 $0x60, s12;
	s11 =	sadd.s32 $0x70, s12;
	s8 =	sadd.s32 $0x1000, s12  }
0x144: {  	[hbm4b:s31+s5] =	stream.linear.scatter [tilespmem:s26], [sflag:$0x3], $0x80, $0x38;
	[tilespmem:$0x10E80] =	vst v63  }
.LBB2_16:
0x145: {  	[hbm4b:s11+s5] =	stream.linear.scatter [tilespmem:s10], [sflag:$0x3], $0x80, $0x38;
	[tilespmem:$0x10E80] =	vst v63  }
0x146: {  	s10 =	smov.u32 s0;
	s0 =	smov.u32 s9  }
0x147: {  	s12 =	sadd.s32 $0x1100, s9;
	s0 =	sshra.s32 s0, $0x2;
	s11 =	sadd.s32 $0xB800, s10  }
0x148: {  	[hbm4b:s8+s5] =	stream.linear.scatter [tilespmem:s11], [sflag:$0x3], $0x80, $0x38;
	[tilespmem:$0x10E80] =	vst v63  }
0x149: {  	p0 =	sne.s32 s9, $0x9900;
	s9 =	sadd.s32 $0xB888, s10;
	s11 =	sadd.s32 $0x10, s8  }
0x14a: {  	[hbm4b:s11+s5] =	stream.linear.scatter [tilespmem:s9], [sflag:$0x3], $0x80, $0x38;
	[tilespmem:$0x10E80] =	vst v63  }
0x14b: {  	s9 =	sadd.s32 $0xB910, s10;
	s11 =	sadd.s32 $0x20, s8  }
0x14c: {  	[hbm4b:s11+s5] =	stream.linear.scatter [tilespmem:s9], [sflag:$0x3], $0x80, $0x38;
	[tilespmem:$0x10E80] =	vst v63  }
0x14d: {  	s9 =	sadd.s32 $0xB998, s10;
	s11 =	sadd.s32 $0x30, s8  }
0x14e: {  	[hbm4b:s11+s5] =	stream.linear.scatter [tilespmem:s9], [sflag:$0x3], $0x80, $0x38;
	[tilespmem:$0x10E80] =	vst v63  }
0x14f: {  	s9 =	sadd.s32 $0xBA20, s10;
	s11 =	sadd.s32 $0x40, s8  }
0x150: {  	[hbm4b:s11+s5] =	stream.linear.scatter [tilespmem:s9], [sflag:$0x3], $0x80, $0x38;
	[tilespmem:$0x10E80] =	vst v63  }
.Ltmp7:
0x151: {  	s9 =	sadd.s32 $0xBAA8, s10;
	s11 =	sadd.s32 $0x50, s8;
	(pc) =	sbr.rel @p0 .LBB2_16-.Ltmp7, $4  }
0x152: {  	[hbm4b:s11+s5] =	stream.linear.scatter [tilespmem:s9], [sflag:$0x3], $0x80, $0x38;
	[tilespmem:$0x10E80] =	vst v63  }
0x153: {  	s9 =	sadd.s32 $0xBB30, s10;
	s11 =	sadd.s32 $0x60, s8;
	s10 =	sadd.s32 $0xBBB8, s10  }
0x154: {  	[hbm4b:s11+s5] =	stream.linear.scatter [tilespmem:s9], [sflag:$0x3], $0x80, $0x38;
	[tilespmem:$0x10E80] =	vst v63  }
0x155: {  	s11 =	sadd.s32 $0x70, s8;
	s8 =	sadd.s32 $0x1000, s8;
	s9 =	smov.u32 s12  }
0x156: {  	[hbm4b:s11+s5] =	stream.linear.scatter [tilespmem:s10], [sflag:$0x3], $0x80, $0x38;
	[tilespmem:$0x10E80] =	vst v63  }
0x157: {  	s9 =	sadd.s32 $0xB800, s0  }
0x158: {  	[hbm4b:s8+s5] =	stream.linear.scatter [tilespmem:s9], [sflag:$0x3], $0x80, $0x38;
	[tilespmem:$0x10E80] =	vst v63  }
0x159: {  	s17 =	sadd.s32 $0xB888, s0;
	s18 =	sadd.s32 $0x10, s8  }
0x15a: {  	[hbm4b:s18+s5] =	stream.linear.scatter [tilespmem:s17], [sflag:$0x3], $0x80, $0x38;
	[tilespmem:$0x10E80] =	vst v63  }
0x15b: {  	s19 =	sadd.s32 $0xB910, s0;
	s21 =	sadd.s32 $0x20, s8  }
0x15c: {  	[hbm4b:s21+s5] =	stream.linear.scatter [tilespmem:s19], [sflag:$0x3], $0x80, $0x38;
	[tilespmem:$0x10E80] =	vst v63  }
0x15d: {  	s23 =	sadd.s32 $0xB998, s0;
	s24 =	sadd.s32 $0x30, s8  }
0x15e: {  	[hbm4b:s24+s5] =	stream.linear.scatter [tilespmem:s23], [sflag:$0x3], $0x80, $0x38;
	[tilespmem:$0x10E80] =	vst v63  }
0x15f: {  	s26 =	sadd.s32 $0xBA20, s0;
	s31 =	sadd.s32 $0x40, s8  }
0x160: {  	[hbm4b:s31+s5] =	stream.linear.scatter [tilespmem:s26], [sflag:$0x3], $0x80, $0x38;
	[tilespmem:$0x10E80] =	vst v63  }
0x161: {  	s11 =	sadd.s32 $0xBAA8, s0;
	s12 =	sadd.s32 $0x50, s8  }
0x162: {  	[hbm4b:s12+s5] =	stream.linear.scatter [tilespmem:s11], [sflag:$0x3], $0x80, $0x38;
	[tilespmem:$0x10E80] =	vst v63  }
0x163: {  	s13 =	sadd.s32 $0xBB30, s0;
	s14 =	sadd.s32 $0x60, s8  }
0x164: {  	[hbm4b:s14+s5] =	stream.linear.scatter [tilespmem:s13], [sflag:$0x3], $0x80, $0x38;
	[tilespmem:$0x10E80] =	vst v63  }
0x165: {  	s15 =	sadd.s32 $0xBBB8, s0;
	s16 =	sadd.s32 $0x70, s8  }
0x166: {  	[hbm4b:s16+s5] =	stream.linear.scatter [tilespmem:s15], [sflag:$0x3], $0x80, $0x38;
	[tilespmem:$0x10E80] =	vst v63  }
0x167: {  	_ =	swait.ge [sflag:s22], $0x2000  }
0x168: {  	[sflag:s22] =	ssyncset.done $0x0  }
0x169: {  	s17 =	simm.s32 $0x100;
	[sflag:s22] =	ssyncadd.s32 $0xFFFFE000  }
0x16a: {  	[tilespmem:s29], [sflag:$0x2] =	stream.indirect.gather [hbm4b:s7+s3], $0x40, s17, s3, $0xb8;
	[tilespmem:$0x10E80] =	vst v63  }
0x16b: {  	v14 =	vld [tilespmem:$0x3C80]  }
0x16c: {  	v15 =	vld [tilespmem:$0x3C90]  }
0x16d: {  	v9 =	vld [tilespmem:$0x3CA0]  }
0x16e: {  	s19 =	simm.s32 $0x3;
	v10 =	vld [tilespmem:$0x3CB0]  }
0x16f: {  	s18 =	simm.s32 $0x0;
	v16 =	vmov s19;
	v11 =	vld [tilespmem:$0x3CC0]  }
0x170: {  	s8 =	simm.s32 $0x98F0;
	s21 =	simm.s32 $0x1;
	v18 =	vand.u32 $0x7F, v16;
	v16 =	vmov s18;
	v12 =	vld [tilespmem:$0x3CD0]  }
0x171: {  	v21 =	vadd.s32 v5, v18;
	v19 =	vand.u32 $0x7C, v16;
	v16 =	vmov s21;
	v20 =	vld [tilespmem:s8+$0xFFFFFFD0]  }
0x172: {  	v23 =	vadd.s32 v5, v19;
	v24 =	vand.u32 $0x7D, v16;
	v22 =	vld [tilespmem:s8+$0xFFFFFF10]  }
0x173: {  	s23 =	simm.s32 $0x2;
	v25 =	vadd.s32 v5, v24;
	v16 =	vld [tilespmem:s8+$0xFFFFFF50]  }
0x174: {  	v26 =	vmov s23;
	v13 =	vld [tilespmem:$0x3CE0]  }
0x175: {  	v26 =	vand.u32 $0x7E, v26;
	v17 =	vld [tilespmem:$0x3CF0]  }
0x176: {  	v28 =	vadd.s32 v5, v26;
	v27 =	vld [tilespmem:s8+$0xFFFFFF90];
	[tilespmem:v21+s25+$0x0] =	vst.idx.msk $0xffff, v20  }
0x177: {  	v21 =	vadd.s32 v6, v18;
	[tilespmem:v23+s25+$0x0] =	vst.idx.msk $0xffff, v22;
	v20 =	vld [tilespmem:s8+$0xFFFFFFE0]  }
0x178: {  	v23 =	vadd.s32 v6, v19;
	[tilespmem:v25+s25+$0x0] =	vst.idx.msk $0xffff, v16;
	v22 =	vld [tilespmem:s8+$0xFFFFFF20]  }
0x179: {  	v25 =	vadd.s32 v6, v24;
	v16 =	vld [tilespmem:s8+$0xFFFFFF60];
	_ =	sdelay $0x1  }
0x17a: {  	[tilespmem:v28+s25+$0x0] =	vst.idx.msk $0xffff, v27  }
0x17b: {  	v29 =	vadd.s32 v6, v26;
	v28 =	vld [tilespmem:s8+$0xFFFFFFA0];
	[tilespmem:v21+s25+$0x0] =	vst.idx.msk $0xffff, v20  }
0x17c: {  	s24 =	simm.s32 $0x7;
	v27 =	vadd.s32 v7, v18;
	[tilespmem:v23+s25+$0x0] =	vst.idx.msk $0xffff, v22;
	v20 =	vld [tilespmem:s8+$0xFFFFFFF0]  }
0x17d: {  	v23 =	vadd.s32 v7, v19;
	v21 =	vmov s24;
	[tilespmem:v25+s25+$0x0] =	vst.idx.msk $0xffff, v16;
	v22 =	vld [tilespmem:s8+$0xFFFFFF30]  }
0x17e: {  	s0 =	simm.s32 $0x99F0;
	v30 =	vadd.s32 v7, v24;
	v21 =	vand.u32 $0x7F, v21;
	v25 =	vld [tilespmem:s8+$0xFFFFFF70]  }
0x17f: {  	s26 =	simm.s32 $0x4;
	v31 =	vld [tilespmem:s0+$0xFFFFFFD0];
	v32 =	vadd.s32 v5, v21  }
0x180: {  	s29 =	simm.s32 $0x5;
	v16 =	vmov s26;
	[tilespmem:v29+s25+$0x0] =	vst.idx.msk $0xffff, v28  }
0x181: {  	v35 =	vmov s29;
	v16 =	vand.u32 $0x7C, v16;
	[tilespmem:v27+s25+$0x0] =	vst.idx.msk $0xffff, v20  }
0x182: {  	s31 =	simm.s32 $0x6;
	v33 =	vld [tilespmem:s0+$0xFFFFFF10];
	v34 =	vadd.s32 v5, v16;
	v20 =	vand.u32 $0x7D, v35;
	[tilespmem:v23+s25+$0x0] =	vst.idx.msk $0xffff, v22  }
0x183: {  	v27 =	vmov s31;
	v22 =	vld [tilespmem:s0+$0xFFFFFF50];
	[tilespmem:v30+s25+$0x0] =	vst.idx.msk $0xffff, v25;
	v23 =	vadd.s32 v5, v20  }
0x184: {  	v29 =	vadd.s32 v8, v18;
	v25 =	vld [tilespmem:s8+$0xFFFFFFB0];
	v18 =	vand.u32 $0x7E, v27;
	[tilespmem:v32+s25+$0x0] =	vst.idx.msk $0xffff, v31;
	v31 =	vadd.s32 v7, v26  }
0x185: {  	v27 =	vld [tilespmem:s0+$0xFFFFFF90];
	v62 =	vadd.s32 v5, v18  }
0x186: {  	v28 =	vld [tilespmem:s8+$0x0]  }
0x187: {  	v63 =	vadd.s32 v6, v21;
	[tilespmem:v34+s25+$0x0] =	vst.idx.msk $0xffff, v33;
	v32 =	vld [tilespmem:s0+$0xFFFFFFE0]  }
0x188: {  	v36 =	vadd.s32 v6, v16;
	v34 =	vld [tilespmem:s0+$0xFFFFFF20];
	[tilespmem:v23+s25+$0x0] =	vst.idx.msk $0xffff, v22  }
0x189: {  	v38 =	vadd.s32 v8, v24;
	v37 =	vld [tilespmem:s8+$0xFFFFFF80];
	[tilespmem:v31+s25+$0x0] =	vst.idx.msk $0xffff, v25  }
0x18a: {  	v31 =	vadd.s32 v6, v20;
	v30 =	vld [tilespmem:s0+$0xFFFFFF60];
	[tilespmem:v62+s25+$0x0] =	vst.idx.msk $0xffff, v27  }
0x18b: {  	[tilespmem:v29+s25+$0x0] =	vst.idx.msk $0xffff, v28;
	v29 =	vadd.s32 v6, v18;
	v28 =	vld [tilespmem:s0+$0xFFFFFFA0]  }
0x18c: {  	[tilespmem:v63+s25+$0x0] =	vst.idx.msk $0xffff, v32;
	v24 =	vld [tilespmem:s8+$0xFFFFFFC0];
	v27 =	vadd.s32 v8, v26  }
0x18d: {  	v25 =	vadd.s32 v7, v21;
	[tilespmem:v36+s25+$0x0] =	vst.idx.msk $0xffff, v34;
	v22 =	vld [tilespmem:s0+$0xFFFFFFF0]  }
0x18e: {  	s10 =	simm.s32 $0xC;
	s9 =	simm.s32 $0x8;
	s11 =	simm.s32 $0xB;
	[tilespmem:v38+s25+$0x0] =	vst.idx.msk $0xffff, v37;
	v26 =	vadd.s32 v7, v16;
	v23 =	vld [tilespmem:s0+$0xFFFFFF30]  }
.LBB2_18:
0x18f: {  	p0 =	slt.u32 s10, $0x7C;
	v32 =	vmov s11;
	[tilespmem:v31+s25+$0x0] =	vst.idx.msk $0xffff, v30;
	v30 =	vld [tilespmem:s8+$0xFFFFFF40];
	v31 =	vadd.s32 v8, v19;
	v19 =	vmov v16;
	s8 =	smov.u32 s0  }
0x190: {  	v16 =	vmov s9;
	v34 =	vadd.s32 v7, v20;
	s0 =	sadd.s32 $0x100, s0;
	v32 =	vand.u32 $0x7F, v32;
	v33 =	vld [tilespmem:s8+$0xFFFFFF70];
	[tilespmem:v29+s25+$0x0] =	vst.idx.msk $0xffff, v28  }
0x191: {  	s11 =	sadd.s32 $0x1, s9;
	v16 =	vand.u32 $0x7C, v16;
	v28 =	vld [tilespmem:s0+$0xFFFFFFD0];
	v29 =	vadd.s32 v5, v32;
	[tilespmem:v27+s25+$0x0] =	vst.idx.msk $0xffff, v24  }
0x192: {  	v35 =	vmov s11;
	s11 =	sadd.s32 $0x2, s9;
	s9 =	smov.u32 s10;
	v27 =	vadd.s32 v5, v16;
	v24 =	vld [tilespmem:s0+$0xFFFFFF10];
	[tilespmem:v25+s25+$0x0] =	vst.idx.msk $0xffff, v22  }
0x193: {  	v22 =	vand.u32 $0x7D, v35;
	v25 =	vmov s11;
	[tilespmem:v26+s25+$0x0] =	vst.idx.msk $0xffff, v23;
	v23 =	vld [tilespmem:s8+$0x0];
	v26 =	vadd.s32 v8, v21;
	v21 =	vmovc v32  }
0x194: {  	v35 =	vadd.s32 v5, v22;
	v25 =	vand.u32 $0x7E, v25;
	v32 =	vld [tilespmem:s0+$0xFFFFFF50];
	[tilespmem:v31+s25+$0x0] =	vst.idx.msk $0xffff, v30  }
0x195: {  	v37 =	vadd.s32 v5, v25;
	v36 =	vld [tilespmem:s0+$0xFFFFFF90];
	[tilespmem:v34+s25+$0x0] =	vst.idx.msk $0xffff, v33  }
0x196: {  	v34 =	vadd.s32 v7, v18;
	[tilespmem:v29+s25+$0x0] =	vst.idx.msk $0xffff, v28;
	v33 =	vld [tilespmem:s8+$0xFFFFFFB0]  }
0x197: {  	[tilespmem:v27+s25+$0x0] =	vst.idx.msk $0xffff, v24;
	v24 =	vld [tilespmem:s0+$0xFFFFFFE0];
	v27 =	vadd.s32 v6, v21  }
0x198: {  	v39 =	vadd.s32 v6, v16;
	v38 =	vld [tilespmem:s0+$0xFFFFFF20];
	[tilespmem:v26+s25+$0x0] =	vst.idx.msk $0xffff, v23  }
0x199: {  	[tilespmem:v35+s25+$0x0] =	vst.idx.msk $0xffff, v32;
	v32 =	vld [tilespmem:s8+$0xFFFFFF80];
	v35 =	vadd.s32 v8, v20;
	v20 =	vmov v22  }
.Ltmp8:
0x19a: {  	v30 =	vld [tilespmem:s0+$0xFFFFFF60];
	v31 =	vadd.s32 v6, v20;
	[tilespmem:v37+s25+$0x0] =	vst.idx.msk $0xffff, v36;
	(pc) =	sbr.rel @p0 .LBB2_18-.Ltmp8, $4  }
0x19b: {  	v29 =	vadd.s32 v6, v25;
	v28 =	vld [tilespmem:s0+$0xFFFFFFA0];
	[tilespmem:v34+s25+$0x0] =	vst.idx.msk $0xffff, v33  }
0x19c: {  	[tilespmem:v27+s25+$0x0] =	vst.idx.msk $0xffff, v24;
	v24 =	vld [tilespmem:s8+$0xFFFFFFC0];
	v27 =	vadd.s32 v8, v18;
	v18 =	vmov v25  }
0x19d: {  	v25 =	vadd.s32 v7, v21;
	[tilespmem:v39+s25+$0x0] =	vst.idx.msk $0xffff, v38;
	v22 =	vld [tilespmem:s0+$0xFFFFFFF0]  }
0x19e: {  	s10 =	sadd.s32 $0x4, s10;
	s11 =	sadd.s32 $0x3, s9;
	v26 =	vadd.s32 v7, v16;
	v23 =	vld [tilespmem:s0+$0xFFFFFF30];
	[tilespmem:v35+s25+$0x0] =	vst.idx.msk $0xffff, v32  }
0x19f: {  	_ =	sdelay $0x2  }
0x1a0: {  	v32 =	vmov s11;
	s10 =	sadd.s32 $0x1, s9  }
0x1a1: {  	[tilespmem:v31+s25+$0x0] =	vst.idx.msk $0xffff, v30;
	v30 =	vld [tilespmem:s8+$0xFFFFFF40];
	v19 =	vadd.s32 v8, v19;
	s26 =	sadd.s32 $0x100, s0;
	s29 =	sadd.s32 $0x2, s9;
	v31 =	vand.u32 $0x7F, v32;
	v47 =	vmov s10  }
0x1a2: {  	[tilespmem:v29+s25+$0x0] =	vst.idx.msk $0xffff, v28;
	v28 =	vld [tilespmem:s26+$0xFFFFFFD0];
	v33 =	vmov s29;
	v29 =	vadd.s32 v5, v31;
	v32 =	vand.u32 $0x7D, v47  }
0x1a3: {  	v34 =	vmov s9;
	v48 =	vld [tilespmem:s26+$0xFFFFFF50];
	[tilespmem:v27+s25+$0x0] =	vst.idx.msk $0xffff, v24;
	v33 =	vand.u32 $0x7E, v33;
	v27 =	vadd.s32 v5, v32  }
0x1a4: {  	v34 =	vand.u32 $0x7C, v34;
	v49 =	vld [tilespmem:s26+$0xFFFFFF90];
	[tilespmem:v25+s25+$0x0] =	vst.idx.msk $0xffff, v22;
	v50 =	vadd.s32 v5, v33  }
0x1a5: {  	v35 =	vld [tilespmem:s26+$0xFFFFFF10];
	v51 =	vadd.s32 v5, v34;
	[tilespmem:v26+s25+$0x0] =	vst.idx.msk $0xffff, v23  }
0x1a6: {  	v52 =	vld [tilespmem:s0+$0xFFFFFF70];
	[tilespmem:v19+s25+$0x0] =	vst.idx.msk $0xffff, v30;
	v19 =	vadd.s32 v7, v20  }
0x1a7: {  	v56 =	vadd.s32 v7, v18;
	v55 =	vld [tilespmem:s0+$0xFFFFFFB0];
	[tilespmem:v29+s25+$0x0] =	vst.idx.msk $0xffff, v28  }
0x1a8: {  	v29 =	vadd.s32 v6, v31;
	v28 =	vld [tilespmem:s26+$0xFFFFFFE0];
	[tilespmem:v27+s25+$0x0] =	vst.idx.msk $0xffff, v48  }
0x1a9: {  	v27 =	vadd.s32 v6, v32;
	[tilespmem:v50+s25+$0x0] =	vst.idx.msk $0xffff, v49;
	v24 =	vld [tilespmem:s26+$0xFFFFFF60]  }
0x1aa: {  	v53 =	vadd.s32 v6, v33;
	[tilespmem:v51+s25+$0x0] =	vst.idx.msk $0xffff, v35;
	v22 =	vld [tilespmem:s26+$0xFFFFFFA0]  }
0x1ab: {  	v54 =	vadd.s32 v6, v34;
	[tilespmem:v19+s25+$0x0] =	vst.idx.msk $0xffff, v52;
	v19 =	vld [tilespmem:s26+$0xFFFFFF20]  }
0x1ac: {  	v21 =	vadd.s32 v8, v21;
	v30 =	vld [tilespmem:s0+$0x0];
	[tilespmem:v56+s25+$0x0] =	vst.idx.msk $0xffff, v55  }
0x1ad: {  	v20 =	vadd.s32 v8, v20;
	v57 =	vld [tilespmem:s0+$0xFFFFFF80];
	[tilespmem:v29+s25+$0x0] =	vst.idx.msk $0xffff, v28  }
0x1ae: {  	v29 =	vadd.s32 v7, v31;
	v28 =	vld [tilespmem:s26+$0xFFFFFFF0];
	[tilespmem:v27+s25+$0x0] =	vst.idx.msk $0xffff, v24  }
0x1af: {  	v27 =	vadd.s32 v7, v32;
	[tilespmem:v53+s25+$0x0] =	vst.idx.msk $0xffff, v22;
	v24 =	vld [tilespmem:s26+$0xFFFFFF70]  }
0x1b0: {  	v58 =	vadd.s32 v7, v33;
	[tilespmem:v54+s25+$0x0] =	vst.idx.msk $0xffff, v19;
	v19 =	vld [tilespmem:s26+$0xFFFFFFB0]  }
0x1b1: {  	v60 =	vadd.s32 v7, v34;
	[tilespmem:v21+s25+$0x0] =	vst.idx.msk $0xffff, v30;
	v59 =	vld [tilespmem:s26+$0xFFFFFF30]  }
0x1b2: {  	v18 =	vadd.s32 v8, v18;
	v26 =	vld [tilespmem:s0+$0xFFFFFFC0];
	[tilespmem:v20+s25+$0x0] =	vst.idx.msk $0xffff, v57  }
0x1b3: {  	v16 =	vadd.s32 v8, v16;
	v20 =	vld [tilespmem:s0+$0xFFFFFF40];
	[tilespmem:v29+s25+$0x0] =	vst.idx.msk $0xffff, v28  }
0x1b4: {  	v28 =	vadd.s32 v8, v31;
	v61 =	vld [tilespmem:s26+$0x0];
	[tilespmem:v27+s25+$0x0] =	vst.idx.msk $0xffff, v24  }
0x1b5: {  	v27 =	vadd.s32 v8, v32;
	[tilespmem:v58+s25+$0x0] =	vst.idx.msk $0xffff, v19;
	v24 =	vld [tilespmem:s26+$0xFFFFFF80]  }
0x1b6: {  	v62 =	vadd.s32 v8, v33;
	[tilespmem:v60+s25+$0x0] =	vst.idx.msk $0xffff, v59;
	v19 =	vld [tilespmem:s26+$0xFFFFFFC0]  }
0x1b7: {  	v63 =	vadd.s32 v8, v34;
	[tilespmem:v18+s25+$0x0] =	vst.idx.msk $0xffff, v26;
	v18 =	vld [tilespmem:s26+$0xFFFFFF40]  }
0x1b8: {  	[tilespmem:v16+s25+$0x0] =	vst.idx.msk $0xffff, v20  }
0x1b9: {  	[tilespmem:v28+s25+$0x0] =	vst.idx.msk $0xffff, v61  }
0x1ba: {  	[tilespmem:v27+s25+$0x0] =	vst.idx.msk $0xffff, v24  }
0x1bb: {  	[tilespmem:v62+s25+$0x0] =	vst.idx.msk $0xffff, v19  }
0x1bc: {  	[tilespmem:v63+s25+$0x0] =	vst.idx.msk $0xffff, v18  }
0x1bd: {  	v4 =	vld [tilespmem:$0x1FFF0];
	_ =	sdelay $0x2  }
0x1be: {  	v14 =	vmul.u32 $0x18, v14;
	v15 =	vmul.u32 $0x18, v15  }
0x1bf: {  	v9 =	vmul.u32 $0x18, v9;
	v10 =	vmul.u32 $0x18, v10;
	v13 =	vmul.u32 $0x18, v13  }
0x1c0: {  	v17 =	vmul.u32 $0x18, v17;
	s31 =	simm.s32 $0x1;
	v31 =	vadd.s32 v4, v14;
	v16 =	vadd.s32 v4, v15  }
0x1c1: {  	v14 =	vadd.s32 v4, v10;
	v10 =	vadd.s32 v4, v13;
	v13 =	vmov s31  }
0x1c2: {  	v15 =	vadd.s32 v4, v9;
	v9 =	vadd.s32 v4, v17;
	v17 =	vand.u32 $0x8, v13  }
0x1c3: {  	v19 =	vand.u32 $0x7, v13;
	v13 =	vadd.s32 v31, v17  }
0x1c4: {  	p4 =	por $0x1, $0x1;
	v13 =	vor.u32 v19, v13  }
.Ltmp9:
0x1c5: {  	v11 =	vmul.u32 $0x18, v11;
	s16 =	simm.s32 $0x0;
	v18 =	vmul.u32 $0x18, v12;
	(pc) =	sbr.rel @!p4 .LBB2_20-.Ltmp9, $4  }
0x1c6: {  	v20 =	vmov s16  }
0x1c7: {  	v12 =	vadd.s32 v4, v11;
	v11 =	vadd.s32 v4, v18;
	v18 =	vand.u32 $0x8, v20  }
0x1c8: {  	p1 =	por $0x0, $0x0;
	p2 =	por $0x0, $0x0;
	p3 =	por $0x0, $0x0;
	v43 =	vand.u32 $0x6, v20;
	v20 =	vadd.s32 v31, v18  }
0x1c9: {  	p0 =	por $0x0, $0x0;
	s8 =	sand.u32 $0x7, s31;
	s0 =	simm.s32 $0x3;
	v41 =	vor.u32 v43, v20;
	v29 =	vld.idx.msk [tilespmem:v13+s20+$0x0], $0xffff  }
0x1ca: {  	_ =	sdelay $0x2  }
0x1cb: {  	s9 =	simm.s32 $0x0  }
0x1cc: {  	v13 =	vld.idx.msk [tilespmem:v41+s20+$0x0], $0xffff;
	s10 =	sand.u32 $0x6, s16;
	v20 =	vadd.s32 v16, v18;
	s9 =	smul.u32 $0x1100, s9  }
0x1cd: {  	s10 =	smul.u32 $0x220, s10;
	v21 =	vor.u32 v43, v20;
	v20 =	vadd.s32 v16, v17  }
0x1ce: {  	s8 =	smul.u32 $0x220, s8;
	v22 =	vor.u32 v19, v20;
	s9 =	sshra.s32 s9, $0x2  }
0x1cf: {  	v20 =	vmov s0;
	s10 =	sshrl.u32 s10, $0x2;
	s9 =	sadd.s32 $0x10480, s9  }
0x1d0: {  	s8 =	sshrl.u32 s8, $0x2;
	v24 =	vand.u32 $0x8, v20;
	s21 =	sadd.s32 s10, s9  }
0x1d1: {  	v20 =	vand.u32 $0x7, v20;
	v23 =	vadd.s32 v31, v24;
	s9 =	sadd.s32 s8, s9;
	[tilespmem:s21+$0x0] =	vst v13  }
0x1d2: {  	v13 =	vor.u32 v20, v23;
	[tilespmem:s9+$0x0] =	vst v29;
	v23 =	vld.idx.msk [tilespmem:v21+s20+$0x0], $0xffff;
	v21 =	vadd.s32 v15, v18  }
0x1d3: {  	p4 =	por $0x1, $0x1;
	v22 =	vld.idx.msk [tilespmem:v22+s20+$0x0], $0xffff;
	v26 =	vor.u32 v43, v21  }
.Ltmp10:
0x1d4: {  	s16 =	simm.s32 $0x2;
	(pc) =	sbr.rel @!p4 .LBB2_22-.Ltmp10, $4  }
0x1d5: {  	v25 =	vmov s16  }
0x1d6: {  	v49 =	vadd.s32 v14, v18;
	v21 =	vand.u32 $0x8, v25  }
0x1d7: {  	v25 =	vand.u32 $0x6, v25;
	v27 =	vadd.s32 v31, v21;
	v29 =	vld.idx.msk [tilespmem:v13+s20+$0x0], $0xffff;
	v13 =	vadd.s32 v15, v17;
	[tilespmem:s21+$0x10] =	vst v23  }
0x1d8: {  	p1 =	por $0x1, $0x1;
	s8 =	sand.u32 $0x7, s0;
	s0 =	simm.s32 $0x5;
	v41 =	vor.u32 v25, v27;
	v38 =	vor.u32 v19, v13;
	[tilespmem:s9+$0x10] =	vst v22;
	v36 =	vld.idx.msk [tilespmem:v26+s20+$0x0], $0xffff  }
0x1d9: {  	_ =	sdelay $0x2  }
0x1da: {  	s10 =	simm.s32 $0x0;
	v23 =	vor.u32 v43, v49  }
0x1db: {  	v22 =	vld.idx.msk [tilespmem:v41+s20+$0x0], $0xffff;
	s11 =	sand.u32 $0x6, s16;
	v13 =	vadd.s32 v16, v21;
	s10 =	smul.u32 $0x1100, s10  }
0x1dc: {  	v27 =	vmov s0;
	v30 =	vadd.s32 v16, v24;
	s11 =	smul.u32 $0x220, s11;
	v28 =	vor.u32 v25, v13  }
0x1dd: {  	s8 =	smul.u32 $0x220, s8;
	v26 =	vand.u32 $0x8, v27;
	v30 =	vor.u32 v20, v30;
	s10 =	sshra.s32 s10, $0x2  }
0x1de: {  	v32 =	vld.idx.msk [tilespmem:v38+s20+$0x0], $0xffff;
	v13 =	vand.u32 $0x7, v27;
	v27 =	vadd.s32 v31, v26;
	s31 =	sshrl.u32 s11, $0x2;
	s12 =	sadd.s32 $0x10480, s10;
	[tilespmem:s21+$0x20] =	vst v36  }
0x1df: {  	v33 =	vadd.s32 v14, v17;
	s8 =	sshrl.u32 s8, $0x2;
	v27 =	vor.u32 v13, v27;
	s10 =	sadd.s32 s31, s12;
	v23 =	vld.idx.msk [tilespmem:v23+s20+$0x0], $0xffff  }
0x1e0: {  	v33 =	vor.u32 v19, v33;
	s12 =	sadd.s32 s8, s12;
	[tilespmem:s10+$0x0] =	vst v22;
	v22 =	vadd.s32 v12, v18  }
0x1e1: {  	v34 =	vadd.s32 v15, v21;
	s16 =	simm.s32 $0x4;
	[tilespmem:s12+$0x0] =	vst v29;
	v28 =	vld.idx.msk [tilespmem:v28+s20+$0x0], $0xffff;
	v22 =	vor.u32 v43, v22  }
0x1e2: {  	p4 =	por $0x1, $0x1;
	v34 =	vor.u32 v25, v34;
	v35 =	vmov s16;
	v30 =	vld.idx.msk [tilespmem:v30+s20+$0x0], $0xffff  }
.Ltmp11:
0x1e3: {  	v39 =	vand.u32 $0x8, v35;
	[tilespmem:s9+$0x20] =	vst v32;
	(pc) =	sbr.rel @!p4 .LBB2_24-.Ltmp11, $4  }
0x1e4: {  	v40 =	vand.u32 $0x6, v35;
	v29 =	vld.idx.msk [tilespmem:v27+s20+$0x0], $0xffff;
	v27 =	vadd.s32 v31, v39;
	[tilespmem:s21+$0x30] =	vst v23;
	v23 =	vadd.s32 v15, v24  }
0x1e5: {  	v49 =	vadd.s32 v14, v21;
	v45 =	vld.idx.msk [tilespmem:v33+s20+$0x0], $0xffff;
	v41 =	vor.u32 v40, v27;
	v38 =	vor.u32 v20, v23  }
0x1e6: {  	v23 =	vadd.s32 v12, v17;
	v47 =	vld.idx.msk [tilespmem:v22+s20+$0x0], $0xffff;
	[tilespmem:s10+$0x10] =	vst v28;
	v22 =	vadd.s32 v11, v18  }
0x1e7: {  	p2 =	por $0x1, $0x1;
	s8 =	sand.u32 $0x7, s0;
	s0 =	simm.s32 $0x7;
	[tilespmem:s12+$0x10] =	vst v30;
	v51 =	vor.u32 v19, v23;
	v36 =	vld.idx.msk [tilespmem:v34+s20+$0x0], $0xffff;
	v50 =	vor.u32 v43, v22  }
0x1e8: {  	_ =	sdelay $0x2  }
0x1e9: {  	v22 =	vmov s0;
	s11 =	simm.s32 $0x0  }
0x1ea: {  	v23 =	vld.idx.msk [tilespmem:v41+s20+$0x0], $0xffff;
	v28 =	vor.u32 v25, v49;
	s13 =	sand.u32 $0x6, s16;
	v30 =	vadd.s32 v16, v39;
	v27 =	vand.u32 $0x8, v22;
	s11 =	smul.u32 $0x1100, s11  }
0x1eb: {  	v44 =	vand.u32 $0x7, v22;
	s13 =	smul.u32 $0x220, s13;
	v30 =	vor.u32 v40, v30;
	v22 =	vadd.s32 v31, v27  }
0x1ec: {  	v32 =	vld.idx.msk [tilespmem:v38+s20+$0x0], $0xffff;
	[tilespmem:s9+$0x30] =	vst v45;
	v22 =	vor.u32 v44, v22;
	s11 =	sshra.s32 s11, $0x2  }
0x1ed: {  	v33 =	vadd.s32 v16, v26;
	[tilespmem:s21+$0x40] =	vst v47;
	s13 =	sshrl.u32 s13, $0x2;
	v54 =	vld.idx.msk [tilespmem:v51+s20+$0x0], $0xffff;
	s11 =	sadd.s32 $0x10480, s11  }
0x1ee: {  	s8 =	smul.u32 $0x220, s8;
	v37 =	vadd.s32 v14, v24;
	v33 =	vor.u32 v13, v33;
	v34 =	vld.idx.msk [tilespmem:v50+s20+$0x0], $0xffff;
	[tilespmem:s10+$0x20] =	vst v36;
	s13 =	sadd.s32 s13, s11  }
0x1ef: {  	v35 =	vadd.s32 v10, v18;
	v37 =	vor.u32 v20, v37;
	v28 =	vld.idx.msk [tilespmem:v28+s20+$0x0], $0xffff;
	[tilespmem:s13+$0x0] =	vst v23  }
0x1f0: {  	v35 =	vor.u32 v43, v35;
	s8 =	sshrl.u32 s8, $0x2;
	v23 =	vadd.s32 v12, v21;
	v55 =	vld.idx.msk [tilespmem:v30+s20+$0x0], $0xffff  }
0x1f1: {  	s23 =	sadd.s32 s8, s11;
	[tilespmem:s12+$0x20] =	vst v32;
	v42 =	vor.u32 v25, v23;
	v59 =	vld.idx.msk [tilespmem:v22+s20+$0x0], $0xffff;
	v22 =	vadd.s32 v15, v39  }
0x1f2: {  	[tilespmem:s23+$0x0] =	vst v29;
	v23 =	vadd.s32 v11, v17;
	v22 =	vor.u32 v40, v22  }
0x1f3: {  	v18 =	vadd.s32 v9, v18;
	p4 =	por $0x1, $0x1;
	v56 =	vld.idx.msk [tilespmem:v33+s20+$0x0], $0xffff;
	v29 =	vor.u32 v19, v23;
	[tilespmem:s9+$0x40] =	vst v54  }
.Ltmp12:
0x1f4: {  	s16 =	simm.s32 $0x6;
	v58 =	vadd.s32 v15, v26;
	v49 =	vadd.s32 v14, v39;
	v62 =	vld.idx.msk [tilespmem:v37+s20+$0x0], $0xffff;
	[tilespmem:s21+$0x50] =	vst v34;
	(pc) =	sbr.rel @!p4 .LBB2_26-.Ltmp12, $4  }
0x1f5: {  	v61 =	vor.u32 v43, v18;
	v38 =	vor.u32 v13, v58;
	v23 =	vmov s16;
	v60 =	vld.idx.msk [tilespmem:v35+s20+$0x0], $0xffff;
	[tilespmem:s10+$0x30] =	vst v28  }
0x1f6: {  	v18 =	vadd.s32 v11, v21;
	v48 =	vand.u32 $0x8, v23;
	v23 =	vand.u32 $0x6, v23;
	v33 =	vld.idx.msk [tilespmem:v42+s20+$0x0], $0xffff;
	[tilespmem:s13+$0x10] =	vst v55  }
0x1f7: {  	v57 =	vadd.s32 v31, v48;
	v35 =	vor.u32 v25, v18;
	v36 =	vld.idx.msk [tilespmem:v22+s20+$0x0], $0xffff;
	v22 =	vadd.s32 v12, v24  }
0x1f8: {  	p3 =	por $0x1, $0x1;
	s8 =	sand.u32 $0x7, s0;
	s0 =	simm.s32 $0x9;
	v41 =	vor.u32 v23, v57;
	[tilespmem:s23+$0x10] =	vst v56;
	v63 =	vld.idx.msk [tilespmem:v29+s20+$0x0], $0xffff;
	v37 =	vor.u32 v20, v22  }
0x1f9: {  	_ =	sdelay $0x3  }
0x1fa: {  	v29 =	vld.idx.msk [tilespmem:v41+s20+$0x0], $0xffff  }
0x1fb: {  	s11 =	simm.s32 $0x0;
	v56 =	vor.u32 v40, v49;
	v42 =	vadd.s32 v10, v17;
	v45 =	vadd.s32 v16, v48;
	[tilespmem:$0x1FFD0] =	vst v60  }
0x1fc: {  	v18 =	vmov s0;
	s15 =	sand.u32 $0x6, s16;
	v47 =	vadd.s32 v16, v27;
	s11 =	smul.u32 $0x1100, s11;
	v42 =	vor.u32 v19, v42;
	[tilespmem:s21+$0x60] =	vst v60;
	v38 =	vld.idx.msk [tilespmem:v38+s20+$0x0], $0xffff  }
0x1fd: {  	v57 =	vadd.s32 v10, v21;
	v22 =	vand.u32 $0x8, v18;
	s15 =	smul.u32 $0x220, s15;
	v45 =	vor.u32 v23, v45;
	[tilespmem:s10+$0x40] =	vst v33;
	v46 =	vld.idx.msk [tilespmem:v61+s20+$0x0], $0xffff  }
0x1fe: {  	s8 =	smul.u32 $0x220, s8;
	v43 =	vand.u32 $0x7, v18;
	v47 =	vor.u32 v44, v47;
	v18 =	vadd.s32 v31, v22;
	[tilespmem:s12+$0x30] =	vst v62;
	s11 =	sshra.s32 s11, $0x2;
	v49 =	vld.idx.msk [tilespmem:v35+s20+$0x0], $0xffff  }
0x1ff: {  	v32 =	vmov v61;
	v58 =	vadd.s32 v14, v26;
	v18 =	vor.u32 v43, v18;
	s15 =	sshrl.u32 s15, $0x2;
	[tilespmem:s13+$0x20] =	vst v36;
	v50 =	vld.idx.msk [tilespmem:v37+s20+$0x0], $0xffff;
	s11 =	sadd.s32 $0x10480, s11  }
0x200: {  	v4 =	vmov v35;
	v53 =	vor.u32 v13, v58;
	s8 =	sshrl.u32 s8, $0x2;
	v60 =	vadd.s32 v11, v24;
	[tilespmem:s9+$0x50] =	vst v63;
	s26 =	sadd.s32 s15, s11;
	v51 =	vld.idx.msk [tilespmem:v56+s20+$0x0], $0xffff  }
0x201: {  	v34 =	vmov v33;
	v36 =	vor.u32 v25, v57;
	s24 =	sadd.s32 s8, s11;
	[tilespmem:s26+$0x0] =	vst v29;
	v29 =	vadd.s32 v12, v39;
	v42 =	vld.idx.msk [tilespmem:v42+s20+$0x0], $0xffff  }
0x202: {  	s16 =	simm.s32 $0x8;
	v33 =	vmov v62;
	v62 =	vadd.s32 v15, v48;
	[tilespmem:s24+$0x0] =	vst v59;
	v54 =	vld.idx.msk [tilespmem:v45+s20+$0x0], $0xffff;
	v55 =	vor.u32 v40, v29  }
0x203: {  	v61 =	vmov s16;
	v35 =	vmovc v63;
	v63 =	vadd.s32 v9, v17;
	v56 =	vor.u32 v20, v60;
	v57 =	vld.idx.msk [tilespmem:v47+s20+$0x0], $0xffff;
	[tilespmem:s23+$0x20] =	vst v38  }
0x204: {  	v58 =	vor.u32 v19, v63;
	v60 =	vadd.s32 v9, v21;
	[tilespmem:s21+$0x70] =	vst v46;
	v29 =	vld.idx.msk [tilespmem:v18+s20+$0x0], $0xffff;
	v18 =	vand.u32 $0x8, v61  }
0x205: {  	p5 =	por $0x1, $0x1;
	v59 =	vand.u32 $0x6, v61;
	v46 =	vor.u32 v23, v62;
	[tilespmem:s10+$0x50] =	vst v49;
	v45 =	vld.idx.msk [tilespmem:v53+s20+$0x0], $0xffff;
	v49 =	vadd.s32 v31, v18  }
.Ltmp13:
0x206: {  	v63 =	vadd.s32 v12, v26;
	v52 =	vld.idx.msk [tilespmem:v36+s20+$0x0], $0xffff;
	v41 =	vor.u32 v59, v49;
	[tilespmem:s13+$0x30] =	vst v51;
	(pc) =	sbr.rel @!p5 .LBB2_28-.Ltmp13, $4  }
0x207: {  	v61 =	vadd.s32 v15, v27;
	v53 =	vor.u32 v25, v60;
	[tilespmem:s12+$0x40] =	vst v50;
	v47 =	vld.idx.msk [tilespmem:v55+s20+$0x0], $0xffff  }
0x208: {  	v62 =	vadd.s32 v11, v39;
	v38 =	vor.u32 v44, v61;
	[tilespmem:s9+$0x60] =	vst v42;
	v55 =	vld.idx.msk [tilespmem:v56+s20+$0x0], $0xffff  }
0x209: {  	p4 =	por $0x1, $0x1;
	s17 =	smov.u32 s12;
	s18 =	smov.u32 s9;
	v50 =	vor.u32 v40, v62;
	v49 =	vadd.s32 v14, v48;
	[tilespmem:s26+$0x10] =	vst v54;
	v56 =	vld.idx.msk [tilespmem:v58+s20+$0x0], $0xffff  }
0x20a: {  	s8 =	sand.u32 $0x7, s0;
	s11 =	simm.s32 $0xB;
	s0 =	smov.u32 s10;
	v51 =	vor.u32 v13, v63;
	v42 =	vmov v24;
	[tilespmem:s24+$0x10] =	vst v57;
	v36 =	vld.idx.msk [tilespmem:v46+s20+$0x0], $0xffff;
	v46 =	vmov v20  }
.LBB2_29:
0x20b: {  	v54 =	vmov s11;
	v41 =	vld.idx.msk [tilespmem:v41+s20+$0x0], $0xffff;
	v49 =	vor.u32 v23, v49;
	[tilespmem:s0+$0x60] =	vst v52;
	v52 =	vadd.s32 v10, v42;
	v57 =	vmovc v13  }
0x20c: {  	s15 =	sshrl.u32 s16, $0x3;
	s8 =	smul.u32 $0x220, s8;
	v13 =	vmovc v44;
	v44 =	vmovc v43;
	v58 =	vmov v39;
	v39 =	vmov v48;
	v48 =	vmov v18  }
0x20d: {  	s16 =	sand.u32 $0x6, s16;
	v60 =	vand.u32 $0x8, v54;
	s15 =	smul.u32 $0x1100, s15;
	v18 =	vadd.s32 v16, v48;
	[tilespmem:s23+$0x30] =	vst v45;
	v45 =	vld.idx.msk [tilespmem:v53+s20+$0x0], $0xffff;
	v52 =	vor.u32 v46, v52  }
0x20e: {  	v43 =	vand.u32 $0x7, v54;
	s16 =	smul.u32 $0x220, s16;
	v53 =	vadd.s32 v31, v60;
	v18 =	vor.u32 v59, v18;
	v38 =	vld.idx.msk [tilespmem:v38+s20+$0x0], $0xffff;
	[tilespmem:s13+$0x40] =	vst v47  }
0x20f: {  	v47 =	vor.u32 v43, v53;
	s15 =	sshra.s32 s15, $0x2;
	v53 =	vadd.s32 v16, v22;
	v50 =	vld.idx.msk [tilespmem:v50+s20+$0x0], $0xffff;
	[tilespmem:s17+$0x50] =	vst v55;
	v54 =	vmov v40  }
0x210: {  	s8 =	sshrl.u32 s8, $0x2;
	s16 =	sshrl.u32 s16, $0x2;
	v40 =	vmov v23;
	s15 =	sadd.s32 $0x10480, s15;
	v53 =	vor.u32 v44, v53;
	[tilespmem:s26+$0x20] =	vst v36;
	v36 =	vadd.s32 v10, v58;
	v51 =	vld.idx.msk [tilespmem:v51+s20+$0x0], $0xffff  }
0x211: {  	v55 =	vadd.s32 v14, v27;
	v23 =	vmov v59;
	s19 =	sadd.s32 s16, s15;
	s8 =	sadd.s32 s8, s15;
	v49 =	vld.idx.msk [tilespmem:v49+s20+$0x0], $0xffff;
	v36 =	vor.u32 v54, v36;
	[tilespmem:s18+$0x70] =	vst v56;
	s18 =	smov.u32 s17  }
0x212: {  	v55 =	vor.u32 v13, v55;
	s17 =	smov.u32 s23;
	s23 =	smov.u32 s24;
	[tilespmem:s19+$0x0] =	vst v41;
	v41 =	vadd.s32 v12, v39;
	v56 =	vld.idx.msk [tilespmem:v52+s20+$0x0], $0xffff;
	s24 =	smov.u32 s8  }
0x213: {  	s16 =	sadd.s32 $0xFFFFFFFF, s11;
	v61 =	vld.idx.msk [tilespmem:v18+s20+$0x0], $0xffff;
	v62 =	vor.u32 v40, v41;
	v18 =	vadd.s32 v11, v26;
	[tilespmem:s0+$0x70] =	vst v45;
	s0 =	smov.u32 s13;
	s13 =	smov.u32 s26  }
0x214: {  	p5 =	slt.u32 s16, $0xE;
	v41 =	vmov s16;
	v45 =	vadd.s32 v15, v48;
	s26 =	smov.u32 s19;
	[tilespmem:s24+$0x0] =	vst v29;
	v29 =	vld.idx.msk [tilespmem:v47+s20+$0x0], $0xffff;
	v63 =	vor.u32 v57, v18  }
0x215: {  	v18 =	vand.u32 $0x8, v41;
	v28 =	vor.u32 v23, v45;
	v47 =	vadd.s32 v9, v42;
	v30 =	vld.idx.msk [tilespmem:v53+s20+$0x0], $0xffff;
	[tilespmem:s0+$0x50] =	vst v50  }
0x216: {  	v59 =	vand.u32 $0x6, v41;
	v41 =	vadd.s32 v31, v18;
	v46 =	vor.u32 v46, v47;
	[tilespmem:s23+$0x20] =	vst v38;
	v52 =	vld.idx.msk [tilespmem:v36+s20+$0x0], $0xffff  }
.Ltmp14:
0x217: {  	v42 =	vmov v26;
	v41 =	vor.u32 v59, v41;
	v36 =	vadd.s32 v9, v58;
	[tilespmem:s13+$0x30] =	vst v49;
	v45 =	vld.idx.msk [tilespmem:v55+s20+$0x0], $0xffff;
	(pc) =	sbr.rel @p5 .LBB2_29-.Ltmp14, $4  }
0x218: {  	v26 =	vmov v27;
	v38 =	vadd.s32 v15, v22;
	v53 =	vor.u32 v54, v36;
	v47 =	vld.idx.msk [tilespmem:v62+s20+$0x0], $0xffff;
	[tilespmem:s17+$0x40] =	vst v51  }
0x219: {  	v27 =	vmov v22;
	v38 =	vor.u32 v44, v38;
	v49 =	vadd.s32 v11, v39;
	[tilespmem:s26+$0x10] =	vst v61;
	v55 =	vld.idx.msk [tilespmem:v63+s20+$0x0], $0xffff  }
0x21a: {  	v22 =	vmov v60;
	v50 =	vor.u32 v40, v49;
	v36 =	vld.idx.msk [tilespmem:v28+s20+$0x0], $0xffff;
	v28 =	vadd.s32 v12, v26;
	[tilespmem:s18+$0x60] =	vst v56  }
0x21b: {  	s8 =	sand.u32 $0x7, s11;
	s11 =	sadd.s32 $0x2, s11;
	v49 =	vadd.s32 v14, v48;
	[tilespmem:s24+$0x10] =	vst v30;
	v51 =	vor.u32 v13, v28;
	v56 =	vld.idx.msk [tilespmem:v46+s20+$0x0], $0xffff;
	v46 =	vmov v57  }
0x21c: {  	v31 =	vmov v23;
	v54 =	vmov v13;
	v57 =	vmov v44  }
0x21d: {  	s19 =	smov.u32 s23;
	v13 =	vmovc v43;
	v58 =	vmovc v39;
	v44 =	vmov v48;
	v23 =	vmov v59;
	v43 =	vmov v40  }
0x21e: {  	s15 =	smov.u32 s13;
	s13 =	smov.u32 s26;
	s23 =	smov.u32 s24;
	v60 =	vld [tilespmem:$0x1FFD0];
	v61 =	vmovc v32;
	v62 =	vmovc v33;
	v33 =	vmov v34;
	v63 =	vmov v35;
	v35 =	vmov v4  }
.LBB2_31:
0x21f: {  	_ =	sdelay $0x2  }
0x220: {  	s11 =	sshrl.u32 s16, $0x3  }
0x221: {  	v28 =	vld.idx.msk [tilespmem:v41+s20+$0x0], $0xffff;
	s29 =	sand.u32 $0x6, s16;
	v30 =	vadd.s32 v16, v18;
	s11 =	smul.u32 $0x1100, s11  }
0x222: {  	[tilespmem:s0+$0x60] =	vst @p3 v52;
	v59 =	vadd.s32 v16, v22;
	s16 =	smul.u32 $0x220, s29;
	v30 =	vor.u32 v23, v30  }
0x223: {  	s8 =	smul.u32 $0x220, s8;
	[tilespmem:s19+$0x30] =	vst @p2 v45;
	v16 =	vor.u32 v13, v59;
	s11 =	sshra.s32 s11, $0x2  }
0x224: {  	[tilespmem:s15+$0x40] =	vst @p2 v47;
	v40 =	vor.u32 @p1 v31, v49;
	s16 =	sshrl.u32 s16, $0x2;
	s11 =	sadd.s32 $0x10480, s11  }
0x225: {  	v41 =	vadd.s32 @p3 v10, v42;
	v38 =	vld.idx.msk @p1 [tilespmem:v38+s20+$0x0], $0xffff;
	[tilespmem:s17+$0x50] =	vst @p3 v55;
	v32 =	vadd.s32 v15, v18;
	s24 =	sshrl.u32 s8, $0x2;
	s31 =	sadd.s32 s16, s11  }
0x226: {  	v52 =	vadd.s32 v15, v22;
	v49 =	vadd.s32 @p1 v14, v27;
	v39 =	vld.idx.msk @p3 [tilespmem:v53+s20+$0x0], $0xffff;
	s11 =	sadd.s32 s24, s11;
	[tilespmem:s31+$0x0] =	vst v28  }
0x227: {  	v42 =	vadd.s32 @p3 v9, v42;
	v55 =	vadd.s32 v14, v22;
	[tilespmem:s11+$0x0] =	vst v29;
	v30 =	vld.idx.msk [tilespmem:v30+s20+$0x0], $0xffff  }
0x228: {  	v17 =	vpsel p2, v26, v17;
	v21 =	vpsel p1, v44, v21;
	v34 =	vor.u32 v23, v32;
	v16 =	vld.idx.msk [tilespmem:v16+s20+$0x0], $0xffff  }
0x229: {  	[tilespmem:s13+$0x20] =	vst @p1 v36;
	v25 =	vpsel p1, v31, v25;
	v47 =	vld.idx.msk @p2 [tilespmem:v50+s20+$0x0], $0xffff;
	v15 =	vor.u32 v13, v52;
	v29 =	vmov @p1 v57  }
0x22a: {  	v45 =	vmov @p2 v58;
	v41 =	vor.u32 @p3 v46, v41;
	[tilespmem:s18+$0x70] =	vst @p4 v56;
	v40 =	vld.idx.msk @p1 [tilespmem:v40+s20+$0x0], $0xffff;
	v49 =	vor.u32 @p1 v29, v49  }
0x22b: {  	v48 =	vadd.s32 @p2 v10, v45;
	v50 =	vadd.s32 @p1 v12, v44;
	v53 =	vadd.s32 v14, v18;
	[tilespmem:s0+$0x70] =	vst @p3 v39  }
0x22c: {  	v50 =	vor.u32 @p1 v31, v50;
	v28 =	vor.u32 @p2 v43, v48;
	v48 =	vld.idx.msk @p2 [tilespmem:v51+s20+$0x0], $0xffff;
	[tilespmem:s31+$0x10] =	vst v30  }
0x22d: {  	v14 =	vor.u32 v13, v55;
	v56 =	vadd.s32 v12, v18;
	s16 =	smov.u32 @p1 s23;
	[tilespmem:s11+$0x10] =	vst v16;
	v36 =	vld.idx.msk [tilespmem:v34+s20+$0x0], $0xffff  }
0x22e: {  	v39 =	vmov @p2 v54;
	[tilespmem:s16+$0x20] =	vst @p1 v38;
	v54 =	vor.u32 v23, v53;
	v16 =	vmov @p1 v27;
	v15 =	vld.idx.msk [tilespmem:v15+s20+$0x0], $0xffff  }
0x22f: {  	v51 =	vadd.s32 @p2 v11, v26;
	[tilespmem:s13+$0x30] =	vst @p1 v40;
	v38 =	vld.idx.msk @p1 [tilespmem:v49+s20+$0x0], $0xffff;
	v40 =	vadd.s32 @p1 v12, v16  }
0x230: {  	v41 =	vld.idx.msk @p3 [tilespmem:v41+s20+$0x0], $0xffff;
	[tilespmem:s15+$0x50] =	vst @p2 v47;
	v47 =	vor.u32 @p2 v39, v51;
	v40 =	vor.u32 @p1 v29, v40  }
0x231: {  	v30 =	vor.u32 @p3 v46, v42;
	v42 =	vld.idx.msk @p1 [tilespmem:v50+s20+$0x0], $0xffff;
	v46 =	vadd.s32 @p1 v11, v44;
	v37 =	vpsel p1, v40, v37  }
0x232: {  	v57 =	vadd.s32 v12, v22;
	v28 =	vld.idx.msk @p2 [tilespmem:v28+s20+$0x0], $0xffff;
	v46 =	vor.u32 @p1 v31, v46;
	[tilespmem:s31+$0x20] =	vst v36  }
0x233: {  	s18 =	smov.u32 @p2 s19;
	v20 =	vpsel p1, v29, v20;
	v26 =	vpsel p1, v46, v35;
	[tilespmem:s11+$0x20] =	vst v15;
	v27 =	vld.idx.msk [tilespmem:v54+s20+$0x0], $0xffff  }
0x234: {  	s12 =	smov.u32 @p1 s16;
	[tilespmem:s18+$0x40] =	vst @p2 v48;
	v29 =	vor.u32 v23, v56;
	v15 =	vpsel p1, v38, v62;
	v14 =	vld.idx.msk [tilespmem:v14+s20+$0x0], $0xffff  }
0x235: {  	s0 =	smov.u32 @p3 s17;
	v47 =	vld.idx.msk @p2 [tilespmem:v47+s20+$0x0], $0xffff;
	v16 =	vpsel p1, v16, v24;
	v12 =	vor.u32 v13, v57;
	[tilespmem:s12+$0x30] =	vst @p1 v15  }
0x236: {  	s10 =	smov.u32 @p1 s13;
	[tilespmem:s0+$0x60] =	vst @p3 v41;
	v24 =	vpsel p1, v42, v33;
	v33 =	vadd.s32 @p1 v11, v16;
	v32 =	vld.idx.msk @p1 [tilespmem:v37+s20+$0x0], $0xffff  }
0x237: {  	v58 =	vadd.s32 v11, v18;
	[tilespmem:s10+$0x40] =	vst @p1 v24;
	v24 =	vor.u32 @p1 v20, v33;
	v15 =	vmov @p2 v39  }
0x238: {  	v31 =	vadd.s32 @p2 v10, v17;
	v26 =	vld.idx.msk @p1 [tilespmem:v26+s20+$0x0], $0xffff;
	v15 =	vpsel p2, v15, v19;
	[tilespmem:s31+$0x30] =	vst v27  }
0x239: {  	s21 =	smov.u32 @p2 s15;
	v28 =	vpsel p2, v28, v60;
	v27 =	vor.u32 @p2 v15, v31;
	[tilespmem:s11+$0x30] =	vst v14;
	v29 =	vld.idx.msk [tilespmem:v29+s20+$0x0], $0xffff  }
0x23a: {  	v59 =	vor.u32 v23, v58;
	[tilespmem:s21+$0x60] =	vst @p2 v28;
	v11 =	vadd.s32 v11, v22;
	v14 =	vmov @p1 v21;
	v12 =	vld.idx.msk [tilespmem:v12+s20+$0x0], $0xffff  }
0x23b: {  	s9 =	smov.u32 @p2 s18;
	v11 =	vor.u32 v13, v11;
	v19 =	vpsel p2, v47, v63;
	v28 =	vadd.s32 @p1 v10, v14;
	[tilespmem:s12+$0x40] =	vst @p1 v32  }
0x23c: {  	v16 =	vpsel p1, v16, v0;
	[tilespmem:s9+$0x50] =	vst @p2 v19;
	v19 =	vor.u32 @p1 v25, v28;
	v24 =	vld.idx.msk @p1 [tilespmem:v24+s20+$0x0], $0xffff  }
0x23d: {  	v60 =	vadd.s32 v10, v18;
	v20 =	vpsel p1, v20, v0;
	[tilespmem:s10+$0x50] =	vst @p1 v26;
	v26 =	vadd.s32 @p1 v10, v16  }
0x23e: {  	v26 =	vor.u32 @p1 v20, v26;
	v10 =	vadd.s32 v10, v22;
	v27 =	vld.idx.msk @p2 [tilespmem:v27+s20+$0x0], $0xffff;
	[tilespmem:s31+$0x40] =	vst v29  }
0x23f: {  	v28 =	vadd.s32 @p2 v9, v45;
	[tilespmem:s11+$0x40] =	vst v12;
	v12 =	vadd.s32 @p2 v9, v17;
	v21 =	vld.idx.msk [tilespmem:v59+s20+$0x0], $0xffff  }
0x240: {  	v14 =	vadd.s32 @p1 v9, v14;
	v28 =	vor.u32 @p2 v43, v28;
	v11 =	vld.idx.msk [tilespmem:v11+s20+$0x0], $0xffff;
	v12 =	vor.u32 @p2 v15, v12  }
0x241: {  	s12 =	smov.u32 @p1 s12;
	v28 =	vpsel p2, v28, v61;
	v61 =	vor.u32 v23, v60;
	v19 =	vld.idx.msk @p1 [tilespmem:v19+s20+$0x0], $0xffff;
	v24 =	vpsel p1, v24, v0  }
0x242: {  	v10 =	vor.u32 v13, v10;
	v14 =	vor.u32 @p1 v25, v14;
	v29 =	vld.idx.msk @p3 [tilespmem:v30+s20+$0x0], $0xffff;
	[tilespmem:s12+$0x50] =	vst @p1 v24  }
0x243: {  	v16 =	vadd.s32 @p1 v9, v16;
	v14 =	vpsel p1, v14, v0;
	v15 =	vld.idx.msk @p1 [tilespmem:v26+s20+$0x0], $0xffff  }
0x244: {  	v16 =	vor.u32 @p1 v20, v16;
	[tilespmem:s9+$0x60] =	vst @p2 v27  }
0x245: {  	[tilespmem:s31+$0x50] =	vst v21;
	v12 =	vld.idx.msk @p2 [tilespmem:v12+s20+$0x0], $0xffff  }
0x246: {  	s10 =	smov.u32 @p1 s10;
	[tilespmem:s11+$0x50] =	vst v11;
	v11 =	vpsel p1, v19, v0;
	v17 =	vld.idx.msk [tilespmem:v61+s20+$0x0], $0xffff  }
0x247: {  	v62 =	vadd.s32 v9, v18;
	v9 =	vadd.s32 v9, v22;
	v10 =	vld.idx.msk [tilespmem:v10+s20+$0x0], $0xffff;
	[tilespmem:s10+$0x60] =	vst @p1 v11  }
0x248: {  	s0 =	smov.u32 @p3 s0;
	v9 =	vor.u32 v13, v9;
	v11 =	vpsel p3, v29, v0;
	v13 =	vld.idx.msk @p1 [tilespmem:v14+s20+$0x0], $0xffff;
	[tilespmem:s12+$0x60] =	vst @p1 v15  }
0x249: {  	v18 =	vor.u32 v23, v62;
	[tilespmem:s0+$0x70] =	vst @p3 v11;
	v11 =	vld.idx.msk @p1 [tilespmem:v16+s20+$0x0], $0xffff;
	_ =	sdelay $0x1  }
0x24a: {  	[tilespmem:s31+$0x60] =	vst v17  }
0x24b: {  	s0 =	smov.u32 @p2 s9;
	[tilespmem:s11+$0x60] =	vst v10;
	v10 =	vpsel p2, v12, v0  }
0x24c: {  	v24 =	vld.idx.msk @p2 [tilespmem:v28+s20+$0x0], $0xffff;
	[tilespmem:s0+$0x70] =	vst @p2 v10  }
0x24d: {  	v63 =	vld.idx.msk [tilespmem:v18+s20+$0x0], $0xffff;
	[tilespmem:s10+$0x70] =	vst @p1 v13;
	s0 =	smov.u32 @p1 s12;
	v10 =	vpsel p1, v11, v0  }
0x24e: {  	v9 =	vld.idx.msk [tilespmem:v9+s20+$0x0], $0xffff;
	[tilespmem:s0+$0x70] =	vst @p1 v10;
	p1 =	por $0x0, $0x0  }
.Ltmp15:
0x24f: {  	_ = 	snop;
	(pc) =	sbr.rel @p1 .LBB2_34-.Ltmp15, $4  }
0x250: {  	_ = 	snop  }
0x251: {  	[tilespmem:s21+$0x70] =	vst @p2 v24  }
0x252: {  	[tilespmem:s31+$0x70] =	vst v63  }
0x253: {  	s8 =	smov.u32 s28;
	s0 =	simm.s32 $0x0;
	[tilespmem:s11+$0x70] =	vst v9  }
0x254: {  	s0 =	simm.s32 $0xE280  }
0x255: {  	[hbm4b:s28+s5] =	stream.linear.scatter [tilespmem:s0], [sflag:$0x3], $0x80, $0x38;
	[tilespmem:$0x10E80] =	vst v63  }
0x256: {  	s16 =	simm.s32 $0xE308;
	s8 =	sadd.s32 $0x10, s28  }
0x257: {  	[hbm4b:s8+s5] =	stream.linear.scatter [tilespmem:s16], [sflag:$0x3], $0x80, $0x38;
	[tilespmem:$0x10E80] =	vst v63  }
0x258: {  	s17 =	simm.s32 $0xE390;
	s18 =	sadd.s32 $0x20, s28;
	s19 =	simm.s32 $0xE418  }
0x259: {  	[hbm4b:s18+s5] =	stream.linear.scatter [tilespmem:s17], [sflag:$0x3], $0x80, $0x38;
	[tilespmem:$0x10E80] =	vst v63  }
0x25a: {  	s21 =	sadd.s32 $0x30, s28;
	s23 =	simm.s32 $0xE4A0;
	s24 =	sadd.s32 $0x40, s28  }
0x25b: {  	[hbm4b:s21+s5] =	stream.linear.scatter [tilespmem:s19], [sflag:$0x3], $0x80, $0x38;
	[tilespmem:$0x10E80] =	vst v63  }
0x25c: {  	s26 =	simm.s32 $0xE528;
	s29 =	sadd.s32 $0x50, s28;
	p1 =	por $0x0, $0x0  }
0x25d: {  	[hbm4b:s24+s5] =	stream.linear.scatter [tilespmem:s23], [sflag:$0x3], $0x80, $0x38;
	[tilespmem:$0x10E80] =	vst v63  }
.Ltmp16:
0x25e: {  	s31 =	simm.s32 $0xE5B0;
	s9 =	sadd.s32 $0x60, s28;
	(pc) =	sbr.rel @p1 .LBB2_34-.Ltmp16, $4  }
0x25f: {  	[hbm4b:s29+s5] =	stream.linear.scatter [tilespmem:s26], [sflag:$0x3], $0x80, $0x38;
	[tilespmem:$0x10E80] =	vst v63  }
0x260: {  	s10 =	simm.s32 $0xE638;
	s11 =	sadd.s32 $0x70, s28;
	p0 =	por $0x1, $0x1  }
0x261: {  	[hbm4b:s9+s5] =	stream.linear.scatter [tilespmem:s31], [sflag:$0x3], $0x80, $0x38;
	[tilespmem:$0x10E80] =	vst v63  }
0x262: {  	s0 =	simm.s32 $0x440;
	s8 =	sadd.s32 $0x1000, s28;
	s9 =	simm.s32 $0x2200  }
.LBB2_33:
0x263: {  	[hbm4b:s11+s5] =	stream.linear.scatter [tilespmem:s10], [sflag:$0x3], $0x80, $0x38;
	[tilespmem:$0x10E80] =	vst v63  }
0x264: {  	s10 =	smov.u32 s0;
	s0 =	smov.u32 s9  }
0x265: {  	s12 =	sadd.s32 $0x1100, s9;
	s0 =	sshra.s32 s0, $0x2;
	s11 =	sadd.s32 $0xE280, s10  }
0x266: {  	[hbm4b:s8+s5] =	stream.linear.scatter [tilespmem:s11], [sflag:$0x3], $0x80, $0x38;
	[tilespmem:$0x10E80] =	vst v63  }
0x267: {  	p1 =	seq.s32 s9, $0x9900;
	s9 =	sadd.s32 $0xE308, s10;
	s11 =	sadd.s32 $0x10, s8  }
0x268: {  	[hbm4b:s11+s5] =	stream.linear.scatter [tilespmem:s9], [sflag:$0x3], $0x80, $0x38;
	[tilespmem:$0x10E80] =	vst v63  }
0x269: {  	s9 =	sadd.s32 $0xE390, s10;
	s11 =	sadd.s32 $0x20, s8  }
0x26a: {  	[hbm4b:s11+s5] =	stream.linear.scatter [tilespmem:s9], [sflag:$0x3], $0x80, $0x38;
	[tilespmem:$0x10E80] =	vst v63  }
0x26b: {  	s9 =	sadd.s32 $0xE418, s10;
	s11 =	sadd.s32 $0x30, s8  }
0x26c: {  	[hbm4b:s11+s5] =	stream.linear.scatter [tilespmem:s9], [sflag:$0x3], $0x80, $0x38;
	[tilespmem:$0x10E80] =	vst v63  }
0x26d: {  	s9 =	sadd.s32 $0xE4A0, s10;
	s11 =	sadd.s32 $0x40, s8  }
0x26e: {  	[hbm4b:s11+s5] =	stream.linear.scatter [tilespmem:s9], [sflag:$0x3], $0x80, $0x38;
	[tilespmem:$0x10E80] =	vst v63  }
.Ltmp17:
0x26f: {  	s9 =	sadd.s32 $0xE528, s10;
	s11 =	sadd.s32 $0x50, s8;
	(pc) =	sbr.rel @!p1 .LBB2_33-.Ltmp17, $4  }
0x270: {  	[hbm4b:s11+s5] =	stream.linear.scatter [tilespmem:s9], [sflag:$0x3], $0x80, $0x38;
	[tilespmem:$0x10E80] =	vst v63  }
0x271: {  	s9 =	sadd.s32 $0xE5B0, s10;
	s11 =	sadd.s32 $0x60, s8;
	s10 =	sadd.s32 $0xE638, s10  }
0x272: {  	[hbm4b:s11+s5] =	stream.linear.scatter [tilespmem:s9], [sflag:$0x3], $0x80, $0x38;
	[tilespmem:$0x10E80] =	vst v63  }
0x273: {  	s11 =	sadd.s32 $0x70, s8;
	s8 =	sadd.s32 $0x1000, s8;
	s9 =	smov.u32 s12  }
.LBB2_34:
0x274: {  	[hbm4b:s11+s5] =	stream.linear.scatter @p0 [tilespmem:s10], [sflag:$0x3], $0x80, $0x38;
	[tilespmem:$0x10E80] =	vst v63  }
0x275: {  	s9 =	sadd.s32 $0xE280, s0  }
0x276: {  	[hbm4b:s8+s5] =	stream.linear.scatter [tilespmem:s9], [sflag:$0x3], $0x80, $0x38;
	[tilespmem:$0x10E80] =	vst v63  }
0x277: {  	s13 =	sadd.s32 $0xE308, s0;
	s14 =	sadd.s32 $0x10, s8  }
0x278: {  	[hbm4b:s14+s5] =	stream.linear.scatter [tilespmem:s13], [sflag:$0x3], $0x80, $0x38;
	[tilespmem:$0x10E80] =	vst v63  }
0x279: {  	s15 =	sadd.s32 $0xE390, s0;
	s16 =	sadd.s32 $0x20, s8  }
0x27a: {  	[hbm4b:s16+s5] =	stream.linear.scatter [tilespmem:s15], [sflag:$0x3], $0x80, $0x38;
	[tilespmem:$0x10E80] =	vst v63  }
0x27b: {  	s17 =	sadd.s32 $0xE418, s0;
	s18 =	sadd.s32 $0x30, s8  }
0x27c: {  	[hbm4b:s18+s5] =	stream.linear.scatter [tilespmem:s17], [sflag:$0x3], $0x80, $0x38;
	[tilespmem:$0x10E80] =	vst v63  }
0x27d: {  	s19 =	sadd.s32 $0xE4A0, s0;
	s21 =	sadd.s32 $0x40, s8  }
0x27e: {  	[hbm4b:s21+s5] =	stream.linear.scatter [tilespmem:s19], [sflag:$0x3], $0x80, $0x38;
	[tilespmem:$0x10E80] =	vst v63  }
0x27f: {  	s23 =	sadd.s32 $0xE528, s0;
	s24 =	sadd.s32 $0x50, s8  }
0x280: {  	[hbm4b:s24+s5] =	stream.linear.scatter [tilespmem:s23], [sflag:$0x3], $0x80, $0x38;
	[tilespmem:$0x10E80] =	vst v63  }
0x281: {  	s26 =	sadd.s32 $0xE5B0, s0;
	s28 =	sadd.s32 $0x60, s8;
	s29 =	sadd.s32 $0xE638, s0  }
0x282: {  	[hbm4b:s28+s5] =	stream.linear.scatter [tilespmem:s26], [sflag:$0x3], $0x80, $0x38;
	[tilespmem:$0x10E80] =	vst v63  }
0x283: {  	s31 =	sadd.s32 $0x70, s8;
	p0 =	por $0x0, $0x0;
	s23 =	simm.s32 $0x2  }
0x284: {  	[hbm4b:s31+s5] =	stream.linear.scatter [tilespmem:s29], [sflag:$0x3], $0x80, $0x38;
	[tilespmem:$0x10E80] =	vst v63  }
.LBB2_36:
0x285: {  	s21 =	smov.u32 s23;
	s23 =	sadd.s32 $0x1, s23  }
0x286: {  	s0 =	smul.u32 $0xFFFFFFCD, s23;
	_ =	sdelay $0x1  }
0x287: {  	s8 =	sand.u32 $0xF8, s0  }
0x288: {  	s0 =	sshll.u32 s0, $0x5;
	s8 =	sshrl.u32 s8, $0x3  }
0x289: {  	s0 =	sor.u32 s0, s8  }
0x28a: {  	s0 =	sand.u32 $0xFF, s0  }
0x28b: {  	s19 =	sand.u32 $0xFF, s23;
	p2 =	sgt.u32 s0, $0x6  }
0x28c: {  	s24 =	smul.u32 $0xCD, s19;
	p3 =	sgt.u32 @!p2 s21, $0x9E  }
0x28d: {  	s8 =	simm.s32 @!p2 $0x1;
	p1 =	por p3, p2  }
0x28e: {  	s0 =	sshrl.u32 s24, $0xD;
	_ =	swait.ge @!p2 [sflag:s8], $0x1400;
	s9 =	sand.u32 @!p1 $0xFF, s23  }
0x28f: {  	[sflag:s8] =	ssyncset.done @!p2 $0x0;
	s10 =	sadd.s32 @!p1 $0x1, s0;
	p4 =	slt.u32 @!p1 s9, $0x50  }
0x290: {  	[sflag:s8] =	ssyncadd.s32 @!p2 $0xFFFFEC00;
	s9 =	smul.u32 @!p1 $0x28000, s10;
	p3 =	por @!p2 !p4, p3  }
0x291: {  	s0 =	sadd.s32 @!p1 $0xFFFFFFFE, s0;
	_ =	swait.ge @!p2 [sflag:s8], $0x1400;
	p3 =	por !p3, p2  }
0x292: {  	[sflag:s8] =	ssyncset.done @!p2 $0x0;
	s9 =	sor.u32 @!p1 s6, s9;
	s0 =	smov.u32 @p3 s10  }
0x293: {  	[sflag:s8] =	ssyncadd.s32 @!p2 $0xFFFFEC00;
	s8 =	sshrl.u32 @!p1 s9, $0x3;
	s0 =	smul.u32 @!p1 $0x1400, s0  }
0x294: {  	s11 =	simm.s32 @!p1 $0x8000;
	s10 =	simm.s32 @!p1 $0x400;
	s9 =	sadd.s32 @!p1 s1, s8  }
0x295: {  	[tilespmem:s0], [sflag:$0x1] =	stream.strided.gather @!p1 [hbm4b:s9+s10], $0x1400, s11, s10, $0x38;
	[tilespmem:$0x10E80] =	vst v63  }
0x296: {  	s26 =	sshll.u32 s23, $0x9;
	s8 =	sadd.s32 @!p1 s2, s8;
	s0 =	sadd.s32 @!p1 $0x3C00, s0  }
0x297: {  	[tilespmem:s0], [sflag:$0x1] =	stream.strided.gather @!p1 [hbm4b:s8+s10], $0x1400, s11, s10, $0x38;
	[tilespmem:$0x10E80] =	vst v63  }
0x298: {  	s28 =	sshll.u32 s23, $0xD;
	s31 =	sshll.u32 s23, $0x7;
	_ =	swait.ge [sflag:s30], $0x2800  }
0x299: {  	s9 =	sand.u32 $0x2000, s28;
	s0 =	sand.u32 $0x3F000, s26;
	[sflag:s30] =	ssyncset.done $0x0  }
0x29a: {  	p1 =	slt.u32 s21, $0x77;
	s8 =	sadd.s32 $0xFFFF1000, s0;
	[sflag:s30] =	ssyncadd.s32 $0xFFFFD800  }
0x29b: {  	s10 =	sand.u32 $0x380, s31;
	s8 =	smov.u32 @p1 s0;
	_ =	swait.ge [sflag:s22], $0x2000  }
0x29c: {  	s11 =	sshll.u32 s21, $0x7;
	s8 =	sshra.s32 s8, $0x2;
	[sflag:s22] =	ssyncset.done $0x0  }
0x29d: {  	s0 =	sadd.s32 $0x7800, s9;
	s8 =	sor.u32 s10, s8;
	[sflag:s22] =	ssyncadd.s32 $0xFFFFE000  }
0x29e: {  	[tilespmem:s0], [sflag:$0x2] =	stream.indirect.gather [hbm4b:s7+s3], $0x40, s8, s3, $0xb8;
	[tilespmem:$0x10E80] =	vst v63  }
0x29f: {  	s8 =	sand.u32 $0x7C00, s11  }
0x2a0: {  	p1 =	slt.u32 s21, $0x78;
	s9 =	sadd.s32 $0xFFFFC400, s8  }
0x2a1: {  	s0 =	sand.u32 $0x380, s11;
	s9 =	smov.u32 @p1 s8  }
0x2a2: {  	s8 =	sor.u32 s0, s9;
	s0 =	sand.u32 $0x1, s21  }
0x2a3: {  	v12 =	vmov s0  }
0x2a4: {  	v14 =	vmul.u32 $0x2A80, v12  }
0x2a5: {  	v9 =	vld [tilespmem:s8+$0x3C00]  }
0x2a6: {  	s14 =	simm.s32 $0x3;
	s9 =	simm.s32 $0x1;
	v11 =	vld [tilespmem:s8+$0x3C10];
	v16 =	vbroadcast v14, $0x0  }
0x2a7: {  	s13 =	simm.s32 $0x0;
	v20 =	vmov s14;
	v10 =	vld [tilespmem:s8+$0x3C20];
	s9 =	simm.s32 @!p0 $0x0  }
0x2a8: {  	s15 =	simm.s32 $0x1;
	v21 =	vmov s13;
	v25 =	vand.u32 $0x78, v20;
	v13 =	vld [tilespmem:s8+$0x3C40];
	s12 =	smul.u32 $0xAA00, s9;
	s9 =	sshll.u32 s9, $0xD;
	v22 =	vadd.s32 v0, v16  }
0x2a9: {  	s16 =	simm.s32 $0x2;
	v24 =	vmov s15;
	v26 =	vand.u32 $0x7, v20;
	v15 =	vld [tilespmem:s8+$0x3C60];
	s9 =	sadd.s32 $0x7880, s9;
	v20 =	vadd.s32 v22, v25  }
0x2aa: {  	v33 =	vmov s16;
	v23 =	vand.u32 $0x78, v21;
	v27 =	vld [tilespmem:s9+$0x40];
	v20 =	vor.u32 v26, v20  }
0x2ab: {  	v30 =	vand.u32 $0x4, v21;
	v31 =	vand.u32 $0x78, v24;
	v17 =	vld [tilespmem:s8+$0x3C70];
	v21 =	vadd.s32 v22, v23  }
0x2ac: {  	v32 =	vand.u32 $0x5, v24;
	v24 =	vld [tilespmem:s9+$0xFFFFFF80];
	v28 =	vadd.s32 v22, v31;
	v21 =	vor.u32 v30, v21  }
0x2ad: {  	v34 =	vand.u32 $0x78, v33;
	v33 =	vand.u32 $0x6, v33;
	v29 =	vld [tilespmem:s9+$0xFFFFFFC0];
	v28 =	vor.u32 v32, v28  }
0x2ae: {  	s19 =	simm.s32 $0x6;
	v12 =	vld [tilespmem:s8+$0x3C30];
	v19 =	vadd.s32 v1, v16;
	v18 =	vadd.s32 v2, v16;
	v16 =	vadd.s32 v3, v16  }
0x2af: {  	v41 =	vmov s19;
	v14 =	vld [tilespmem:s8+$0x3C50];
	v54 =	vadd.s32 v18, v25;
	[tilespmem:v20+s25+$0x0] =	vst.idx.msk $0xffff, v27;
	v20 =	vadd.s32 v19, v25  }
0x2b0: {  	s24 =	simm.s32 $0x7;
	v61 =	vadd.s32 v16, v25;
	v27 =	vadd.s32 v22, v34;
	v35 =	vld [tilespmem:s9+$0x50];
	v36 =	vor.u32 v26, v20  }
0x2b1: {  	s17 =	simm.s32 $0x4;
	v57 =	vmov s24;
	v37 =	vld [tilespmem:s9+$0x0];
	[tilespmem:v21+s25+$0x0] =	vst.idx.msk $0xffff, v24;
	v27 =	vor.u32 v33, v27;
	v20 =	vadd.s32 v19, v23  }
0x2b2: {  	[tilespmem:v28+s25+$0x0] =	vst.idx.msk $0xffff, v29;
	v21 =	vmov s17;
	v24 =	vld [tilespmem:s9+$0xFFFFFF90];
	v38 =	vor.u32 v30, v20;
	v20 =	vadd.s32 v19, v31  }
0x2b3: {  	v28 =	vadd.s32 v19, v34;
	v25 =	vand.u32 $0x78, v41;
	v29 =	vld [tilespmem:s9+$0xFFFFFFD0];
	v39 =	vor.u32 v32, v20  }
0x2b4: {  	v55 =	vor.u32 v33, v28;
	v20 =	vand.u32 $0x4, v21;
	v21 =	vand.u32 $0x78, v21  }
0x2b5: {  	s8 =	sadd.s32 $0x100, s9;
	v28 =	vand.u32 $0x78, v57;
	v53 =	vadd.s32 v22, v25;
	v45 =	vadd.s32 v22, v21;
	[tilespmem:v36+s25+$0x0] =	vst.idx.msk $0xffff, v35  }
0x2b6: {  	v59 =	vld [tilespmem:s8+$0xFFFFFF80];
	v58 =	vadd.s32 v22, v28;
	v60 =	vor.u32 v20, v45;
	[tilespmem:v27+s25+$0x0] =	vst.idx.msk $0xffff, v37  }
0x2b7: {  	v35 =	vor.u32 v26, v54;
	v56 =	vld [tilespmem:s9+$0x60];
	[tilespmem:v38+s25+$0x0] =	vst.idx.msk $0xffff, v24;
	v24 =	vadd.s32 v18, v23  }
0x2b8: {  	v40 =	vld [tilespmem:s9+$0x10];
	v43 =	vor.u32 v30, v24;
	[tilespmem:v39+s25+$0x0] =	vst.idx.msk $0xffff, v29;
	v24 =	vadd.s32 v18, v31  }
0x2b9: {  	s18 =	simm.s32 $0x5;
	v45 =	vor.u32 v26, v61;
	v29 =	vand.u32 $0x7, v57;
	v39 =	vld [tilespmem:s9+$0xFFFFFFE0];
	v44 =	vor.u32 v32, v24  }
0x2ba: {  	v46 =	vld [tilespmem:s8+$0x40];
	v27 =	vmov s18;
	v26 =	vand.u32 $0x6, v41;
	v38 =	vor.u32 v29, v58  }
0x2bb: {  	v54 =	vld [tilespmem:s8+$0x0];
	v41 =	vor.u32 v26, v53;
	v24 =	vand.u32 $0x5, v27;
	v27 =	vand.u32 $0x78, v27;
	[tilespmem:v60+s25+$0x0] =	vst.idx.msk $0xffff, v59  }
0x2bc: {  	v42 =	vld [tilespmem:s9+$0xFFFFFFA0];
	v62 =	vadd.s32 v22, v27;
	[tilespmem:v35+s25+$0x0] =	vst.idx.msk $0xffff, v56  }
0x2bd: {  	v52 =	vld [tilespmem:s8+$0xFFFFFFC0];
	v36 =	vor.u32 v24, v62;
	[tilespmem:v55+s25+$0x0] =	vst.idx.msk $0xffff, v40  }
0x2be: {  	v55 =	vadd.s32 v18, v34;
	v63 =	vld [tilespmem:s9+$0x70];
	[tilespmem:v44+s25+$0x0] =	vst.idx.msk $0xffff, v39  }
0x2bf: {  	v56 =	vadd.s32 v19, v28;
	v57 =	vld [tilespmem:s9+$0x20];
	[tilespmem:v38+s25+$0x0] =	vst.idx.msk $0xffff, v46;
	v39 =	vor.u32 v33, v55  }
0x2c0: {  	v58 =	vadd.s32 v19, v21;
	[tilespmem:v41+s25+$0x0] =	vst.idx.msk $0xffff, v54;
	v47 =	vor.u32 v29, v56;
	v46 =	vld [tilespmem:s8+$0x50]  }
0x2c1: {  	s26 =	simm.s32 $0x8;
	v61 =	vadd.s32 v19, v25;
	v49 =	vor.u32 v20, v58;
	v48 =	vld [tilespmem:s8+$0xFFFFFF90];
	[tilespmem:v43+s25+$0x0] =	vst.idx.msk $0xffff, v42  }
0x2c2: {  	s28 =	simm.s32 $0x9;
	v31 =	vadd.s32 v16, v31;
	v59 =	vmov s26;
	v60 =	vadd.s32 v19, v27;
	v35 =	vld [tilespmem:s8+$0x10];
	[tilespmem:v36+s25+$0x0] =	vst.idx.msk $0xffff, v52  }
0x2c3: {  	v62 =	vadd.s32 v16, v34;
	v34 =	vmov s28;
	v42 =	vor.u32 v32, v31;
	v40 =	vld [tilespmem:s9+$0xFFFFFFF0];
	[tilespmem:v45+s25+$0x0] =	vst.idx.msk $0xffff, v63  }
0x2c4: {  	v41 =	vor.u32 v33, v62;
	v31 =	vand.u32 $0x4, v59;
	v38 =	vor.u32 v24, v60;
	v37 =	vld [tilespmem:s8+$0xFFFFFFD0];
	[tilespmem:v39+s25+$0x0] =	vst.idx.msk $0xffff, v57  }
0x2c5: {  	s31 =	simm.s32 $0xA;
	s10 =	sshrl.u32 s12, $0x2;
	v32 =	vand.u32 $0x78, v59;
	v36 =	vor.u32 v26, v61;
	v63 =	vadd.s32 v18, v28;
	[tilespmem:v47+s25+$0x0] =	vst.idx.msk $0xffff, v46;
	v39 =	vld [tilespmem:s9+$0x30]  }
0x2c6: {  	s11 =	simm.s32 $0xB;
	s29 =	sadd.s32 $0xB800, s10;
	s10 =	simm.s32 $0xC;
	v33 =	vmov s31;
	[tilespmem:v49+s25+$0x0] =	vst.idx.msk $0xffff, v48;
	v45 =	vadd.s32 v18, v21;
	v44 =	vor.u32 v29, v63;
	v43 =	vld [tilespmem:s8+$0x60]  }
.LBB2_37:
0x2c7: {  	v45 =	vor.u32 v20, v45;
	v48 =	vadd.s32 v16, v23  }
0x2c8: {  	p1 =	slt.u32 s10, $0x7C;
	v46 =	vmov s11;
	v47 =	vld [tilespmem:s8+$0xFFFFFFA0];
	[tilespmem:v42+s25+$0x0] =	vst.idx.msk $0xffff, v40;
	v40 =	vmovc v20;
	v20 =	vmovc v31;
	v23 =	vmov v21;
	v21 =	vmov v32  }
0x2c9: {  	v32 =	vadd.s32 v18, v27;
	v31 =	vand.u32 $0x78, v46;
	[tilespmem:v38+s25+$0x0] =	vst.idx.msk $0xffff, v37;
	v37 =	vld [tilespmem:s9+$0xFFFFFFB0];
	v30 =	vor.u32 v30, v48;
	s9 =	smov.u32 s8  }
0x2ca: {  	v38 =	vand.u32 $0x7, v46;
	v32 =	vor.u32 v24, v32;
	s8 =	sadd.s32 $0x100, s8;
	v42 =	vadd.s32 v22, v31;
	v46 =	vld [tilespmem:s9+$0xFFFFFFE0];
	[tilespmem:v36+s25+$0x0] =	vst.idx.msk $0xffff, v35  }
0x2cb: {  	v35 =	vadd.s32 v22, v21;
	v36 =	vand.u32 $0x5, v34;
	v48 =	vld [tilespmem:s8+$0x40];
	v42 =	vor.u32 v38, v42;
	[tilespmem:v41+s25+$0x0] =	vst.idx.msk $0xffff, v39  }
0x2cc: {  	v28 =	vadd.s32 v16, v28;
	v34 =	vand.u32 $0x78, v34;
	v35 =	vor.u32 v20, v35;
	v39 =	vld [tilespmem:s8+$0xFFFFFF80];
	[tilespmem:v44+s25+$0x0] =	vst.idx.msk $0xffff, v43  }
0x2cd: {  	v41 =	vadd.s32 v22, v34;
	v43 =	vand.u32 $0x78, v33;
	[tilespmem:v45+s25+$0x0] =	vst.idx.msk $0xffff, v47;
	v44 =	vld [tilespmem:s9+$0x70];
	v45 =	vor.u32 v29, v28  }
0x2ce: {  	v49 =	vand.u32 $0x6, v33;
	v41 =	vor.u32 v36, v41;
	v4 =	vadd.s32 v22, v43;
	v47 =	vld [tilespmem:s8+$0xFFFFFFC0];
	[tilespmem:v30+s25+$0x0] =	vst.idx.msk $0xffff, v37  }
0x2cf: {  	v28 =	vmov v31;
	v50 =	vor.u32 v49, v4;
	v4 =	vadd.s32 v18, v25;
	v33 =	vld [tilespmem:s8+$0x0];
	[tilespmem:v32+s25+$0x0] =	vst.idx.msk $0xffff, v46  }
0x2d0: {  	v29 =	vmov v38;
	v32 =	vadd.s32 v19, v28;
	[tilespmem:v42+s25+$0x0] =	vst.idx.msk $0xffff, v48;
	v46 =	vld [tilespmem:s9+$0x20];
	v48 =	vor.u32 v26, v4  }
0x2d1: {  	v31 =	vadd.s32 v19, v21;
	v30 =	vmov v40;
	v51 =	vor.u32 v29, v32;
	[tilespmem:v35+s25+$0x0] =	vst.idx.msk $0xffff, v39;
	v39 =	vld [tilespmem:s8+$0x50]  }
0x2d2: {  	v53 =	vor.u32 v20, v31;
	v31 =	vadd.s32 v16, v27;
	v27 =	vmov v34;
	v52 =	vld [tilespmem:s8+$0xFFFFFF90];
	[tilespmem:v45+s25+$0x0] =	vst.idx.msk $0xffff, v44  }
.Ltmp18:
0x2d3: {  	v34 =	vadd.s32 v19, v27;
	v32 =	vmov s10;
	v42 =	vor.u32 v24, v31;
	v24 =	vmovc v36;
	[tilespmem:v41+s25+$0x0] =	vst.idx.msk $0xffff, v47;
	v40 =	vld [tilespmem:s9+$0xFFFFFFF0];
	(pc) =	sbr.rel @p1 .LBB2_37-.Ltmp18, $4  }
0x2d4: {  	v31 =	vand.u32 $0x4, v32;
	v38 =	vor.u32 v24, v34;
	v37 =	vld [tilespmem:s8+$0xFFFFFFD0];
	[tilespmem:v50+s25+$0x0] =	vst.idx.msk $0xffff, v33;
	v33 =	vadd.s32 v19, v43  }
0x2d5: {  	s11 =	sadd.s32 $0x1, s10;
	v4 =	vadd.s32 v16, v25;
	v32 =	vand.u32 $0x78, v32;
	v35 =	vld [tilespmem:s8+$0x10];
	v36 =	vor.u32 v49, v33;
	[tilespmem:v48+s25+$0x0] =	vst.idx.msk $0xffff, v46  }
0x2d6: {  	v25 =	vmovc v43;
	v34 =	vmov s11;
	s11 =	sadd.s32 $0x2, s10;
	v44 =	vadd.s32 v18, v28;
	v41 =	vor.u32 v26, v4;
	[tilespmem:v51+s25+$0x0] =	vst.idx.msk $0xffff, v39;
	v39 =	vld [tilespmem:s9+$0x30]  }
0x2d7: {  	v45 =	vadd.s32 v18, v21;
	v44 =	vor.u32 v29, v44;
	v26 =	vmovc v49;
	v33 =	vmov s11;
	s11 =	sadd.s32 $0x3, s10;
	s10 =	sadd.s32 $0x4, s10;
	[tilespmem:v53+s25+$0x0] =	vst.idx.msk $0xffff, v52;
	v43 =	vld [tilespmem:s8+$0x60]  }
0x2d8: {  	_ =	sdelay $0x2  }
0x2d9: {  	v46 =	vmov s11;
	v45 =	vor.u32 v20, v45  }
0x2da: {  	v23 =	vadd.s32 v16, v23;
	[tilespmem:v42+s25+$0x0] =	vst.idx.msk $0xffff, v40;
	v42 =	vand.u32 $0x5, v34;
	v34 =	vand.u32 $0x78, v34  }
0x2db: {  	v47 =	vld [tilespmem:s8+$0xFFFFFFA0];
	v57 =	vadd.s32 v22, v32;
	v59 =	vadd.s32 v18, v27;
	v40 =	vand.u32 $0x78, v46  }
0x2dc: {  	v63 =	vld [tilespmem:s9+$0xFFFFFFB0];
	s26 =	sadd.s32 $0x100, s8;
	v23 =	vor.u32 v30, v23;
	v30 =	vand.u32 $0x7, v46;
	[tilespmem:v38+s25+$0x0] =	vst.idx.msk $0xffff, v37;
	v51 =	vadd.s32 v22, v40  }
0x2dd: {  	v52 =	vld [tilespmem:s26+$0x40];
	v54 =	vadd.s32 v22, v34;
	v46 =	vand.u32 $0x78, v33;
	[tilespmem:v36+s25+$0x0] =	vst.idx.msk $0xffff, v35;
	v53 =	vor.u32 v30, v51  }
0x2de: {  	v55 =	vld [tilespmem:s26+$0xFFFFFFC0];
	v33 =	vand.u32 $0x6, v33;
	v38 =	vor.u32 v42, v54;
	v56 =	vadd.s32 v22, v46;
	[tilespmem:v41+s25+$0x0] =	vst.idx.msk $0xffff, v39  }
0x2df: {  	v28 =	vadd.s32 v16, v28;
	v58 =	vld [tilespmem:s26+$0x0];
	v41 =	vor.u32 v33, v56;
	[tilespmem:v44+s25+$0x0] =	vst.idx.msk $0xffff, v43  }
0x2e0: {  	v49 =	vadd.s32 v18, v25;
	v48 =	vld [tilespmem:s26+$0xFFFFFF80];
	v22 =	vor.u32 v31, v57;
	[tilespmem:v45+s25+$0x0] =	vst.idx.msk $0xffff, v47  }
0x2e1: {  	v27 =	vadd.s32 v16, v27;
	v51 =	vld [tilespmem:s8+$0x20];
	v39 =	vor.u32 v26, v49;
	[tilespmem:v23+s25+$0x0] =	vst.idx.msk $0xffff, v63  }
0x2e2: {  	v28 =	vor.u32 v29, v28;
	v29 =	vadd.s32 v19, v40;
	v61 =	vld [tilespmem:s8+$0x70];
	[tilespmem:v53+s25+$0x0] =	vst.idx.msk $0xffff, v52  }
0x2e3: {  	v62 =	vadd.s32 v19, v34;
	v29 =	vor.u32 v30, v29;
	[tilespmem:v38+s25+$0x0] =	vst.idx.msk $0xffff, v55;
	v35 =	vld [tilespmem:s26+$0x50]  }
0x2e4: {  	v36 =	vor.u32 v42, v62;
	v47 =	vadd.s32 v19, v46;
	v63 =	vld [tilespmem:s26+$0xFFFFFFD0];
	[tilespmem:v41+s25+$0x0] =	vst.idx.msk $0xffff, v58  }
0x2e5: {  	v19 =	vadd.s32 v19, v32;
	[tilespmem:v22+s25+$0x0] =	vst.idx.msk $0xffff, v48;
	v38 =	vor.u32 v33, v47;
	v48 =	vld [tilespmem:s26+$0x10]  }
0x2e6: {  	v21 =	vadd.s32 v16, v21;
	v19 =	vor.u32 v31, v19;
	v50 =	vld [tilespmem:s26+$0xFFFFFF90];
	[tilespmem:v39+s25+$0x0] =	vst.idx.msk $0xffff, v51  }
0x2e7: {  	v20 =	vor.u32 v20, v21;
	v60 =	vld [tilespmem:s8+$0xFFFFFFE0];
	v44 =	vor.u32 v24, v59;
	[tilespmem:v28+s25+$0x0] =	vst.idx.msk $0xffff, v61  }
0x2e8: {  	v59 =	vld [tilespmem:s8+$0xFFFFFFB0];
	v53 =	vor.u32 v24, v27;
	v27 =	vadd.s32 v18, v40;
	[tilespmem:v29+s25+$0x0] =	vst.idx.msk $0xffff, v35  }
0x2e9: {  	v27 =	vor.u32 v30, v27;
	[tilespmem:v36+s25+$0x0] =	vst.idx.msk $0xffff, v63;
	v29 =	vadd.s32 v18, v34;
	v28 =	vld [tilespmem:s26+$0x60]  }
0x2ea: {  	v55 =	vadd.s32 v18, v46;
	v54 =	vld [tilespmem:s26+$0xFFFFFFE0];
	[tilespmem:v38+s25+$0x0] =	vst.idx.msk $0xffff, v48;
	v29 =	vor.u32 v42, v29  }
0x2eb: {  	v22 =	vor.u32 v33, v55;
	[tilespmem:v19+s25+$0x0] =	vst.idx.msk $0xffff, v50;
	v18 =	vadd.s32 v18, v32;
	v19 =	vld [tilespmem:s26+$0x20]  }
0x2ec: {  	v56 =	vadd.s32 v16, v25;
	[tilespmem:v44+s25+$0x0] =	vst.idx.msk $0xffff, v60;
	v57 =	vld [tilespmem:s26+$0xFFFFFFA0];
	v18 =	vor.u32 v31, v18  }
0x2ed: {  	v25 =	vor.u32 v26, v56;
	v58 =	vld [tilespmem:s8+$0x30];
	[tilespmem:v20+s25+$0x0] =	vst.idx.msk $0xffff, v59  }
0x2ee: {  	v60 =	vadd.s32 v16, v40;
	v52 =	vld [tilespmem:s8+$0xFFFFFFF0];
	[tilespmem:v27+s25+$0x0] =	vst.idx.msk $0xffff, v28  }
0x2ef: {  	v62 =	vadd.s32 v16, v34;
	v21 =	vor.u32 v30, v60;
	[tilespmem:v29+s25+$0x0] =	vst.idx.msk $0xffff, v54;
	v61 =	vld [tilespmem:s26+$0x70]  }
0x2f0: {  	v26 =	vor.u32 v42, v62;
	[tilespmem:v22+s25+$0x0] =	vst.idx.msk $0xffff, v19;
	v19 =	vadd.s32 v16, v46;
	v27 =	vld [tilespmem:s26+$0xFFFFFFF0]  }
0x2f1: {  	[tilespmem:v18+s25+$0x0] =	vst.idx.msk $0xffff, v57;
	v16 =	vadd.s32 v16, v32;
	v18 =	vld [tilespmem:s26+$0x30];
	v19 =	vor.u32 v33, v19  }
0x2f2: {  	[tilespmem:v25+s25+$0x0] =	vst.idx.msk $0xffff, v58;
	v63 =	vld [tilespmem:s26+$0xFFFFFFB0];
	v16 =	vor.u32 v31, v16  }
0x2f3: {  	[tilespmem:v53+s25+$0x0] =	vst.idx.msk $0xffff, v52  }
0x2f4: {  	[tilespmem:v21+s25+$0x0] =	vst.idx.msk $0xffff, v61  }
0x2f5: {  	[tilespmem:v26+s25+$0x0] =	vst.idx.msk $0xffff, v27  }
0x2f6: {  	[tilespmem:v19+s25+$0x0] =	vst.idx.msk $0xffff, v18  }
0x2f7: {  	[tilespmem:v16+s25+$0x0] =	vst.idx.msk $0xffff, v63  }
0x2f8: {  	v4 =	vld [tilespmem:$0x1FFF0];
	_ =	sdelay $0x2  }
0x2f9: {  	v9 =	vmul.u32 $0x18, v9  }
0x2fa: {  	v11 =	vmul.u32 $0x18, v11  }
0x2fb: {  	v17 =	vmul.u32 $0x18, v17;
	v31 =	vadd.s32 v4, v9;
	v9 =	vmul.u32 $0x18, v10  }
0x2fc: {  	v16 =	vadd.s32 v4, v11;
	v11 =	vmul.u32 $0x18, v13;
	v13 =	vmul.u32 $0x18, v14  }
0x2fd: {  	s31 =	simm.s32 $0x1;
	v18 =	vmul.u32 $0x18, v15;
	v10 =	vmul.u32 $0x18, v12;
	v15 =	vadd.s32 v4, v9  }
0x2fe: {  	v12 =	vadd.s32 v4, v11;
	v11 =	vadd.s32 v4, v13;
	v13 =	vmov s31  }
0x2ff: {  	v14 =	vadd.s32 v4, v10;
	v9 =	vadd.s32 v4, v17;
	v17 =	vand.u32 $0x8, v13  }
0x300: {  	v10 =	vadd.s32 v4, v18;
	v18 =	vand.u32 $0x7, v13;
	v13 =	vadd.s32 v31, v17  }
0x301: {  	p5 =	por $0x1, $0x1;
	v13 =	vor.u32 v18, v13  }
.Ltmp19:
0x302: {  	s28 =	simm.s32 $0x0;
	(pc) =	sbr.rel @!p5 .LBB2_39-.Ltmp19, $4  }
0x303: {  	s0 =	smul.u32 $0xAA00, s0;
	v20 =	vmov s28  }
0x304: {  	p1 =	por $0x0, $0x0;
	p2 =	por $0x0, $0x0;
	v19 =	vand.u32 $0x8, v20  }
0x305: {  	p3 =	por $0x0, $0x0;
	p4 =	por $0x0, $0x0;
	s0 =	sshrl.u32 s0, $0x2;
	v43 =	vand.u32 $0x6, v20;
	v20 =	vadd.s32 v31, v19  }
0x306: {  	s17 =	sand.u32 $0x7, s31;
	s10 =	sadd.s32 $0xDA00, s0;
	s0 =	simm.s32 $0x3;
	v41 =	vor.u32 v43, v20;
	v29 =	vld.idx.msk [tilespmem:v13+s20+$0x0], $0xffff  }
0x307: {  	_ =	sdelay $0x2  }
0x308: {  	s8 =	simm.s32 $0x0  }
0x309: {  	v13 =	vld.idx.msk [tilespmem:v41+s20+$0x0], $0xffff;
	s9 =	sand.u32 $0x6, s28;
	v20 =	vadd.s32 v16, v19;
	s8 =	smul.u32 $0x1100, s8  }
0x30a: {  	s9 =	smul.u32 $0x220, s9;
	v21 =	vor.u32 v43, v20;
	v20 =	vadd.s32 v16, v17  }
0x30b: {  	s11 =	smul.u32 $0x220, s17;
	v22 =	vor.u32 v18, v20;
	s8 =	sshra.s32 s8, $0x2  }
0x30c: {  	v20 =	vmov s0;
	s9 =	sshrl.u32 s9, $0x2;
	s8 =	sadd.s32 s8, s10  }
0x30d: {  	s11 =	sshrl.u32 s11, $0x2;
	v23 =	vand.u32 $0x8, v20;
	s15 =	sadd.s32 s9, s8  }
0x30e: {  	v20 =	vand.u32 $0x7, v20;
	v24 =	vadd.s32 v31, v23;
	s19 =	sadd.s32 s11, s8;
	[tilespmem:s15+$0x0] =	vst v13  }
0x30f: {  	v13 =	vor.u32 v20, v24;
	[tilespmem:s19+$0x0] =	vst v29;
	v24 =	vld.idx.msk [tilespmem:v21+s20+$0x0], $0xffff;
	v21 =	vadd.s32 v15, v19  }
0x310: {  	p5 =	por $0x1, $0x1;
	v22 =	vld.idx.msk [tilespmem:v22+s20+$0x0], $0xffff;
	v26 =	vor.u32 v43, v21  }
.Ltmp20:
0x311: {  	s28 =	simm.s32 $0x2;
	(pc) =	sbr.rel @!p5 .LBB2_41-.Ltmp20, $4  }
0x312: {  	v25 =	vmov s28  }
0x313: {  	v49 =	vadd.s32 v14, v19;
	v21 =	vand.u32 $0x8, v25  }
0x314: {  	v25 =	vand.u32 $0x6, v25;
	v27 =	vadd.s32 v31, v21;
	v29 =	vld.idx.msk [tilespmem:v13+s20+$0x0], $0xffff;
	v13 =	vadd.s32 v15, v17;
	[tilespmem:s15+$0x10] =	vst v24  }
0x315: {  	s17 =	sand.u32 $0x7, s0;
	p1 =	por $0x1, $0x1;
	s0 =	simm.s32 $0x5;
	v41 =	vor.u32 v25, v27;
	v39 =	vor.u32 v18, v13;
	[tilespmem:s19+$0x10] =	vst v22;
	v36 =	vld.idx.msk [tilespmem:v26+s20+$0x0], $0xffff  }
0x316: {  	_ =	sdelay $0x2  }
0x317: {  	s8 =	simm.s32 $0x0;
	v24 =	vor.u32 v43, v49  }
0x318: {  	v22 =	vld.idx.msk [tilespmem:v41+s20+$0x0], $0xffff;
	s9 =	sand.u32 $0x6, s28;
	v13 =	vadd.s32 v16, v21;
	s8 =	smul.u32 $0x1100, s8  }
0x319: {  	v27 =	vmov s0;
	v30 =	vadd.s32 v16, v23;
	s9 =	smul.u32 $0x220, s9;
	v28 =	vor.u32 v25, v13  }
0x31a: {  	s11 =	smul.u32 $0x220, s17;
	v26 =	vand.u32 $0x8, v27;
	v30 =	vor.u32 v20, v30;
	s8 =	sshra.s32 s8, $0x2  }
0x31b: {  	v32 =	vld.idx.msk [tilespmem:v39+s20+$0x0], $0xffff;
	v13 =	vand.u32 $0x7, v27;
	v27 =	vadd.s32 v31, v26;
	s26 =	sshrl.u32 s9, $0x2;
	s12 =	sadd.s32 s8, s10;
	[tilespmem:s15+$0x20] =	vst v36  }
0x31c: {  	v33 =	vadd.s32 v14, v17;
	s31 =	sshrl.u32 s11, $0x2;
	v27 =	vor.u32 v13, v27;
	s8 =	sadd.s32 s26, s12;
	v24 =	vld.idx.msk [tilespmem:v24+s20+$0x0], $0xffff  }
0x31d: {  	v33 =	vor.u32 v18, v33;
	s18 =	sadd.s32 s31, s12;
	[tilespmem:s8+$0x0] =	vst v22;
	v22 =	vadd.s32 v12, v19  }
0x31e: {  	v34 =	vadd.s32 v15, v21;
	s28 =	simm.s32 $0x4;
	[tilespmem:s18+$0x0] =	vst v29;
	v28 =	vld.idx.msk [tilespmem:v28+s20+$0x0], $0xffff;
	v22 =	vor.u32 v43, v22  }
0x31f: {  	p5 =	por $0x1, $0x1;
	v34 =	vor.u32 v25, v34;
	v35 =	vmov s28;
	v30 =	vld.idx.msk [tilespmem:v30+s20+$0x0], $0xffff  }
.Ltmp21:
0x320: {  	v38 =	vand.u32 $0x8, v35;
	[tilespmem:s19+$0x20] =	vst v32;
	(pc) =	sbr.rel @!p5 .LBB2_43-.Ltmp21, $4  }
0x321: {  	v40 =	vand.u32 $0x6, v35;
	v29 =	vld.idx.msk [tilespmem:v27+s20+$0x0], $0xffff;
	v27 =	vadd.s32 v31, v38;
	[tilespmem:s15+$0x30] =	vst v24;
	v24 =	vadd.s32 v15, v23  }
0x322: {  	v49 =	vadd.s32 v14, v21;
	v45 =	vld.idx.msk [tilespmem:v33+s20+$0x0], $0xffff;
	v41 =	vor.u32 v40, v27;
	v39 =	vor.u32 v20, v24  }
0x323: {  	v24 =	vadd.s32 v12, v17;
	v48 =	vld.idx.msk [tilespmem:v22+s20+$0x0], $0xffff;
	[tilespmem:s8+$0x10] =	vst v28;
	v22 =	vadd.s32 v11, v19  }
0x324: {  	s17 =	sand.u32 $0x7, s0;
	s0 =	simm.s32 $0x7;
	p2 =	por $0x1, $0x1;
	[tilespmem:s18+$0x10] =	vst v30;
	v51 =	vor.u32 v18, v24;
	v36 =	vld.idx.msk [tilespmem:v34+s20+$0x0], $0xffff;
	v50 =	vor.u32 v43, v22  }
0x325: {  	_ =	sdelay $0x2  }
0x326: {  	v22 =	vmov s0;
	s9 =	simm.s32 $0x0  }
0x327: {  	v24 =	vld.idx.msk [tilespmem:v41+s20+$0x0], $0xffff;
	v28 =	vor.u32 v25, v49;
	s11 =	sand.u32 $0x6, s28;
	v30 =	vadd.s32 v16, v38;
	v27 =	vand.u32 $0x8, v22;
	s9 =	smul.u32 $0x1100, s9  }
0x328: {  	v44 =	vand.u32 $0x7, v22;
	s11 =	smul.u32 $0x220, s11;
	v30 =	vor.u32 v40, v30;
	v22 =	vadd.s32 v31, v27  }
0x329: {  	v32 =	vld.idx.msk [tilespmem:v39+s20+$0x0], $0xffff;
	[tilespmem:s19+$0x30] =	vst v45;
	v22 =	vor.u32 v44, v22;
	s9 =	sshra.s32 s9, $0x2  }
0x32a: {  	v33 =	vadd.s32 v16, v26;
	[tilespmem:s15+$0x40] =	vst v48;
	s11 =	sshrl.u32 s11, $0x2;
	v54 =	vld.idx.msk [tilespmem:v51+s20+$0x0], $0xffff;
	s9 =	sadd.s32 s9, s10  }
0x32b: {  	s12 =	smul.u32 $0x220, s17;
	v37 =	vadd.s32 v14, v23;
	v33 =	vor.u32 v13, v33;
	v34 =	vld.idx.msk [tilespmem:v50+s20+$0x0], $0xffff;
	[tilespmem:s8+$0x20] =	vst v36;
	s26 =	sadd.s32 s11, s9  }
0x32c: {  	v35 =	vadd.s32 v10, v19;
	v37 =	vor.u32 v20, v37;
	v28 =	vld.idx.msk [tilespmem:v28+s20+$0x0], $0xffff;
	[tilespmem:s26+$0x0] =	vst v24  }
0x32d: {  	v35 =	vor.u32 v43, v35;
	s31 =	sshrl.u32 s12, $0x2;
	v24 =	vadd.s32 v12, v21;
	v55 =	vld.idx.msk [tilespmem:v30+s20+$0x0], $0xffff  }
0x32e: {  	s24 =	sadd.s32 s31, s9;
	[tilespmem:s18+$0x20] =	vst v32;
	v42 =	vor.u32 v25, v24;
	v59 =	vld.idx.msk [tilespmem:v22+s20+$0x0], $0xffff;
	v22 =	vadd.s32 v15, v38  }
0x32f: {  	[tilespmem:s24+$0x0] =	vst v29;
	v24 =	vadd.s32 v11, v17;
	v22 =	vor.u32 v40, v22  }
0x330: {  	v19 =	vadd.s32 v9, v19;
	p5 =	por $0x1, $0x1;
	v56 =	vld.idx.msk [tilespmem:v33+s20+$0x0], $0xffff;
	v29 =	vor.u32 v18, v24;
	[tilespmem:s19+$0x40] =	vst v54  }
.Ltmp22:
0x331: {  	s28 =	simm.s32 $0x6;
	v58 =	vadd.s32 v15, v26;
	v49 =	vadd.s32 v14, v38;
	v61 =	vld.idx.msk [tilespmem:v37+s20+$0x0], $0xffff;
	[tilespmem:s15+$0x50] =	vst v34;
	(pc) =	sbr.rel @!p5 .LBB2_45-.Ltmp22, $4  }
0x332: {  	v60 =	vor.u32 v43, v19;
	v39 =	vor.u32 v13, v58;
	v24 =	vmov s28;
	v30 =	vld.idx.msk [tilespmem:v35+s20+$0x0], $0xffff;
	[tilespmem:s8+$0x30] =	vst v28  }
0x333: {  	v19 =	vadd.s32 v11, v21;
	v47 =	vand.u32 $0x8, v24;
	v24 =	vand.u32 $0x6, v24;
	v33 =	vld.idx.msk [tilespmem:v42+s20+$0x0], $0xffff;
	[tilespmem:s26+$0x10] =	vst v55  }
0x334: {  	v57 =	vadd.s32 v31, v47;
	v35 =	vor.u32 v25, v19;
	v36 =	vld.idx.msk [tilespmem:v22+s20+$0x0], $0xffff;
	v22 =	vadd.s32 v12, v23  }
0x335: {  	s17 =	sand.u32 $0x7, s0;
	s0 =	simm.s32 $0x9;
	p3 =	por $0x1, $0x1;
	v41 =	vor.u32 v24, v57;
	[tilespmem:s24+$0x10] =	vst v56;
	v62 =	vld.idx.msk [tilespmem:v29+s20+$0x0], $0xffff;
	v37 =	vor.u32 v20, v22  }
0x336: {  	_ =	sdelay $0x3  }
0x337: {  	v29 =	vld.idx.msk [tilespmem:v41+s20+$0x0], $0xffff  }
0x338: {  	s9 =	simm.s32 $0x0;
	v57 =	vor.u32 v40, v49;
	v42 =	vadd.s32 v10, v17;
	v45 =	vadd.s32 v16, v47;
	[tilespmem:$0x1FFC0] =	vst v30  }
0x339: {  	v19 =	vmov s0;
	s11 =	sand.u32 $0x6, s28;
	v48 =	vadd.s32 v16, v27;
	s9 =	smul.u32 $0x1100, s9;
	v42 =	vor.u32 v18, v42;
	[tilespmem:s15+$0x60] =	vst v30;
	v39 =	vld.idx.msk [tilespmem:v39+s20+$0x0], $0xffff  }
0x33a: {  	v58 =	vadd.s32 v10, v21;
	v22 =	vand.u32 $0x8, v19;
	s11 =	smul.u32 $0x220, s11;
	v45 =	vor.u32 v24, v45;
	[tilespmem:s8+$0x40] =	vst v33;
	v46 =	vld.idx.msk [tilespmem:v60+s20+$0x0], $0xffff  }
0x33b: {  	s12 =	smul.u32 $0x220, s17;
	v43 =	vand.u32 $0x7, v19;
	v48 =	vor.u32 v44, v48;
	v19 =	vadd.s32 v31, v22;
	[tilespmem:s18+$0x30] =	vst v61;
	s9 =	sshra.s32 s9, $0x2;
	v49 =	vld.idx.msk [tilespmem:v35+s20+$0x0], $0xffff  }
0x33c: {  	v32 =	vmov v35;
	v63 =	vadd.s32 v15, v47;
	v19 =	vor.u32 v43, v19;
	s17 =	sshrl.u32 s11, $0x2;
	[tilespmem:s26+$0x20] =	vst v36;
	v50 =	vld.idx.msk [tilespmem:v37+s20+$0x0], $0xffff;
	s13 =	sadd.s32 s9, s10  }
0x33d: {  	v30 =	vmov v60;
	s31 =	sshrl.u32 s12, $0x2;
	v60 =	vadd.s32 v14, v26;
	v36 =	vor.u32 v25, v58;
	[tilespmem:s19+$0x50] =	vst v62;
	s9 =	sadd.s32 s17, s13;
	v51 =	vld.idx.msk [tilespmem:v57+s20+$0x0], $0xffff  }
0x33e: {  	v34 =	vmov v33;
	v53 =	vor.u32 v13, v60;
	s12 =	sadd.s32 s31, s13;
	[tilespmem:s9+$0x0] =	vst v29;
	v29 =	vadd.s32 v12, v38;
	v42 =	vld.idx.msk [tilespmem:v42+s20+$0x0], $0xffff  }
0x33f: {  	s28 =	simm.s32 $0x8;
	v33 =	vmov v61;
	v61 =	vadd.s32 v11, v23;
	[tilespmem:s12+$0x0] =	vst v59;
	v54 =	vld.idx.msk [tilespmem:v45+s20+$0x0], $0xffff;
	v55 =	vor.u32 v40, v29  }
0x340: {  	v56 =	vor.u32 v20, v61;
	v61 =	vadd.s32 v15, v27;
	v35 =	vmovc v62;
	v62 =	vmov s28;
	v57 =	vld.idx.msk [tilespmem:v48+s20+$0x0], $0xffff;
	[tilespmem:s15+$0x70] =	vst v46  }
0x341: {  	v48 =	vadd.s32 v9, v17;
	v29 =	vld.idx.msk [tilespmem:v19+s20+$0x0], $0xffff;
	v19 =	vand.u32 $0x8, v62;
	v46 =	vor.u32 v24, v63;
	[tilespmem:s8+$0x50] =	vst v49  }
0x342: {  	p5 =	por $0x1, $0x1;
	v59 =	vand.u32 $0x6, v62;
	[tilespmem:s24+$0x20] =	vst v39;
	v58 =	vor.u32 v18, v48;
	v49 =	vadd.s32 v31, v19;
	v52 =	vld.idx.msk [tilespmem:v36+s20+$0x0], $0xffff  }
.Ltmp23:
0x343: {  	v60 =	vadd.s32 v9, v21;
	v45 =	vld.idx.msk [tilespmem:v53+s20+$0x0], $0xffff;
	v41 =	vor.u32 v59, v49;
	[tilespmem:s26+$0x30] =	vst v51;
	(pc) =	sbr.rel @!p5 .LBB2_47-.Ltmp23, $4  }
0x344: {  	v39 =	vor.u32 v44, v61;
	[tilespmem:s18+$0x40] =	vst v50;
	v62 =	vadd.s32 v11, v38;
	v48 =	vld.idx.msk [tilespmem:v55+s20+$0x0], $0xffff  }
0x345: {  	v63 =	vadd.s32 v12, v26;
	v53 =	vor.u32 v25, v60;
	[tilespmem:s9+$0x10] =	vst v54;
	v55 =	vld.idx.msk [tilespmem:v56+s20+$0x0], $0xffff  }
0x346: {  	p4 =	por $0x1, $0x1;
	s16 =	smov.u32 s18;
	s11 =	simm.s32 $0xB;
	v50 =	vor.u32 v40, v62;
	v49 =	vadd.s32 v14, v47;
	[tilespmem:s19+$0x60] =	vst v42;
	v36 =	vld.idx.msk [tilespmem:v46+s20+$0x0], $0xffff  }
0x347: {  	s17 =	sand.u32 $0x7, s0;
	s13 =	smov.u32 s8;
	s0 =	smov.u32 s19;
	v51 =	vor.u32 v13, v63;
	v42 =	vmov v23;
	[tilespmem:s12+$0x10] =	vst v57;
	v56 =	vld.idx.msk [tilespmem:v58+s20+$0x0], $0xffff;
	v46 =	vmov v20  }
.LBB2_48:
0x348: {  	v54 =	vmov s11;
	v41 =	vld.idx.msk [tilespmem:v41+s20+$0x0], $0xffff;
	v49 =	vor.u32 v24, v49;
	[tilespmem:s13+$0x60] =	vst v52;
	v52 =	vadd.s32 v10, v42;
	v57 =	vmovc v13  }
0x349: {  	s31 =	sshrl.u32 s28, $0x3;
	s17 =	smul.u32 $0x220, s17;
	v13 =	vmovc v44;
	v44 =	vmovc v43;
	v58 =	vmov v38;
	v38 =	vmov v47;
	v47 =	vmov v19  }
0x34a: {  	s28 =	sand.u32 $0x6, s28;
	v60 =	vand.u32 $0x8, v54;
	s31 =	smul.u32 $0x1100, s31;
	v19 =	vadd.s32 v16, v47;
	[tilespmem:s24+$0x30] =	vst v45;
	v45 =	vld.idx.msk [tilespmem:v53+s20+$0x0], $0xffff;
	v52 =	vor.u32 v46, v52  }
0x34b: {  	v43 =	vand.u32 $0x7, v54;
	s28 =	smul.u32 $0x220, s28;
	v53 =	vadd.s32 v31, v60;
	v19 =	vor.u32 v59, v19;
	v39 =	vld.idx.msk [tilespmem:v39+s20+$0x0], $0xffff;
	[tilespmem:s26+$0x40] =	vst v48  }
0x34c: {  	v48 =	vor.u32 v43, v53;
	s31 =	sshra.s32 s31, $0x2;
	v53 =	vadd.s32 v16, v22;
	v50 =	vld.idx.msk [tilespmem:v50+s20+$0x0], $0xffff;
	[tilespmem:s16+$0x50] =	vst v55;
	v54 =	vmov v40  }
0x34d: {  	s17 =	sshrl.u32 s17, $0x2;
	s28 =	sshrl.u32 s28, $0x2;
	v40 =	vmov v24;
	s31 =	sadd.s32 s31, s10;
	v53 =	vor.u32 v44, v53;
	[tilespmem:s9+$0x20] =	vst v36;
	v36 =	vadd.s32 v10, v58;
	v51 =	vld.idx.msk [tilespmem:v51+s20+$0x0], $0xffff  }
0x34e: {  	v55 =	vadd.s32 v14, v27;
	v24 =	vmov v59;
	s14 =	sadd.s32 s28, s31;
	s17 =	sadd.s32 s17, s31;
	v49 =	vld.idx.msk [tilespmem:v49+s20+$0x0], $0xffff;
	v36 =	vor.u32 v54, v36;
	[tilespmem:s0+$0x70] =	vst v56;
	s0 =	smov.u32 s16  }
0x34f: {  	v55 =	vor.u32 v13, v55;
	s16 =	smov.u32 s24;
	s24 =	smov.u32 s12;
	[tilespmem:s14+$0x0] =	vst v41;
	v41 =	vadd.s32 v12, v38;
	v56 =	vld.idx.msk [tilespmem:v52+s20+$0x0], $0xffff;
	s12 =	smov.u32 s17  }
0x350: {  	s28 =	sadd.s32 $0xFFFFFFFF, s11;
	v61 =	vld.idx.msk [tilespmem:v19+s20+$0x0], $0xffff;
	v62 =	vor.u32 v40, v41;
	v19 =	vadd.s32 v11, v26;
	[tilespmem:s13+$0x70] =	vst v45;
	s13 =	smov.u32 s26;
	s26 =	smov.u32 s9  }
0x351: {  	p5 =	slt.u32 s28, $0xE;
	v41 =	vmov s28;
	v45 =	vadd.s32 v15, v47;
	s9 =	smov.u32 s14;
	[tilespmem:s12+$0x0] =	vst v29;
	v29 =	vld.idx.msk [tilespmem:v48+s20+$0x0], $0xffff;
	v63 =	vor.u32 v57, v19  }
0x352: {  	v19 =	vand.u32 $0x8, v41;
	v4 =	vor.u32 v24, v45;
	v48 =	vadd.s32 v9, v42;
	v28 =	vld.idx.msk [tilespmem:v53+s20+$0x0], $0xffff;
	[tilespmem:s13+$0x50] =	vst v50  }
0x353: {  	v59 =	vand.u32 $0x6, v41;
	v41 =	vadd.s32 v31, v19;
	v46 =	vor.u32 v46, v48;
	[tilespmem:s24+$0x20] =	vst v39;
	v52 =	vld.idx.msk [tilespmem:v36+s20+$0x0], $0xffff  }
.Ltmp24:
0x354: {  	v42 =	vmov v26;
	v41 =	vor.u32 v59, v41;
	v36 =	vadd.s32 v9, v58;
	[tilespmem:s26+$0x30] =	vst v49;
	v45 =	vld.idx.msk [tilespmem:v55+s20+$0x0], $0xffff;
	(pc) =	sbr.rel @p5 .LBB2_48-.Ltmp24, $4  }
0x355: {  	v26 =	vmov v27;
	v39 =	vadd.s32 v15, v22;
	v53 =	vor.u32 v54, v36;
	v48 =	vld.idx.msk [tilespmem:v62+s20+$0x0], $0xffff;
	[tilespmem:s16+$0x40] =	vst v51  }
0x356: {  	v27 =	vmov v22;
	v39 =	vor.u32 v44, v39;
	v49 =	vadd.s32 v11, v38;
	[tilespmem:s9+$0x10] =	vst v61;
	v55 =	vld.idx.msk [tilespmem:v63+s20+$0x0], $0xffff  }
0x357: {  	v22 =	vmov v60;
	v50 =	vor.u32 v40, v49;
	v36 =	vld.idx.msk [tilespmem:v4+s20+$0x0], $0xffff;
	v4 =	vadd.s32 v12, v26;
	[tilespmem:s0+$0x60] =	vst v56  }
0x358: {  	s17 =	sand.u32 $0x7, s11;
	s11 =	sadd.s32 $0x2, s11;
	v49 =	vadd.s32 v14, v47;
	[tilespmem:s12+$0x10] =	vst v28;
	v51 =	vor.u32 v13, v4;
	v56 =	vld.idx.msk [tilespmem:v46+s20+$0x0], $0xffff;
	v46 =	vmov v57  }
0x359: {  	v31 =	vmov v24;
	v54 =	vmov v13;
	v57 =	vmov v44  }
0x35a: {  	s31 =	smov.u32 s24;
	v13 =	vmovc v43;
	v58 =	vmovc v38;
	v44 =	vmov v47;
	v24 =	vmov v59;
	v43 =	vmov v40  }
0x35b: {  	s11 =	smov.u32 s26;
	s26 =	smov.u32 s9;
	s24 =	smov.u32 s12;
	v60 =	vmovc v30;
	v30 =	vld [tilespmem:$0x1FFC0];
	v61 =	vmovc v33;
	v33 =	vmov v34;
	v62 =	vmov v35;
	v35 =	vmov v32  }
.LBB2_50:
0x35c: {  	_ =	sdelay $0x2  }
0x35d: {  	s9 =	sshrl.u32 s28, $0x3  }
0x35e: {  	v4 =	vld.idx.msk [tilespmem:v41+s20+$0x0], $0xffff;
	s12 =	sand.u32 $0x6, s28;
	s9 =	smul.u32 $0x1100, s9  }
0x35f: {  	v28 =	vadd.s32 v16, v19;
	s12 =	smul.u32 $0x220, s12  }
0x360: {  	[tilespmem:s13+$0x60] =	vst @p3 v52;
	v59 =	vadd.s32 v16, v22;
	s14 =	smul.u32 $0x220, s17;
	v28 =	vor.u32 v24, v28;
	s9 =	sshra.s32 s9, $0x2  }
0x361: {  	[tilespmem:s31+$0x30] =	vst @p2 v45;
	v16 =	vor.u32 v13, v59;
	s17 =	sshrl.u32 s12, $0x2;
	s10 =	sadd.s32 s9, s10  }
0x362: {  	[tilespmem:s11+$0x40] =	vst @p2 v48;
	v39 =	vld.idx.msk @p1 [tilespmem:v39+s20+$0x0], $0xffff;
	s28 =	sshrl.u32 s14, $0x2;
	s9 =	sadd.s32 s17, s10  }
0x363: {  	v40 =	vor.u32 @p1 v31, v49;
	v38 =	vld.idx.msk @p3 [tilespmem:v53+s20+$0x0], $0xffff;
	s10 =	sadd.s32 s28, s10;
	[tilespmem:s9+$0x0] =	vst v4  }
0x364: {  	v49 =	vadd.s32 @p1 v14, v27;
	v47 =	vld.idx.msk @p2 [tilespmem:v50+s20+$0x0], $0xffff;
	[tilespmem:s10+$0x0] =	vst v29;
	v29 =	vmov @p1 v57  }
0x365: {  	[tilespmem:s16+$0x50] =	vst @p3 v55;
	v63 =	vadd.s32 v15, v19;
	v28 =	vld.idx.msk [tilespmem:v28+s20+$0x0], $0xffff;
	v49 =	vor.u32 @p1 v29, v49  }
0x366: {  	v45 =	vmov @p2 v58;
	[tilespmem:s26+$0x20] =	vst @p1 v36;
	v34 =	vadd.s32 v15, v22;
	v32 =	vor.u32 v24, v63;
	s12 =	smov.u32 @p1 s24;
	v16 =	vld.idx.msk [tilespmem:v16+s20+$0x0], $0xffff  }
0x367: {  	v41 =	vadd.s32 @p3 v10, v42;
	v48 =	vadd.s32 @p2 v10, v45;
	v15 =	vor.u32 v13, v34;
	[tilespmem:s12+$0x20] =	vst @p1 v39  }
0x368: {  	v42 =	vadd.s32 @p3 v9, v42;
	v40 =	vld.idx.msk @p1 [tilespmem:v40+s20+$0x0], $0xffff;
	v4 =	vor.u32 @p2 v43, v48;
	[tilespmem:s13+$0x70] =	vst @p3 v38  }
0x369: {  	v52 =	vadd.s32 v14, v19;
	v50 =	vadd.s32 @p1 v12, v44;
	v48 =	vld.idx.msk @p2 [tilespmem:v51+s20+$0x0], $0xffff;
	[tilespmem:s11+$0x50] =	vst @p2 v47  }
0x36a: {  	v50 =	vor.u32 @p1 v31, v50;
	v38 =	vmov @p2 v54;
	v51 =	vadd.s32 @p2 v11, v26;
	[tilespmem:s9+$0x10] =	vst v28;
	v39 =	vld.idx.msk @p1 [tilespmem:v49+s20+$0x0], $0xffff  }
0x36b: {  	v17 =	vpsel p2, v26, v17;
	v47 =	vor.u32 @p2 v38, v51;
	[tilespmem:s10+$0x10] =	vst v16;
	v36 =	vld.idx.msk [tilespmem:v32+s20+$0x0], $0xffff  }
0x36c: {  	v55 =	vadd.s32 v12, v19;
	v21 =	vpsel p1, v44, v21;
	v41 =	vor.u32 @p3 v46, v41;
	v15 =	vld.idx.msk [tilespmem:v15+s20+$0x0], $0xffff  }
0x36d: {  	[tilespmem:s0+$0x70] =	vst @p4 v56;
	v53 =	vor.u32 v24, v52;
	s13 =	smov.u32 @p1 s26;
	v54 =	vadd.s32 v14, v22;
	v4 =	vld.idx.msk @p2 [tilespmem:v4+s20+$0x0], $0xffff;
	v16 =	vmov @p1 v27  }
0x36e: {  	v56 =	vadd.s32 v12, v22;
	s14 =	smov.u32 @p2 s31;
	v14 =	vor.u32 v13, v54;
	[tilespmem:s13+$0x30] =	vst @p1 v40;
	v40 =	vadd.s32 @p1 v12, v16  }
0x36f: {  	[tilespmem:s14+$0x40] =	vst @p2 v48;
	v28 =	vor.u32 @p3 v46, v42;
	v42 =	vld.idx.msk @p1 [tilespmem:v50+s20+$0x0], $0xffff;
	v40 =	vor.u32 @p1 v29, v40  }
0x370: {  	v46 =	vadd.s32 @p1 v11, v44;
	v47 =	vld.idx.msk @p2 [tilespmem:v47+s20+$0x0], $0xffff;
	v37 =	vpsel p1, v40, v37;
	[tilespmem:s9+$0x20] =	vst v36  }
0x371: {  	v20 =	vpsel p1, v29, v20;
	v46 =	vor.u32 @p1 v31, v46;
	[tilespmem:s10+$0x20] =	vst v15;
	v15 =	vpsel p1, v39, v61  }
0x372: {  	s15 =	smov.u32 @p2 s11;
	v16 =	vpsel p1, v16, v23;
	v26 =	vpsel p1, v46, v35;
	v4 =	vpsel p2, v4, v30;
	v27 =	vld.idx.msk [tilespmem:v53+s20+$0x0], $0xffff  }
0x373: {  	s18 =	smov.u32 @p1 s12;
	v12 =	vor.u32 v13, v56;
	v29 =	vor.u32 v24, v55;
	[tilespmem:s15+$0x60] =	vst @p2 v4;
	v14 =	vld.idx.msk [tilespmem:v14+s20+$0x0], $0xffff  }
0x374: {  	s8 =	smov.u32 @p1 s13;
	v32 =	vadd.s32 @p1 v11, v16;
	v23 =	vpsel p1, v42, v33;
	[tilespmem:s18+$0x30] =	vst @p1 v15;
	v15 =	vmov @p2 v38  }
0x375: {  	s19 =	smov.u32 @p2 s14;
	[tilespmem:s8+$0x40] =	vst @p1 v23;
	v30 =	vld.idx.msk @p1 [tilespmem:v37+s20+$0x0], $0xffff;
	v15 =	vpsel p2, v15, v18;
	v18 =	vpsel p2, v47, v62  }
0x376: {  	v25 =	vpsel p1, v31, v25;
	v41 =	vld.idx.msk @p3 [tilespmem:v41+s20+$0x0], $0xffff;
	v23 =	vor.u32 @p1 v20, v32;
	v4 =	vmov @p1 v21;
	[tilespmem:s19+$0x50] =	vst @p2 v18  }
0x377: {  	v26 =	vld.idx.msk @p1 [tilespmem:v26+s20+$0x0], $0xffff;
	v21 =	vmov @p1 v25;
	v25 =	vadd.s32 @p1 v10, v4;
	[tilespmem:s9+$0x30] =	vst v27  }
0x378: {  	v57 =	vadd.s32 v11, v19;
	v18 =	vor.u32 @p1 v21, v25;
	[tilespmem:s10+$0x30] =	vst v14;
	v29 =	vld.idx.msk [tilespmem:v29+s20+$0x0], $0xffff  }
0x379: {  	s11 =	smov.u32 @p1 s18;
	v58 =	vor.u32 v24, v57;
	v11 =	vadd.s32 v11, v22;
	v12 =	vld.idx.msk [tilespmem:v12+s20+$0x0], $0xffff  }
0x37a: {  	s0 =	smov.u32 @p3 s16;
	v31 =	vadd.s32 @p2 v10, v17;
	v11 =	vor.u32 v13, v11;
	[tilespmem:s11+$0x40] =	vst @p1 v30  }
0x37b: {  	[tilespmem:s0+$0x60] =	vst @p3 v41;
	v16 =	vpsel p1, v16, v0;
	v27 =	vor.u32 @p2 v15, v31;
	v23 =	vld.idx.msk @p1 [tilespmem:v23+s20+$0x0], $0xffff  }
0x37c: {  	v20 =	vpsel p1, v20, v0;
	v25 =	vadd.s32 @p2 v9, v45;
	[tilespmem:s8+$0x50] =	vst @p1 v26;
	v26 =	vadd.s32 @p1 v10, v16  }
0x37d: {  	v25 =	vor.u32 @p2 v43, v25;
	v26 =	vor.u32 @p1 v20, v26;
	v18 =	vld.idx.msk @p1 [tilespmem:v18+s20+$0x0], $0xffff;
	[tilespmem:s9+$0x40] =	vst v29  }
0x37e: {  	v59 =	vadd.s32 v10, v19;
	v25 =	vpsel p2, v25, v60;
	[tilespmem:s10+$0x40] =	vst v12;
	v14 =	vld.idx.msk [tilespmem:v58+s20+$0x0], $0xffff  }
0x37f: {  	v4 =	vadd.s32 @p1 v9, v4;
	v10 =	vadd.s32 v10, v22;
	v60 =	vor.u32 v24, v59;
	v11 =	vld.idx.msk [tilespmem:v11+s20+$0x0], $0xffff  }
0x380: {  	s11 =	smov.u32 @p1 s11;
	v10 =	vor.u32 v13, v10;
	v27 =	vld.idx.msk @p2 [tilespmem:v27+s20+$0x0], $0xffff;
	v12 =	vadd.s32 @p2 v9, v17;
	v23 =	vpsel p1, v23, v0  }
0x381: {  	v28 =	vld.idx.msk @p3 [tilespmem:v28+s20+$0x0], $0xffff;
	v4 =	vor.u32 @p1 v21, v4;
	v12 =	vor.u32 @p2 v15, v12;
	[tilespmem:s11+$0x50] =	vst @p1 v23  }
0x382: {  	v4 =	vpsel p1, v4, v0;
	v16 =	vadd.s32 @p1 v9, v16;
	v15 =	vld.idx.msk @p1 [tilespmem:v26+s20+$0x0], $0xffff  }
0x383: {  	v62 =	vadd.s32 v9, v19;
	v21 =	vld.idx.msk @p2 [tilespmem:v25+s20+$0x0], $0xffff;
	[tilespmem:s9+$0x50] =	vst v14;
	v14 =	vor.u32 @p1 v20, v16  }
0x384: {  	s12 =	smov.u32 @p2 s19;
	v17 =	vor.u32 v24, v62;
	[tilespmem:s10+$0x50] =	vst v11;
	v61 =	vld.idx.msk [tilespmem:v60+s20+$0x0], $0xffff  }
0x385: {  	s8 =	smov.u32 @p1 s8;
	v9 =	vadd.s32 v9, v22;
	[tilespmem:s12+$0x60] =	vst @p2 v27;
	v11 =	vpsel p1, v18, v0;
	v10 =	vld.idx.msk [tilespmem:v10+s20+$0x0], $0xffff  }
0x386: {  	v9 =	vor.u32 v13, v9;
	v12 =	vld.idx.msk @p2 [tilespmem:v12+s20+$0x0], $0xffff;
	[tilespmem:s8+$0x60] =	vst @p1 v11  }
0x387: {  	s0 =	smov.u32 @p3 s0;
	v11 =	vpsel p3, v28, v0;
	v4 =	vld.idx.msk @p1 [tilespmem:v4+s20+$0x0], $0xffff;
	[tilespmem:s11+$0x60] =	vst @p1 v15  }
0x388: {  	[tilespmem:s0+$0x70] =	vst @p3 v11;
	v11 =	vld.idx.msk @p1 [tilespmem:v14+s20+$0x0], $0xffff  }
0x389: {  	[tilespmem:s9+$0x60] =	vst v61  }
0x38a: {  	[tilespmem:s10+$0x60] =	vst v10;
	v63 =	vld.idx.msk [tilespmem:v17+s20+$0x0], $0xffff  }
0x38b: {  	[tilespmem:s15+$0x70] =	vst @p2 v21;
	s0 =	smov.u32 @p2 s12;
	v10 =	vpsel p2, v12, v0;
	v9 =	vld.idx.msk [tilespmem:v9+s20+$0x0], $0xffff  }
0x38c: {  	s31 =	smul.u32 $0x50000, s21;
	[tilespmem:s0+$0x70] =	vst @p2 v10  }
0x38d: {  	[tilespmem:s8+$0x70] =	vst @p1 v4;
	s8 =	smov.u32 @p1 s11;
	v4 =	vpsel p1, v11, v0  }
0x38e: {  	s0 =	sor.u32 s6, s31;
	[tilespmem:s8+$0x70] =	vst @p1 v4  }
0x38f: {  	s0 =	sshrl.u32 s0, $0x3;
	[tilespmem:s9+$0x70] =	vst v63  }
0x390: {  	s12 =	sadd.s32 $0x0, s29;
	s0 =	sadd.s32 s4, s0;
	[tilespmem:s10+$0x70] =	vst v9  }
0x391: {  	[hbm4b:s0+s5] =	stream.linear.scatter [tilespmem:s12], [sflag:$0x3], $0x80, $0x38;
	[tilespmem:$0x10E80] =	vst v63  }
0x392: {  	s13 =	sadd.s32 $0x88, s12;
	s14 =	sadd.s32 $0x10, s0  }
0x393: {  	[hbm4b:s14+s5] =	stream.linear.scatter [tilespmem:s13], [sflag:$0x3], $0x80, $0x38;
	[tilespmem:$0x10E80] =	vst v63  }
0x394: {  	s15 =	sadd.s32 $0x110, s12;
	s17 =	sadd.s32 $0x198, s12;
	s16 =	sadd.s32 $0x20, s0  }
0x395: {  	[hbm4b:s16+s5] =	stream.linear.scatter [tilespmem:s15], [sflag:$0x3], $0x80, $0x38;
	[tilespmem:$0x10E80] =	vst v63  }
0x396: {  	s19 =	sadd.s32 $0x220, s12;
	s24 =	sadd.s32 $0x2A8, s12;
	s18 =	sadd.s32 $0x30, s0  }
0x397: {  	[hbm4b:s18+s5] =	stream.linear.scatter [tilespmem:s17], [sflag:$0x3], $0x80, $0x38;
	[tilespmem:$0x10E80] =	vst v63  }
0x398: {  	s28 =	sadd.s32 $0x330, s12;
	s21 =	sadd.s32 $0x40, s0;
	s26 =	sadd.s32 $0x50, s0  }
0x399: {  	[hbm4b:s21+s5] =	stream.linear.scatter [tilespmem:s19], [sflag:$0x3], $0x80, $0x38;
	[tilespmem:$0x10E80] =	vst v63  }
0x39a: {  	s31 =	sadd.s32 $0x60, s0;
	s11 =	sadd.s32 $0x70, s0;
	s8 =	simm.s32 $0x440  }
0x39b: {  	[hbm4b:s26+s5] =	stream.linear.scatter [tilespmem:s24], [sflag:$0x3], $0x80, $0x38;
	[tilespmem:$0x10E80] =	vst v63  }
0x39c: {  	s9 =	simm.s32 $0x2200;
	s10 =	sadd.s32 $0x3B8, s12;
	s0 =	sadd.s32 $0x1000, s0  }
0x39d: {  	[hbm4b:s31+s5] =	stream.linear.scatter [tilespmem:s28], [sflag:$0x3], $0x80, $0x38;
	[tilespmem:$0x10E80] =	vst v63  }
.LBB2_51:
0x39e: {  	[hbm4b:s11+s5] =	stream.linear.scatter [tilespmem:s10], [sflag:$0x3], $0x80, $0x38;
	[tilespmem:$0x10E80] =	vst v63  }
0x39f: {  	s10 =	smov.u32 s9  }
0x3a0: {  	s12 =	sadd.s32 $0x1100, s9;
	s11 =	sadd.s32 s8, s29;
	s8 =	sshra.s32 s10, $0x2  }
0x3a1: {  	[hbm4b:s0+s5] =	stream.linear.scatter [tilespmem:s11], [sflag:$0x3], $0x80, $0x38;
	[tilespmem:$0x10E80] =	vst v63  }
0x3a2: {  	p1 =	seq.s32 s9, $0x9900;
	s9 =	sadd.s32 $0x88, s11;
	s10 =	sadd.s32 $0x10, s0  }
0x3a3: {  	[hbm4b:s10+s5] =	stream.linear.scatter [tilespmem:s9], [sflag:$0x3], $0x80, $0x38;
	[tilespmem:$0x10E80] =	vst v63  }
0x3a4: {  	s9 =	sadd.s32 $0x110, s11;
	s10 =	sadd.s32 $0x20, s0  }
0x3a5: {  	[hbm4b:s10+s5] =	stream.linear.scatter [tilespmem:s9], [sflag:$0x3], $0x80, $0x38;
	[tilespmem:$0x10E80] =	vst v63  }
0x3a6: {  	s9 =	sadd.s32 $0x198, s11;
	s10 =	sadd.s32 $0x30, s0  }
0x3a7: {  	[hbm4b:s10+s5] =	stream.linear.scatter [tilespmem:s9], [sflag:$0x3], $0x80, $0x38;
	[tilespmem:$0x10E80] =	vst v63  }
0x3a8: {  	s9 =	sadd.s32 $0x220, s11;
	s10 =	sadd.s32 $0x40, s0  }
0x3a9: {  	[hbm4b:s10+s5] =	stream.linear.scatter [tilespmem:s9], [sflag:$0x3], $0x80, $0x38;
	[tilespmem:$0x10E80] =	vst v63  }
0x3aa: {  	s9 =	sadd.s32 $0x2A8, s11;
	s10 =	sadd.s32 $0x50, s0  }
0x3ab: {  	[hbm4b:s10+s5] =	stream.linear.scatter [tilespmem:s9], [sflag:$0x3], $0x80, $0x38;
	[tilespmem:$0x10E80] =	vst v63  }
.Ltmp25:
0x3ac: {  	_ = 	snop;
	(pc) =	sbr.rel @!p1 .LBB2_51-.Ltmp25, $4  }
0x3ad: {  	s9 =	sadd.s32 $0x330, s11;
	s10 =	sadd.s32 $0x60, s0  }
0x3ae: {  	[hbm4b:s10+s5] =	stream.linear.scatter [tilespmem:s9], [sflag:$0x3], $0x80, $0x38;
	[tilespmem:$0x10E80] =	vst v63  }
0x3af: {  	s10 =	sadd.s32 $0x3B8, s11  }
0x3b0: {  	s11 =	sadd.s32 $0x70, s0;
	s0 =	sadd.s32 $0x1000, s0;
	s9 =	smov.u32 s12  }
0x3b1: {  	[hbm4b:s11+s5] =	stream.linear.scatter [tilespmem:s10], [sflag:$0x3], $0x80, $0x38;
	[tilespmem:$0x10E80] =	vst v63  }
0x3b2: {  	s8 =	sadd.s32 s8, s29  }
0x3b3: {  	[hbm4b:s0+s5] =	stream.linear.scatter [tilespmem:s8], [sflag:$0x3], $0x80, $0x38;
	[tilespmem:$0x10E80] =	vst v63  }
0x3b4: {  	s14 =	sadd.s32 $0x10, s0;
	s9 =	sadd.s32 $0x88, s8  }
0x3b5: {  	[hbm4b:s14+s5] =	stream.linear.scatter [tilespmem:s9], [sflag:$0x3], $0x80, $0x38;
	[tilespmem:$0x10E80] =	vst v63  }
0x3b6: {  	s16 =	sadd.s32 $0x20, s0;
	s15 =	sadd.s32 $0x110, s8  }
0x3b7: {  	[hbm4b:s16+s5] =	stream.linear.scatter [tilespmem:s15], [sflag:$0x3], $0x80, $0x38;
	[tilespmem:$0x10E80] =	vst v63  }
0x3b8: {  	s18 =	sadd.s32 $0x30, s0;
	s17 =	sadd.s32 $0x198, s8  }
0x3b9: {  	[hbm4b:s18+s5] =	stream.linear.scatter [tilespmem:s17], [sflag:$0x3], $0x80, $0x38;
	[tilespmem:$0x10E80] =	vst v63  }
0x3ba: {  	s21 =	sadd.s32 $0x40, s0;
	s19 =	sadd.s32 $0x220, s8  }
0x3bb: {  	[hbm4b:s21+s5] =	stream.linear.scatter [tilespmem:s19], [sflag:$0x3], $0x80, $0x38;
	[tilespmem:$0x10E80] =	vst v63  }
0x3bc: {  	s26 =	sadd.s32 $0x50, s0;
	s24 =	sadd.s32 $0x2A8, s8  }
0x3bd: {  	[hbm4b:s26+s5] =	stream.linear.scatter [tilespmem:s24], [sflag:$0x3], $0x80, $0x38;
	[tilespmem:$0x10E80] =	vst v63  }
0x3be: {  	s29 =	sadd.s32 $0x60, s0;
	s28 =	sadd.s32 $0x330, s8  }
0x3bf: {  	[hbm4b:s29+s5] =	stream.linear.scatter [tilespmem:s28], [sflag:$0x3], $0x80, $0x38;
	[tilespmem:$0x10E80] =	vst v63  }
0x3c0: {  	s31 =	sadd.s32 $0x70, s0;
	s8 =	sadd.s32 $0x3B8, s8  }
0x3c1: {  	[hbm4b:s31+s5] =	stream.linear.scatter [tilespmem:s8], [sflag:$0x3], $0x80, $0x38;
	[tilespmem:$0x10E80] =	vst v63  }
0x3c2: {  	p1 =	seq.s32 s23, $0xC7  }
.Ltmp26:
0x3c3: {  	_ = 	snop;
	(pc) =	sbr.rel @!p1 .LBB2_36-.Ltmp26, $4  }
.Ltmp27:
0x3c4: {  	_ = 	snop;
	(pc) =	sbr.rel @p1 .LBB2_53-.Ltmp27, $4  }
0x3c5: {  	_ = 	snop  }
0x3c6: {  	_ = 	snop  }
0x3c7: {  	p0 =	por !p0, !p0  }
0x3c8: {  	_ = 	snop  }
.LBB2_39:
.Ltmp28:
0x3c9: {  	(pc) =	sbr.rel .LBB2_50-.Ltmp28, $2  }
0x3ca: {  	_ =	sdelay $0x2  }
0x3cb: {  	v13 =	vmov v18;
	v24 =	vmov v43;
	v22 =	vmov v17  }
.LBB2_41:
.Ltmp29:
0x3cc: {  	(pc) =	sbr.rel .LBB2_50-.Ltmp29, $3  }
0x3cd: {  	_ =	sdelay $0x1  }
0x3ce: {  	v44 =	vmov v19;
	v31 =	vmov v43;
	v57 =	vmov v18  }
0x3cf: {  	v13 =	vmovc v20;
	v19 =	vmovc v21;
	v24 =	vmov v25;
	v22 =	vmov v23;
	s26 =	smov.u32 s15;
	v27 =	vmov v17;
	s24 =	smov.u32 s19  }
.LBB2_43:
.Ltmp30:
0x3d0: {  	(pc) =	sbr.rel .LBB2_50-.Ltmp30, $3  }
0x3d1: {  	_ =	sdelay $0x1  }
0x3d2: {  	v22 =	vmovc v26;
	v31 =	vmovc v25;
	v54 =	vmov v18;
	v57 =	vmov v20;
	v58 =	vmov v19;
	s31 =	smov.u32 s19  }
0x3d3: {  	v44 =	vmovc v21;
	s11 =	smov.u32 s15;
	s26 =	smov.u32 s8;
	v27 =	vmovc v23;
	s24 =	smov.u32 s18;
	v26 =	vmov v17;
	v19 =	vmov v38;
	v24 =	vmov v40  }
.LBB2_45:
.Ltmp31:
0x3d4: {  	v22 =	vmov v27;
	(pc) =	sbr.rel .LBB2_50-.Ltmp31, $4  }
0x3d5: {  	v57 =	vmovc v13;
	v27 =	vmovc v26;
	v31 =	vmov v40;
	v42 =	vmov v17;
	v54 =	vmov v20  }
0x3d6: {  	v13 =	vmovc v44;
	v58 =	vmovc v21;
	v44 =	vmov v38;
	v19 =	vmov v47;
	v45 =	vmov v61  }
0x3d7: {  	s13 =	smov.u32 s15;
	v53 =	vmovc v60;
	v46 =	vmovc v18;
	v50 =	vmov v35;
	v43 =	vmov v25;
	v51 =	vmov v37  }
0x3d8: {  	s31 =	smov.u32 s18;
	s11 =	smov.u32 s8;
	s16 =	smov.u32 s19;
	v26 =	vmovc v23;
	v29 =	vmovc v59;
	v52 =	vmov v30;
	v48 =	vmov v33;
	v55 =	vmov v62  }
.LBB2_47:
.Ltmp32:
0x3d9: {  	(pc) =	sbr.rel .LBB2_50-.Ltmp32, $4  }
0x3da: {  	_ = 	snop  }
0x3db: {  	v31 =	vmovc v24;
	v54 =	vmovc v13;
	s31 =	smov.u32 s24;
	v42 =	vmov v23;
	v57 =	vmov v44;
	v13 =	vmov v43  }
0x3dc: {  	s11 =	smov.u32 s26;
	s13 =	smov.u32 s8;
	v58 =	vmovc v38;
	v44 =	vmovc v47;
	v46 =	vmov v20;
	v24 =	vmov v59;
	s16 =	smov.u32 s18;
	v43 =	vmov v40  }
0x3dd: {  	s26 =	smov.u32 s9;
	s0 =	smov.u32 s19;
	s24 =	smov.u32 s12;
	v60 =	vmovc v30;
	v30 =	vld [tilespmem:$0x1FFC0];
	v61 =	vmovc v33;
	v33 =	vmov v34;
	v62 =	vmov v35;
	v35 =	vmov v32  }
.LBB2_53:
0x3de: {  	_ =	swait.ge [sflag:s30], $0x2800  }
0x3df: {  	[sflag:s30] =	ssyncset.done $0x0  }
0x3e0: {  	[sflag:s30] =	ssyncadd.s32 $0xFFFFD800  }
0x3e1: {  	_ =	swait.ge [sflag:s22], $0x2000  }
0x3e2: {  	[sflag:s22] =	ssyncset.done $0x0  }
0x3e3: {  	[sflag:s22] =	ssyncadd.s32 $0xFFFFE000  }
0x3e4: {  	v14 =	vld [tilespmem:$0x6380]  }
0x3e5: {  	v15 =	vld [tilespmem:$0x6390]  }
0x3e6: {  	s9 =	simm.s32 $0x3;
	v9 =	vld [tilespmem:$0x63A0]  }
0x3e7: {  	v4 =	vmov s9;
	v10 =	vld [tilespmem:$0x63B0]  }
0x3e8: {  	s0 =	simm.s32 $0x0;
	s8 =	simm.s32 $0x98F0;
	v4 =	vand.u32 $0x7F, v4;
	v11 =	vld [tilespmem:$0x63C0]  }
0x3e9: {  	s21 =	simm.s32 $0x1;
	v16 =	vmov s0;
	v20 =	vadd.s32 v5, v4;
	v18 =	vld [tilespmem:s8+$0xFFFFFFD0]  }
0x3ea: {  	v19 =	vand.u32 $0x7C, v16;
	v16 =	vmov s21;
	v12 =	vld [tilespmem:$0x63D0]  }
0x3eb: {  	v22 =	vadd.s32 v5, v19;
	v23 =	vand.u32 $0x7D, v16;
	v21 =	vld [tilespmem:s8+$0xFFFFFF10]  }
0x3ec: {  	v24 =	vadd.s32 v5, v23;
	v16 =	vld [tilespmem:s8+$0xFFFFFF50]  }
0x3ed: {  	s23 =	simm.s32 $0x2;
	v13 =	vld [tilespmem:$0x63E0]  }
0x3ee: {  	v25 =	vmov s23;
	v17 =	vld [tilespmem:$0x63F0];
	[tilespmem:v20+s25+$0x0] =	vst.idx.msk $0xffff, v18  }
0x3ef: {  	v25 =	vand.u32 $0x7E, v25;
	v20 =	vadd.s32 v6, v4;
	v18 =	vld [tilespmem:s8+$0xFFFFFFE0]  }
0x3f0: {  	v27 =	vadd.s32 v5, v25;
	v26 =	vld [tilespmem:s8+$0xFFFFFF90];
	[tilespmem:v22+s25+$0x0] =	vst.idx.msk $0xffff, v21  }
0x3f1: {  	v22 =	vadd.s32 v6, v19;
	[tilespmem:v24+s25+$0x0] =	vst.idx.msk $0xffff, v16;
	v21 =	vld [tilespmem:s8+$0xFFFFFF20]  }
0x3f2: {  	v24 =	vadd.s32 v6, v23;
	v16 =	vld [tilespmem:s8+$0xFFFFFF60];
	_ =	sdelay $0x1  }
0x3f3: {  	[tilespmem:v20+s25+$0x0] =	vst.idx.msk $0xffff, v18  }
0x3f4: {  	[tilespmem:v27+s25+$0x0] =	vst.idx.msk $0xffff, v26;
	v20 =	vadd.s32 v7, v4;
	v18 =	vld [tilespmem:s8+$0xFFFFFFF0]  }
0x3f5: {  	s24 =	simm.s32 $0x7;
	v27 =	vadd.s32 v6, v25;
	v26 =	vld [tilespmem:s8+$0xFFFFFFA0];
	[tilespmem:v22+s25+$0x0] =	vst.idx.msk $0xffff, v21  }
0x3f6: {  	s26 =	simm.s32 $0x4;
	v28 =	vadd.s32 v7, v19;
	v21 =	vmov s24;
	[tilespmem:v24+s25+$0x0] =	vst.idx.msk $0xffff, v16;
	v22 =	vld [tilespmem:s8+$0xFFFFFF30]  }
0x3f7: {  	s0 =	simm.s32 $0x99F0;
	v29 =	vadd.s32 v7, v23;
	v16 =	vmov s26;
	v21 =	vand.u32 $0x7F, v21;
	v24 =	vld [tilespmem:s8+$0xFFFFFF70]  }
0x3f8: {  	s28 =	simm.s32 $0x5;
	v30 =	vld [tilespmem:s0+$0xFFFFFFD0];
	v16 =	vand.u32 $0x7C, v16;
	v31 =	vadd.s32 v5, v21  }
0x3f9: {  	s31 =	simm.s32 $0x6;
	v34 =	vmov s28;
	v32 =	vld [tilespmem:s0+$0xFFFFFF10];
	v33 =	vadd.s32 v5, v16;
	[tilespmem:v20+s25+$0x0] =	vst.idx.msk $0xffff, v18  }
0x3fa: {  	[tilespmem:v27+s25+$0x0] =	vst.idx.msk $0xffff, v26;
	v4 =	vadd.s32 v8, v4;
	v20 =	vand.u32 $0x7D, v34;
	v18 =	vmov s31;
	v26 =	vld [tilespmem:s8+$0x0]  }
0x3fb: {  	[tilespmem:v28+s25+$0x0] =	vst.idx.msk $0xffff, v22;
	v22 =	vld [tilespmem:s0+$0xFFFFFF50];
	v27 =	vadd.s32 v5, v20;
	v18 =	vand.u32 $0x7E, v18  }
0x3fc: {  	v28 =	vld [tilespmem:s0+$0xFFFFFF90];
	[tilespmem:v29+s25+$0x0] =	vst.idx.msk $0xffff, v24;
	v61 =	vadd.s32 v5, v18  }
0x3fd: {  	v24 =	vld [tilespmem:s8+$0xFFFFFFB0];
	v29 =	vadd.s32 v7, v25;
	[tilespmem:v31+s25+$0x0] =	vst.idx.msk $0xffff, v30  }
0x3fe: {  	v63 =	vadd.s32 v6, v21;
	[tilespmem:v33+s25+$0x0] =	vst.idx.msk $0xffff, v32;
	v62 =	vld [tilespmem:s0+$0xFFFFFFE0]  }
0x3ff: {  	v36 =	vadd.s32 v6, v16;
	v35 =	vld [tilespmem:s0+$0xFFFFFF20];
	[tilespmem:v4+s25+$0x0] =	vst.idx.msk $0xffff, v26  }
0x400: {  	v37 =	vadd.s32 v8, v23;
	[tilespmem:v27+s25+$0x0] =	vst.idx.msk $0xffff, v22;
	v4 =	vld [tilespmem:s8+$0xFFFFFF80]  }
0x401: {  	v31 =	vadd.s32 v6, v20;
	v30 =	vld [tilespmem:s0+$0xFFFFFF60];
	[tilespmem:v61+s25+$0x0] =	vst.idx.msk $0xffff, v28  }
0x402: {  	[tilespmem:v29+s25+$0x0] =	vst.idx.msk $0xffff, v24;
	v29 =	vadd.s32 v6, v18;
	v28 =	vld [tilespmem:s0+$0xFFFFFFA0]  }
0x403: {  	v24 =	vld [tilespmem:s8+$0xFFFFFFC0];
	v27 =	vadd.s32 v8, v25;
	[tilespmem:v63+s25+$0x0] =	vst.idx.msk $0xffff, v62  }
0x404: {  	s11 =	simm.s32 $0xB;
	v25 =	vadd.s32 v7, v21;
	[tilespmem:v36+s25+$0x0] =	vst.idx.msk $0xffff, v35;
	v22 =	vld [tilespmem:s0+$0xFFFFFFF0]  }
0x405: {  	s10 =	simm.s32 $0xC;
	s29 =	simm.s32 $0x7800;
	s9 =	simm.s32 $0x8;
	v26 =	vadd.s32 v7, v16;
	v23 =	vld [tilespmem:s0+$0xFFFFFF30];
	[tilespmem:v37+s25+$0x0] =	vst.idx.msk $0xffff, v4  }
.LBB2_54:
0x406: {  	p0 =	slt.u32 s10, $0x7C;
	v4 =	vmov s11;
	[tilespmem:v31+s25+$0x0] =	vst.idx.msk $0xffff, v30;
	v30 =	vld [tilespmem:s8+$0xFFFFFF40];
	v31 =	vadd.s32 v8, v19;
	v19 =	vmov v16;
	s8 =	smov.u32 s0  }
0x407: {  	v16 =	vmov s9;
	v33 =	vadd.s32 v7, v20;
	s0 =	sadd.s32 $0x100, s0;
	v4 =	vand.u32 $0x7F, v4;
	v32 =	vld [tilespmem:s8+$0xFFFFFF70];
	[tilespmem:v29+s25+$0x0] =	vst.idx.msk $0xffff, v28  }
0x408: {  	s11 =	sadd.s32 $0x1, s9;
	v16 =	vand.u32 $0x7C, v16;
	v28 =	vld [tilespmem:s0+$0xFFFFFFD0];
	v29 =	vadd.s32 v5, v4;
	[tilespmem:v27+s25+$0x0] =	vst.idx.msk $0xffff, v24  }
0x409: {  	v34 =	vmov s11;
	s11 =	sadd.s32 $0x2, s9;
	s9 =	smov.u32 s10;
	v27 =	vadd.s32 v5, v16;
	v24 =	vld [tilespmem:s0+$0xFFFFFF10];
	[tilespmem:v25+s25+$0x0] =	vst.idx.msk $0xffff, v22  }
0x40a: {  	v22 =	vand.u32 $0x7D, v34;
	v25 =	vmov s11;
	[tilespmem:v26+s25+$0x0] =	vst.idx.msk $0xffff, v23;
	v23 =	vld [tilespmem:s8+$0x0];
	v26 =	vadd.s32 v8, v21;
	v21 =	vmovc v4  }
0x40b: {  	v34 =	vadd.s32 v5, v22;
	v25 =	vand.u32 $0x7E, v25;
	v4 =	vld [tilespmem:s0+$0xFFFFFF50];
	[tilespmem:v31+s25+$0x0] =	vst.idx.msk $0xffff, v30  }
0x40c: {  	v36 =	vadd.s32 v5, v25;
	v35 =	vld [tilespmem:s0+$0xFFFFFF90];
	[tilespmem:v33+s25+$0x0] =	vst.idx.msk $0xffff, v32  }
0x40d: {  	v33 =	vadd.s32 v7, v18;
	[tilespmem:v29+s25+$0x0] =	vst.idx.msk $0xffff, v28;
	v32 =	vld [tilespmem:s8+$0xFFFFFFB0]  }
0x40e: {  	[tilespmem:v27+s25+$0x0] =	vst.idx.msk $0xffff, v24;
	v24 =	vld [tilespmem:s0+$0xFFFFFFE0];
	v27 =	vadd.s32 v6, v21  }
0x40f: {  	v38 =	vadd.s32 v6, v16;
	v37 =	vld [tilespmem:s0+$0xFFFFFF20];
	[tilespmem:v26+s25+$0x0] =	vst.idx.msk $0xffff, v23  }
0x410: {  	[tilespmem:v34+s25+$0x0] =	vst.idx.msk $0xffff, v4;
	v4 =	vld [tilespmem:s8+$0xFFFFFF80];
	v34 =	vadd.s32 v8, v20;
	v20 =	vmov v22  }
.Ltmp33:
0x411: {  	v30 =	vld [tilespmem:s0+$0xFFFFFF60];
	v31 =	vadd.s32 v6, v20;
	[tilespmem:v36+s25+$0x0] =	vst.idx.msk $0xffff, v35;
	(pc) =	sbr.rel @p0 .LBB2_54-.Ltmp33, $4  }
0x412: {  	v29 =	vadd.s32 v6, v25;
	v28 =	vld [tilespmem:s0+$0xFFFFFFA0];
	[tilespmem:v33+s25+$0x0] =	vst.idx.msk $0xffff, v32  }
0x413: {  	[tilespmem:v27+s25+$0x0] =	vst.idx.msk $0xffff, v24;
	v24 =	vld [tilespmem:s8+$0xFFFFFFC0];
	v27 =	vadd.s32 v8, v18;
	v18 =	vmov v25  }
0x414: {  	v25 =	vadd.s32 v7, v21;
	[tilespmem:v38+s25+$0x0] =	vst.idx.msk $0xffff, v37;
	v22 =	vld [tilespmem:s0+$0xFFFFFFF0]  }
0x415: {  	s10 =	sadd.s32 $0x4, s10;
	s11 =	sadd.s32 $0x3, s9;
	v26 =	vadd.s32 v7, v16;
	v23 =	vld [tilespmem:s0+$0xFFFFFF30];
	[tilespmem:v34+s25+$0x0] =	vst.idx.msk $0xffff, v4  }
0x416: {  	_ =	sdelay $0x2  }
0x417: {  	v4 =	vmov s11;
	s10 =	sadd.s32 $0x1, s9  }
0x418: {  	[tilespmem:v31+s25+$0x0] =	vst.idx.msk $0xffff, v30;
	v30 =	vld [tilespmem:s8+$0xFFFFFF40];
	v19 =	vadd.s32 v8, v19;
	s24 =	sadd.s32 $0x100, s0;
	s26 =	sadd.s32 $0x2, s9;
	v4 =	vand.u32 $0x7F, v4;
	v31 =	vmov s10  }
0x419: {  	[tilespmem:v29+s25+$0x0] =	vst.idx.msk $0xffff, v28;
	v28 =	vld [tilespmem:s24+$0xFFFFFFD0];
	v32 =	vmov s26;
	v29 =	vadd.s32 v5, v4;
	v31 =	vand.u32 $0x7D, v31  }
0x41a: {  	v33 =	vmov s9;
	v48 =	vld [tilespmem:s24+$0xFFFFFF50];
	[tilespmem:v27+s25+$0x0] =	vst.idx.msk $0xffff, v24;
	v32 =	vand.u32 $0x7E, v32;
	v27 =	vadd.s32 v5, v31  }
0x41b: {  	v33 =	vand.u32 $0x7C, v33;
	v49 =	vld [tilespmem:s24+$0xFFFFFF90];
	[tilespmem:v25+s25+$0x0] =	vst.idx.msk $0xffff, v22;
	v50 =	vadd.s32 v5, v32  }
0x41c: {  	v34 =	vld [tilespmem:s24+$0xFFFFFF10];
	v51 =	vadd.s32 v5, v33;
	[tilespmem:v26+s25+$0x0] =	vst.idx.msk $0xffff, v23  }
0x41d: {  	v52 =	vld [tilespmem:s0+$0xFFFFFF70];
	[tilespmem:v19+s25+$0x0] =	vst.idx.msk $0xffff, v30;
	v19 =	vadd.s32 v7, v20  }
0x41e: {  	v56 =	vadd.s32 v7, v18;
	v55 =	vld [tilespmem:s0+$0xFFFFFFB0];
	[tilespmem:v29+s25+$0x0] =	vst.idx.msk $0xffff, v28  }
0x41f: {  	v29 =	vadd.s32 v6, v4;
	v28 =	vld [tilespmem:s24+$0xFFFFFFE0];
	[tilespmem:v27+s25+$0x0] =	vst.idx.msk $0xffff, v48  }
0x420: {  	v27 =	vadd.s32 v6, v31;
	[tilespmem:v50+s25+$0x0] =	vst.idx.msk $0xffff, v49;
	v24 =	vld [tilespmem:s24+$0xFFFFFF60]  }
0x421: {  	v53 =	vadd.s32 v6, v32;
	[tilespmem:v51+s25+$0x0] =	vst.idx.msk $0xffff, v34;
	v22 =	vld [tilespmem:s24+$0xFFFFFFA0]  }
0x422: {  	v54 =	vadd.s32 v6, v33;
	[tilespmem:v19+s25+$0x0] =	vst.idx.msk $0xffff, v52;
	v19 =	vld [tilespmem:s24+$0xFFFFFF20]  }
0x423: {  	v21 =	vadd.s32 v8, v21;
	v30 =	vld [tilespmem:s0+$0x0];
	[tilespmem:v56+s25+$0x0] =	vst.idx.msk $0xffff, v55  }
0x424: {  	v20 =	vadd.s32 v8, v20;
	v57 =	vld [tilespmem:s0+$0xFFFFFF80];
	[tilespmem:v29+s25+$0x0] =	vst.idx.msk $0xffff, v28  }
0x425: {  	v29 =	vadd.s32 v7, v4;
	v28 =	vld [tilespmem:s24+$0xFFFFFFF0];
	[tilespmem:v27+s25+$0x0] =	vst.idx.msk $0xffff, v24  }
0x426: {  	v27 =	vadd.s32 v7, v31;
	[tilespmem:v53+s25+$0x0] =	vst.idx.msk $0xffff, v22;
	v24 =	vld [tilespmem:s24+$0xFFFFFF70]  }
0x427: {  	v58 =	vadd.s32 v7, v32;
	[tilespmem:v54+s25+$0x0] =	vst.idx.msk $0xffff, v19;
	v19 =	vld [tilespmem:s24+$0xFFFFFFB0]  }
0x428: {  	v60 =	vadd.s32 v7, v33;
	[tilespmem:v21+s25+$0x0] =	vst.idx.msk $0xffff, v30;
	v59 =	vld [tilespmem:s24+$0xFFFFFF30]  }
0x429: {  	v18 =	vadd.s32 v8, v18;
	v26 =	vld [tilespmem:s0+$0xFFFFFFC0];
	[tilespmem:v20+s25+$0x0] =	vst.idx.msk $0xffff, v57  }
0x42a: {  	v16 =	vadd.s32 v8, v16;
	v20 =	vld [tilespmem:s0+$0xFFFFFF40];
	[tilespmem:v29+s25+$0x0] =	vst.idx.msk $0xffff, v28  }
0x42b: {  	v4 =	vadd.s32 v8, v4;
	v61 =	vld [tilespmem:s24+$0x0];
	[tilespmem:v27+s25+$0x0] =	vst.idx.msk $0xffff, v24  }
0x42c: {  	v27 =	vadd.s32 v8, v31;
	[tilespmem:v58+s25+$0x0] =	vst.idx.msk $0xffff, v19;
	v24 =	vld [tilespmem:s24+$0xFFFFFF80]  }
0x42d: {  	v62 =	vadd.s32 v8, v32;
	[tilespmem:v60+s25+$0x0] =	vst.idx.msk $0xffff, v59;
	v19 =	vld [tilespmem:s24+$0xFFFFFFC0]  }
0x42e: {  	v63 =	vadd.s32 v8, v33;
	[tilespmem:v18+s25+$0x0] =	vst.idx.msk $0xffff, v26;
	v18 =	vld [tilespmem:s24+$0xFFFFFF40]  }
0x42f: {  	[tilespmem:v16+s25+$0x0] =	vst.idx.msk $0xffff, v20  }
0x430: {  	[tilespmem:v4+s25+$0x0] =	vst.idx.msk $0xffff, v61  }
0x431: {  	[tilespmem:v27+s25+$0x0] =	vst.idx.msk $0xffff, v24  }
0x432: {  	[tilespmem:v62+s25+$0x0] =	vst.idx.msk $0xffff, v19  }
0x433: {  	[tilespmem:v63+s25+$0x0] =	vst.idx.msk $0xffff, v18  }
0x434: {  	v18 =	vld [tilespmem:$0x1FFF0];
	_ =	sdelay $0x2  }
0x435: {  	v4 =	vmul.u32 $0x18, v14  }
0x436: {  	v13 =	vmul.u32 $0x18, v13  }
0x437: {  	v14 =	vmul.u32 $0x18, v15;
	v31 =	vadd.s32 v18, v4;
	v4 =	vmul.u32 $0x18, v9  }
0x438: {  	v17 =	vmul.u32 $0x18, v17;
	v9 =	vmul.u32 $0x18, v10;
	v10 =	vmul.u32 $0x18, v11  }
0x439: {  	s31 =	simm.s32 $0x1;
	v16 =	vadd.s32 v18, v14;
	v11 =	vmul.u32 $0x18, v12;
	v15 =	vadd.s32 v18, v4  }
0x43a: {  	v14 =	vadd.s32 v18, v9;
	v12 =	vadd.s32 v18, v10;
	v4 =	vmov s31  }
0x43b: {  	v11 =	vadd.s32 v18, v11;
	v9 =	vadd.s32 v18, v17;
	v17 =	vand.u32 $0x8, v4  }
0x43c: {  	v10 =	vadd.s32 v18, v13;
	v18 =	vand.u32 $0x7, v4;
	v4 =	vadd.s32 v31, v17  }
0x43d: {  	p4 =	por $0x1, $0x1;
	v4 =	vor.u32 v18, v4  }
.Ltmp34:
0x43e: {  	s21 =	simm.s32 $0x0;
	(pc) =	sbr.rel @!p4 .LBB2_56-.Ltmp34, $4  }
0x43f: {  	v13 =	vmov s21  }
0x440: {  	p0 =	por $0x0, $0x0;
	v19 =	vand.u32 $0x8, v13  }
0x441: {  	p1 =	por $0x0, $0x0;
	p2 =	por $0x0, $0x0;
	p3 =	por $0x0, $0x0;
	v43 =	vand.u32 $0x6, v13;
	v13 =	vadd.s32 v31, v19  }
0x442: {  	s17 =	sand.u32 $0x7, s31;
	s0 =	simm.s32 $0x3;
	s28 =	rddreg [dreg:$0xb];
	v41 =	vor.u32 v43, v13;
	v29 =	vld.idx.msk [tilespmem:v4+s20+$0x0], $0xffff  }
0x443: {  	_ =	sdelay $0x2  }
0x444: {  	s8 =	simm.s32 $0x0  }
0x445: {  	v4 =	vld.idx.msk [tilespmem:v41+s20+$0x0], $0xffff;
	s9 =	sand.u32 $0x6, s21;
	v13 =	vadd.s32 v16, v19;
	s8 =	smul.u32 $0x1100, s8  }
0x446: {  	v20 =	vadd.s32 v16, v17;
	s9 =	smul.u32 $0x220, s9;
	v13 =	vor.u32 v43, v13  }
0x447: {  	s10 =	smul.u32 $0x220, s17;
	v21 =	vor.u32 v18, v20;
	s8 =	sshra.s32 s8, $0x2  }
0x448: {  	v20 =	vmov s0;
	s9 =	sshrl.u32 s9, $0x2;
	s8 =	sadd.s32 $0x10480, s8  }
0x449: {  	v23 =	vand.u32 $0x8, v20;
	s10 =	sshrl.u32 s10, $0x2;
	s9 =	sadd.s32 s9, s8  }
0x44a: {  	v20 =	vand.u32 $0x7, v20;
	v22 =	vadd.s32 v31, v23;
	s10 =	sadd.s32 s10, s8;
	[tilespmem:s9+$0x0] =	vst v4  }
0x44b: {  	v4 =	vor.u32 v20, v22;
	v22 =	vadd.s32 v15, v19;
	[tilespmem:s10+$0x0] =	vst v29;
	v13 =	vld.idx.msk [tilespmem:v13+s20+$0x0], $0xffff  }
0x44c: {  	p4 =	por $0x1, $0x1;
	v22 =	vor.u32 v43, v22;
	v24 =	vld.idx.msk [tilespmem:v21+s20+$0x0], $0xffff  }
.Ltmp35:
0x44d: {  	s21 =	simm.s32 $0x2;
	(pc) =	sbr.rel @!p4 .LBB2_58-.Ltmp35, $4  }
0x44e: {  	v25 =	vmov s21  }
0x44f: {  	v49 =	vadd.s32 v14, v19;
	v21 =	vand.u32 $0x8, v25  }
0x450: {  	v25 =	vand.u32 $0x6, v25;
	v26 =	vadd.s32 v31, v21;
	v29 =	vld.idx.msk [tilespmem:v4+s20+$0x0], $0xffff;
	v4 =	vadd.s32 v15, v17;
	[tilespmem:s9+$0x10] =	vst v13  }
0x451: {  	s17 =	sand.u32 $0x7, s0;
	p0 =	por $0x1, $0x1;
	s0 =	simm.s32 $0x5;
	v41 =	vor.u32 v25, v26;
	v39 =	vor.u32 v18, v4;
	[tilespmem:s10+$0x10] =	vst v24;
	v36 =	vld.idx.msk [tilespmem:v22+s20+$0x0], $0xffff  }
0x452: {  	_ =	sdelay $0x2  }
0x453: {  	s8 =	simm.s32 $0x0;
	v22 =	vor.u32 v43, v49  }
0x454: {  	v4 =	vld.idx.msk [tilespmem:v41+s20+$0x0], $0xffff;
	s11 =	sand.u32 $0x6, s21;
	v13 =	vadd.s32 v16, v21;
	s8 =	smul.u32 $0x1100, s8  }
0x455: {  	v24 =	vmov s0;
	v28 =	vadd.s32 v16, v23;
	s11 =	smul.u32 $0x220, s11;
	v27 =	vor.u32 v25, v13  }
0x456: {  	s13 =	smul.u32 $0x220, s17;
	v26 =	vand.u32 $0x8, v24;
	v28 =	vor.u32 v20, v28;
	s8 =	sshra.s32 s8, $0x2  }
0x457: {  	v30 =	vld.idx.msk [tilespmem:v39+s20+$0x0], $0xffff;
	v13 =	vand.u32 $0x7, v24;
	v24 =	vadd.s32 v31, v26;
	s11 =	sshrl.u32 s11, $0x2;
	s8 =	sadd.s32 $0x10480, s8;
	[tilespmem:s9+$0x20] =	vst v36  }
0x458: {  	v32 =	vadd.s32 v14, v17;
	s31 =	sshrl.u32 s13, $0x2;
	v24 =	vor.u32 v13, v24;
	s12 =	sadd.s32 s11, s8;
	v22 =	vld.idx.msk [tilespmem:v22+s20+$0x0], $0xffff  }
0x459: {  	v32 =	vor.u32 v18, v32;
	s13 =	sadd.s32 s31, s8;
	[tilespmem:s12+$0x0] =	vst v4;
	v4 =	vadd.s32 v12, v19  }
0x45a: {  	v33 =	vadd.s32 v15, v21;
	s21 =	simm.s32 $0x4;
	[tilespmem:s13+$0x0] =	vst v29;
	v27 =	vld.idx.msk [tilespmem:v27+s20+$0x0], $0xffff;
	v4 =	vor.u32 v43, v4  }
0x45b: {  	p4 =	por $0x1, $0x1;
	v33 =	vor.u32 v25, v33;
	v34 =	vmov s21;
	v28 =	vld.idx.msk [tilespmem:v28+s20+$0x0], $0xffff  }
.Ltmp36:
0x45c: {  	v38 =	vand.u32 $0x8, v34;
	[tilespmem:s10+$0x20] =	vst v30;
	(pc) =	sbr.rel @!p4 .LBB2_60-.Ltmp36, $4  }
0x45d: {  	v40 =	vand.u32 $0x6, v34;
	v29 =	vld.idx.msk [tilespmem:v24+s20+$0x0], $0xffff;
	v24 =	vadd.s32 v31, v38;
	[tilespmem:s9+$0x30] =	vst v22;
	v22 =	vadd.s32 v15, v23  }
0x45e: {  	v49 =	vadd.s32 v14, v21;
	v45 =	vld.idx.msk [tilespmem:v32+s20+$0x0], $0xffff;
	v41 =	vor.u32 v40, v24;
	v39 =	vor.u32 v20, v22  }
0x45f: {  	v22 =	vadd.s32 v12, v17;
	v48 =	vld.idx.msk [tilespmem:v4+s20+$0x0], $0xffff;
	[tilespmem:s12+$0x10] =	vst v27;
	v4 =	vadd.s32 v11, v19  }
0x460: {  	s17 =	sand.u32 $0x7, s0;
	p1 =	por $0x1, $0x1;
	s8 =	simm.s32 $0x7;
	[tilespmem:s13+$0x10] =	vst v28;
	v51 =	vor.u32 v18, v22;
	v36 =	vld.idx.msk [tilespmem:v33+s20+$0x0], $0xffff;
	v50 =	vor.u32 v43, v4  }
0x461: {  	_ =	sdelay $0x2  }
0x462: {  	v4 =	vmov s8;
	s0 =	simm.s32 $0x0  }
0x463: {  	v22 =	vld.idx.msk [tilespmem:v41+s20+$0x0], $0xffff;
	v24 =	vor.u32 v25, v49;
	s11 =	sand.u32 $0x6, s21;
	v28 =	vadd.s32 v16, v38;
	v27 =	vand.u32 $0x8, v4;
	s0 =	smul.u32 $0x1100, s0  }
0x464: {  	v44 =	vand.u32 $0x7, v4;
	s11 =	smul.u32 $0x220, s11;
	v28 =	vor.u32 v40, v28;
	v4 =	vadd.s32 v31, v27  }
0x465: {  	v30 =	vld.idx.msk [tilespmem:v39+s20+$0x0], $0xffff;
	[tilespmem:s10+$0x30] =	vst v45;
	v4 =	vor.u32 v44, v4;
	s0 =	sshra.s32 s0, $0x2  }
0x466: {  	v32 =	vadd.s32 v16, v26;
	[tilespmem:s9+$0x40] =	vst v48;
	s11 =	sshrl.u32 s11, $0x2;
	v35 =	vld.idx.msk [tilespmem:v51+s20+$0x0], $0xffff;
	s0 =	sadd.s32 $0x10480, s0  }
0x467: {  	s14 =	smul.u32 $0x220, s17;
	v62 =	vadd.s32 v14, v23;
	v32 =	vor.u32 v13, v32;
	v33 =	vld.idx.msk [tilespmem:v50+s20+$0x0], $0xffff;
	[tilespmem:s12+$0x20] =	vst v36;
	s16 =	sadd.s32 s11, s0  }
0x468: {  	v34 =	vadd.s32 v10, v19;
	v36 =	vor.u32 v20, v62;
	v37 =	vld.idx.msk [tilespmem:v24+s20+$0x0], $0xffff;
	[tilespmem:s16+$0x0] =	vst v22  }
0x469: {  	v34 =	vor.u32 v43, v34;
	s31 =	sshrl.u32 s14, $0x2;
	v24 =	vadd.s32 v11, v17;
	v22 =	vadd.s32 v12, v21;
	v63 =	vld.idx.msk [tilespmem:v28+s20+$0x0], $0xffff  }
0x46a: {  	s21 =	simm.s32 $0x6;
	s0 =	sadd.s32 s31, s0;
	[tilespmem:s13+$0x20] =	vst v30;
	v22 =	vor.u32 v25, v22;
	v59 =	vld.idx.msk [tilespmem:v4+s20+$0x0], $0xffff;
	v4 =	vadd.s32 v15, v38  }
0x46b: {  	[tilespmem:s0+$0x0] =	vst v29;
	v29 =	vor.u32 v18, v24;
	v24 =	vmov s21;
	v4 =	vor.u32 v40, v4  }
0x46c: {  	p4 =	por $0x1, $0x1;
	v42 =	vld.idx.msk [tilespmem:v32+s20+$0x0], $0xffff;
	v47 =	vand.u32 $0x8, v24;
	[tilespmem:s10+$0x40] =	vst v35  }
.Ltmp37:
0x46d: {  	v19 =	vadd.s32 v9, v19;
	v24 =	vand.u32 $0x6, v24;
	v28 =	vadd.s32 v31, v47;
	[tilespmem:s9+$0x50] =	vst v33;
	v32 =	vld.idx.msk [tilespmem:v36+s20+$0x0], $0xffff;
	(pc) =	sbr.rel @!p4 .LBB2_62-.Ltmp37, $4  }
0x46e: {  	v49 =	vadd.s32 v14, v38;
	v41 =	vor.u32 v24, v28;
	v30 =	vld.idx.msk [tilespmem:v34+s20+$0x0], $0xffff;
	[tilespmem:s12+$0x30] =	vst v37  }
0x46f: {  	v28 =	vor.u32 v43, v19;
	v19 =	vadd.s32 v11, v21;
	v33 =	vld.idx.msk [tilespmem:v22+s20+$0x0], $0xffff;
	[tilespmem:s16+$0x10] =	vst v63  }
0x470: {  	v35 =	vor.u32 v25, v19;
	v22 =	vadd.s32 v15, v26;
	v36 =	vld.idx.msk [tilespmem:v4+s20+$0x0], $0xffff;
	v4 =	vadd.s32 v12, v23  }
0x471: {  	s17 =	sand.u32 $0x7, s8;
	s8 =	simm.s32 $0x9;
	p2 =	por $0x1, $0x1;
	v34 =	vld.idx.msk [tilespmem:v29+s20+$0x0], $0xffff;
	[tilespmem:s0+$0x10] =	vst v42;
	v39 =	vor.u32 v13, v22;
	v37 =	vor.u32 v20, v4  }
0x472: {  	_ =	sdelay $0x2  }
0x473: {  	v4 =	vmov s8  }
0x474: {  	s11 =	simm.s32 $0x0;
	v19 =	vld.idx.msk [tilespmem:v41+s20+$0x0], $0xffff;
	v29 =	vor.u32 v40, v49;
	v61 =	vadd.s32 v10, v17;
	v42 =	vadd.s32 v16, v47  }
0x475: {  	s14 =	sand.u32 $0x6, s21;
	v39 =	vld.idx.msk [tilespmem:v39+s20+$0x0], $0xffff;
	[tilespmem:s13+$0x30] =	vst v32;
	v46 =	vadd.s32 v16, v27;
	v22 =	vand.u32 $0x8, v4;
	s11 =	smul.u32 $0x1100, s11;
	v41 =	vor.u32 v18, v61  }
0x476: {  	[tilespmem:s9+$0x60] =	vst v30;
	v43 =	vand.u32 $0x7, v4;
	s14 =	smul.u32 $0x220, s14;
	v42 =	vor.u32 v24, v42;
	v49 =	vld.idx.msk [tilespmem:v37+s20+$0x0], $0xffff;
	v4 =	vadd.s32 v31, v22  }
0x477: {  	v62 =	vadd.s32 v10, v21;
	v45 =	vld.idx.msk [tilespmem:v28+s20+$0x0], $0xffff;
	[tilespmem:s12+$0x40] =	vst v33;
	v4 =	vor.u32 v43, v4;
	s11 =	sshra.s32 s11, $0x2  }
0x478: {  	s17 =	smul.u32 $0x220, s17;
	v46 =	vor.u32 v44, v46;
	v61 =	vadd.s32 v9, v21;
	v48 =	vld.idx.msk [tilespmem:v35+s20+$0x0], $0xffff;
	s14 =	sshrl.u32 s14, $0x2;
	[tilespmem:s16+$0x20] =	vst v36;
	s11 =	sadd.s32 $0x10480, s11  }
0x479: {  	v36 =	vor.u32 v25, v62;
	[tilespmem:s10+$0x50] =	vst v34;
	s15 =	sadd.s32 s14, s11;
	v50 =	vld.idx.msk [tilespmem:v29+s20+$0x0], $0xffff;
	v29 =	vadd.s32 v14, v26  }
0x47a: {  	s31 =	sshrl.u32 s17, $0x2;
	[tilespmem:s15+$0x0] =	vst v19;
	v19 =	vadd.s32 v12, v38;
	v51 =	vor.u32 v13, v29;
	v54 =	vld.idx.msk [tilespmem:v41+s20+$0x0], $0xffff  }
0x47b: {  	s21 =	simm.s32 $0x8;
	s24 =	sadd.s32 s31, s11;
	[tilespmem:s0+$0x20] =	vst v39;
	v42 =	vld.idx.msk [tilespmem:v42+s20+$0x0], $0xffff;
	v53 =	vor.u32 v40, v19;
	v19 =	vadd.s32 v11, v23  }
0x47c: {  	v63 =	vmov s21;
	[tilespmem:s24+$0x0] =	vst v59;
	v29 =	vld.idx.msk [tilespmem:v4+s20+$0x0], $0xffff;
	v4 =	vadd.s32 v15, v47;
	v55 =	vor.u32 v20, v19  }
0x47d: {  	v46 =	vld.idx.msk [tilespmem:v46+s20+$0x0], $0xffff;
	v19 =	vand.u32 $0x8, v63;
	[tilespmem:s12+$0x50] =	vst v48;
	v48 =	vadd.s32 v9, v17;
	v4 =	vor.u32 v24, v4  }
0x47e: {  	p4 =	por $0x1, $0x1;
	v59 =	vand.u32 $0x6, v63;
	[tilespmem:s9+$0x70] =	vst v45;
	v60 =	vadd.s32 v31, v19;
	v52 =	vld.idx.msk [tilespmem:v36+s20+$0x0], $0xffff;
	v56 =	vor.u32 v18, v48  }
.Ltmp38:
0x47f: {  	v62 =	vadd.s32 v15, v27;
	v41 =	vor.u32 v59, v60;
	[tilespmem:s16+$0x30] =	vst v50;
	v45 =	vld.idx.msk [tilespmem:v51+s20+$0x0], $0xffff;
	(pc) =	sbr.rel @!p4 .LBB2_64-.Ltmp38, $4  }
0x480: {  	v39 =	vor.u32 v44, v62;
	[tilespmem:s13+$0x40] =	vst v49;
	v49 =	vadd.s32 v14, v47;
	v48 =	vld.idx.msk [tilespmem:v53+s20+$0x0], $0xffff  }
0x481: {  	v63 =	vadd.s32 v11, v38;
	v53 =	vor.u32 v25, v61;
	[tilespmem:s15+$0x10] =	vst v42;
	v55 =	vld.idx.msk [tilespmem:v55+s20+$0x0], $0xffff  }
0x482: {  	p3 =	por $0x1, $0x1;
	s18 =	smov.u32 s13;
	s19 =	smov.u32 s10;
	v50 =	vor.u32 v40, v63;
	[tilespmem:s10+$0x60] =	vst v54;
	v36 =	vld.idx.msk [tilespmem:v4+s20+$0x0], $0xffff;
	v4 =	vadd.s32 v12, v26  }
0x483: {  	s17 =	sand.u32 $0x7, s8;
	s8 =	smov.u32 s12;
	s11 =	simm.s32 $0xB;
	[tilespmem:s24+$0x10] =	vst v46;
	v42 =	vmov v23;
	v46 =	vmov v20;
	v56 =	vld.idx.msk [tilespmem:v56+s20+$0x0], $0xffff;
	v51 =	vor.u32 v13, v4  }
.LBB2_65:
0x484: {  	v4 =	vmov s11;
	v41 =	vld.idx.msk [tilespmem:v41+s20+$0x0], $0xffff;
	v49 =	vor.u32 v24, v49;
	[tilespmem:s8+$0x60] =	vst v52;
	v52 =	vadd.s32 v10, v42;
	v54 =	vmovc v13  }
0x485: {  	s14 =	sshrl.u32 s21, $0x3;
	s17 =	smul.u32 $0x220, s17;
	v13 =	vmovc v44;
	v44 =	vmovc v43;
	v57 =	vmov v38;
	v38 =	vmov v47;
	v47 =	vmov v19  }
0x486: {  	s21 =	sand.u32 $0x6, s21;
	v58 =	vand.u32 $0x8, v4;
	s14 =	smul.u32 $0x1100, s14;
	v19 =	vadd.s32 v16, v47;
	[tilespmem:s0+$0x30] =	vst v45;
	v45 =	vld.idx.msk [tilespmem:v53+s20+$0x0], $0xffff;
	v52 =	vor.u32 v46, v52  }
0x487: {  	v43 =	vand.u32 $0x7, v4;
	s21 =	smul.u32 $0x220, s21;
	v4 =	vadd.s32 v31, v58;
	v19 =	vor.u32 v59, v19;
	v39 =	vld.idx.msk [tilespmem:v39+s20+$0x0], $0xffff;
	[tilespmem:s16+$0x40] =	vst v48  }
0x488: {  	v53 =	vmov v40;
	v48 =	vadd.s32 v16, v22;
	v4 =	vor.u32 v43, v4;
	s14 =	sshra.s32 s14, $0x2;
	v50 =	vld.idx.msk [tilespmem:v50+s20+$0x0], $0xffff;
	[tilespmem:s18+$0x50] =	vst v55  }
0x489: {  	v40 =	vmov v24;
	s17 =	sshrl.u32 s17, $0x2;
	s21 =	sshrl.u32 s21, $0x2;
	v48 =	vor.u32 v44, v48;
	s14 =	sadd.s32 $0x10480, s14;
	[tilespmem:s15+$0x20] =	vst v36;
	v36 =	vadd.s32 v10, v57;
	v51 =	vld.idx.msk [tilespmem:v51+s20+$0x0], $0xffff  }
0x48a: {  	v24 =	vmov v59;
	v55 =	vadd.s32 v14, v27;
	s23 =	sadd.s32 s21, s14;
	s14 =	sadd.s32 s17, s14;
	v49 =	vld.idx.msk [tilespmem:v49+s20+$0x0], $0xffff;
	v36 =	vor.u32 v53, v36;
	[tilespmem:s19+$0x70] =	vst v56;
	s19 =	smov.u32 s18  }
0x48b: {  	v55 =	vor.u32 v13, v55;
	s18 =	smov.u32 s0;
	s0 =	smov.u32 s24;
	[tilespmem:s23+$0x0] =	vst v41;
	v41 =	vadd.s32 v12, v38;
	v56 =	vld.idx.msk [tilespmem:v52+s20+$0x0], $0xffff;
	s24 =	smov.u32 s14  }
0x48c: {  	s21 =	sadd.s32 $0xFFFFFFFF, s11;
	v60 =	vld.idx.msk [tilespmem:v19+s20+$0x0], $0xffff;
	v61 =	vor.u32 v40, v41;
	v19 =	vadd.s32 v11, v26;
	[tilespmem:s8+$0x70] =	vst v45;
	s8 =	smov.u32 s16;
	s16 =	smov.u32 s15  }
0x48d: {  	p4 =	slt.u32 s21, $0xE;
	v41 =	vmov s21;
	v45 =	vadd.s32 v15, v47;
	s15 =	smov.u32 s23;
	[tilespmem:s24+$0x0] =	vst v29;
	v29 =	vld.idx.msk [tilespmem:v4+s20+$0x0], $0xffff;
	v4 =	vor.u32 v54, v19  }
0x48e: {  	v19 =	vand.u32 $0x8, v41;
	v62 =	vor.u32 v24, v45;
	v63 =	vld.idx.msk [tilespmem:v48+s20+$0x0], $0xffff;
	[tilespmem:s8+$0x50] =	vst v50;
	v48 =	vadd.s32 v9, v42  }
0x48f: {  	v59 =	vand.u32 $0x6, v41;
	v41 =	vadd.s32 v31, v19;
	[tilespmem:s0+$0x20] =	vst v39;
	v52 =	vld.idx.msk [tilespmem:v36+s20+$0x0], $0xffff;
	v46 =	vor.u32 v46, v48  }
.Ltmp39:
0x490: {  	v42 =	vmov v26;
	v41 =	vor.u32 v59, v41;
	v36 =	vadd.s32 v9, v57;
	[tilespmem:s16+$0x30] =	vst v49;
	v45 =	vld.idx.msk [tilespmem:v55+s20+$0x0], $0xffff;
	(pc) =	sbr.rel @p4 .LBB2_65-.Ltmp39, $4  }
0x491: {  	v26 =	vmov v27;
	v39 =	vadd.s32 v15, v22;
	v53 =	vor.u32 v53, v36;
	v48 =	vld.idx.msk [tilespmem:v61+s20+$0x0], $0xffff;
	[tilespmem:s18+$0x40] =	vst v51  }
0x492: {  	v27 =	vmov v22;
	v39 =	vor.u32 v44, v39;
	v49 =	vadd.s32 v11, v38;
	[tilespmem:s15+$0x10] =	vst v60;
	v55 =	vld.idx.msk [tilespmem:v4+s20+$0x0], $0xffff  }
0x493: {  	v22 =	vmov v58;
	v50 =	vor.u32 v40, v49;
	v4 =	vadd.s32 v12, v26;
	v36 =	vld.idx.msk [tilespmem:v62+s20+$0x0], $0xffff;
	[tilespmem:s19+$0x60] =	vst v56  }
0x494: {  	s17 =	sand.u32 $0x7, s11;
	s11 =	sadd.s32 $0x2, s11;
	v49 =	vadd.s32 v14, v47;
	v51 =	vor.u32 v13, v4;
	[tilespmem:s24+$0x10] =	vst v63;
	v56 =	vld.idx.msk [tilespmem:v46+s20+$0x0], $0xffff;
	v46 =	vmov v54  }
0x495: {  	v31 =	vmov v24;
	v54 =	vmov v13;
	s23 =	smov.u32 s0;
	v57 =	vmov v44  }
0x496: {  	s11 =	smov.u32 s16;
	v13 =	vmovc v43;
	v58 =	vmovc v38;
	v44 =	vmov v47;
	v24 =	vmov v59;
	v43 =	vmov v40;
	s16 =	smov.u32 s15;
	s0 =	smov.u32 s24  }
.LBB2_67:
0x497: {  	_ =	sdelay $0x2  }
0x498: {  	s14 =	sshrl.u32 s21, $0x3  }
0x499: {  	v4 =	vld.idx.msk [tilespmem:v41+s20+$0x0], $0xffff;
	s15 =	sand.u32 $0x6, s21;
	s14 =	smul.u32 $0x1100, s14  }
0x49a: {  	v38 =	vadd.s32 v16, v19;
	s15 =	smul.u32 $0x220, s15  }
0x49b: {  	[tilespmem:s8+$0x60] =	vst @p2 v52;
	v60 =	vadd.s32 v16, v22;
	s17 =	smul.u32 $0x220, s17;
	v38 =	vor.u32 v24, v38;
	s14 =	sshra.s32 s14, $0x2  }
0x49c: {  	[tilespmem:s23+$0x30] =	vst @p1 v45;
	v16 =	vor.u32 v13, v60;
	s15 =	sshrl.u32 s15, $0x2;
	s14 =	sadd.s32 $0x10480, s14  }
0x49d: {  	[tilespmem:s11+$0x40] =	vst @p1 v48;
	v40 =	vld.idx.msk @p2 [tilespmem:v53+s20+$0x0], $0xffff;
	s17 =	sshrl.u32 s17, $0x2;
	s15 =	sadd.s32 s15, s14  }
0x49e: {  	v41 =	vor.u32 @p0 v31, v49;
	v48 =	vld.idx.msk @p1 [tilespmem:v50+s20+$0x0], $0xffff;
	s17 =	sadd.s32 s17, s14;
	[tilespmem:s15+$0x0] =	vst v4  }
0x49f: {  	v39 =	vld.idx.msk @p0 [tilespmem:v39+s20+$0x0], $0xffff;
	v50 =	vadd.s32 @p0 v14, v27;
	[tilespmem:s17+$0x0] =	vst v29;
	v29 =	vmov @p0 v57  }
0x4a0: {  	[tilespmem:s18+$0x50] =	vst @p2 v55;
	v61 =	vadd.s32 v15, v19;
	v38 =	vld.idx.msk [tilespmem:v38+s20+$0x0], $0xffff;
	v50 =	vor.u32 @p0 v29, v50  }
0x4a1: {  	v47 =	vmov @p1 v58;
	v63 =	vadd.s32 v15, v22;
	[tilespmem:s16+$0x20] =	vst @p0 v36;
	v62 =	vor.u32 v24, v61;
	v16 =	vld.idx.msk [tilespmem:v16+s20+$0x0], $0xffff  }
0x4a2: {  	v45 =	vadd.s32 @p2 v10, v42;
	v49 =	vadd.s32 @p1 v10, v47;
	v15 =	vor.u32 v13, v63;
	[tilespmem:s8+$0x70] =	vst @p2 v40;
	s8 =	smov.u32 @p1 s11  }
0x4a3: {  	v52 =	vadd.s32 @p1 v11, v26;
	v41 =	vld.idx.msk @p0 [tilespmem:v41+s20+$0x0], $0xffff;
	v4 =	vor.u32 @p1 v43, v49;
	s11 =	smov.u32 @p0 s0;
	[tilespmem:s8+$0x50] =	vst @p1 v48  }
0x4a4: {  	v42 =	vadd.s32 @p2 v9, v42;
	v49 =	vld.idx.msk @p1 [tilespmem:v51+s20+$0x0], $0xffff;
	v51 =	vadd.s32 @p0 v12, v44;
	[tilespmem:s11+$0x20] =	vst @p0 v39  }
0x4a5: {  	v17 =	vpsel p1, v26, v17;
	v40 =	vmov @p1 v54;
	v51 =	vor.u32 @p0 v31, v51;
	[tilespmem:s15+$0x10] =	vst v38;
	v39 =	vld.idx.msk @p0 [tilespmem:v50+s20+$0x0], $0xffff  }
0x4a6: {  	v55 =	vadd.s32 v12, v19;
	v48 =	vor.u32 @p1 v40, v52;
	[tilespmem:s17+$0x10] =	vst v16;
	v36 =	vld.idx.msk [tilespmem:v62+s20+$0x0], $0xffff  }
0x4a7: {  	v21 =	vpsel p0, v44, v21;
	v45 =	vor.u32 @p2 v46, v45;
	v52 =	vadd.s32 v14, v19;
	v15 =	vld.idx.msk [tilespmem:v15+s20+$0x0], $0xffff  }
0x4a8: {  	[tilespmem:s19+$0x70] =	vst @p3 v56;
	s14 =	smov.u32 @p0 s16;
	v54 =	vadd.s32 v14, v22;
	v53 =	vor.u32 v24, v52;
	v4 =	vld.idx.msk @p1 [tilespmem:v4+s20+$0x0], $0xffff;
	v16 =	vmov @p0 v27  }
0x4a9: {  	v56 =	vadd.s32 v12, v22;
	s16 =	smov.u32 @p1 s23;
	v14 =	vor.u32 v13, v54;
	[tilespmem:s14+$0x30] =	vst @p0 v41;
	v41 =	vadd.s32 @p0 v12, v16  }
0x4aa: {  	[tilespmem:s16+$0x40] =	vst @p1 v49;
	v38 =	vor.u32 @p2 v46, v42;
	v42 =	vld.idx.msk @p0 [tilespmem:v51+s20+$0x0], $0xffff;
	v41 =	vor.u32 @p0 v29, v41  }
0x4ab: {  	v46 =	vadd.s32 @p0 v11, v44;
	v48 =	vld.idx.msk @p1 [tilespmem:v48+s20+$0x0], $0xffff;
	v37 =	vpsel p0, v41, v37;
	[tilespmem:s15+$0x20] =	vst v36  }
0x4ac: {  	v20 =	vpsel p0, v29, v20;
	v46 =	vor.u32 @p0 v31, v46;
	[tilespmem:s17+$0x20] =	vst v15;
	v15 =	vpsel p0, v39, v32  }
0x4ad: {  	s9 =	smov.u32 @p1 s8;
	v16 =	vpsel p0, v16, v23;
	v26 =	vpsel p0, v46, v35;
	v4 =	vpsel p1, v4, v30;
	v27 =	vld.idx.msk [tilespmem:v53+s20+$0x0], $0xffff  }
0x4ae: {  	s13 =	smov.u32 @p0 s11;
	v12 =	vor.u32 v13, v56;
	v29 =	vor.u32 v24, v55;
	[tilespmem:s9+$0x60] =	vst @p1 v4;
	v14 =	vld.idx.msk [tilespmem:v14+s20+$0x0], $0xffff  }
0x4af: {  	s12 =	smov.u32 @p0 s14;
	v23 =	vpsel p0, v42, v33;
	v32 =	vadd.s32 @p0 v11, v16;
	[tilespmem:s13+$0x30] =	vst @p0 v15;
	v15 =	vmov @p1 v40  }
0x4b0: {  	s10 =	smov.u32 @p1 s16;
	[tilespmem:s12+$0x40] =	vst @p0 v23;
	v30 =	vld.idx.msk @p0 [tilespmem:v37+s20+$0x0], $0xffff;
	v15 =	vpsel p1, v15, v18;
	v18 =	vpsel p1, v48, v34  }
0x4b1: {  	v25 =	vpsel p0, v31, v25;
	v23 =	vor.u32 @p0 v20, v32;
	v4 =	vmov @p0 v21;
	[tilespmem:s10+$0x50] =	vst @p1 v18  }
0x4b2: {  	v26 =	vld.idx.msk @p0 [tilespmem:v26+s20+$0x0], $0xffff;
	v21 =	vmov @p0 v25;
	v25 =	vadd.s32 @p0 v10, v4;
	[tilespmem:s15+$0x30] =	vst v27  }
0x4b3: {  	v57 =	vadd.s32 v11, v19;
	v18 =	vor.u32 @p0 v21, v25;
	[tilespmem:s17+$0x30] =	vst v14;
	v29 =	vld.idx.msk [tilespmem:v29+s20+$0x0], $0xffff  }
0x4b4: {  	v58 =	vor.u32 v24, v57;
	s8 =	smov.u32 @p0 s13;
	v11 =	vadd.s32 v11, v22;
	v12 =	vld.idx.msk [tilespmem:v12+s20+$0x0], $0xffff  }
0x4b5: {  	v45 =	vld.idx.msk @p2 [tilespmem:v45+s20+$0x0], $0xffff;
	v31 =	vadd.s32 @p1 v10, v17;
	v11 =	vor.u32 v13, v11;
	[tilespmem:s8+$0x40] =	vst @p0 v30  }
0x4b6: {  	v59 =	vadd.s32 v10, v19;
	s11 =	smov.u32 @p0 s12;
	v16 =	vpsel p0, v16, v0;
	v27 =	vor.u32 @p1 v15, v31;
	v23 =	vld.idx.msk @p0 [tilespmem:v23+s20+$0x0], $0xffff  }
0x4b7: {  	v20 =	vpsel p0, v20, v0;
	v25 =	vadd.s32 @p1 v9, v47;
	[tilespmem:s11+$0x50] =	vst @p0 v26;
	v26 =	vadd.s32 @p0 v10, v16  }
0x4b8: {  	v25 =	vor.u32 @p1 v43, v25;
	v26 =	vor.u32 @p0 v20, v26;
	v18 =	vld.idx.msk @p0 [tilespmem:v18+s20+$0x0], $0xffff;
	[tilespmem:s15+$0x40] =	vst v29  }
0x4b9: {  	v60 =	vor.u32 v24, v59;
	s0 =	smov.u32 @p2 s18;
	v25 =	vpsel p1, v25, v28;
	[tilespmem:s17+$0x40] =	vst v12;
	v14 =	vld.idx.msk [tilespmem:v58+s20+$0x0], $0xffff  }
0x4ba: {  	[tilespmem:s0+$0x60] =	vst @p2 v45;
	v4 =	vadd.s32 @p0 v9, v4;
	v10 =	vadd.s32 v10, v22;
	v11 =	vld.idx.msk [tilespmem:v11+s20+$0x0], $0xffff  }
0x4bb: {  	s8 =	smov.u32 @p0 s8;
	v10 =	vor.u32 v13, v10;
	v27 =	vld.idx.msk @p1 [tilespmem:v27+s20+$0x0], $0xffff;
	v12 =	vadd.s32 @p1 v9, v17;
	v23 =	vpsel p0, v23, v0  }
0x4bc: {  	v4 =	vor.u32 @p0 v21, v4;
	v28 =	vld.idx.msk @p2 [tilespmem:v38+s20+$0x0], $0xffff;
	v12 =	vor.u32 @p1 v15, v12;
	[tilespmem:s8+$0x50] =	vst @p0 v23  }
0x4bd: {  	v4 =	vpsel p0, v4, v0;
	v16 =	vadd.s32 @p0 v9, v16;
	v15 =	vld.idx.msk @p0 [tilespmem:v26+s20+$0x0], $0xffff  }
0x4be: {  	v62 =	vadd.s32 v9, v19;
	v21 =	vld.idx.msk @p1 [tilespmem:v25+s20+$0x0], $0xffff;
	[tilespmem:s15+$0x50] =	vst v14;
	v14 =	vor.u32 @p0 v20, v16  }
0x4bf: {  	v17 =	vor.u32 v24, v62;
	[tilespmem:s17+$0x50] =	vst v11;
	v61 =	vld.idx.msk [tilespmem:v60+s20+$0x0], $0xffff  }
0x4c0: {  	s11 =	smov.u32 @p0 s11;
	v9 =	vadd.s32 v9, v22;
	[tilespmem:s10+$0x60] =	vst @p1 v27;
	v11 =	vpsel p0, v18, v0;
	v10 =	vld.idx.msk [tilespmem:v10+s20+$0x0], $0xffff  }
0x4c1: {  	v9 =	vor.u32 v13, v9;
	v12 =	vld.idx.msk @p1 [tilespmem:v12+s20+$0x0], $0xffff;
	[tilespmem:s11+$0x60] =	vst @p0 v11  }
0x4c2: {  	s0 =	smov.u32 @p2 s0;
	v11 =	vpsel p2, v28, v0;
	v4 =	vld.idx.msk @p0 [tilespmem:v4+s20+$0x0], $0xffff;
	[tilespmem:s8+$0x60] =	vst @p0 v15  }
0x4c3: {  	[tilespmem:s0+$0x70] =	vst @p2 v11;
	v11 =	vld.idx.msk @p0 [tilespmem:v14+s20+$0x0], $0xffff  }
0x4c4: {  	[tilespmem:s15+$0x60] =	vst v61  }
0x4c5: {  	[tilespmem:s17+$0x60] =	vst v10;
	v63 =	vld.idx.msk [tilespmem:v17+s20+$0x0], $0xffff  }
0x4c6: {  	[tilespmem:s9+$0x70] =	vst @p1 v21;
	s0 =	smov.u32 @p1 s10;
	v10 =	vpsel p1, v12, v0;
	v9 =	vld.idx.msk [tilespmem:v9+s20+$0x0], $0xffff  }
0x4c7: {  	[tilespmem:s0+$0x70] =	vst @p1 v10  }
0x4c8: {  	[tilespmem:s11+$0x70] =	vst @p0 v4;
	s0 =	smov.u32 @p0 s8;
	v4 =	vpsel p0, v11, v0  }
0x4c9: {  	[tilespmem:s0+$0x70] =	vst @p0 v4  }
0x4ca: {  	[tilespmem:s15+$0x70] =	vst v63  }
0x4cb: {  	[tilespmem:s17+$0x70] =	vst v9  }
0x4cc: {  	s11 =	simm.s32 $0xE280;
	s12 =	rddreg [dreg:$0xc]  }
0x4cd: {  	[hbm4b:s12+s5] =	stream.linear.scatter [tilespmem:s11], [sflag:$0x3], $0x80, $0x38;
	[tilespmem:$0x10E80] =	vst v63  }
0x4ce: {  	s13 =	simm.s32 $0xE308;
	s14 =	sadd.s32 $0x10, s12  }
0x4cf: {  	[hbm4b:s14+s5] =	stream.linear.scatter [tilespmem:s13], [sflag:$0x3], $0x80, $0x38;
	[tilespmem:$0x10E80] =	vst v63  }
0x4d0: {  	s26 =	simm.s32 $0xE5B0;
	s15 =	simm.s32 $0xE390;
	s16 =	sadd.s32 $0x20, s12  }
0x4d1: {  	[hbm4b:s16+s5] =	stream.linear.scatter [tilespmem:s15], [sflag:$0x3], $0x80, $0x38;
	[tilespmem:$0x10E80] =	vst v63  }
0x4d2: {  	s19 =	simm.s32 $0xE4A0;
	s17 =	simm.s32 $0xE418;
	s18 =	sadd.s32 $0x30, s12  }
0x4d3: {  	[hbm4b:s18+s5] =	stream.linear.scatter [tilespmem:s17], [sflag:$0x3], $0x80, $0x38;
	[tilespmem:$0x10E80] =	vst v63  }
0x4d4: {  	s23 =	simm.s32 $0xE528;
	s9 =	simm.s32 $0x2200;
	s21 =	sadd.s32 $0x40, s12  }
0x4d5: {  	[hbm4b:s21+s5] =	stream.linear.scatter [tilespmem:s19], [sflag:$0x3], $0x80, $0x38;
	[tilespmem:$0x10E80] =	vst v63  }
0x4d6: {  	s10 =	simm.s32 $0xE638;
	s0 =	simm.s32 $0x440;
	s24 =	sadd.s32 $0x50, s12  }
0x4d7: {  	[hbm4b:s24+s5] =	stream.linear.scatter [tilespmem:s23], [sflag:$0x3], $0x80, $0x38;
	[tilespmem:$0x10E80] =	vst v63  }
0x4d8: {  	s31 =	sadd.s32 $0x60, s12;
	s11 =	sadd.s32 $0x70, s12;
	s8 =	sadd.s32 $0x1000, s12  }
0x4d9: {  	[hbm4b:s31+s5] =	stream.linear.scatter [tilespmem:s26], [sflag:$0x3], $0x80, $0x38;
	[tilespmem:$0x10E80] =	vst v63  }
.LBB2_68:
0x4da: {  	[hbm4b:s11+s5] =	stream.linear.scatter [tilespmem:s10], [sflag:$0x3], $0x80, $0x38;
	[tilespmem:$0x10E80] =	vst v63  }
0x4db: {  	s10 =	smov.u32 s0;
	s0 =	smov.u32 s9  }
0x4dc: {  	s12 =	sadd.s32 $0x1100, s9;
	s0 =	sshra.s32 s0, $0x2;
	s11 =	sadd.s32 $0xE280, s10  }
0x4dd: {  	[hbm4b:s8+s5] =	stream.linear.scatter [tilespmem:s11], [sflag:$0x3], $0x80, $0x38;
	[tilespmem:$0x10E80] =	vst v63  }
0x4de: {  	p0 =	sne.s32 s9, $0x9900;
	s9 =	sadd.s32 $0xE308, s10;
	s11 =	sadd.s32 $0x10, s8  }
0x4df: {  	[hbm4b:s11+s5] =	stream.linear.scatter [tilespmem:s9], [sflag:$0x3], $0x80, $0x38;
	[tilespmem:$0x10E80] =	vst v63  }
0x4e0: {  	s9 =	sadd.s32 $0xE390, s10;
	s11 =	sadd.s32 $0x20, s8  }
0x4e1: {  	[hbm4b:s11+s5] =	stream.linear.scatter [tilespmem:s9], [sflag:$0x3], $0x80, $0x38;
	[tilespmem:$0x10E80] =	vst v63  }
0x4e2: {  	s9 =	sadd.s32 $0xE418, s10;
	s11 =	sadd.s32 $0x30, s8  }
0x4e3: {  	[hbm4b:s11+s5] =	stream.linear.scatter [tilespmem:s9], [sflag:$0x3], $0x80, $0x38;
	[tilespmem:$0x10E80] =	vst v63  }
0x4e4: {  	s9 =	sadd.s32 $0xE4A0, s10;
	s11 =	sadd.s32 $0x40, s8  }
0x4e5: {  	[hbm4b:s11+s5] =	stream.linear.scatter [tilespmem:s9], [sflag:$0x3], $0x80, $0x38;
	[tilespmem:$0x10E80] =	vst v63  }
.Ltmp40:
0x4e6: {  	s9 =	sadd.s32 $0xE528, s10;
	s11 =	sadd.s32 $0x50, s8;
	(pc) =	sbr.rel @p0 .LBB2_68-.Ltmp40, $4  }
0x4e7: {  	[hbm4b:s11+s5] =	stream.linear.scatter [tilespmem:s9], [sflag:$0x3], $0x80, $0x38;
	[tilespmem:$0x10E80] =	vst v63  }
0x4e8: {  	s9 =	sadd.s32 $0xE5B0, s10;
	s11 =	sadd.s32 $0x60, s8;
	s10 =	sadd.s32 $0xE638, s10  }
0x4e9: {  	[hbm4b:s11+s5] =	stream.linear.scatter [tilespmem:s9], [sflag:$0x3], $0x80, $0x38;
	[tilespmem:$0x10E80] =	vst v63  }
0x4ea: {  	s11 =	sadd.s32 $0x70, s8;
	s8 =	sadd.s32 $0x1000, s8;
	s9 =	smov.u32 s12  }
0x4eb: {  	[hbm4b:s11+s5] =	stream.linear.scatter [tilespmem:s10], [sflag:$0x3], $0x80, $0x38;
	[tilespmem:$0x10E80] =	vst v63  }
0x4ec: {  	s9 =	sadd.s32 $0xE280, s0  }
0x4ed: {  	[hbm4b:s8+s5] =	stream.linear.scatter [tilespmem:s9], [sflag:$0x3], $0x80, $0x38;
	[tilespmem:$0x10E80] =	vst v63  }
0x4ee: {  	s10 =	sadd.s32 $0xE308, s0;
	s11 =	sadd.s32 $0x10, s8  }
0x4ef: {  	[hbm4b:s11+s5] =	stream.linear.scatter [tilespmem:s10], [sflag:$0x3], $0x80, $0x38;
	[tilespmem:$0x10E80] =	vst v63  }
0x4f0: {  	s12 =	sadd.s32 $0xE390, s0;
	s13 =	sadd.s32 $0x20, s8  }
0x4f1: {  	[hbm4b:s13+s5] =	stream.linear.scatter [tilespmem:s12], [sflag:$0x3], $0x80, $0x38;
	[tilespmem:$0x10E80] =	vst v63  }
0x4f2: {  	s14 =	sadd.s32 $0xE418, s0;
	s15 =	sadd.s32 $0x30, s8  }
0x4f3: {  	[hbm4b:s15+s5] =	stream.linear.scatter [tilespmem:s14], [sflag:$0x3], $0x80, $0x38;
	[tilespmem:$0x10E80] =	vst v63  }
0x4f4: {  	s16 =	sadd.s32 $0xE4A0, s0;
	s17 =	sadd.s32 $0x40, s8  }
0x4f5: {  	[hbm4b:s17+s5] =	stream.linear.scatter [tilespmem:s16], [sflag:$0x3], $0x80, $0x38;
	[tilespmem:$0x10E80] =	vst v63  }
0x4f6: {  	s18 =	sadd.s32 $0xE528, s0;
	s19 =	sadd.s32 $0x50, s8  }
0x4f7: {  	[hbm4b:s19+s5] =	stream.linear.scatter [tilespmem:s18], [sflag:$0x3], $0x80, $0x38;
	[tilespmem:$0x10E80] =	vst v63  }
0x4f8: {  	s21 =	sadd.s32 $0xE5B0, s0;
	s23 =	sadd.s32 $0x60, s8  }
0x4f9: {  	[hbm4b:s23+s5] =	stream.linear.scatter [tilespmem:s21], [sflag:$0x3], $0x80, $0x38;
	[tilespmem:$0x10E80] =	vst v63  }
0x4fa: {  	s24 =	sadd.s32 $0xE638, s0;
	s26 =	sadd.s32 $0x70, s8  }
0x4fb: {  	[hbm4b:s26+s5] =	stream.linear.scatter [tilespmem:s24], [sflag:$0x3], $0x80, $0x38;
	[tilespmem:$0x10E80] =	vst v63  }
0x4fc: {  	_ =	swait.ge [sflag:s30], $0x2800  }
0x4fd: {  	[sflag:s30] =	ssyncset.done $0x0  }
0x4fe: {  	[sflag:s30] =	ssyncadd.s32 $0xFFFFD800  }
0x4ff: {  	_ =	swait.ge [sflag:s30], $0x2800  }
0x500: {  	s13 =	rddreg [dreg:$0x11]  }
0x501: {  	s31 =	rddreg [dreg:$0xd];
	s13 =	sadd.s32 $0x1, s13  }
0x502: {  	p0 =	sne.s32 s13, s31  }
.Ltmp41:
0x503: {  	_ = 	snop;
	(pc) =	sbr.rel @p0 .LBB2_1-.Ltmp41, $4  }
.Ltmp42:
0x504: {  	_ = 	snop;
	(pc) =	sbr.rel @!p0 .LBB2_70-.Ltmp42, $4  }
0x505: {  	_ = 	snop  }
0x506: {  	[sflag:s30] =	ssyncset.done $0x0  }
0x507: {  	[sflag:s30] =	ssyncadd.s32 $0xFFFFD800  }
0x508: {  	_ = 	snop  }
.LBB2_4:
.Ltmp43:
0x509: {  	(pc) =	sbr.rel .LBB2_15-.Ltmp43, $2  }
0x50a: {  	_ =	sdelay $0x2  }
0x50b: {  	v13 =	vmov v18;
	v24 =	vmov v43;
	v22 =	vmov v17  }
.LBB2_20:
.Ltmp44:
0x50c: {  	(pc) =	sbr.rel .LBB2_31-.Ltmp44, $2  }
0x50d: {  	_ =	sdelay $0x2  }
0x50e: {  	v13 =	vmov v19;
	v23 =	vmov v43;
	v22 =	vmov v17;
	p4 =	por $0x0, $0x0  }
.LBB2_56:
.Ltmp45:
0x50f: {  	(pc) =	sbr.rel .LBB2_67-.Ltmp45, $2  }
0x510: {  	_ =	sdelay $0x2  }
0x511: {  	v13 =	vmov v18;
	v24 =	vmov v43;
	v22 =	vmov v17  }
.LBB2_6:
.Ltmp46:
0x512: {  	(pc) =	sbr.rel .LBB2_15-.Ltmp46, $3  }
0x513: {  	_ =	sdelay $0x1  }
0x514: {  	v44 =	vmov v19;
	v31 =	vmov v43;
	v57 =	vmov v18  }
0x515: {  	v13 =	vmovc v20;
	v19 =	vmovc v21;
	v24 =	vmov v25;
	v22 =	vmov v23;
	s13 =	smov.u32 s21;
	v27 =	vmov v17;
	s23 =	smov.u32 s9  }
.LBB2_22:
.Ltmp47:
0x516: {  	(pc) =	sbr.rel .LBB2_31-.Ltmp47, $3  }
0x517: {  	_ =	sdelay $0x1  }
0x518: {  	v44 =	vmov v18;
	v31 =	vmov v43;
	v57 =	vmov v19  }
0x519: {  	v13 =	vmovc v20;
	v18 =	vmovc v21;
	v23 =	vmov v25;
	v22 =	vmov v24;
	s13 =	smov.u32 s21;
	v27 =	vmov v17;
	s23 =	smov.u32 s9;
	p4 =	por $0x0, $0x0  }
.LBB2_58:
.Ltmp48:
0x51a: {  	(pc) =	sbr.rel .LBB2_67-.Ltmp48, $3  }
0x51b: {  	_ =	sdelay $0x1  }
0x51c: {  	v44 =	vmov v19;
	v31 =	vmov v43;
	v57 =	vmov v18  }
0x51d: {  	v13 =	vmovc v20;
	v19 =	vmovc v21;
	v24 =	vmov v25;
	v22 =	vmov v23;
	s16 =	smov.u32 s9;
	v27 =	vmov v17;
	s0 =	smov.u32 s10  }
.LBB2_8:
.Ltmp49:
0x51e: {  	(pc) =	sbr.rel .LBB2_15-.Ltmp49, $3  }
0x51f: {  	_ =	sdelay $0x1  }
0x520: {  	v22 =	vmovc v26;
	v31 =	vmovc v25;
	v54 =	vmov v18;
	v57 =	vmov v20;
	v58 =	vmov v19;
	s19 =	smov.u32 s9  }
0x521: {  	v44 =	vmovc v21;
	s15 =	smov.u32 s21;
	s13 =	smov.u32 s10;
	v27 =	vmovc v23;
	s23 =	smov.u32 s12;
	v26 =	vmov v17;
	v19 =	vmov v38;
	v24 =	vmov v40  }
.LBB2_24:
.Ltmp50:
0x522: {  	(pc) =	sbr.rel .LBB2_31-.Ltmp50, $3  }
0x523: {  	_ =	sdelay $0x1  }
0x524: {  	v22 =	vmovc v26;
	v31 =	vmovc v25;
	v54 =	vmov v19;
	v57 =	vmov v20;
	v58 =	vmov v18;
	s19 =	smov.u32 s9;
	s15 =	smov.u32 s21  }
0x525: {  	v44 =	vmovc v21;
	s13 =	smov.u32 s10;
	v27 =	vmovc v24;
	s23 =	smov.u32 s12;
	v26 =	vmov v17;
	v18 =	vmov v39;
	v23 =	vmov v40;
	p4 =	por $0x0, $0x0  }
.LBB2_60:
.Ltmp51:
0x526: {  	(pc) =	sbr.rel .LBB2_67-.Ltmp51, $3  }
0x527: {  	_ =	sdelay $0x1  }
0x528: {  	v22 =	vmovc v26;
	v31 =	vmovc v25;
	v54 =	vmov v18;
	v57 =	vmov v20;
	v58 =	vmov v19;
	s23 =	smov.u32 s10  }
0x529: {  	v44 =	vmovc v21;
	s11 =	smov.u32 s9;
	s16 =	smov.u32 s12;
	v27 =	vmovc v23;
	s0 =	smov.u32 s13;
	v26 =	vmov v17;
	v19 =	vmov v38;
	v24 =	vmov v40  }
.LBB2_10:
.Ltmp52:
0x52a: {  	v22 =	vmov v27;
	(pc) =	sbr.rel .LBB2_15-.Ltmp52, $4  }
0x52b: {  	v57 =	vmovc v13;
	v27 =	vmovc v26;
	v31 =	vmov v40;
	v42 =	vmov v17;
	v54 =	vmov v20  }
0x52c: {  	v13 =	vmovc v44;
	v58 =	vmovc v21;
	v44 =	vmov v38;
	v19 =	vmov v47;
	v45 =	vmov v62  }
0x52d: {  	s0 =	smov.u32 s21;
	v53 =	vmovc v61;
	v46 =	vmovc v18;
	v50 =	vmov v35;
	v43 =	vmov v25;
	v51 =	vmov v37  }
0x52e: {  	s19 =	smov.u32 s12;
	s15 =	smov.u32 s10;
	s17 =	smov.u32 s9;
	v26 =	vmovc v23;
	v29 =	vmovc v59;
	v52 =	vmov v60;
	v48 =	vmov v33;
	v55 =	vmov v63  }
.LBB2_26:
.Ltmp53:
0x52f: {  	v22 =	vmov v27;
	(pc) =	sbr.rel .LBB2_31-.Ltmp53, $4  }
0x530: {  	v57 =	vmovc v13;
	v27 =	vmovc v26;
	v31 =	vmov v40;
	v42 =	vmov v17;
	v54 =	vmov v20  }
0x531: {  	v13 =	vmovc v44;
	v58 =	vmovc v21;
	v44 =	vmov v39;
	v18 =	vmov v48;
	v45 =	vmov v62  }
0x532: {  	s0 =	smov.u32 s21;
	s19 =	smov.u32 s12;
	v53 =	vmovc v61;
	v46 =	vmovc v19;
	v50 =	vmov v35;
	v43 =	vmov v25;
	v51 =	vmov v37  }
0x533: {  	s15 =	smov.u32 s10;
	s17 =	smov.u32 s9;
	v26 =	vmovc v24;
	v29 =	vmovc v59;
	p4 =	por $0x0, $0x0;
	v52 =	vmov v60;
	v47 =	vmov v33;
	v55 =	vmov v63  }
.LBB2_62:
.Ltmp54:
0x534: {  	v22 =	vmov v27;
	(pc) =	sbr.rel .LBB2_67-.Ltmp54, $4  }
0x535: {  	v57 =	vmovc v13;
	v27 =	vmovc v26;
	v31 =	vmov v40;
	v42 =	vmov v17;
	v54 =	vmov v20  }
0x536: {  	v13 =	vmovc v44;
	v58 =	vmovc v21;
	v44 =	vmov v38;
	v19 =	vmov v47;
	v45 =	vmov v32  }
0x537: {  	s8 =	smov.u32 s9;
	v53 =	vmovc v28;
	v46 =	vmovc v18;
	v50 =	vmov v35;
	v43 =	vmov v25;
	v51 =	vmov v37  }
0x538: {  	s23 =	smov.u32 s13;
	s11 =	smov.u32 s12;
	s18 =	smov.u32 s10;
	v26 =	vmovc v23;
	v29 =	vmovc v59;
	v52 =	vmov v30;
	v48 =	vmov v33;
	v55 =	vmov v34  }
.LBB2_12:
.Ltmp55:
0x539: {  	(pc) =	sbr.rel .LBB2_15-.Ltmp55, $4  }
0x53a: {  	_ = 	snop  }
0x53b: {  	v31 =	vmovc v24;
	v54 =	vmovc v13;
	s19 =	smov.u32 s23;
	v42 =	vmov v23;
	v57 =	vmov v44;
	v13 =	vmov v43  }
0x53c: {  	s15 =	smov.u32 s13;
	s0 =	smov.u32 s10;
	v58 =	vmovc v38;
	v44 =	vmovc v47;
	v46 =	vmov v20;
	v24 =	vmov v59;
	s17 =	smov.u32 s12;
	v43 =	vmov v40  }
0x53d: {  	s13 =	smov.u32 s26;
	s18 =	smov.u32 s9;
	s23 =	smov.u32 s24;
	v60 =	vld [tilespmem:$0x1FFE0];
	v61 =	vmovc v32;
	v62 =	vmovc v33;
	v33 =	vmov v34;
	v63 =	vmov v35;
	v35 =	vmov v4  }
.LBB2_28:
.Ltmp56:
0x53e: {  	(pc) =	sbr.rel .LBB2_31-.Ltmp56, $4  }
0x53f: {  	_ = 	snop  }
0x540: {  	v31 =	vmovc v23;
	v54 =	vmovc v13;
	s19 =	smov.u32 s23;
	v42 =	vmov v24;
	v57 =	vmov v44;
	v13 =	vmov v43  }
0x541: {  	s15 =	smov.u32 s13;
	s0 =	smov.u32 s10;
	v58 =	vmovc v39;
	v44 =	vmovc v48;
	v46 =	vmov v20;
	v23 =	vmov v59;
	s17 =	smov.u32 s12;
	v43 =	vmov v40  }
0x542: {  	s13 =	smov.u32 s26;
	s18 =	smov.u32 s9;
	s23 =	smov.u32 s24;
	v60 =	vld [tilespmem:$0x1FFD0];
	v61 =	vmovc v32;
	v62 =	vmovc v33;
	v33 =	vmov v34;
	v63 =	vmov v35;
	v35 =	vmov v4  }
.LBB2_64:
.Ltmp57:
0x543: {  	(pc) =	sbr.rel .LBB2_67-.Ltmp57, $4  }
0x544: {  	_ = 	snop  }
0x545: {  	s23 =	smov.u32 s0  }
0x546: {  	v31 =	vmovc v24;
	v54 =	vmovc v13;
	s11 =	smov.u32 s16;
	s8 =	smov.u32 s12;
	v42 =	vmov v23;
	v57 =	vmov v44;
	v13 =	vmov v43;
	s18 =	smov.u32 s13  }
0x547: {  	v58 =	vmovc v38;
	v44 =	vmovc v47;
	v46 =	vmov v20;
	v24 =	vmov v59;
	v43 =	vmov v40;
	s16 =	smov.u32 s15;
	s19 =	smov.u32 s10;
	s0 =	smov.u32 s24  }
.LBB2_70:
0x548: {  	_ =	sfence.sel $0x180000  }
0x549: {  	[bflag:$0x0] =	sbarrier.arrive $0xFFFF  }
0x54a: {  	_ =	strace $0x90000047  }
0x54b: {  	s0 =	stileid.u32;
	[bflag:$0x2] =	sbarrier.arrive $0xFFFF  }
0x54c: {  	p0 =	sne.s32 s0, $0x0;
	s0 =	rddreg [dreg:$0x4]  }
0x54d: {  	s0 =	sadd.s32 @!p0 $0x100000, s0  }
0x54e: {  	[sflag:s0] =	ssyncadd.tile.s32 @!p0 $0x1;
	_ =	shalt  }
.Lfunc_end2:
_tile_overlayer_lowered:
.L_overlay_start_2:
0x54f: {  	(tag) =	ssettag $0x2  }
0x550: {  	s0 =	rddreg [dreg:$0x0];
	s2 =	stileid.u32  }
0x551: {  	s1 =	rddreg [dreg:$0x1];
	p0 =	sne.s32 s2, $0x0  }
0x552: {  	s3 =	rddreg [dreg:$0x2];
	[bflag:$0x3] =	sbarrier.arrive $0xFFFF;
	s2 =	simm.s32 @!p0 $0x1C04  }
0x553: {  	[timem:s3], [sflag:s2] =	dma.local @!p0 [hbm:s0], s1  }
0x554: {  	s0 =	simm.s32 @!p0 $0x4  }
0x555: {  	_ =	swait.ge @!p0 [sflag:s0], s1  }
0x556: {  	s1 =	ssub.s32 @!p0 $0x0, s1;
	[sflag:s0] =	ssyncset.done @!p0 $0x0  }
0x557: {  	[sflag:s0] =	ssyncadd.s32 @!p0 s1  }
0x558: {  	[bflag:$0x3] =	sbarrier.arrive $0xFFFF  }
0x559: {  	_ =	shalt  }

</sc_bundles>
